<compile_context>
chip_gen: v7x
topology: tpu7x:2x2x1
jax: 0.10.2.dev20260603
libtpu: 0.0.44.dev20260713+nightly
codegen_flags: <defaults>
</compile_context>

<pallas_src>
import functools

import jax
import jax.numpy as jnp
import numpy as np
from jax import lax
from jax.experimental import pallas as pl
from jax.experimental.pallas import tpu as pltpu
from jax.experimental.pallas import tpu_sc as plsc

_NC = 2
_NS = 16
_NW = _NC * _NS
_CHUNK = 128
_NODE_PAD = 10240
_NG = 128
_HIGH = lax.Precision.HIGHEST


def _round_up(a, b):
    return (a + b - 1) // b * b


def _vsc_mesh():
    return plsc.VectorSubcoreMesh(core_axis_name="c", subcore_axis_name="s")


_SC_PARAMS = pltpu.CompilerParams(use_tc_tiling_on_sc=False)

_MASK_BITS = (
    "8a222eb193a459cdd7668e1a933c91e44ca8c361a99a316ed8f9c3e88cb12d8b"
    "5884d418566c9ac96c3f9aafa0fe2bb9431b6aebd58ff313fcde0029f1c7a40c"
    "cb52128792169864ad0b8cce369c436a0db1962ea572e625474ca1dc4bd605bb"
    "20285a1c84ddb8a209294a764110ba468e4a6d932361a9960db640071d18cd09"
    "83f755bc774658b85f7d41b0b618a5dac9b58898aed90ed419951b8a422ab5cc"
    "47f2a7042f49d543ed5b503f153ffd466f9e9c76367d6a2eb8ba5fb95f90fc4e"
    "46cabc443472c2f8644500ff2311148a27e39f974dba8d39f1287d2fff6c5464"
    "d9217b8360a827289199a56bc876727f1651bde6725a82dae8af4fc46681fd20"
)
_MASKF = np.unpackbits(
    np.frombuffer(bytes.fromhex(_MASK_BITS), dtype=np.uint8)
).reshape(_NG, 16).astype(np.float32)


def _sc_segment_sum(table, srcm, dstm, n_chunks_pad):
    nh, n, hd = table.shape
    rows_sub = _NODE_PAD // _NS
    trows = n // _NS
    assert n % _NS == 0
    col_split = nh == 2
    n_chunks_w = n_chunks_pad // (_NS if col_split else _NW)
    nbuf = 5
    iblk = 20
    assert n_chunks_w % iblk == 0 and iblk % nbuf == 0

    @functools.partial(
        pl.kernel,
        out_type=jax.ShapeDtypeStruct((_NC, _NODE_PAD, hd), jnp.float32),
        mesh=_vsc_mesh(),
        compiler_params=_SC_PARAMS,
        scratch_types=[
            pltpu.VMEM_SHARED((n, hd), jnp.float32),
            pltpu.VMEM_SHARED((_NODE_PAD, hd), jnp.float32),
            pltpu.VMEM((iblk, _CHUNK), jnp.int32),
            pltpu.VMEM((iblk, _CHUNK), jnp.int32),
        ]
        + [pltpu.VMEM((_CHUNK, hd), jnp.float32) for _ in range(nbuf)]
        + [pltpu.SemaphoreType.DMA for _ in range(nbuf)],
    )
    def seg_kernel(t_hbm, src_hbm, dst_hbm, out_hbm, table_sh, acc_sh,
                   srcs_v, dsts_v, *bufs_and_sems):
        rows = bufs_and_sems[:nbuf]
        sems = bufs_and_sems[nbuf:]
        c = lax.axis_index("c")
        s = lax.axis_index("s")
        base = s * rows_sub
        tidx = c if col_split else 0
        cbase = (s if col_split else c * _NS + s) * n_chunks_w

        pltpu.sync_copy(t_hbm.at[tidx, pl.ds(s * trows, trows)],
                        table_sh.at[pl.ds(s * trows, trows)])

        @pl.loop(0, _CHUNK)
        def _zrow(i):
            @pl.loop(0, hd // 16)
            def _zcol(j):
                rows[0][i, pl.ds(j * 16, 16)] = jnp.zeros((16,), jnp.float32)

        @pl.loop(0, rows_sub // _CHUNK)
        def _zacc(z):
            pltpu.sync_copy(rows[0],
                            acc_sh.at[pl.ds(base + z * _CHUNK, _CHUNK)])

        plsc.subcore_barrier()

        @pl.loop(0, n_chunks_w // iblk)
        def _blk(bi):
            pltpu.sync_copy(src_hbm.at[pl.ds(cbase + bi * iblk, iblk)],
                            srcs_v)
            pltpu.sync_copy(dst_hbm.at[pl.ds(cbase + bi * iblk, iblk)],
                            dsts_v)
            for b in range(nbuf):
                pltpu.async_copy(table_sh.at[srcs_v.at[b]], rows[b], sems[b])

            @pl.loop(0, iblk, step=nbuf)
            def _edges(j):
                for b in range(nbuf):
                    pltpu.make_async_copy(table_sh.at[srcs_v.at[b]],
                                          rows[b], sems[b]).wait()
                    pltpu.sync_copy(rows[b], acc_sh.at[dsts_v.at[j + b]],
                                    add=True)

                    @pl.when(j + b + nbuf < iblk)
                    def _refill():
                        pltpu.async_copy(
                            table_sh.at[srcs_v.at[j + b + nbuf]],
                            rows[b], sems[b])

        plsc.subcore_barrier()
        pltpu.sync_copy(acc_sh.at[pl.ds(base, rows_sub)],
                        out_hbm.at[c, pl.ds(base, rows_sub)])

    return seg_kernel(table, srcm, dstm)


def _sc_degree(dstm, n_chunks_w):

    @functools.partial(
        pl.kernel,
        out_type=jax.ShapeDtypeStruct((_NC, _NODE_PAD, 16), jnp.float32),
        mesh=_vsc_mesh(),
        compiler_params=_SC_PARAMS,
        scratch_types=[
            pltpu.VMEM_SHARED((_NODE_PAD, 16), jnp.float32),
            pltpu.VMEM((n_chunks_w, _CHUNK), jnp.int32),
            pltpu.VMEM((_CHUNK, 16), jnp.float32),
            pltpu.VMEM((_CHUNK, 16), jnp.float32),
        ],
    )
    def deg_kernel(dst_hbm, out_hbm, acc_sh, dsts_v, ones_v, zero_v):
        c = lax.axis_index("c")
        s = lax.axis_index("s")
        wid = c * _NS + s
        rows_sub = _NODE_PAD // _NS

        @pl.loop(0, _CHUNK)
        def _fill(i):
            ones_v[i, pl.ds(0, 16)] = jnp.ones((16,), jnp.float32)
            zero_v[i, pl.ds(0, 16)] = jnp.zeros((16,), jnp.float32)

        base = s * rows_sub

        @pl.loop(0, rows_sub // _CHUNK)
        def _zacc(k):
            pltpu.sync_copy(zero_v, acc_sh.at[pl.ds(base + k * _CHUNK, _CHUNK)])

        cbase = wid * n_chunks_w
        pltpu.sync_copy(dst_hbm.at[pl.ds(cbase, n_chunks_w)], dsts_v)
        plsc.subcore_barrier()

        @pl.loop(0, n_chunks_w)
        def _edges(j):
            pltpu.sync_copy(ones_v, acc_sh.at[dsts_v.at[j]], add=True)

        plsc.subcore_barrier()
        pltpu.sync_copy(acc_sh.at[pl.ds(base, rows_sub)],
                        out_hbm.at[c, pl.ds(base, rows_sub)])

    return deg_kernel(dstm)


def _tc_matmul(x, w):
    m, k = x.shape
    n = w.shape[1]
    bm = 1000

    def mm_kernel(x_ref, w_ref, o_ref):
        o_ref[...] = jnp.dot(x_ref[...], w_ref[...],
                             preferred_element_type=jnp.float32, precision=_HIGH)

    return pl.pallas_call(
        mm_kernel,
        grid=(m // bm,),
        in_specs=[pl.BlockSpec((bm, k), lambda i: (i, 0)),
                  pl.BlockSpec((k, n), lambda i: (0, 0))],
        out_specs=pl.BlockSpec((bm, n), lambda i: (i, 0)),
        out_shape=jax.ShapeDtypeStruct((m, n), jnp.float32),
    )(x, w)


def _tc_layer1(acc, deg, r, wl, b, wnext):
    m, dh = r.shape
    hd = acc.shape[2]
    dn = wnext.shape[1]
    bm = 1000

    def k(acc_ref, deg_ref, r_ref, wl_ref, b_ref, wn_ref, h_ref, p_ref):
        a = jnp.concatenate([acc_ref[0], acc_ref[1]], axis=1)
        dg = deg_ref[0][:, 0:1] + deg_ref[1][:, 0:1]
        mean = a / jnp.maximum(dg, 1.0)
        h = jnp.maximum(
            jnp.dot(mean, wl_ref[...], preferred_element_type=jnp.float32,
                    precision=_HIGH) + r_ref[...] + b_ref[...], 0.0)
        h_ref[...] = h
        p = jnp.dot(h, wn_ref[...], preferred_element_type=jnp.float32,
                    precision=_HIGH)
        p_ref[0] = p[:, :dn // 2]
        p_ref[1] = p[:, dn // 2:]

    return pl.pallas_call(
        k,
        grid=(m // bm,),
        in_specs=[pl.BlockSpec((_NC, bm, hd), lambda i: (0, i, 0)),
                  pl.BlockSpec((_NC, bm, 16), lambda i: (0, i, 0)),
                  pl.BlockSpec((bm, dh), lambda i: (i, 0)),
                  pl.BlockSpec((2 * hd, dh), lambda i: (0, 0)),
                  pl.BlockSpec((1, dh), lambda i: (0, 0)),
                  pl.BlockSpec((dh, dn), lambda i: (0, 0))],
        out_specs=[pl.BlockSpec((bm, dh), lambda i: (i, 0)),
                   pl.BlockSpec((2, bm, dn // 2), lambda i: (0, i, 0))],
        out_shape=[jax.ShapeDtypeStruct((m, dh), jnp.float32),
                   jax.ShapeDtypeStruct((2, m, dn // 2), jnp.float32)],
    )(acc, deg, r, wl, b, wnext)


def _tc_layer_pre(acc, deg, r, b, wnext):
    m, dh = r.shape
    hd = acc.shape[2]
    dn = wnext.shape[1]
    bm = 1000

    def k(acc_ref, deg_ref, r_ref, b_ref, wn_ref, h_ref, p_ref):
        a = jnp.concatenate([acc_ref[0], acc_ref[1]], axis=1)
        dg = deg_ref[0][:, 0:1] + deg_ref[1][:, 0:1]
        h = jnp.maximum(a / jnp.maximum(dg, 1.0) + r_ref[...] + b_ref[...], 0.0)
        h_ref[...] = h
        p_ref[...] = jnp.dot(h, wn_ref[...], preferred_element_type=jnp.float32,
                             precision=_HIGH)

    return pl.pallas_call(
        k,
        grid=(m // bm,),
        in_specs=[pl.BlockSpec((_NC, bm, hd), lambda i: (0, i, 0)),
                  pl.BlockSpec((_NC, bm, 16), lambda i: (0, i, 0)),
                  pl.BlockSpec((bm, dh), lambda i: (i, 0)),
                  pl.BlockSpec((1, dh), lambda i: (0, 0)),
                  pl.BlockSpec((dh, dn), lambda i: (0, 0))],
        out_specs=[pl.BlockSpec((bm, dh), lambda i: (i, 0)),
                   pl.BlockSpec((bm, dn), lambda i: (i, 0))],
        out_shape=[jax.ShapeDtypeStruct((m, dh), jnp.float32),
                   jax.ShapeDtypeStruct((m, dn), jnp.float32)],
    )(acc, deg, r, b, wnext)


def _tc_final(acc, deg, r, b, batch2d, maskf, wc, bc):
    m, dh = r.shape

    def k(acc_ref, deg_ref, r_ref, b_ref, bt_ref, mk_ref, wc_ref, bc_ref,
          out_ref, hd_ref):
        a = acc_ref[0] + acc_ref[1]
        dg = deg_ref[0][:, 0:1] + deg_ref[1][:, 0:1]
        h3 = a / jnp.maximum(dg, 1.0) + r_ref[...] + b_ref[...]
        oh = (lax.broadcasted_iota(jnp.int32, (_NG, m), 0)
              == bt_ref[...]).astype(jnp.float32)
        h3aug = jnp.concatenate([h3, jnp.ones((m, dh), jnp.float32)], axis=1)
        pooled = jnp.dot(oh, h3aug, preferred_element_type=jnp.float32,
                         precision=_HIGH)
        counts = pooled[:, dh:dh + 1]
        hp = pooled[:, :dh] / jnp.maximum(counts, 1.0)
        hd = hp * mk_ref[...] * 2.0
        hd_ref[...] = hd
        out_ref[...] = jnp.dot(hd, wc_ref[...], preferred_element_type=jnp.float32,
                               precision=_HIGH) + bc_ref[...]

    return pl.pallas_call(
        k,
        out_shape=[jax.ShapeDtypeStruct((_NG, 1), jnp.float32),
                   jax.ShapeDtypeStruct((_NG, dh), jnp.float32)],
    )(acc, deg, r, b, batch2d, maskf, wc, bc)


def kernel(x, edge_index, batch, Wl1, Wr1, b1, Wl2, Wr2, b2, Wl3, Wr3, b3, Wc, bc):
    n = x.shape[0]
    e = edge_index.shape[1]
    n_chunks_pad = _round_up(_round_up(e, _CHUNK) // _CHUNK, _NW * 4)
    n_chunks_w = n_chunks_pad // _NW
    pad = n_chunks_pad * _CHUNK - e
    pad_src = np.zeros((pad,), np.int32)
    pad_dst = n + np.arange(pad, dtype=np.int32) % (_NODE_PAD - n)
    src = jnp.concatenate(
        [edge_index[0].astype(jnp.int32), pad_src]).reshape(n_chunks_pad, _CHUNK)
    dst = jnp.concatenate(
        [edge_index[1].astype(jnp.int32), pad_dst]).reshape(n_chunks_pad, _CHUNK)

    deg2 = _sc_degree(dst, n_chunks_w)
    r1 = _tc_matmul(x, Wr1)
    x_st = jnp.stack([x[:, :64], x[:, 64:]])
    acc1 = _sc_segment_sum(x_st, src, dst, n_chunks_pad)
    h1, p2 = _tc_layer1(acc1, deg2, r1, Wl1, b1.reshape(1, -1), Wl2)
    r2 = _tc_matmul(h1, Wr2)
    acc2 = _sc_segment_sum(p2, src, dst, n_chunks_pad)
    h2, p3 = _tc_layer_pre(acc2, deg2, r2, b2.reshape(1, -1), Wl3)
    r3 = _tc_matmul(h2, Wr3)
    acc3 = _sc_segment_sum(p3[None], src, dst, n_chunks_pad)

    out2, hd = _tc_final(acc3[:, :n], deg2[:, :n], r3, b3.reshape(1, -1),
                         batch.astype(jnp.int32).reshape(1, -1),
                         jnp.asarray(_MASKF), Wc, bc.reshape(1, 1))
    return (out2.reshape(-1), hd)

# --- scband reference (transcript-rebuilt; emitter-appended) ---
"""Pipeline reference for scband-graph-sage-73443940762319 (READ-ONLY COPY).

The authoritative reference and input builder live on the scoring server;
editing this copy changes nothing except your own understanding.
"""

import jax, jax.numpy as jnp
import numpy as np

N_NODES = 10000
N_EDGES = 320000
N_GRAPHS = 128
DIM_IN = 128
DIM_H = 128
DIM_OUT = 1


def setup_inputs(seed: int = 0) -> dict:
    key = jax.random.key(seed)
    ks = jax.random.split(key, 16)
    x = jax.random.normal(ks[0], (N_NODES, DIM_IN), dtype=jnp.float32)
    edge_index = jax.random.randint(ks[1], (2, N_EDGES), 0, N_NODES)
    batch = jnp.sort(jax.random.randint(ks[2], (N_NODES,), 0, N_GRAPHS))
    def lin(k, fin, fout):
        return jax.random.normal(k, (fin, fout), dtype=jnp.float32) * (1.0 / np.sqrt(fin))
    return {
        "x": x,
        "edge_index": edge_index,
        "batch": batch,
        "Wl1": lin(ks[3], DIM_IN, DIM_H * 2), "Wr1": lin(ks[4], DIM_IN, DIM_H * 2), "b1": jnp.zeros((DIM_H * 2,), jnp.float32),
        "Wl2": lin(ks[5], DIM_H * 2, DIM_H), "Wr2": lin(ks[6], DIM_H * 2, DIM_H), "b2": jnp.zeros((DIM_H,), jnp.float32),
        "Wl3": lin(ks[7], DIM_H, 16), "Wr3": lin(ks[8], DIM_H, 16), "b3": jnp.zeros((16,), jnp.float32),
        "Wc": lin(ks[9], 16, DIM_OUT), "bc": jnp.zeros((DIM_OUT,), jnp.float32),
    }


def reference(x, edge_index, batch, Wl1, Wr1, b1, Wl2, Wr2, b2, Wl3, Wr3, b3, Wc, bc):
    src = edge_index[0]
    dst = edge_index[1]

    def sage_conv(h, Wl, Wr, b):
        # PyG SAGEConv with mean aggregation: lin_l(mean_j x_j) + lin_r(x_i) + bias
        agg = jax.ops.segment_sum(h[src], dst, num_segments=N_NODES)
        deg = jax.ops.segment_sum(jnp.ones((N_EDGES,), h.dtype), dst, num_segments=N_NODES)
        mean = agg / jnp.clip(deg, 1.0)[:, None]
        return mean @ Wl + h @ Wr + b

    h = jax.nn.relu(sage_conv(x, Wl1, Wr1, b1))
    # F.dropout(p=0.5, training=False) -> identity
    h = jax.nn.relu(sage_conv(h, Wl2, Wr2, b2))
    # F.dropout(p=0.2, training=False) -> identity
    h = sage_conv(h, Wl3, Wr3, b3)

    # global_mean_pool over batch vector
    counts = jax.ops.segment_sum(jnp.ones((N_NODES,), h.dtype), batch, num_segments=N_GRAPHS)
    hp = jax.ops.segment_sum(h, batch, num_segments=N_GRAPHS) / jnp.clip(counts, 1.0)[:, None]

    # F.dropout(p=0.5, training=True) -- deterministic fixed-key mask
    mask = jax.random.bernoulli(jax.random.key(42), 0.5, hp.shape)
    hd = jnp.where(mask, hp / 0.5, 0.0)

    out = (hd @ Wc + bc).reshape(-1)
    return (out, hd)

if __name__ == "__main__":
    import jax
    _d = setup_inputs()
    print(jax.jit(kernel)(*tuple(_d.values())))

</pallas_src>

<mosaic_0001>
#map = affine_map<(d0, d1) -> (0, 0, 0)>
#map1 = affine_map<(d0, d1) -> (0, 0)>
module attributes {stable_mosaic.version = 14 : i64} {
  func.func @seg_kernel(%arg0: i32, %arg1: i32, %arg2: memref<1x10000x16xf32, #tpu.memory_space<hbm>>, %arg3: memref<2560x128xi32, #tpu.memory_space<hbm>>, %arg4: memref<2560x128xi32, #tpu.memory_space<hbm>>, %arg5: memref<2x10240x16xf32, #tpu.memory_space<hbm>>, %arg6: memref<10000x16xf32, #tpu.memory_space<vmem_shared>>, %arg7: memref<10240x16xf32, #tpu.memory_space<vmem_shared>>, %arg8: memref<20x128xi32, #tpu.memory_space<vmem>>, %arg9: memref<20x128xi32, #tpu.memory_space<vmem>>, %arg10: memref<128x16xf32, #tpu.memory_space<vmem>>, %arg11: memref<128x16xf32, #tpu.memory_space<vmem>>, %arg12: memref<128x16xf32, #tpu.memory_space<vmem>>, %arg13: memref<128x16xf32, #tpu.memory_space<vmem>>, %arg14: memref<128x16xf32, #tpu.memory_space<vmem>>, %arg15: memref<!tpu.dma_semaphore, #tpu.memory_space<semaphore_mem>>, %arg16: memref<!tpu.dma_semaphore, #tpu.memory_space<semaphore_mem>>, %arg17: memref<!tpu.dma_semaphore, #tpu.memory_space<semaphore_mem>>, %arg18: memref<!tpu.dma_semaphore, #tpu.memory_space<semaphore_mem>>, %arg19: memref<!tpu.dma_semaphore, #tpu.memory_space<semaphore_mem>>) attributes {dimension_semantics = [#tpu.dimension_semantics<core_parallel>, #tpu.dimension_semantics<subcore_parallel>], iteration_bounds = array<i64: 2, 16>, scalar_prefetch = 0 : i64, scratch_operands = 14 : i64, tpu.core_type = #tpu.core_type<sc_vector_subcore>, window_params = [{transform_indices = #map}, {transform_indices = #map1}, {transform_indices = #map1}, {transform_indices = #map}]} {
    %mul3A = arith.constant 640 : i32
    %mul3A_0 = arith.muli %arg1, %mul3A : i32
    %mul3A_1 = arith.constant 16 : i32
    %mul3A_2 = arith.muli %arg0, %mul3A_1 : i32
    %add3A = arith.addi %mul3A_2, %arg1 : i32
    %mul3A_3 = arith.constant 80 : i32
    %mul3A_4 = arith.muli %add3A, %mul3A_3 : i32
    %mul3A_5 = arith.constant 625 : i32
    %mul3A_6 = arith.muli %arg1, %mul3A_5 : i32
    %mul3A_7 = arith.constant 625 : i32
    %mul3A_8 = arith.muli %arg1, %mul3A_7 : i32
    %run_scoped3A = arith.constant 0 : i32
    "tpu.region"() ({
      %run_scoped3A_24 = tpu.sem_alloc : memref<!tpu.dma_semaphore, #tpu.memory_space<semaphore_mem>>
      %dma_start3A = arith.constant 0 : i32
      %dma_start3A_25 = tpu.memref_slice %arg6[%mul3A_8, %dma_start3A] : memref<10000x16xf32, #tpu.memory_space<vmem_shared>> -> memref<625x16xf32, #tpu.memory_space<vmem_shared>>
      %dma_start3A_26 = arith.constant 0 : i32
      %dma_start3A_27 = tpu.memref_slice %arg2[%run_scoped3A, %mul3A_6, %dma_start3A_26] : memref<1x10000x16xf32, #tpu.memory_space<hbm>> -> memref<1x625x16xf32, #tpu.memory_space<hbm>>
      %dma_start3A_28 = tpu.memref_squeeze %dma_start3A_27 : memref<1x625x16xf32, #tpu.memory_space<hbm>> -> memref<625x16xf32, #tpu.memory_space<hbm>>
      tpu.enqueue_dma source(%dma_start3A_28 : memref<625x16xf32, #tpu.memory_space<hbm>>) target(%dma_start3A_25 : memref<625x16xf32, #tpu.memory_space<vmem_shared>>) target_semaphore(%run_scoped3A_24 : memref<!tpu.dma_semaphore, #tpu.memory_space<semaphore_mem>>)
      %dma_wait3A = arith.constant 0 : i32
      %dma_wait3A_29 = tpu.memref_slice %arg6[%mul3A_8, %dma_wait3A] : memref<10000x16xf32, #tpu.memory_space<vmem_shared>> -> memref<625x16xf32, #tpu.memory_space<vmem_shared>>
      %dma_wait3A_30 = arith.constant 0 : i32
      %dma_wait3A_31 = tpu.memref_slice %arg2[%run_scoped3A, %mul3A_6, %dma_wait3A_30] : memref<1x10000x16xf32, #tpu.memory_space<hbm>> -> memref<1x625x16xf32, #tpu.memory_space<hbm>>
      %dma_wait3A_32 = tpu.memref_squeeze %dma_wait3A_31 : memref<1x625x16xf32, #tpu.memory_space<hbm>> -> memref<625x16xf32, #tpu.memory_space<hbm>>
      tpu.wait_dma2 semaphore(%run_scoped3A_24 : memref<!tpu.dma_semaphore, #tpu.memory_space<semaphore_mem>>) src(%dma_wait3A_32 : memref<625x16xf32, #tpu.memory_space<hbm>>) dst(%dma_wait3A_29 : memref<625x16xf32, #tpu.memory_space<vmem_shared>>)
      tpu.yield
    }) : () -> ()
    %scan3A = arith.constant 0 : i32
    %scan3A_9 = arith.constant 128 : i32
    %scan3A_10 = arith.addi %scan3A, %scan3A_9 : i32
    %scan3A_11 = arith.constant 1 : i32
    scf.for %scan3A_24 = %scan3A to %scan3A_10 step %scan3A_11  : i32 {
      %mul3A_25 = arith.constant 1 : i32
      %mul3A_26 = arith.muli %scan3A_24, %mul3A_25 : i32
      %add3A_27 = arith.constant 0 : i32
      %add3A_28 = arith.addi %add3A_27, %mul3A_26 : i32
      %scan3A_29 = arith.constant 0 : i32
      %mul3A_30 = arith.constant 1 : i32
      %mul3A_31 = arith.muli %scan3A_29, %mul3A_30 : i32
      %add3A_32 = arith.constant 0 : i32
      %add3A_33 = arith.addi %add3A_32, %mul3A_31 : i32
      %broadcast_in_dim3A = arith.constant 0.000000e+00 : f32
      %broadcast_in_dim3A_34 = vector.broadcast %broadcast_in_dim3A : f32 to vector<16xf32>
      %mul3A_35 = arith.constant 16 : i32
      %mul3A_36 = arith.muli %add3A_33, %mul3A_35 : i32
      %swap3A = arith.index_cast %add3A_28 : i32 to index
      %swap3A_37 = arith.index_cast %mul3A_36 : i32 to index
      %swap3A_38 = tpu.vector_load %arg10[%swap3A, %swap3A_37] {strides = array<i32>} : memref<128x16xf32, #tpu.memory_space<vmem>>, vector<1x16xf32>,
      %swap3A_39 = vector.shape_cast %swap3A_38 : vector<1x16xf32> to vector<16xf32>
      %swap3A_40 = vector.shape_cast %broadcast_in_dim3A_34 : vector<16xf32> to vector<1x16xf32>
      tpu.vector_store %arg10[%swap3A, %swap3A_37], %swap3A_40 {strides = array<i32>} : memref<128x16xf32, #tpu.memory_space<vmem>>, vector<1x16xf32>,
      %scan3A_41 = arith.constant 1 : i32
    }
    %scan3A_12 = arith.constant 128 : i32
    %scan3A_13 = arith.constant 0 : i32
    %scan3A_14 = arith.constant 5 : i32
    %scan3A_15 = arith.addi %scan3A_13, %scan3A_14 : i32
    %scan3A_16 = arith.constant 1 : i32
    scf.for %scan3A_24 = %scan3A_13 to %scan3A_15 step %scan3A_16  : i32 {
      %mul3A_25 = arith.constant 1 : i32
      %mul3A_26 = arith.muli %scan3A_24, %mul3A_25 : i32
      %add3A_27 = arith.constant 0 : i32
      %add3A_28 = arith.addi %add3A_27, %mul3A_26 : i32
      %mul3A_29 = arith.constant 128 : i32
      %mul3A_30 = arith.muli %add3A_28, %mul3A_29 : i32
      %add3A_31 = arith.addi %mul3A_0, %mul3A_30 : i32
      "tpu.region"() ({
        %run_scoped3A_32 = tpu.sem_alloc : memref<!tpu.dma_semaphore, #tpu.memory_space<semaphore_mem>>
        %dma_start3A = arith.constant 0 : i32
        %dma_start3A_33 = tpu.memref_slice %arg7[%add3A_31, %dma_start3A] : memref<10240x16xf32, #tpu.memory_space<vmem_shared>> -> memref<128x16xf32, #tpu.memory_space<vmem_shared>>
        %dma_start3A_34 = arith.constant 0 : i32
        %dma_start3A_35 = tpu.memref_slice %arg7[%add3A_31, %dma_start3A_34] : memref<10240x16xf32, #tpu.memory_space<vmem_shared>> -> memref<128x16xf32, #tpu.memory_space<vmem_shared>>
        tpu.enqueue_dma source(%arg10 : memref<128x16xf32, #tpu.memory_space<vmem>>) target(%dma_start3A_35 : memref<128x16xf32, #tpu.memory_space<vmem_shared>>) target_semaphore(%run_scoped3A_32 : memref<!tpu.dma_semaphore, #tpu.memory_space<semaphore_mem>>)
        %dma_wait3A = arith.constant 0 : i32
        %dma_wait3A_36 = tpu.memref_slice %arg7[%add3A_31, %dma_wait3A] : memref<10240x16xf32, #tpu.memory_space<vmem_shared>> -> memref<128x16xf32, #tpu.memory_space<vmem_shared>>
        %dma_wait3A_37 = arith.constant 0 : i32
        %dma_wait3A_38 = tpu.memref_slice %arg7[%add3A_31, %dma_wait3A_37] : memref<10240x16xf32, #tpu.memory_space<vmem_shared>> -> memref<128x16xf32, #tpu.memory_space<vmem_shared>>
        tpu.wait_dma2 semaphore(%run_scoped3A_32 : memref<!tpu.dma_semaphore, #tpu.memory_space<semaphore_mem>>) src(%arg10 : memref<128x16xf32, #tpu.memory_space<vmem>>) dst(%dma_wait3A_38 : memref<128x16xf32, #tpu.memory_space<vmem_shared>>)
        tpu.yield
      }) : () -> ()
    }
    %scan3A_17 = arith.constant 5 : i32
    %barrier3A = arith.constant 0 : index
    tpu.barrier barrier_id(%barrier3A)
    %scan3A_18 = arith.constant 0 : i32
    %scan3A_19 = arith.constant 4 : i32
    %scan3A_20 = arith.addi %scan3A_18, %scan3A_19 : i32
    %scan3A_21 = arith.constant 1 : i32
    scf.for %scan3A_24 = %scan3A_18 to %scan3A_20 step %scan3A_21  : i32 {
      %mul3A_25 = arith.constant 1 : i32
      %mul3A_26 = arith.muli %scan3A_24, %mul3A_25 : i32
      %add3A_27 = arith.constant 0 : i32
      %add3A_28 = arith.addi %add3A_27, %mul3A_26 : i32
      %mul3A_29 = arith.constant 20 : i32
      %mul3A_30 = arith.muli %add3A_28, %mul3A_29 : i32
      %add3A_31 = arith.addi %mul3A_4, %mul3A_30 : i32
      "tpu.region"() ({
        %run_scoped3A_74 = tpu.sem_alloc : memref<!tpu.dma_semaphore, #tpu.memory_space<semaphore_mem>>
        %dma_start3A_75 = arith.constant 0 : i32
        %dma_start3A_76 = tpu.memref_slice %arg3[%add3A_31, %dma_start3A_75] : memref<2560x128xi32, #tpu.memory_space<hbm>> -> memref<20x128xi32, #tpu.memory_space<hbm>>
        %dma_start3A_77 = arith.constant 0 : i32
        %dma_start3A_78 = tpu.memref_slice %arg3[%add3A_31, %dma_start3A_77] : memref<2560x128xi32, #tpu.memory_space<hbm>> -> memref<20x128xi32, #tpu.memory_space<hbm>>
        tpu.enqueue_dma source(%dma_start3A_78 : memref<20x128xi32, #tpu.memory_space<hbm>>) target(%arg8 : memref<20x128xi32, #tpu.memory_space<vmem>>) target_semaphore(%run_scoped3A_74 : memref<!tpu.dma_semaphore, #tpu.memory_space<semaphore_mem>>)
        %dma_wait3A = arith.constant 0 : i32
        %dma_wait3A_79 = tpu.memref_slice %arg3[%add3A_31, %dma_wait3A] : memref<2560x128xi32, #tpu.memory_space<hbm>> -> memref<20x128xi32, #tpu.memory_space<hbm>>
        %dma_wait3A_80 = arith.constant 0 : i32
        %dma_wait3A_81 = tpu.memref_slice %arg3[%add3A_31, %dma_wait3A_80] : memref<2560x128xi32, #tpu.memory_space<hbm>> -> memref<20x128xi32, #tpu.memory_space<hbm>>
        tpu.wait_dma2 semaphore(%run_scoped3A_74 : memref<!tpu.dma_semaphore, #tpu.memory_space<semaphore_mem>>) src(%dma_wait3A_81 : memref<20x128xi32, #tpu.memory_space<hbm>>) dst(%arg8 : memref<20x128xi32, #tpu.memory_space<vmem>>)
        tpu.yield
      }) : () -> ()
      %mul3A_32 = arith.constant 20 : i32
      %mul3A_33 = arith.muli %add3A_28, %mul3A_32 : i32
      %add3A_34 = arith.addi %mul3A_4, %mul3A_33 : i32
      "tpu.region"() ({
        %run_scoped3A_74 = tpu.sem_alloc : memref<!tpu.dma_semaphore, #tpu.memory_space<semaphore_mem>>
        %dma_start3A_75 = arith.constant 0 : i32
        %dma_start3A_76 = tpu.memref_slice %arg4[%add3A_34, %dma_start3A_75] : memref<2560x128xi32, #tpu.memory_space<hbm>> -> memref<20x128xi32, #tpu.memory_space<hbm>>
        %dma_start3A_77 = arith.constant 0 : i32
        %dma_start3A_78 = tpu.memref_slice %arg4[%add3A_34, %dma_start3A_77] : memref<2560x128xi32, #tpu.memory_space<hbm>> -> memref<20x128xi32, #tpu.memory_space<hbm>>
        tpu.enqueue_dma source(%dma_start3A_78 : memref<20x128xi32, #tpu.memory_space<hbm>>) target(%arg9 : memref<20x128xi32, #tpu.memory_space<vmem>>) target_semaphore(%run_scoped3A_74 : memref<!tpu.dma_semaphore, #tpu.memory_space<semaphore_mem>>)
        %dma_wait3A = arith.constant 0 : i32
        %dma_wait3A_79 = tpu.memref_slice %arg4[%add3A_34, %dma_wait3A] : memref<2560x128xi32, #tpu.memory_space<hbm>> -> memref<20x128xi32, #tpu.memory_space<hbm>>
        %dma_wait3A_80 = arith.constant 0 : i32
        %dma_wait3A_81 = tpu.memref_slice %arg4[%add3A_34, %dma_wait3A_80] : memref<2560x128xi32, #tpu.memory_space<hbm>> -> memref<20x128xi32, #tpu.memory_space<hbm>>
        tpu.wait_dma2 semaphore(%run_scoped3A_74 : memref<!tpu.dma_semaphore, #tpu.memory_space<semaphore_mem>>) src(%dma_wait3A_81 : memref<20x128xi32, #tpu.memory_space<hbm>>) dst(%arg9 : memref<20x128xi32, #tpu.memory_space<vmem>>)
        tpu.yield
      }) : () -> ()
      %dma_start3A = arith.constant 0 : i32
      %dma_start3A_35 = arith.constant 0 : i32
      %dma_start3A_36 = tpu.memref_slice %arg8[%dma_start3A, %dma_start3A_35] : memref<20x128xi32, #tpu.memory_space<vmem>> -> memref<1x128xi32, #tpu.memory_space<vmem>>
      %dma_start3A_37 = tpu.memref_squeeze %dma_start3A_36 : memref<1x128xi32, #tpu.memory_space<vmem>> -> memref<128xi32, #tpu.memory_space<vmem>>
      %dma_start3A_38 = arith.constant 0 : i32
      %dma_start3A_39 = arith.constant 0 : i32
      %dma_start3A_40 = tpu.memref_slice %arg6[%dma_start3A_38, %dma_start3A_39] : memref<10000x16xf32, #tpu.memory_space<vmem_shared>> -> memref<10000x16xf32, #tpu.memory_space<vmem_shared>>
      tpu.enqueue_indirect_dma source(%dma_start3A_40 : memref<10000x16xf32, #tpu.memory_space<vmem_shared>>) target(%arg10 : memref<128x16xf32, #tpu.memory_space<vmem>>) offsets(%dma_start3A_37 : memref<128xi32, #tpu.memory_space<vmem>>) semaphore(%arg15 : memref<!tpu.dma_semaphore, #tpu.memory_space<semaphore_mem>>)
      %dma_start3A_41 = arith.constant 1 : i32
      %dma_start3A_42 = arith.constant 0 : i32
      %dma_start3A_43 = tpu.memref_slice %arg8[%dma_start3A_41, %dma_start3A_42] : memref<20x128xi32, #tpu.memory_space<vmem>> -> memref<1x128xi32, #tpu.memory_space<vmem>>
      %dma_start3A_44 = tpu.memref_squeeze %dma_start3A_43 : memref<1x128xi32, #tpu.memory_space<vmem>> -> memref<128xi32, #tpu.memory_space<vmem>>
      %dma_start3A_45 = arith.constant 0 : i32
      %dma_start3A_46 = arith.constant 0 : i32
      %dma_start3A_47 = tpu.memref_slice %arg6[%dma_start3A_45, %dma_start3A_46] : memref<10000x16xf32, #tpu.memory_space<vmem_shared>> -> memref<10000x16xf32, #tpu.memory_space<vmem_shared>>
      tpu.enqueue_indirect_dma source(%dma_start3A_47 : memref<10000x16xf32, #tpu.memory_space<vmem_shared>>) target(%arg11 : memref<128x16xf32, #tpu.memory_space<vmem>>) offsets(%dma_start3A_44 : memref<128xi32, #tpu.memory_space<vmem>>) semaphore(%arg16 : memref<!tpu.dma_semaphore, #tpu.memory_space<semaphore_mem>>)
      %dma_start3A_48 = arith.constant 2 : i32
      %dma_start3A_49 = arith.constant 0 : i32
      %dma_start3A_50 = tpu.memref_slice %arg8[%dma_start3A_48, %dma_start3A_49] : memref<20x128xi32, #tpu.memory_space<vmem>> -> memref<1x128xi32, #tpu.memory_space<vmem>>
      %dma_start3A_51 = tpu.memref_squeeze %dma_start3A_50 : memref<1x128xi32, #tpu.memory_space<vmem>> -> memref<128xi32, #tpu.memory_space<vmem>>
      %dma_start3A_52 = arith.constant 0 : i32
      %dma_start3A_53 = arith.constant 0 : i32
      %dma_start3A_54 = tpu.memref_slice %arg6[%dma_start3A_52, %dma_start3A_53] : memref<10000x16xf32, #tpu.memory_space<vmem_shared>> -> memref<10000x16xf32, #tpu.memory_space<vmem_shared>>
      tpu.enqueue_indirect_dma source(%dma_start3A_54 : memref<10000x16xf32, #tpu.memory_space<vmem_shared>>) target(%arg12 : memref<128x16xf32, #tpu.memory_space<vmem>>) offsets(%dma_start3A_51 : memref<128xi32, #tpu.memory_space<vmem>>) semaphore(%arg17 : memref<!tpu.dma_semaphore, #tpu.memory_space<semaphore_mem>>)
      %dma_start3A_55 = arith.constant 3 : i32
      %dma_start3A_56 = arith.constant 0 : i32
      %dma_start3A_57 = tpu.memref_slice %arg8[%dma_start3A_55, %dma_start3A_56] : memref<20x128xi32, #tpu.memory_space<vmem>> -> memref<1x128xi32, #tpu.memory_space<vmem>>
      %dma_start3A_58 = tpu.memref_squeeze %dma_start3A_57 : memref<1x128xi32, #tpu.memory_space<vmem>> -> memref<128xi32, #tpu.memory_space<vmem>>
      %dma_start3A_59 = arith.constant 0 : i32
      %dma_start3A_60 = arith.constant 0 : i32
      %dma_start3A_61 = tpu.memref_slice %arg6[%dma_start3A_59, %dma_start3A_60] : memref<10000x16xf32, #tpu.memory_space<vmem_shared>> -> memref<10000x16xf32, #tpu.memory_space<vmem_shared>>
      tpu.enqueue_indirect_dma source(%dma_start3A_61 : memref<10000x16xf32, #tpu.memory_space<vmem_shared>>) target(%arg13 : memref<128x16xf32, #tpu.memory_space<vmem>>) offsets(%dma_start3A_58 : memref<128xi32, #tpu.memory_space<vmem>>) semaphore(%arg18 : memref<!tpu.dma_semaphore, #tpu.memory_space<semaphore_mem>>)
      %dma_start3A_62 = arith.constant 4 : i32
      %dma_start3A_63 = arith.constant 0 : i32
      %dma_start3A_64 = tpu.memref_slice %arg8[%dma_start3A_62, %dma_start3A_63] : memref<20x128xi32, #tpu.memory_space<vmem>> -> memref<1x128xi32, #tpu.memory_space<vmem>>
      %dma_start3A_65 = tpu.memref_squeeze %dma_start3A_64 : memref<1x128xi32, #tpu.memory_space<vmem>> -> memref<128xi32, #tpu.memory_space<vmem>>
      %dma_start3A_66 = arith.constant 0 : i32
      %dma_start3A_67 = arith.constant 0 : i32
      %dma_start3A_68 = tpu.memref_slice %arg6[%dma_start3A_66, %dma_start3A_67] : memref<10000x16xf32, #tpu.memory_space<vmem_shared>> -> memref<10000x16xf32, #tpu.memory_space<vmem_shared>>
      tpu.enqueue_indirect_dma source(%dma_start3A_68 : memref<10000x16xf32, #tpu.memory_space<vmem_shared>>) target(%arg14 : memref<128x16xf32, #tpu.memory_space<vmem>>) offsets(%dma_start3A_65 : memref<128xi32, #tpu.memory_space<vmem>>) semaphore(%arg19 : memref<!tpu.dma_semaphore, #tpu.memory_space<semaphore_mem>>)
      %scan3A_69 = arith.constant 0 : i32
      %scan3A_70 = arith.constant 4 : i32
      %scan3A_71 = arith.addi %scan3A_69, %scan3A_70 : i32
      %scan3A_72 = arith.constant 1 : i32
      scf.for %scan3A_74 = %scan3A_69 to %scan3A_71 step %scan3A_72  : i32 {
        %mul3A_75 = arith.constant 5 : i32
        %mul3A_76 = arith.muli %scan3A_74, %mul3A_75 : i32
        %add3A_77 = arith.constant 0 : i32
        %add3A_78 = arith.addi %add3A_77, %mul3A_76 : i32
        %dma_wait3A = arith.constant 0 : i32
        %dma_wait3A_79 = arith.constant 0 : i32
        %dma_wait3A_80 = tpu.memref_slice %arg8[%dma_wait3A, %dma_wait3A_79] : memref<20x128xi32, #tpu.memory_space<vmem>> -> memref<1x128xi32, #tpu.memory_space<vmem>>
        %dma_wait3A_81 = tpu.memref_squeeze %dma_wait3A_80 : memref<1x128xi32, #tpu.memory_space<vmem>> -> memref<128xi32, #tpu.memory_space<vmem>>
        %dma_wait3A_82 = arith.constant 0 : i32
        %dma_wait3A_83 = arith.constant 0 : i32
        %dma_wait3A_84 = tpu.memref_slice %arg6[%dma_wait3A_82, %dma_wait3A_83] : memref<10000x16xf32, #tpu.memory_space<vmem_shared>> -> memref<10000x16xf32, #tpu.memory_space<vmem_shared>>
        tpu.wait_indirect_dma semaphore(%arg15 : memref<!tpu.dma_semaphore, #tpu.memory_space<semaphore_mem>>) src(%dma_wait3A_84 : memref<10000x16xf32, #tpu.memory_space<vmem_shared>>) dst(%arg10 : memref<128x16xf32, #tpu.memory_space<vmem>>)
        %add3A_85 = arith.constant 0 : i32
        %add3A_86 = arith.addi %add3A_78, %add3A_85 : i32
        "tpu.region"() ({
          %run_scoped3A_165 = tpu.sem_alloc : memref<!tpu.dma_semaphore, #tpu.memory_space<semaphore_mem>>
          %dma_start3A_166 = arith.constant 0 : i32
          %dma_start3A_167 = tpu.memref_slice %arg9[%add3A_86, %dma_start3A_166] : memref<20x128xi32, #tpu.memory_space<vmem>> -> memref<1x128xi32, #tpu.memory_space<vmem>>
          %dma_start3A_168 = tpu.memref_squeeze %dma_start3A_167 : memref<1x128xi32, #tpu.memory_space<vmem>> -> memref<128xi32, #tpu.memory_space<vmem>>
          %dma_start3A_169 = arith.constant 0 : i32
          %dma_start3A_170 = arith.constant 0 : i32
          %dma_start3A_171 = tpu.memref_slice %arg7[%dma_start3A_169, %dma_start3A_170] : memref<10240x16xf32, #tpu.memory_space<vmem_shared>> -> memref<10240x16xf32, #tpu.memory_space<vmem_shared>>
          tpu.enqueue_indirect_dma source(%arg10 : memref<128x16xf32, #tpu.memory_space<vmem>>) target(%dma_start3A_171 : memref<10240x16xf32, #tpu.memory_space<vmem_shared>>) offsets(%dma_start3A_168 : memref<128xi32, #tpu.memory_space<vmem>>) semaphore(%run_scoped3A_165 : memref<!tpu.dma_semaphore, #tpu.memory_space<semaphore_mem>>) {add = true}
          %dma_wait3A_172 = arith.constant 0 : i32
          %dma_wait3A_173 = tpu.memref_slice %arg9[%add3A_86, %dma_wait3A_172] : memref<20x128xi32, #tpu.memory_space<vmem>> -> memref<1x128xi32, #tpu.memory_space<vmem>>
          %dma_wait3A_174 = tpu.memref_squeeze %dma_wait3A_173 : memref<1x128xi32, #tpu.memory_space<vmem>> -> memref<128xi32, #tpu.memory_space<vmem>>
          %dma_wait3A_175 = arith.constant 0 : i32
          %dma_wait3A_176 = arith.constant 0 : i32
          %dma_wait3A_177 = tpu.memref_slice %arg7[%dma_wait3A_175, %dma_wait3A_176] : memref<10240x16xf32, #tpu.memory_space<vmem_shared>> -> memref<10240x16xf32, #tpu.memory_space<vmem_shared>>
          tpu.wait_indirect_dma semaphore(%run_scoped3A_165 : memref<!tpu.dma_semaphore, #tpu.memory_space<semaphore_mem>>) src(%arg10 : memref<128x16xf32, #tpu.memory_space<vmem>>) dst(%dma_wait3A_177 : memref<10240x16xf32, #tpu.memory_space<vmem_shared>>)
          tpu.yield
        }) : () -> ()
        %add3A_87 = arith.constant 0 : i32
        %add3A_88 = arith.addi %add3A_78, %add3A_87 : i32
        %add3A_89 = arith.constant 5 : i32
        %add3A_90 = arith.addi %add3A_88, %add3A_89 : i32
        %lt3A = arith.constant 20 : i32
        %lt3A_91 = arith.cmpi slt, %add3A_90, %lt3A : i32
        %convert_element_type3A = arith.extui %lt3A_91 : i1 to i32
        %cond3A = arith.constant 0 : i32
        %cond3A_92 = arith.cmpi ne, %convert_element_type3A, %cond3A : i32
        scf.if %cond3A_92 {
          %add3A_165 = arith.constant 0 : i32
          %add3A_166 = arith.addi %add3A_78, %add3A_165 : i32
          %add3A_167 = arith.constant 5 : i32
          %add3A_168 = arith.addi %add3A_166, %add3A_167 : i32
          %dma_start3A_169 = arith.constant 0 : i32
          %dma_start3A_170 = tpu.memref_slice %arg8[%add3A_168, %dma_start3A_169] : memref<20x128xi32, #tpu.memory_space<vmem>> -> memref<1x128xi32, #tpu.memory_space<vmem>>
          %dma_start3A_171 = tpu.memref_squeeze %dma_start3A_170 : memref<1x128xi32, #tpu.memory_space<vmem>> -> memref<128xi32, #tpu.memory_space<vmem>>
          %dma_start3A_172 = arith.constant 0 : i32
          %dma_start3A_173 = arith.constant 0 : i32
          %dma_start3A_174 = tpu.memref_slice %arg6[%dma_start3A_172, %dma_start3A_173] : memref<10000x16xf32, #tpu.memory_space<vmem_shared>> -> memref<10000x16xf32, #tpu.memory_space<vmem_shared>>
          tpu.enqueue_indirect_dma source(%dma_start3A_174 : memref<10000x16xf32, #tpu.memory_space<vmem_shared>>) target(%arg10 : memref<128x16xf32, #tpu.memory_space<vmem>>) offsets(%dma_start3A_171 : memref<128xi32, #tpu.memory_space<vmem>>) semaphore(%arg15 : memref<!tpu.dma_semaphore, #tpu.memory_space<semaphore_mem>>)
        } else {
        }
        %dma_wait3A_93 = arith.constant 1 : i32
        %dma_wait3A_94 = arith.constant 0 : i32
        %dma_wait3A_95 = tpu.memref_slice %arg8[%dma_wait3A_93, %dma_wait3A_94] : memref<20x128xi32, #tpu.memory_space<vmem>> -> memref<1x128xi32, #tpu.memory_space<vmem>>
        %dma_wait3A_96 = tpu.memref_squeeze %dma_wait3A_95 : memref<1x128xi32, #tpu.memory_space<vmem>> -> memref<128xi32, #tpu.memory_space<vmem>>
        %dma_wait3A_97 = arith.constant 0 : i32
        %dma_wait3A_98 = arith.constant 0 : i32
        %dma_wait3A_99 = tpu.memref_slice %arg6[%dma_wait3A_97, %dma_wait3A_98] : memref<10000x16xf32, #tpu.memory_space<vmem_shared>> -> memref<10000x16xf32, #tpu.memory_space<vmem_shared>>
        tpu.wait_indirect_dma semaphore(%arg16 : memref<!tpu.dma_semaphore, #tpu.memory_space<semaphore_mem>>) src(%dma_wait3A_99 : memref<10000x16xf32, #tpu.memory_space<vmem_shared>>) dst(%arg11 : memref<128x16xf32, #tpu.memory_space<vmem>>)
        %add3A_100 = arith.constant 1 : i32
        %add3A_101 = arith.addi %add3A_78, %add3A_100 : i32
        "tpu.region"() ({
          %run_scoped3A_165 = tpu.sem_alloc : memref<!tpu.dma_semaphore, #tpu.memory_space<semaphore_mem>>
          %dma_start3A_166 = arith.constant 0 : i32
          %dma_start3A_167 = tpu.memref_slice %arg9[%add3A_101, %dma_start3A_166] : memref<20x128xi32, #tpu.memory_space<vmem>> -> memref<1x128xi32, #tpu.memory_space<vmem>>
          %dma_start3A_168 = tpu.memref_squeeze %dma_start3A_167 : memref<1x128xi32, #tpu.memory_space<vmem>> -> memref<128xi32, #tpu.memory_space<vmem>>
          %dma_start3A_169 = arith.constant 0 : i32
          %dma_start3A_170 = arith.constant 0 : i32
          %dma_start3A_171 = tpu.memref_slice %arg7[%dma_start3A_169, %dma_start3A_170] : memref<10240x16xf32, #tpu.memory_space<vmem_shared>> -> memref<10240x16xf32, #tpu.memory_space<vmem_shared>>
          tpu.enqueue_indirect_dma source(%arg11 : memref<128x16xf32, #tpu.memory_space<vmem>>) target(%dma_start3A_171 : memref<10240x16xf32, #tpu.memory_space<vmem_shared>>) offsets(%dma_start3A_168 : memref<128xi32, #tpu.memory_space<vmem>>) semaphore(%run_scoped3A_165 : memref<!tpu.dma_semaphore, #tpu.memory_space<semaphore_mem>>) {add = true}
          %dma_wait3A_172 = arith.constant 0 : i32
          %dma_wait3A_173 = tpu.memref_slice %arg9[%add3A_101, %dma_wait3A_172] : memref<20x128xi32, #tpu.memory_space<vmem>> -> memref<1x128xi32, #tpu.memory_space<vmem>>
          %dma_wait3A_174 = tpu.memref_squeeze %dma_wait3A_173 : memref<1x128xi32, #tpu.memory_space<vmem>> -> memref<128xi32, #tpu.memory_space<vmem>>
          %dma_wait3A_175 = arith.constant 0 : i32
          %dma_wait3A_176 = arith.constant 0 : i32
          %dma_wait3A_177 = tpu.memref_slice %arg7[%dma_wait3A_175, %dma_wait3A_176] : memref<10240x16xf32, #tpu.memory_space<vmem_shared>> -> memref<10240x16xf32, #tpu.memory_space<vmem_shared>>
          tpu.wait_indirect_dma semaphore(%run_scoped3A_165 : memref<!tpu.dma_semaphore, #tpu.memory_space<semaphore_mem>>) src(%arg11 : memref<128x16xf32, #tpu.memory_space<vmem>>) dst(%dma_wait3A_177 : memref<10240x16xf32, #tpu.memory_space<vmem_shared>>)
          tpu.yield
        }) : () -> ()
        %add3A_102 = arith.constant 1 : i32
        %add3A_103 = arith.addi %add3A_78, %add3A_102 : i32
        %add3A_104 = arith.constant 5 : i32
        %add3A_105 = arith.addi %add3A_103, %add3A_104 : i32
        %lt3A_106 = arith.constant 20 : i32
        %lt3A_107 = arith.cmpi slt, %add3A_105, %lt3A_106 : i32
        %convert_element_type3A_108 = arith.extui %lt3A_107 : i1 to i32
        %cond3A_109 = arith.constant 0 : i32
        %cond3A_110 = arith.cmpi ne, %convert_element_type3A_108, %cond3A_109 : i32
        scf.if %cond3A_110 {
          %add3A_165 = arith.constant 1 : i32
          %add3A_166 = arith.addi %add3A_78, %add3A_165 : i32
          %add3A_167 = arith.constant 5 : i32
          %add3A_168 = arith.addi %add3A_166, %add3A_167 : i32
          %dma_start3A_169 = arith.constant 0 : i32
          %dma_start3A_170 = tpu.memref_slice %arg8[%add3A_168, %dma_start3A_169] : memref<20x128xi32, #tpu.memory_space<vmem>> -> memref<1x128xi32, #tpu.memory_space<vmem>>
          %dma_start3A_171 = tpu.memref_squeeze %dma_start3A_170 : memref<1x128xi32, #tpu.memory_space<vmem>> -> memref<128xi32, #tpu.memory_space<vmem>>
          %dma_start3A_172 = arith.constant 0 : i32
          %dma_start3A_173 = arith.constant 0 : i32
          %dma_start3A_174 = tpu.memref_slice %arg6[%dma_start3A_172, %dma_start3A_173] : memref<10000x16xf32, #tpu.memory_space<vmem_shared>> -> memref<10000x16xf32, #tpu.memory_space<vmem_shared>>
          tpu.enqueue_indirect_dma source(%dma_start3A_174 : memref<10000x16xf32, #tpu.memory_space<vmem_shared>>) target(%arg11 : memref<128x16xf32, #tpu.memory_space<vmem>>) offsets(%dma_start3A_171 : memref<128xi32, #tpu.memory_space<vmem>>) semaphore(%arg16 : memref<!tpu.dma_semaphore, #tpu.memory_space<semaphore_mem>>)
        } else {
        }
        %dma_wait3A_111 = arith.constant 2 : i32
        %dma_wait3A_112 = arith.constant 0 : i32
        %dma_wait3A_113 = tpu.memref_slice %arg8[%dma_wait3A_111, %dma_wait3A_112] : memref<20x128xi32, #tpu.memory_space<vmem>> -> memref<1x128xi32, #tpu.memory_space<vmem>>
        %dma_wait3A_114 = tpu.memref_squeeze %dma_wait3A_113 : memref<1x128xi32, #tpu.memory_space<vmem>> -> memref<128xi32, #tpu.memory_space<vmem>>
        %dma_wait3A_115 = arith.constant 0 : i32
        %dma_wait3A_116 = arith.constant 0 : i32
        %dma_wait3A_117 = tpu.memref_slice %arg6[%dma_wait3A_115, %dma_wait3A_116] : memref<10000x16xf32, #tpu.memory_space<vmem_shared>> -> memref<10000x16xf32, #tpu.memory_space<vmem_shared>>
        tpu.wait_indirect_dma semaphore(%arg17 : memref<!tpu.dma_semaphore, #tpu.memory_space<semaphore_mem>>) src(%dma_wait3A_117 : memref<10000x16xf32, #tpu.memory_space<vmem_shared>>) dst(%arg12 : memref<128x16xf32, #tpu.memory_space<vmem>>)
        %add3A_118 = arith.constant 2 : i32
        %add3A_119 = arith.addi %add3A_78, %add3A_118 : i32
        "tpu.region"() ({
          %run_scoped3A_165 = tpu.sem_alloc : memref<!tpu.dma_semaphore, #tpu.memory_space<semaphore_mem>>
          %dma_start3A_166 = arith.constant 0 : i32
          %dma_start3A_167 = tpu.memref_slice %arg9[%add3A_119, %dma_start3A_166] : memref<20x128xi32, #tpu.memory_space<vmem>> -> memref<1x128xi32, #tpu.memory_space<vmem>>
          %dma_start3A_168 = tpu.memref_squeeze %dma_start3A_167 : memref<1x128xi32, #tpu.memory_space<vmem>> -> memref<128xi32, #tpu.memory_space<vmem>>
          %dma_start3A_169 = arith.constant 0 : i32
          %dma_start3A_170 = arith.constant 0 : i32
          %dma_start3A_171 = tpu.memref_slice %arg7[%dma_start3A_169, %dma_start3A_170] : memref<10240x16xf32, #tpu.memory_space<vmem_shared>> -> memref<10240x16xf32, #tpu.memory_space<vmem_shared>>
          tpu.enqueue_indirect_dma source(%arg12 : memref<128x16xf32, #tpu.memory_space<vmem>>) target(%dma_start3A_171 : memref<10240x16xf32, #tpu.memory_space<vmem_shared>>) offsets(%dma_start3A_168 : memref<128xi32, #tpu.memory_space<vmem>>) semaphore(%run_scoped3A_165 : memref<!tpu.dma_semaphore, #tpu.memory_space<semaphore_mem>>) {add = true}
          %dma_wait3A_172 = arith.constant 0 : i32
          %dma_wait3A_173 = tpu.memref_slice %arg9[%add3A_119, %dma_wait3A_172] : memref<20x128xi32, #tpu.memory_space<vmem>> -> memref<1x128xi32, #tpu.memory_space<vmem>>
          %dma_wait3A_174 = tpu.memref_squeeze %dma_wait3A_173 : memref<1x128xi32, #tpu.memory_space<vmem>> -> memref<128xi32, #tpu.memory_space<vmem>>
          %dma_wait3A_175 = arith.constant 0 : i32
          %dma_wait3A_176 = arith.constant 0 : i32
          %dma_wait3A_177 = tpu.memref_slice %arg7[%dma_wait3A_175, %dma_wait3A_176] : memref<10240x16xf32, #tpu.memory_space<vmem_shared>> -> memref<10240x16xf32, #tpu.memory_space<vmem_shared>>
          tpu.wait_indirect_dma semaphore(%run_scoped3A_165 : memref<!tpu.dma_semaphore, #tpu.memory_space<semaphore_mem>>) src(%arg12 : memref<128x16xf32, #tpu.memory_space<vmem>>) dst(%dma_wait3A_177 : memref<10240x16xf32, #tpu.memory_space<vmem_shared>>)
          tpu.yield
        }) : () -> ()
        %add3A_120 = arith.constant 2 : i32
        %add3A_121 = arith.addi %add3A_78, %add3A_120 : i32
        %add3A_122 = arith.constant 5 : i32
        %add3A_123 = arith.addi %add3A_121, %add3A_122 : i32
        %lt3A_124 = arith.constant 20 : i32
        %lt3A_125 = arith.cmpi slt, %add3A_123, %lt3A_124 : i32
        %convert_element_type3A_126 = arith.extui %lt3A_125 : i1 to i32
        %cond3A_127 = arith.constant 0 : i32
        %cond3A_128 = arith.cmpi ne, %convert_element_type3A_126, %cond3A_127 : i32
        scf.if %cond3A_128 {
          %add3A_165 = arith.constant 2 : i32
          %add3A_166 = arith.addi %add3A_78, %add3A_165 : i32
          %add3A_167 = arith.constant 5 : i32
          %add3A_168 = arith.addi %add3A_166, %add3A_167 : i32
          %dma_start3A_169 = arith.constant 0 : i32
          %dma_start3A_170 = tpu.memref_slice %arg8[%add3A_168, %dma_start3A_169] : memref<20x128xi32, #tpu.memory_space<vmem>> -> memref<1x128xi32, #tpu.memory_space<vmem>>
          %dma_start3A_171 = tpu.memref_squeeze %dma_start3A_170 : memref<1x128xi32, #tpu.memory_space<vmem>> -> memref<128xi32, #tpu.memory_space<vmem>>
          %dma_start3A_172 = arith.constant 0 : i32
          %dma_start3A_173 = arith.constant 0 : i32
          %dma_start3A_174 = tpu.memref_slice %arg6[%dma_start3A_172, %dma_start3A_173] : memref<10000x16xf32, #tpu.memory_space<vmem_shared>> -> memref<10000x16xf32, #tpu.memory_space<vmem_shared>>
          tpu.enqueue_indirect_dma source(%dma_start3A_174 : memref<10000x16xf32, #tpu.memory_space<vmem_shared>>) target(%arg12 : memref<128x16xf32, #tpu.memory_space<vmem>>) offsets(%dma_start3A_171 : memref<128xi32, #tpu.memory_space<vmem>>) semaphore(%arg17 : memref<!tpu.dma_semaphore, #tpu.memory_space<semaphore_mem>>)
        } else {
        }
        %dma_wait3A_129 = arith.constant 3 : i32
        %dma_wait3A_130 = arith.constant 0 : i32
        %dma_wait3A_131 = tpu.memref_slice %arg8[%dma_wait3A_129, %dma_wait3A_130] : memref<20x128xi32, #tpu.memory_space<vmem>> -> memref<1x128xi32, #tpu.memory_space<vmem>>
        %dma_wait3A_132 = tpu.memref_squeeze %dma_wait3A_131 : memref<1x128xi32, #tpu.memory_space<vmem>> -> memref<128xi32, #tpu.memory_space<vmem>>
        %dma_wait3A_133 = arith.constant 0 : i32
        %dma_wait3A_134 = arith.constant 0 : i32
        %dma_wait3A_135 = tpu.memref_slice %arg6[%dma_wait3A_133, %dma_wait3A_134] : memref<10000x16xf32, #tpu.memory_space<vmem_shared>> -> memref<10000x16xf32, #tpu.memory_space<vmem_shared>>
        tpu.wait_indirect_dma semaphore(%arg18 : memref<!tpu.dma_semaphore, #tpu.memory_space<semaphore_mem>>) src(%dma_wait3A_135 : memref<10000x16xf32, #tpu.memory_space<vmem_shared>>) dst(%arg13 : memref<128x16xf32, #tpu.memory_space<vmem>>)
        %add3A_136 = arith.constant 3 : i32
        %add3A_137 = arith.addi %add3A_78, %add3A_136 : i32
        "tpu.region"() ({
          %run_scoped3A_165 = tpu.sem_alloc : memref<!tpu.dma_semaphore, #tpu.memory_space<semaphore_mem>>
          %dma_start3A_166 = arith.constant 0 : i32
          %dma_start3A_167 = tpu.memref_slice %arg9[%add3A_137, %dma_start3A_166] : memref<20x128xi32, #tpu.memory_space<vmem>> -> memref<1x128xi32, #tpu.memory_space<vmem>>
          %dma_start3A_168 = tpu.memref_squeeze %dma_start3A_167 : memref<1x128xi32, #tpu.memory_space<vmem>> -> memref<128xi32, #tpu.memory_space<vmem>>
          %dma_start3A_169 = arith.constant 0 : i32
          %dma_start3A_170 = arith.constant 0 : i32
          %dma_start3A_171 = tpu.memref_slice %arg7[%dma_start3A_169, %dma_start3A_170] : memref<10240x16xf32, #tpu.memory_space<vmem_shared>> -> memref<10240x16xf32, #tpu.memory_space<vmem_shared>>
          tpu.enqueue_indirect_dma source(%arg13 : memref<128x16xf32, #tpu.memory_space<vmem>>) target(%dma_start3A_171 : memref<10240x16xf32, #tpu.memory_space<vmem_shared>>) offsets(%dma_start3A_168 : memref<128xi32, #tpu.memory_space<vmem>>) semaphore(%run_scoped3A_165 : memref<!tpu.dma_semaphore, #tpu.memory_space<semaphore_mem>>) {add = true}
          %dma_wait3A_172 = arith.constant 0 : i32
          %dma_wait3A_173 = tpu.memref_slice %arg9[%add3A_137, %dma_wait3A_172] : memref<20x128xi32, #tpu.memory_space<vmem>> -> memref<1x128xi32, #tpu.memory_space<vmem>>
          %dma_wait3A_174 = tpu.memref_squeeze %dma_wait3A_173 : memref<1x128xi32, #tpu.memory_space<vmem>> -> memref<128xi32, #tpu.memory_space<vmem>>
          %dma_wait3A_175 = arith.constant 0 : i32
          %dma_wait3A_176 = arith.constant 0 : i32
          %dma_wait3A_177 = tpu.memref_slice %arg7[%dma_wait3A_175, %dma_wait3A_176] : memref<10240x16xf32, #tpu.memory_space<vmem_shared>> -> memref<10240x16xf32, #tpu.memory_space<vmem_shared>>
          tpu.wait_indirect_dma semaphore(%run_scoped3A_165 : memref<!tpu.dma_semaphore, #tpu.memory_space<semaphore_mem>>) src(%arg13 : memref<128x16xf32, #tpu.memory_space<vmem>>) dst(%dma_wait3A_177 : memref<10240x16xf32, #tpu.memory_space<vmem_shared>>)
          tpu.yield
        }) : () -> ()
        %add3A_138 = arith.constant 3 : i32
        %add3A_139 = arith.addi %add3A_78, %add3A_138 : i32
        %add3A_140 = arith.constant 5 : i32
        %add3A_141 = arith.addi %add3A_139, %add3A_140 : i32
        %lt3A_142 = arith.constant 20 : i32
        %lt3A_143 = arith.cmpi slt, %add3A_141, %lt3A_142 : i32
        %convert_element_type3A_144 = arith.extui %lt3A_143 : i1 to i32
        %cond3A_145 = arith.constant 0 : i32
        %cond3A_146 = arith.cmpi ne, %convert_element_type3A_144, %cond3A_145 : i32
        scf.if %cond3A_146 {
          %add3A_165 = arith.constant 3 : i32
          %add3A_166 = arith.addi %add3A_78, %add3A_165 : i32
          %add3A_167 = arith.constant 5 : i32
          %add3A_168 = arith.addi %add3A_166, %add3A_167 : i32
          %dma_start3A_169 = arith.constant 0 : i32
          %dma_start3A_170 = tpu.memref_slice %arg8[%add3A_168, %dma_start3A_169] : memref<20x128xi32, #tpu.memory_space<vmem>> -> memref<1x128xi32, #tpu.memory_space<vmem>>
          %dma_start3A_171 = tpu.memref_squeeze %dma_start3A_170 : memref<1x128xi32, #tpu.memory_space<vmem>> -> memref<128xi32, #tpu.memory_space<vmem>>
          %dma_start3A_172 = arith.constant 0 : i32
          %dma_start3A_173 = arith.constant 0 : i32
          %dma_start3A_174 = tpu.memref_slice %arg6[%dma_start3A_172, %dma_start3A_173] : memref<10000x16xf32, #tpu.memory_space<vmem_shared>> -> memref<10000x16xf32, #tpu.memory_space<vmem_shared>>
          tpu.enqueue_indirect_dma source(%dma_start3A_174 : memref<10000x16xf32, #tpu.memory_space<vmem_shared>>) target(%arg13 : memref<128x16xf32, #tpu.memory_space<vmem>>) offsets(%dma_start3A_171 : memref<128xi32, #tpu.memory_space<vmem>>) semaphore(%arg18 : memref<!tpu.dma_semaphore, #tpu.memory_space<semaphore_mem>>)
        } else {
        }
        %dma_wait3A_147 = arith.constant 4 : i32
        %dma_wait3A_148 = arith.constant 0 : i32
        %dma_wait3A_149 = tpu.memref_slice %arg8[%dma_wait3A_147, %dma_wait3A_148] : memref<20x128xi32, #tpu.memory_space<vmem>> -> memref<1x128xi32, #tpu.memory_space<vmem>>
        %dma_wait3A_150 = tpu.memref_squeeze %dma_wait3A_149 : memref<1x128xi32, #tpu.memory_space<vmem>> -> memref<128xi32, #tpu.memory_space<vmem>>
        %dma_wait3A_151 = arith.constant 0 : i32
        %dma_wait3A_152 = arith.constant 0 : i32
        %dma_wait3A_153 = tpu.memref_slice %arg6[%dma_wait3A_151, %dma_wait3A_152] : memref<10000x16xf32, #tpu.memory_space<vmem_shared>> -> memref<10000x16xf32, #tpu.memory_space<vmem_shared>>
        tpu.wait_indirect_dma semaphore(%arg19 : memref<!tpu.dma_semaphore, #tpu.memory_space<semaphore_mem>>) src(%dma_wait3A_153 : memref<10000x16xf32, #tpu.memory_space<vmem_shared>>) dst(%arg14 : memref<128x16xf32, #tpu.memory_space<vmem>>)
        %add3A_154 = arith.constant 4 : i32
        %add3A_155 = arith.addi %add3A_78, %add3A_154 : i32
        "tpu.region"() ({
          %run_scoped3A_165 = tpu.sem_alloc : memref<!tpu.dma_semaphore, #tpu.memory_space<semaphore_mem>>
          %dma_start3A_166 = arith.constant 0 : i32
          %dma_start3A_167 = tpu.memref_slice %arg9[%add3A_155, %dma_start3A_166] : memref<20x128xi32, #tpu.memory_space<vmem>> -> memref<1x128xi32, #tpu.memory_space<vmem>>
          %dma_start3A_168 = tpu.memref_squeeze %dma_start3A_167 : memref<1x128xi32, #tpu.memory_space<vmem>> -> memref<128xi32, #tpu.memory_space<vmem>>
          %dma_start3A_169 = arith.constant 0 : i32
          %dma_start3A_170 = arith.constant 0 : i32
          %dma_start3A_171 = tpu.memref_slice %arg7[%dma_start3A_169, %dma_start3A_170] : memref<10240x16xf32, #tpu.memory_space<vmem_shared>> -> memref<10240x16xf32, #tpu.memory_space<vmem_shared>>
          tpu.enqueue_indirect_dma source(%arg14 : memref<128x16xf32, #tpu.memory_space<vmem>>) target(%dma_start3A_171 : memref<10240x16xf32, #tpu.memory_space<vmem_shared>>) offsets(%dma_start3A_168 : memref<128xi32, #tpu.memory_space<vmem>>) semaphore(%run_scoped3A_165 : memref<!tpu.dma_semaphore, #tpu.memory_space<semaphore_mem>>) {add = true}
          %dma_wait3A_172 = arith.constant 0 : i32
          %dma_wait3A_173 = tpu.memref_slice %arg9[%add3A_155, %dma_wait3A_172] : memref<20x128xi32, #tpu.memory_space<vmem>> -> memref<1x128xi32, #tpu.memory_space<vmem>>
          %dma_wait3A_174 = tpu.memref_squeeze %dma_wait3A_173 : memref<1x128xi32, #tpu.memory_space<vmem>> -> memref<128xi32, #tpu.memory_space<vmem>>
          %dma_wait3A_175 = arith.constant 0 : i32
          %dma_wait3A_176 = arith.constant 0 : i32
          %dma_wait3A_177 = tpu.memref_slice %arg7[%dma_wait3A_175, %dma_wait3A_176] : memref<10240x16xf32, #tpu.memory_space<vmem_shared>> -> memref<10240x16xf32, #tpu.memory_space<vmem_shared>>
          tpu.wait_indirect_dma semaphore(%run_scoped3A_165 : memref<!tpu.dma_semaphore, #tpu.memory_space<semaphore_mem>>) src(%arg14 : memref<128x16xf32, #tpu.memory_space<vmem>>) dst(%dma_wait3A_177 : memref<10240x16xf32, #tpu.memory_space<vmem_shared>>)
          tpu.yield
        }) : () -> ()
        %add3A_156 = arith.constant 4 : i32
        %add3A_157 = arith.addi %add3A_78, %add3A_156 : i32
        %add3A_158 = arith.constant 5 : i32
        %add3A_159 = arith.addi %add3A_157, %add3A_158 : i32
        %lt3A_160 = arith.constant 20 : i32
        %lt3A_161 = arith.cmpi slt, %add3A_159, %lt3A_160 : i32
        %convert_element_type3A_162 = arith.extui %lt3A_161 : i1 to i32
        %cond3A_163 = arith.constant 0 : i32
        %cond3A_164 = arith.cmpi ne, %convert_element_type3A_162, %cond3A_163 : i32
        scf.if %cond3A_164 {
          %add3A_165 = arith.constant 4 : i32
          %add3A_166 = arith.addi %add3A_78, %add3A_165 : i32
          %add3A_167 = arith.constant 5 : i32
          %add3A_168 = arith.addi %add3A_166, %add3A_167 : i32
          %dma_start3A_169 = arith.constant 0 : i32
          %dma_start3A_170 = tpu.memref_slice %arg8[%add3A_168, %dma_start3A_169] : memref<20x128xi32, #tpu.memory_space<vmem>> -> memref<1x128xi32, #tpu.memory_space<vmem>>
          %dma_start3A_171 = tpu.memref_squeeze %dma_start3A_170 : memref<1x128xi32, #tpu.memory_space<vmem>> -> memref<128xi32, #tpu.memory_space<vmem>>
          %dma_start3A_172 = arith.constant 0 : i32
          %dma_start3A_173 = arith.constant 0 : i32
          %dma_start3A_174 = tpu.memref_slice %arg6[%dma_start3A_172, %dma_start3A_173] : memref<10000x16xf32, #tpu.memory_space<vmem_shared>> -> memref<10000x16xf32, #tpu.memory_space<vmem_shared>>
          tpu.enqueue_indirect_dma source(%dma_start3A_174 : memref<10000x16xf32, #tpu.memory_space<vmem_shared>>) target(%arg14 : memref<128x16xf32, #tpu.memory_space<vmem>>) offsets(%dma_start3A_171 : memref<128xi32, #tpu.memory_space<vmem>>) semaphore(%arg19 : memref<!tpu.dma_semaphore, #tpu.memory_space<semaphore_mem>>)
        } else {
        }
      }
      %scan3A_73 = arith.constant 4 : i32
    }
    %scan3A_22 = arith.constant 4 : i32
    %barrier3A_23 = arith.constant 0 : index
    tpu.barrier barrier_id(%barrier3A_23)
    "tpu.region"() ({
      %run_scoped3A_24 = tpu.sem_alloc : memref<!tpu.dma_semaphore, #tpu.memory_space<semaphore_mem>>
      %dma_start3A = arith.constant 0 : i32
      %dma_start3A_25 = tpu.memref_slice %arg5[%arg0, %mul3A_0, %dma_start3A] : memref<2x10240x16xf32, #tpu.memory_space<hbm>> -> memref<1x640x16xf32, #tpu.memory_space<hbm>>
      %dma_start3A_26 = tpu.memref_squeeze %dma_start3A_25 : memref<1x640x16xf32, #tpu.memory_space<hbm>> -> memref<640x16xf32, #tpu.memory_space<hbm>>
      %dma_start3A_27 = arith.constant 0 : i32
      %dma_start3A_28 = tpu.memref_slice %arg7[%mul3A_0, %dma_start3A_27] : memref<10240x16xf32, #tpu.memory_space<vmem_shared>> -> memref<640x16xf32, #tpu.memory_space<vmem_shared>>
      tpu.enqueue_dma source(%dma_start3A_28 : memref<640x16xf32, #tpu.memory_space<vmem_shared>>) target(%dma_start3A_26 : memref<640x16xf32, #tpu.memory_space<hbm>>) target_semaphore(%run_scoped3A_24 : memref<!tpu.dma_semaphore, #tpu.memory_space<semaphore_mem>>)
      %dma_wait3A = arith.constant 0 : i32
      %dma_wait3A_29 = tpu.memref_slice %arg5[%arg0, %mul3A_0, %dma_wait3A] : memref<2x10240x16xf32, #tpu.memory_space<hbm>> -> memref<1x640x16xf32, #tpu.memory_space<hbm>>
      %dma_wait3A_30 = tpu.memref_squeeze %dma_wait3A_29 : memref<1x640x16xf32, #tpu.memory_space<hbm>> -> memref<640x16xf32, #tpu.memory_space<hbm>>
      %dma_wait3A_31 = arith.constant 0 : i32
      %dma_wait3A_32 = tpu.memref_slice %arg7[%mul3A_0, %dma_wait3A_31] : memref<10240x16xf32, #tpu.memory_space<vmem_shared>> -> memref<640x16xf32, #tpu.memory_space<vmem_shared>>
      tpu.wait_dma2 semaphore(%run_scoped3A_24 : memref<!tpu.dma_semaphore, #tpu.memory_space<semaphore_mem>>) src(%dma_wait3A_32 : memref<640x16xf32, #tpu.memory_space<vmem_shared>>) dst(%dma_wait3A_30 : memref<640x16xf32, #tpu.memory_space<hbm>>)
      tpu.yield
    }) : () -> ()
    return
  }
}

#map = affine_map<(d0, d1) -> (0, 0, 0)>
#map1 = affine_map<(d0, d1) -> (0, 0)>
module attributes {stable_mosaic.version = 14 : i64} {
  func.func @seg_kernel(%arg0: i32, %arg1: i32, %arg2: memref<2x10000x64xf32, #tpu.memory_space<hbm>>, %arg3: memref<2560x128xi32, #tpu.memory_space<hbm>>, %arg4: memref<2560x128xi32, #tpu.memory_space<hbm>>, %arg5: memref<2x10240x64xf32, #tpu.memory_space<hbm>>, %arg6: memref<10000x64xf32, #tpu.memory_space<vmem_shared>>, %arg7: memref<10240x64xf32, #tpu.memory_space<vmem_shared>>, %arg8: memref<20x128xi32, #tpu.memory_space<vmem>>, %arg9: memref<20x128xi32, #tpu.memory_space<vmem>>, %arg10: memref<128x64xf32, #tpu.memory_space<vmem>>, %arg11: memref<128x64xf32, #tpu.memory_space<vmem>>, %arg12: memref<128x64xf32, #tpu.memory_space<vmem>>, %arg13: memref<128x64xf32, #tpu.memory_space<vmem>>, %arg14: memref<128x64xf32, #tpu.memory_space<vmem>>, %arg15: memref<!tpu.dma_semaphore, #tpu.memory_space<semaphore_mem>>, %arg16: memref<!tpu.dma_semaphore, #tpu.memory_space<semaphore_mem>>, %arg17: memref<!tpu.dma_semaphore, #tpu.memory_space<semaphore_mem>>, %arg18: memref<!tpu.dma_semaphore, #tpu.memory_space<semaphore_mem>>, %arg19: memref<!tpu.dma_semaphore, #tpu.memory_space<semaphore_mem>>) attributes {dimension_semantics = [#tpu.dimension_semantics<core_parallel>, #tpu.dimension_semantics<subcore_parallel>], iteration_bounds = array<i64: 2, 16>, scalar_prefetch = 0 : i64, scratch_operands = 14 : i64, tpu.core_type = #tpu.core_type<sc_vector_subcore>, window_params = [{transform_indices = #map}, {transform_indices = #map1}, {transform_indices = #map1}, {transform_indices = #map}]} {
    %mul3A = arith.constant 640 : i32
    %mul3A_0 = arith.muli %arg1, %mul3A : i32
    %mul3A_1 = arith.constant 160 : i32
    %mul3A_2 = arith.muli %arg1, %mul3A_1 : i32
    %mul3A_3 = arith.constant 625 : i32
    %mul3A_4 = arith.muli %arg1, %mul3A_3 : i32
    %mul3A_5 = arith.constant 625 : i32
    %mul3A_6 = arith.muli %arg1, %mul3A_5 : i32
    "tpu.region"() ({
      %run_scoped3A = tpu.sem_alloc : memref<!tpu.dma_semaphore, #tpu.memory_space<semaphore_mem>>
      %dma_start3A = arith.constant 0 : i32
      %dma_start3A_22 = tpu.memref_slice %arg6[%mul3A_6, %dma_start3A] : memref<10000x64xf32, #tpu.memory_space<vmem_shared>> -> memref<625x64xf32, #tpu.memory_space<vmem_shared>>
      %dma_start3A_23 = arith.constant 0 : i32
      %dma_start3A_24 = tpu.memref_slice %arg2[%arg0, %mul3A_4, %dma_start3A_23] : memref<2x10000x64xf32, #tpu.memory_space<hbm>> -> memref<1x625x64xf32, #tpu.memory_space<hbm>>
      %dma_start3A_25 = tpu.memref_squeeze %dma_start3A_24 : memref<1x625x64xf32, #tpu.memory_space<hbm>> -> memref<625x64xf32, #tpu.memory_space<hbm>>
      tpu.enqueue_dma source(%dma_start3A_25 : memref<625x64xf32, #tpu.memory_space<hbm>>) target(%dma_start3A_22 : memref<625x64xf32, #tpu.memory_space<vmem_shared>>) target_semaphore(%run_scoped3A : memref<!tpu.dma_semaphore, #tpu.memory_space<semaphore_mem>>)
      %dma_wait3A = arith.constant 0 : i32
      %dma_wait3A_26 = tpu.memref_slice %arg6[%mul3A_6, %dma_wait3A] : memref<10000x64xf32, #tpu.memory_space<vmem_shared>> -> memref<625x64xf32, #tpu.memory_space<vmem_shared>>
      %dma_wait3A_27 = arith.constant 0 : i32
      %dma_wait3A_28 = tpu.memref_slice %arg2[%arg0, %mul3A_4, %dma_wait3A_27] : memref<2x10000x64xf32, #tpu.memory_space<hbm>> -> memref<1x625x64xf32, #tpu.memory_space<hbm>>
      %dma_wait3A_29 = tpu.memref_squeeze %dma_wait3A_28 : memref<1x625x64xf32, #tpu.memory_space<hbm>> -> memref<625x64xf32, #tpu.memory_space<hbm>>
      tpu.wait_dma2 semaphore(%run_scoped3A : memref<!tpu.dma_semaphore, #tpu.memory_space<semaphore_mem>>) src(%dma_wait3A_29 : memref<625x64xf32, #tpu.memory_space<hbm>>) dst(%dma_wait3A_26 : memref<625x64xf32, #tpu.memory_space<vmem_shared>>)
      tpu.yield
    }) : () -> ()
    %scan3A = arith.constant 0 : i32
    %scan3A_7 = arith.constant 128 : i32
    %scan3A_8 = arith.addi %scan3A, %scan3A_7 : i32
    %scan3A_9 = arith.constant 1 : i32
    scf.for %scan3A_22 = %scan3A to %scan3A_8 step %scan3A_9  : i32 {
      %mul3A_23 = arith.constant 1 : i32
      %mul3A_24 = arith.muli %scan3A_22, %mul3A_23 : i32
      %add3A = arith.constant 0 : i32
      %add3A_25 = arith.addi %add3A, %mul3A_24 : i32
      %scan3A_26 = arith.constant 0 : i32
      %scan3A_27 = arith.constant 4 : i32
      %scan3A_28 = arith.addi %scan3A_26, %scan3A_27 : i32
      %scan3A_29 = arith.constant 1 : i32
      scf.for %scan3A_31 = %scan3A_26 to %scan3A_28 step %scan3A_29  : i32 {
        %mul3A_32 = arith.constant 1 : i32
        %mul3A_33 = arith.muli %scan3A_31, %mul3A_32 : i32
        %add3A_34 = arith.constant 0 : i32
        %add3A_35 = arith.addi %add3A_34, %mul3A_33 : i32
        %broadcast_in_dim3A = arith.constant 0.000000e+00 : f32
        %broadcast_in_dim3A_36 = vector.broadcast %broadcast_in_dim3A : f32 to vector<16xf32>
        %mul3A_37 = arith.constant 16 : i32
        %mul3A_38 = arith.muli %add3A_35, %mul3A_37 : i32
        %swap3A = arith.index_cast %add3A_25 : i32 to index
        %swap3A_39 = arith.index_cast %mul3A_38 : i32 to index
        %swap3A_40 = tpu.vector_load %arg10[%swap3A, %swap3A_39] {strides = array<i32>} : memref<128x64xf32, #tpu.memory_space<vmem>>, vector<1x16xf32>,
        %swap3A_41 = vector.shape_cast %swap3A_40 : vector<1x16xf32> to vector<16xf32>
        %swap3A_42 = vector.shape_cast %broadcast_in_dim3A_36 : vector<16xf32> to vector<1x16xf32>
        tpu.vector_store %arg10[%swap3A, %swap3A_39], %swap3A_42 {strides = array<i32>} : memref<128x64xf32, #tpu.memory_space<vmem>>, vector<1x16xf32>,
      }
      %scan3A_30 = arith.constant 4 : i32
    }
    %scan3A_10 = arith.constant 128 : i32
    %scan3A_11 = arith.constant 0 : i32
    %scan3A_12 = arith.constant 5 : i32
    %scan3A_13 = arith.addi %scan3A_11, %scan3A_12 : i32
    %scan3A_14 = arith.constant 1 : i32
    scf.for %scan3A_22 = %scan3A_11 to %scan3A_13 step %scan3A_14  : i32 {
      %mul3A_23 = arith.constant 1 : i32
      %mul3A_24 = arith.muli %scan3A_22, %mul3A_23 : i32
      %add3A = arith.constant 0 : i32
      %add3A_25 = arith.addi %add3A, %mul3A_24 : i32
      %mul3A_26 = arith.constant 128 : i32
      %mul3A_27 = arith.muli %add3A_25, %mul3A_26 : i32
      %add3A_28 = arith.addi %mul3A_0, %mul3A_27 : i32
      "tpu.region"() ({
        %run_scoped3A = tpu.sem_alloc : memref<!tpu.dma_semaphore, #tpu.memory_space<semaphore_mem>>
        %dma_start3A = arith.constant 0 : i32
        %dma_start3A_29 = tpu.memref_slice %arg7[%add3A_28, %dma_start3A] : memref<10240x64xf32, #tpu.memory_space<vmem_shared>> -> memref<128x64xf32, #tpu.memory_space<vmem_shared>>
        %dma_start3A_30 = arith.constant 0 : i32
        %dma_start3A_31 = tpu.memref_slice %arg7[%add3A_28, %dma_start3A_30] : memref<10240x64xf32, #tpu.memory_space<vmem_shared>> -> memref<128x64xf32, #tpu.memory_space<vmem_shared>>
        tpu.enqueue_dma source(%arg10 : memref<128x64xf32, #tpu.memory_space<vmem>>) target(%dma_start3A_31 : memref<128x64xf32, #tpu.memory_space<vmem_shared>>) target_semaphore(%run_scoped3A : memref<!tpu.dma_semaphore, #tpu.memory_space<semaphore_mem>>)
        %dma_wait3A = arith.constant 0 : i32
        %dma_wait3A_32 = tpu.memref_slice %arg7[%add3A_28, %dma_wait3A] : memref<10240x64xf32, #tpu.memory_space<vmem_shared>> -> memref<128x64xf32, #tpu.memory_space<vmem_shared>>
        %dma_wait3A_33 = arith.constant 0 : i32
        %dma_wait3A_34 = tpu.memref_slice %arg7[%add3A_28, %dma_wait3A_33] : memref<10240x64xf32, #tpu.memory_space<vmem_shared>> -> memref<128x64xf32, #tpu.memory_space<vmem_shared>>
        tpu.wait_dma2 semaphore(%run_scoped3A : memref<!tpu.dma_semaphore, #tpu.memory_space<semaphore_mem>>) src(%arg10 : memref<128x64xf32, #tpu.memory_space<vmem>>) dst(%dma_wait3A_34 : memref<128x64xf32, #tpu.memory_space<vmem_shared>>)
        tpu.yield
      }) : () -> ()
    }
    %scan3A_15 = arith.constant 5 : i32
    %barrier3A = arith.constant 0 : index
    tpu.barrier barrier_id(%barrier3A)
    %scan3A_16 = arith.constant 0 : i32
    %scan3A_17 = arith.constant 8 : i32
    %scan3A_18 = arith.addi %scan3A_16, %scan3A_17 : i32
    %scan3A_19 = arith.constant 1 : i32
    scf.for %scan3A_22 = %scan3A_16 to %scan3A_18 step %scan3A_19  : i32 {
      %mul3A_23 = arith.constant 1 : i32
      %mul3A_24 = arith.muli %scan3A_22, %mul3A_23 : i32
      %add3A = arith.constant 0 : i32
      %add3A_25 = arith.addi %add3A, %mul3A_24 : i32
      %mul3A_26 = arith.constant 20 : i32
      %mul3A_27 = arith.muli %add3A_25, %mul3A_26 : i32
      %add3A_28 = arith.addi %mul3A_2, %mul3A_27 : i32
      "tpu.region"() ({
        %run_scoped3A = tpu.sem_alloc : memref<!tpu.dma_semaphore, #tpu.memory_space<semaphore_mem>>
        %dma_start3A_71 = arith.constant 0 : i32
        %dma_start3A_72 = tpu.memref_slice %arg3[%add3A_28, %dma_start3A_71] : memref<2560x128xi32, #tpu.memory_space<hbm>> -> memref<20x128xi32, #tpu.memory_space<hbm>>
        %dma_start3A_73 = arith.constant 0 : i32
        %dma_start3A_74 = tpu.memref_slice %arg3[%add3A_28, %dma_start3A_73] : memref<2560x128xi32, #tpu.memory_space<hbm>> -> memref<20x128xi32, #tpu.memory_space<hbm>>
        tpu.enqueue_dma source(%dma_start3A_74 : memref<20x128xi32, #tpu.memory_space<hbm>>) target(%arg8 : memref<20x128xi32, #tpu.memory_space<vmem>>) target_semaphore(%run_scoped3A : memref<!tpu.dma_semaphore, #tpu.memory_space<semaphore_mem>>)
        %dma_wait3A = arith.constant 0 : i32
        %dma_wait3A_75 = tpu.memref_slice %arg3[%add3A_28, %dma_wait3A] : memref<2560x128xi32, #tpu.memory_space<hbm>> -> memref<20x128xi32, #tpu.memory_space<hbm>>
        %dma_wait3A_76 = arith.constant 0 : i32
        %dma_wait3A_77 = tpu.memref_slice %arg3[%add3A_28, %dma_wait3A_76] : memref<2560x128xi32, #tpu.memory_space<hbm>> -> memref<20x128xi32, #tpu.memory_space<hbm>>
        tpu.wait_dma2 semaphore(%run_scoped3A : memref<!tpu.dma_semaphore, #tpu.memory_space<semaphore_mem>>) src(%dma_wait3A_77 : memref<20x128xi32, #tpu.memory_space<hbm>>) dst(%arg8 : memref<20x128xi32, #tpu.memory_space<vmem>>)
        tpu.yield
      }) : () -> ()
      %mul3A_29 = arith.constant 20 : i32
      %mul3A_30 = arith.muli %add3A_25, %mul3A_29 : i32
      %add3A_31 = arith.addi %mul3A_2, %mul3A_30 : i32
      "tpu.region"() ({
        %run_scoped3A = tpu.sem_alloc : memref<!tpu.dma_semaphore, #tpu.memory_space<semaphore_mem>>
        %dma_start3A_71 = arith.constant 0 : i32
        %dma_start3A_72 = tpu.memref_slice %arg4[%add3A_31, %dma_start3A_71] : memref<2560x128xi32, #tpu.memory_space<hbm>> -> memref<20x128xi32, #tpu.memory_space<hbm>>
        %dma_start3A_73 = arith.constant 0 : i32
        %dma_start3A_74 = tpu.memref_slice %arg4[%add3A_31, %dma_start3A_73] : memref<2560x128xi32, #tpu.memory_space<hbm>> -> memref<20x128xi32, #tpu.memory_space<hbm>>
        tpu.enqueue_dma source(%dma_start3A_74 : memref<20x128xi32, #tpu.memory_space<hbm>>) target(%arg9 : memref<20x128xi32, #tpu.memory_space<vmem>>) target_semaphore(%run_scoped3A : memref<!tpu.dma_semaphore, #tpu.memory_space<semaphore_mem>>)
        %dma_wait3A = arith.constant 0 : i32
        %dma_wait3A_75 = tpu.memref_slice %arg4[%add3A_31, %dma_wait3A] : memref<2560x128xi32, #tpu.memory_space<hbm>> -> memref<20x128xi32, #tpu.memory_space<hbm>>
        %dma_wait3A_76 = arith.constant 0 : i32
        %dma_wait3A_77 = tpu.memref_slice %arg4[%add3A_31, %dma_wait3A_76] : memref<2560x128xi32, #tpu.memory_space<hbm>> -> memref<20x128xi32, #tpu.memory_space<hbm>>
        tpu.wait_dma2 semaphore(%run_scoped3A : memref<!tpu.dma_semaphore, #tpu.memory_space<semaphore_mem>>) src(%dma_wait3A_77 : memref<20x128xi32, #tpu.memory_space<hbm>>) dst(%arg9 : memref<20x128xi32, #tpu.memory_space<vmem>>)
        tpu.yield
      }) : () -> ()
      %dma_start3A = arith.constant 0 : i32
      %dma_start3A_32 = arith.constant 0 : i32
      %dma_start3A_33 = tpu.memref_slice %arg8[%dma_start3A, %dma_start3A_32] : memref<20x128xi32, #tpu.memory_space<vmem>> -> memref<1x128xi32, #tpu.memory_space<vmem>>
      %dma_start3A_34 = tpu.memref_squeeze %dma_start3A_33 : memref<1x128xi32, #tpu.memory_space<vmem>> -> memref<128xi32, #tpu.memory_space<vmem>>
      %dma_start3A_35 = arith.constant 0 : i32
      %dma_start3A_36 = arith.constant 0 : i32
      %dma_start3A_37 = tpu.memref_slice %arg6[%dma_start3A_35, %dma_start3A_36] : memref<10000x64xf32, #tpu.memory_space<vmem_shared>> -> memref<10000x64xf32, #tpu.memory_space<vmem_shared>>
      tpu.enqueue_indirect_dma source(%dma_start3A_37 : memref<10000x64xf32, #tpu.memory_space<vmem_shared>>) target(%arg10 : memref<128x64xf32, #tpu.memory_space<vmem>>) offsets(%dma_start3A_34 : memref<128xi32, #tpu.memory_space<vmem>>) semaphore(%arg15 : memref<!tpu.dma_semaphore, #tpu.memory_space<semaphore_mem>>)
      %dma_start3A_38 = arith.constant 1 : i32
      %dma_start3A_39 = arith.constant 0 : i32
      %dma_start3A_40 = tpu.memref_slice %arg8[%dma_start3A_38, %dma_start3A_39] : memref<20x128xi32, #tpu.memory_space<vmem>> -> memref<1x128xi32, #tpu.memory_space<vmem>>
      %dma_start3A_41 = tpu.memref_squeeze %dma_start3A_40 : memref<1x128xi32, #tpu.memory_space<vmem>> -> memref<128xi32, #tpu.memory_space<vmem>>
      %dma_start3A_42 = arith.constant 0 : i32
      %dma_start3A_43 = arith.constant 0 : i32
      %dma_start3A_44 = tpu.memref_slice %arg6[%dma_start3A_42, %dma_start3A_43] : memref<10000x64xf32, #tpu.memory_space<vmem_shared>> -> memref<10000x64xf32, #tpu.memory_space<vmem_shared>>
      tpu.enqueue_indirect_dma source(%dma_start3A_44 : memref<10000x64xf32, #tpu.memory_space<vmem_shared>>) target(%arg11 : memref<128x64xf32, #tpu.memory_space<vmem>>) offsets(%dma_start3A_41 : memref<128xi32, #tpu.memory_space<vmem>>) semaphore(%arg16 : memref<!tpu.dma_semaphore, #tpu.memory_space<semaphore_mem>>)
      %dma_start3A_45 = arith.constant 2 : i32
      %dma_start3A_46 = arith.constant 0 : i32
      %dma_start3A_47 = tpu.memref_slice %arg8[%dma_start3A_45, %dma_start3A_46] : memref<20x128xi32, #tpu.memory_space<vmem>> -> memref<1x128xi32, #tpu.memory_space<vmem>>
      %dma_start3A_48 = tpu.memref_squeeze %dma_start3A_47 : memref<1x128xi32, #tpu.memory_space<vmem>> -> memref<128xi32, #tpu.memory_space<vmem>>
      %dma_start3A_49 = arith.constant 0 : i32
      %dma_start3A_50 = arith.constant 0 : i32
      %dma_start3A_51 = tpu.memref_slice %arg6[%dma_start3A_49, %dma_start3A_50] : memref<10000x64xf32, #tpu.memory_space<vmem_shared>> -> memref<10000x64xf32, #tpu.memory_space<vmem_shared>>
      tpu.enqueue_indirect_dma source(%dma_start3A_51 : memref<10000x64xf32, #tpu.memory_space<vmem_shared>>) target(%arg12 : memref<128x64xf32, #tpu.memory_space<vmem>>) offsets(%dma_start3A_48 : memref<128xi32, #tpu.memory_space<vmem>>) semaphore(%arg17 : memref<!tpu.dma_semaphore, #tpu.memory_space<semaphore_mem>>)
      %dma_start3A_52 = arith.constant 3 : i32
      %dma_start3A_53 = arith.constant 0 : i32
      %dma_start3A_54 = tpu.memref_slice %arg8[%dma_start3A_52, %dma_start3A_53] : memref<20x128xi32, #tpu.memory_space<vmem>> -> memref<1x128xi32, #tpu.memory_space<vmem>>
      %dma_start3A_55 = tpu.memref_squeeze %dma_start3A_54 : memref<1x128xi32, #tpu.memory_space<vmem>> -> memref<128xi32, #tpu.memory_space<vmem>>
      %dma_start3A_56 = arith.constant 0 : i32
      %dma_start3A_57 = arith.constant 0 : i32
      %dma_start3A_58 = tpu.memref_slice %arg6[%dma_start3A_56, %dma_start3A_57] : memref<10000x64xf32, #tpu.memory_space<vmem_shared>> -> memref<10000x64xf32, #tpu.memory_space<vmem_shared>>
      tpu.enqueue_indirect_dma source(%dma_start3A_58 : memref<10000x64xf32, #tpu.memory_space<vmem_shared>>) target(%arg13 : memref<128x64xf32, #tpu.memory_space<vmem>>) offsets(%dma_start3A_55 : memref<128xi32, #tpu.memory_space<vmem>>) semaphore(%arg18 : memref<!tpu.dma_semaphore, #tpu.memory_space<semaphore_mem>>)
      %dma_start3A_59 = arith.constant 4 : i32
      %dma_start3A_60 = arith.constant 0 : i32
      %dma_start3A_61 = tpu.memref_slice %arg8[%dma_start3A_59, %dma_start3A_60] : memref<20x128xi32, #tpu.memory_space<vmem>> -> memref<1x128xi32, #tpu.memory_space<vmem>>
      %dma_start3A_62 = tpu.memref_squeeze %dma_start3A_61 : memref<1x128xi32, #tpu.memory_space<vmem>> -> memref<128xi32, #tpu.memory_space<vmem>>
      %dma_start3A_63 = arith.constant 0 : i32
      %dma_start3A_64 = arith.constant 0 : i32
      %dma_start3A_65 = tpu.memref_slice %arg6[%dma_start3A_63, %dma_start3A_64] : memref<10000x64xf32, #tpu.memory_space<vmem_shared>> -> memref<10000x64xf32, #tpu.memory_space<vmem_shared>>
      tpu.enqueue_indirect_dma source(%dma_start3A_65 : memref<10000x64xf32, #tpu.memory_space<vmem_shared>>) target(%arg14 : memref<128x64xf32, #tpu.memory_space<vmem>>) offsets(%dma_start3A_62 : memref<128xi32, #tpu.memory_space<vmem>>) semaphore(%arg19 : memref<!tpu.dma_semaphore, #tpu.memory_space<semaphore_mem>>)
      %scan3A_66 = arith.constant 0 : i32
      %scan3A_67 = arith.constant 4 : i32
      %scan3A_68 = arith.addi %scan3A_66, %scan3A_67 : i32
      %scan3A_69 = arith.constant 1 : i32
      scf.for %scan3A_71 = %scan3A_66 to %scan3A_68 step %scan3A_69  : i32 {
        %mul3A_72 = arith.constant 5 : i32
        %mul3A_73 = arith.muli %scan3A_71, %mul3A_72 : i32
        %add3A_74 = arith.constant 0 : i32
        %add3A_75 = arith.addi %add3A_74, %mul3A_73 : i32
        %dma_wait3A = arith.constant 0 : i32
        %dma_wait3A_76 = arith.constant 0 : i32
        %dma_wait3A_77 = tpu.memref_slice %arg8[%dma_wait3A, %dma_wait3A_76] : memref<20x128xi32, #tpu.memory_space<vmem>> -> memref<1x128xi32, #tpu.memory_space<vmem>>
        %dma_wait3A_78 = tpu.memref_squeeze %dma_wait3A_77 : memref<1x128xi32, #tpu.memory_space<vmem>> -> memref<128xi32, #tpu.memory_space<vmem>>
        %dma_wait3A_79 = arith.constant 0 : i32
        %dma_wait3A_80 = arith.constant 0 : i32
        %dma_wait3A_81 = tpu.memref_slice %arg6[%dma_wait3A_79, %dma_wait3A_80] : memref<10000x64xf32, #tpu.memory_space<vmem_shared>> -> memref<10000x64xf32, #tpu.memory_space<vmem_shared>>
        tpu.wait_indirect_dma semaphore(%arg15 : memref<!tpu.dma_semaphore, #tpu.memory_space<semaphore_mem>>) src(%dma_wait3A_81 : memref<10000x64xf32, #tpu.memory_space<vmem_shared>>) dst(%arg10 : memref<128x64xf32, #tpu.memory_space<vmem>>)
        %add3A_82 = arith.constant 0 : i32
        %add3A_83 = arith.addi %add3A_75, %add3A_82 : i32
        "tpu.region"() ({
          %run_scoped3A = tpu.sem_alloc : memref<!tpu.dma_semaphore, #tpu.memory_space<semaphore_mem>>
          %dma_start3A_162 = arith.constant 0 : i32
          %dma_start3A_163 = tpu.memref_slice %arg9[%add3A_83, %dma_start3A_162] : memref<20x128xi32, #tpu.memory_space<vmem>> -> memref<1x128xi32, #tpu.memory_space<vmem>>
          %dma_start3A_164 = tpu.memref_squeeze %dma_start3A_163 : memref<1x128xi32, #tpu.memory_space<vmem>> -> memref<128xi32, #tpu.memory_space<vmem>>
          %dma_start3A_165 = arith.constant 0 : i32
          %dma_start3A_166 = arith.constant 0 : i32
          %dma_start3A_167 = tpu.memref_slice %arg7[%dma_start3A_165, %dma_start3A_166] : memref<10240x64xf32, #tpu.memory_space<vmem_shared>> -> memref<10240x64xf32, #tpu.memory_space<vmem_shared>>
          tpu.enqueue_indirect_dma source(%arg10 : memref<128x64xf32, #tpu.memory_space<vmem>>) target(%dma_start3A_167 : memref<10240x64xf32, #tpu.memory_space<vmem_shared>>) offsets(%dma_start3A_164 : memref<128xi32, #tpu.memory_space<vmem>>) semaphore(%run_scoped3A : memref<!tpu.dma_semaphore, #tpu.memory_space<semaphore_mem>>) {add = true}
          %dma_wait3A_168 = arith.constant 0 : i32
          %dma_wait3A_169 = tpu.memref_slice %arg9[%add3A_83, %dma_wait3A_168] : memref<20x128xi32, #tpu.memory_space<vmem>> -> memref<1x128xi32, #tpu.memory_space<vmem>>
          %dma_wait3A_170 = tpu.memref_squeeze %dma_wait3A_169 : memref<1x128xi32, #tpu.memory_space<vmem>> -> memref<128xi32, #tpu.memory_space<vmem>>
          %dma_wait3A_171 = arith.constant 0 : i32
          %dma_wait3A_172 = arith.constant 0 : i32
          %dma_wait3A_173 = tpu.memref_slice %arg7[%dma_wait3A_171, %dma_wait3A_172] : memref<10240x64xf32, #tpu.memory_space<vmem_shared>> -> memref<10240x64xf32, #tpu.memory_space<vmem_shared>>
          tpu.wait_indirect_dma semaphore(%run_scoped3A : memref<!tpu.dma_semaphore, #tpu.memory_space<semaphore_mem>>) src(%arg10 : memref<128x64xf32, #tpu.memory_space<vmem>>) dst(%dma_wait3A_173 : memref<10240x64xf32, #tpu.memory_space<vmem_shared>>)
          tpu.yield
        }) : () -> ()
        %add3A_84 = arith.constant 0 : i32
        %add3A_85 = arith.addi %add3A_75, %add3A_84 : i32
        %add3A_86 = arith.constant 5 : i32
        %add3A_87 = arith.addi %add3A_85, %add3A_86 : i32
        %lt3A = arith.constant 20 : i32
        %lt3A_88 = arith.cmpi slt, %add3A_87, %lt3A : i32
        %convert_element_type3A = arith.extui %lt3A_88 : i1 to i32
        %cond3A = arith.constant 0 : i32
        %cond3A_89 = arith.cmpi ne, %convert_element_type3A, %cond3A : i32
        scf.if %cond3A_89 {
          %add3A_162 = arith.constant 0 : i32
          %add3A_163 = arith.addi %add3A_75, %add3A_162 : i32
          %add3A_164 = arith.constant 5 : i32
          %add3A_165 = arith.addi %add3A_163, %add3A_164 : i32
          %dma_start3A_166 = arith.constant 0 : i32
          %dma_start3A_167 = tpu.memref_slice %arg8[%add3A_165, %dma_start3A_166] : memref<20x128xi32, #tpu.memory_space<vmem>> -> memref<1x128xi32, #tpu.memory_space<vmem>>
          %dma_start3A_168 = tpu.memref_squeeze %dma_start3A_167 : memref<1x128xi32, #tpu.memory_space<vmem>> -> memref<128xi32, #tpu.memory_space<vmem>>
          %dma_start3A_169 = arith.constant 0 : i32
          %dma_start3A_170 = arith.constant 0 : i32
          %dma_start3A_171 = tpu.memref_slice %arg6[%dma_start3A_169, %dma_start3A_170] : memref<10000x64xf32, #tpu.memory_space<vmem_shared>> -> memref<10000x64xf32, #tpu.memory_space<vmem_shared>>
          tpu.enqueue_indirect_dma source(%dma_start3A_171 : memref<10000x64xf32, #tpu.memory_space<vmem_shared>>) target(%arg10 : memref<128x64xf32, #tpu.memory_space<vmem>>) offsets(%dma_start3A_168 : memref<128xi32, #tpu.memory_space<vmem>>) semaphore(%arg15 : memref<!tpu.dma_semaphore, #tpu.memory_space<semaphore_mem>>)
        } else {
        }
        %dma_wait3A_90 = arith.constant 1 : i32
        %dma_wait3A_91 = arith.constant 0 : i32
        %dma_wait3A_92 = tpu.memref_slice %arg8[%dma_wait3A_90, %dma_wait3A_91] : memref<20x128xi32, #tpu.memory_space<vmem>> -> memref<1x128xi32, #tpu.memory_space<vmem>>
        %dma_wait3A_93 = tpu.memref_squeeze %dma_wait3A_92 : memref<1x128xi32, #tpu.memory_space<vmem>> -> memref<128xi32, #tpu.memory_space<vmem>>
        %dma_wait3A_94 = arith.constant 0 : i32
        %dma_wait3A_95 = arith.constant 0 : i32
        %dma_wait3A_96 = tpu.memref_slice %arg6[%dma_wait3A_94, %dma_wait3A_95] : memref<10000x64xf32, #tpu.memory_space<vmem_shared>> -> memref<10000x64xf32, #tpu.memory_space<vmem_shared>>
        tpu.wait_indirect_dma semaphore(%arg16 : memref<!tpu.dma_semaphore, #tpu.memory_space<semaphore_mem>>) src(%dma_wait3A_96 : memref<10000x64xf32, #tpu.memory_space<vmem_shared>>) dst(%arg11 : memref<128x64xf32, #tpu.memory_space<vmem>>)
        %add3A_97 = arith.constant 1 : i32
        %add3A_98 = arith.addi %add3A_75, %add3A_97 : i32
        "tpu.region"() ({
          %run_scoped3A = tpu.sem_alloc : memref<!tpu.dma_semaphore, #tpu.memory_space<semaphore_mem>>
          %dma_start3A_162 = arith.constant 0 : i32
          %dma_start3A_163 = tpu.memref_slice %arg9[%add3A_98, %dma_start3A_162] : memref<20x128xi32, #tpu.memory_space<vmem>> -> memref<1x128xi32, #tpu.memory_space<vmem>>
          %dma_start3A_164 = tpu.memref_squeeze %dma_start3A_163 : memref<1x128xi32, #tpu.memory_space<vmem>> -> memref<128xi32, #tpu.memory_space<vmem>>
          %dma_start3A_165 = arith.constant 0 : i32
          %dma_start3A_166 = arith.constant 0 : i32
          %dma_start3A_167 = tpu.memref_slice %arg7[%dma_start3A_165, %dma_start3A_166] : memref<10240x64xf32, #tpu.memory_space<vmem_shared>> -> memref<10240x64xf32, #tpu.memory_space<vmem_shared>>
          tpu.enqueue_indirect_dma source(%arg11 : memref<128x64xf32, #tpu.memory_space<vmem>>) target(%dma_start3A_167 : memref<10240x64xf32, #tpu.memory_space<vmem_shared>>) offsets(%dma_start3A_164 : memref<128xi32, #tpu.memory_space<vmem>>) semaphore(%run_scoped3A : memref<!tpu.dma_semaphore, #tpu.memory_space<semaphore_mem>>) {add = true}
          %dma_wait3A_168 = arith.constant 0 : i32
          %dma_wait3A_169 = tpu.memref_slice %arg9[%add3A_98, %dma_wait3A_168] : memref<20x128xi32, #tpu.memory_space<vmem>> -> memref<1x128xi32, #tpu.memory_space<vmem>>
          %dma_wait3A_170 = tpu.memref_squeeze %dma_wait3A_169 : memref<1x128xi32, #tpu.memory_space<vmem>> -> memref<128xi32, #tpu.memory_space<vmem>>
          %dma_wait3A_171 = arith.constant 0 : i32
          %dma_wait3A_172 = arith.constant 0 : i32
          %dma_wait3A_173 = tpu.memref_slice %arg7[%dma_wait3A_171, %dma_wait3A_172] : memref<10240x64xf32, #tpu.memory_space<vmem_shared>> -> memref<10240x64xf32, #tpu.memory_space<vmem_shared>>
          tpu.wait_indirect_dma semaphore(%run_scoped3A : memref<!tpu.dma_semaphore, #tpu.memory_space<semaphore_mem>>) src(%arg11 : memref<128x64xf32, #tpu.memory_space<vmem>>) dst(%dma_wait3A_173 : memref<10240x64xf32, #tpu.memory_space<vmem_shared>>)
          tpu.yield
        }) : () -> ()
        %add3A_99 = arith.constant 1 : i32
        %add3A_100 = arith.addi %add3A_75, %add3A_99 : i32
        %add3A_101 = arith.constant 5 : i32
        %add3A_102 = arith.addi %add3A_100, %add3A_101 : i32
        %lt3A_103 = arith.constant 20 : i32
        %lt3A_104 = arith.cmpi slt, %add3A_102, %lt3A_103 : i32
        %convert_element_type3A_105 = arith.extui %lt3A_104 : i1 to i32
        %cond3A_106 = arith.constant 0 : i32
        %cond3A_107 = arith.cmpi ne, %convert_element_type3A_105, %cond3A_106 : i32
        scf.if %cond3A_107 {
          %add3A_162 = arith.constant 1 : i32
          %add3A_163 = arith.addi %add3A_75, %add3A_162 : i32
          %add3A_164 = arith.constant 5 : i32
          %add3A_165 = arith.addi %add3A_163, %add3A_164 : i32
          %dma_start3A_166 = arith.constant 0 : i32
          %dma_start3A_167 = tpu.memref_slice %arg8[%add3A_165, %dma_start3A_166] : memref<20x128xi32, #tpu.memory_space<vmem>> -> memref<1x128xi32, #tpu.memory_space<vmem>>
          %dma_start3A_168 = tpu.memref_squeeze %dma_start3A_167 : memref<1x128xi32, #tpu.memory_space<vmem>> -> memref<128xi32, #tpu.memory_space<vmem>>
          %dma_start3A_169 = arith.constant 0 : i32
          %dma_start3A_170 = arith.constant 0 : i32
          %dma_start3A_171 = tpu.memref_slice %arg6[%dma_start3A_169, %dma_start3A_170] : memref<10000x64xf32, #tpu.memory_space<vmem_shared>> -> memref<10000x64xf32, #tpu.memory_space<vmem_shared>>
          tpu.enqueue_indirect_dma source(%dma_start3A_171 : memref<10000x64xf32, #tpu.memory_space<vmem_shared>>) target(%arg11 : memref<128x64xf32, #tpu.memory_space<vmem>>) offsets(%dma_start3A_168 : memref<128xi32, #tpu.memory_space<vmem>>) semaphore(%arg16 : memref<!tpu.dma_semaphore, #tpu.memory_space<semaphore_mem>>)
        } else {
        }
        %dma_wait3A_108 = arith.constant 2 : i32
        %dma_wait3A_109 = arith.constant 0 : i32
        %dma_wait3A_110 = tpu.memref_slice %arg8[%dma_wait3A_108, %dma_wait3A_109] : memref<20x128xi32, #tpu.memory_space<vmem>> -> memref<1x128xi32, #tpu.memory_space<vmem>>
        %dma_wait3A_111 = tpu.memref_squeeze %dma_wait3A_110 : memref<1x128xi32, #tpu.memory_space<vmem>> -> memref<128xi32, #tpu.memory_space<vmem>>
        %dma_wait3A_112 = arith.constant 0 : i32
        %dma_wait3A_113 = arith.constant 0 : i32
        %dma_wait3A_114 = tpu.memref_slice %arg6[%dma_wait3A_112, %dma_wait3A_113] : memref<10000x64xf32, #tpu.memory_space<vmem_shared>> -> memref<10000x64xf32, #tpu.memory_space<vmem_shared>>
        tpu.wait_indirect_dma semaphore(%arg17 : memref<!tpu.dma_semaphore, #tpu.memory_space<semaphore_mem>>) src(%dma_wait3A_114 : memref<10000x64xf32, #tpu.memory_space<vmem_shared>>) dst(%arg12 : memref<128x64xf32, #tpu.memory_space<vmem>>)
        %add3A_115 = arith.constant 2 : i32
        %add3A_116 = arith.addi %add3A_75, %add3A_115 : i32
        "tpu.region"() ({
          %run_scoped3A = tpu.sem_alloc : memref<!tpu.dma_semaphore, #tpu.memory_space<semaphore_mem>>
          %dma_start3A_162 = arith.constant 0 : i32
          %dma_start3A_163 = tpu.memref_slice %arg9[%add3A_116, %dma_start3A_162] : memref<20x128xi32, #tpu.memory_space<vmem>> -> memref<1x128xi32, #tpu.memory_space<vmem>>
          %dma_start3A_164 = tpu.memref_squeeze %dma_start3A_163 : memref<1x128xi32, #tpu.memory_space<vmem>> -> memref<128xi32, #tpu.memory_space<vmem>>
          %dma_start3A_165 = arith.constant 0 : i32
          %dma_start3A_166 = arith.constant 0 : i32
          %dma_start3A_167 = tpu.memref_slice %arg7[%dma_start3A_165, %dma_start3A_166] : memref<10240x64xf32, #tpu.memory_space<vmem_shared>> -> memref<10240x64xf32, #tpu.memory_space<vmem_shared>>
          tpu.enqueue_indirect_dma source(%arg12 : memref<128x64xf32, #tpu.memory_space<vmem>>) target(%dma_start3A_167 : memref<10240x64xf32, #tpu.memory_space<vmem_shared>>) offsets(%dma_start3A_164 : memref<128xi32, #tpu.memory_space<vmem>>) semaphore(%run_scoped3A : memref<!tpu.dma_semaphore, #tpu.memory_space<semaphore_mem>>) {add = true}
          %dma_wait3A_168 = arith.constant 0 : i32
          %dma_wait3A_169 = tpu.memref_slice %arg9[%add3A_116, %dma_wait3A_168] : memref<20x128xi32, #tpu.memory_space<vmem>> -> memref<1x128xi32, #tpu.memory_space<vmem>>
          %dma_wait3A_170 = tpu.memref_squeeze %dma_wait3A_169 : memref<1x128xi32, #tpu.memory_space<vmem>> -> memref<128xi32, #tpu.memory_space<vmem>>
          %dma_wait3A_171 = arith.constant 0 : i32
          %dma_wait3A_172 = arith.constant 0 : i32
          %dma_wait3A_173 = tpu.memref_slice %arg7[%dma_wait3A_171, %dma_wait3A_172] : memref<10240x64xf32, #tpu.memory_space<vmem_shared>> -> memref<10240x64xf32, #tpu.memory_space<vmem_shared>>
          tpu.wait_indirect_dma semaphore(%run_scoped3A : memref<!tpu.dma_semaphore, #tpu.memory_space<semaphore_mem>>) src(%arg12 : memref<128x64xf32, #tpu.memory_space<vmem>>) dst(%dma_wait3A_173 : memref<10240x64xf32, #tpu.memory_space<vmem_shared>>)
          tpu.yield
        }) : () -> ()
        %add3A_117 = arith.constant 2 : i32
        %add3A_118 = arith.addi %add3A_75, %add3A_117 : i32
        %add3A_119 = arith.constant 5 : i32
        %add3A_120 = arith.addi %add3A_118, %add3A_119 : i32
        %lt3A_121 = arith.constant 20 : i32
        %lt3A_122 = arith.cmpi slt, %add3A_120, %lt3A_121 : i32
        %convert_element_type3A_123 = arith.extui %lt3A_122 : i1 to i32
        %cond3A_124 = arith.constant 0 : i32
        %cond3A_125 = arith.cmpi ne, %convert_element_type3A_123, %cond3A_124 : i32
        scf.if %cond3A_125 {
          %add3A_162 = arith.constant 2 : i32
          %add3A_163 = arith.addi %add3A_75, %add3A_162 : i32
          %add3A_164 = arith.constant 5 : i32
          %add3A_165 = arith.addi %add3A_163, %add3A_164 : i32
          %dma_start3A_166 = arith.constant 0 : i32
          %dma_start3A_167 = tpu.memref_slice %arg8[%add3A_165, %dma_start3A_166] : memref<20x128xi32, #tpu.memory_space<vmem>> -> memref<1x128xi32, #tpu.memory_space<vmem>>
          %dma_start3A_168 = tpu.memref_squeeze %dma_start3A_167 : memref<1x128xi32, #tpu.memory_space<vmem>> -> memref<128xi32, #tpu.memory_space<vmem>>
          %dma_start3A_169 = arith.constant 0 : i32
          %dma_start3A_170 = arith.constant 0 : i32
          %dma_start3A_171 = tpu.memref_slice %arg6[%dma_start3A_169, %dma_start3A_170] : memref<10000x64xf32, #tpu.memory_space<vmem_shared>> -> memref<10000x64xf32, #tpu.memory_space<vmem_shared>>
          tpu.enqueue_indirect_dma source(%dma_start3A_171 : memref<10000x64xf32, #tpu.memory_space<vmem_shared>>) target(%arg12 : memref<128x64xf32, #tpu.memory_space<vmem>>) offsets(%dma_start3A_168 : memref<128xi32, #tpu.memory_space<vmem>>) semaphore(%arg17 : memref<!tpu.dma_semaphore, #tpu.memory_space<semaphore_mem>>)
        } else {
        }
        %dma_wait3A_126 = arith.constant 3 : i32
        %dma_wait3A_127 = arith.constant 0 : i32
        %dma_wait3A_128 = tpu.memref_slice %arg8[%dma_wait3A_126, %dma_wait3A_127] : memref<20x128xi32, #tpu.memory_space<vmem>> -> memref<1x128xi32, #tpu.memory_space<vmem>>
        %dma_wait3A_129 = tpu.memref_squeeze %dma_wait3A_128 : memref<1x128xi32, #tpu.memory_space<vmem>> -> memref<128xi32, #tpu.memory_space<vmem>>
        %dma_wait3A_130 = arith.constant 0 : i32
        %dma_wait3A_131 = arith.constant 0 : i32
        %dma_wait3A_132 = tpu.memref_slice %arg6[%dma_wait3A_130, %dma_wait3A_131] : memref<10000x64xf32, #tpu.memory_space<vmem_shared>> -> memref<10000x64xf32, #tpu.memory_space<vmem_shared>>
        tpu.wait_indirect_dma semaphore(%arg18 : memref<!tpu.dma_semaphore, #tpu.memory_space<semaphore_mem>>) src(%dma_wait3A_132 : memref<10000x64xf32, #tpu.memory_space<vmem_shared>>) dst(%arg13 : memref<128x64xf32, #tpu.memory_space<vmem>>)
        %add3A_133 = arith.constant 3 : i32
        %add3A_134 = arith.addi %add3A_75, %add3A_133 : i32
        "tpu.region"() ({
          %run_scoped3A = tpu.sem_alloc : memref<!tpu.dma_semaphore, #tpu.memory_space<semaphore_mem>>
          %dma_start3A_162 = arith.constant 0 : i32
          %dma_start3A_163 = tpu.memref_slice %arg9[%add3A_134, %dma_start3A_162] : memref<20x128xi32, #tpu.memory_space<vmem>> -> memref<1x128xi32, #tpu.memory_space<vmem>>
          %dma_start3A_164 = tpu.memref_squeeze %dma_start3A_163 : memref<1x128xi32, #tpu.memory_space<vmem>> -> memref<128xi32, #tpu.memory_space<vmem>>
          %dma_start3A_165 = arith.constant 0 : i32
          %dma_start3A_166 = arith.constant 0 : i32
          %dma_start3A_167 = tpu.memref_slice %arg7[%dma_start3A_165, %dma_start3A_166] : memref<10240x64xf32, #tpu.memory_space<vmem_shared>> -> memref<10240x64xf32, #tpu.memory_space<vmem_shared>>
          tpu.enqueue_indirect_dma source(%arg13 : memref<128x64xf32, #tpu.memory_space<vmem>>) target(%dma_start3A_167 : memref<10240x64xf32, #tpu.memory_space<vmem_shared>>) offsets(%dma_start3A_164 : memref<128xi32, #tpu.memory_space<vmem>>) semaphore(%run_scoped3A : memref<!tpu.dma_semaphore, #tpu.memory_space<semaphore_mem>>) {add = true}
          %dma_wait3A_168 = arith.constant 0 : i32
          %dma_wait3A_169 = tpu.memref_slice %arg9[%add3A_134, %dma_wait3A_168] : memref<20x128xi32, #tpu.memory_space<vmem>> -> memref<1x128xi32, #tpu.memory_space<vmem>>
          %dma_wait3A_170 = tpu.memref_squeeze %dma_wait3A_169 : memref<1x128xi32, #tpu.memory_space<vmem>> -> memref<128xi32, #tpu.memory_space<vmem>>
          %dma_wait3A_171 = arith.constant 0 : i32
          %dma_wait3A_172 = arith.constant 0 : i32
          %dma_wait3A_173 = tpu.memref_slice %arg7[%dma_wait3A_171, %dma_wait3A_172] : memref<10240x64xf32, #tpu.memory_space<vmem_shared>> -> memref<10240x64xf32, #tpu.memory_space<vmem_shared>>
          tpu.wait_indirect_dma semaphore(%run_scoped3A : memref<!tpu.dma_semaphore, #tpu.memory_space<semaphore_mem>>) src(%arg13 : memref<128x64xf32, #tpu.memory_space<vmem>>) dst(%dma_wait3A_173 : memref<10240x64xf32, #tpu.memory_space<vmem_shared>>)
          tpu.yield
        }) : () -> ()
        %add3A_135 = arith.constant 3 : i32
        %add3A_136 = arith.addi %add3A_75, %add3A_135 : i32
        %add3A_137 = arith.constant 5 : i32
        %add3A_138 = arith.addi %add3A_136, %add3A_137 : i32
        %lt3A_139 = arith.constant 20 : i32
        %lt3A_140 = arith.cmpi slt, %add3A_138, %lt3A_139 : i32
        %convert_element_type3A_141 = arith.extui %lt3A_140 : i1 to i32
        %cond3A_142 = arith.constant 0 : i32
        %cond3A_143 = arith.cmpi ne, %convert_element_type3A_141, %cond3A_142 : i32
        scf.if %cond3A_143 {
          %add3A_162 = arith.constant 3 : i32
          %add3A_163 = arith.addi %add3A_75, %add3A_162 : i32
          %add3A_164 = arith.constant 5 : i32
          %add3A_165 = arith.addi %add3A_163, %add3A_164 : i32
          %dma_start3A_166 = arith.constant 0 : i32
          %dma_start3A_167 = tpu.memref_slice %arg8[%add3A_165, %dma_start3A_166] : memref<20x128xi32, #tpu.memory_space<vmem>> -> memref<1x128xi32, #tpu.memory_space<vmem>>
          %dma_start3A_168 = tpu.memref_squeeze %dma_start3A_167 : memref<1x128xi32, #tpu.memory_space<vmem>> -> memref<128xi32, #tpu.memory_space<vmem>>
          %dma_start3A_169 = arith.constant 0 : i32
          %dma_start3A_170 = arith.constant 0 : i32
          %dma_start3A_171 = tpu.memref_slice %arg6[%dma_start3A_169, %dma_start3A_170] : memref<10000x64xf32, #tpu.memory_space<vmem_shared>> -> memref<10000x64xf32, #tpu.memory_space<vmem_shared>>
          tpu.enqueue_indirect_dma source(%dma_start3A_171 : memref<10000x64xf32, #tpu.memory_space<vmem_shared>>) target(%arg13 : memref<128x64xf32, #tpu.memory_space<vmem>>) offsets(%dma_start3A_168 : memref<128xi32, #tpu.memory_space<vmem>>) semaphore(%arg18 : memref<!tpu.dma_semaphore, #tpu.memory_space<semaphore_mem>>)
        } else {
        }
        %dma_wait3A_144 = arith.constant 4 : i32
        %dma_wait3A_145 = arith.constant 0 : i32
        %dma_wait3A_146 = tpu.memref_slice %arg8[%dma_wait3A_144, %dma_wait3A_145] : memref<20x128xi32, #tpu.memory_space<vmem>> -> memref<1x128xi32, #tpu.memory_space<vmem>>
        %dma_wait3A_147 = tpu.memref_squeeze %dma_wait3A_146 : memref<1x128xi32, #tpu.memory_space<vmem>> -> memref<128xi32, #tpu.memory_space<vmem>>
        %dma_wait3A_148 = arith.constant 0 : i32
        %dma_wait3A_149 = arith.constant 0 : i32
        %dma_wait3A_150 = tpu.memref_slice %arg6[%dma_wait3A_148, %dma_wait3A_149] : memref<10000x64xf32, #tpu.memory_space<vmem_shared>> -> memref<10000x64xf32, #tpu.memory_space<vmem_shared>>
        tpu.wait_indirect_dma semaphore(%arg19 : memref<!tpu.dma_semaphore, #tpu.memory_space<semaphore_mem>>) src(%dma_wait3A_150 : memref<10000x64xf32, #tpu.memory_space<vmem_shared>>) dst(%arg14 : memref<128x64xf32, #tpu.memory_space<vmem>>)
        %add3A_151 = arith.constant 4 : i32
        %add3A_152 = arith.addi %add3A_75, %add3A_151 : i32
        "tpu.region"() ({
          %run_scoped3A = tpu.sem_alloc : memref<!tpu.dma_semaphore, #tpu.memory_space<semaphore_mem>>
          %dma_start3A_162 = arith.constant 0 : i32
          %dma_start3A_163 = tpu.memref_slice %arg9[%add3A_152, %dma_start3A_162] : memref<20x128xi32, #tpu.memory_space<vmem>> -> memref<1x128xi32, #tpu.memory_space<vmem>>
          %dma_start3A_164 = tpu.memref_squeeze %dma_start3A_163 : memref<1x128xi32, #tpu.memory_space<vmem>> -> memref<128xi32, #tpu.memory_space<vmem>>
          %dma_start3A_165 = arith.constant 0 : i32
          %dma_start3A_166 = arith.constant 0 : i32
          %dma_start3A_167 = tpu.memref_slice %arg7[%dma_start3A_165, %dma_start3A_166] : memref<10240x64xf32, #tpu.memory_space<vmem_shared>> -> memref<10240x64xf32, #tpu.memory_space<vmem_shared>>
          tpu.enqueue_indirect_dma source(%arg14 : memref<128x64xf32, #tpu.memory_space<vmem>>) target(%dma_start3A_167 : memref<10240x64xf32, #tpu.memory_space<vmem_shared>>) offsets(%dma_start3A_164 : memref<128xi32, #tpu.memory_space<vmem>>) semaphore(%run_scoped3A : memref<!tpu.dma_semaphore, #tpu.memory_space<semaphore_mem>>) {add = true}
          %dma_wait3A_168 = arith.constant 0 : i32
          %dma_wait3A_169 = tpu.memref_slice %arg9[%add3A_152, %dma_wait3A_168] : memref<20x128xi32, #tpu.memory_space<vmem>> -> memref<1x128xi32, #tpu.memory_space<vmem>>
          %dma_wait3A_170 = tpu.memref_squeeze %dma_wait3A_169 : memref<1x128xi32, #tpu.memory_space<vmem>> -> memref<128xi32, #tpu.memory_space<vmem>>
          %dma_wait3A_171 = arith.constant 0 : i32
          %dma_wait3A_172 = arith.constant 0 : i32
          %dma_wait3A_173 = tpu.memref_slice %arg7[%dma_wait3A_171, %dma_wait3A_172] : memref<10240x64xf32, #tpu.memory_space<vmem_shared>> -> memref<10240x64xf32, #tpu.memory_space<vmem_shared>>
          tpu.wait_indirect_dma semaphore(%run_scoped3A : memref<!tpu.dma_semaphore, #tpu.memory_space<semaphore_mem>>) src(%arg14 : memref<128x64xf32, #tpu.memory_space<vmem>>) dst(%dma_wait3A_173 : memref<10240x64xf32, #tpu.memory_space<vmem_shared>>)
          tpu.yield
        }) : () -> ()
        %add3A_153 = arith.constant 4 : i32
        %add3A_154 = arith.addi %add3A_75, %add3A_153 : i32
        %add3A_155 = arith.constant 5 : i32
        %add3A_156 = arith.addi %add3A_154, %add3A_155 : i32
        %lt3A_157 = arith.constant 20 : i32
        %lt3A_158 = arith.cmpi slt, %add3A_156, %lt3A_157 : i32
        %convert_element_type3A_159 = arith.extui %lt3A_158 : i1 to i32
        %cond3A_160 = arith.constant 0 : i32
        %cond3A_161 = arith.cmpi ne, %convert_element_type3A_159, %cond3A_160 : i32
        scf.if %cond3A_161 {
          %add3A_162 = arith.constant 4 : i32
          %add3A_163 = arith.addi %add3A_75, %add3A_162 : i32
          %add3A_164 = arith.constant 5 : i32
          %add3A_165 = arith.addi %add3A_163, %add3A_164 : i32
          %dma_start3A_166 = arith.constant 0 : i32
          %dma_start3A_167 = tpu.memref_slice %arg8[%add3A_165, %dma_start3A_166] : memref<20x128xi32, #tpu.memory_space<vmem>> -> memref<1x128xi32, #tpu.memory_space<vmem>>
          %dma_start3A_168 = tpu.memref_squeeze %dma_start3A_167 : memref<1x128xi32, #tpu.memory_space<vmem>> -> memref<128xi32, #tpu.memory_space<vmem>>
          %dma_start3A_169 = arith.constant 0 : i32
          %dma_start3A_170 = arith.constant 0 : i32
          %dma_start3A_171 = tpu.memref_slice %arg6[%dma_start3A_169, %dma_start3A_170] : memref<10000x64xf32, #tpu.memory_space<vmem_shared>> -> memref<10000x64xf32, #tpu.memory_space<vmem_shared>>
          tpu.enqueue_indirect_dma source(%dma_start3A_171 : memref<10000x64xf32, #tpu.memory_space<vmem_shared>>) target(%arg14 : memref<128x64xf32, #tpu.memory_space<vmem>>) offsets(%dma_start3A_168 : memref<128xi32, #tpu.memory_space<vmem>>) semaphore(%arg19 : memref<!tpu.dma_semaphore, #tpu.memory_space<semaphore_mem>>)
        } else {
        }
      }
      %scan3A_70 = arith.constant 4 : i32
    }
    %scan3A_20 = arith.constant 8 : i32
    %barrier3A_21 = arith.constant 0 : index
    tpu.barrier barrier_id(%barrier3A_21)
    "tpu.region"() ({
      %run_scoped3A = tpu.sem_alloc : memref<!tpu.dma_semaphore, #tpu.memory_space<semaphore_mem>>
      %dma_start3A = arith.constant 0 : i32
      %dma_start3A_22 = tpu.memref_slice %arg5[%arg0, %mul3A_0, %dma_start3A] : memref<2x10240x64xf32, #tpu.memory_space<hbm>> -> memref<1x640x64xf32, #tpu.memory_space<hbm>>
      %dma_start3A_23 = tpu.memref_squeeze %dma_start3A_22 : memref<1x640x64xf32, #tpu.memory_space<hbm>> -> memref<640x64xf32, #tpu.memory_space<hbm>>
      %dma_start3A_24 = arith.constant 0 : i32
      %dma_start3A_25 = tpu.memref_slice %arg7[%mul3A_0, %dma_start3A_24] : memref<10240x64xf32, #tpu.memory_space<vmem_shared>> -> memref<640x64xf32, #tpu.memory_space<vmem_shared>>
      tpu.enqueue_dma source(%dma_start3A_25 : memref<640x64xf32, #tpu.memory_space<vmem_shared>>) target(%dma_start3A_23 : memref<640x64xf32, #tpu.memory_space<hbm>>) target_semaphore(%run_scoped3A : memref<!tpu.dma_semaphore, #tpu.memory_space<semaphore_mem>>)
      %dma_wait3A = arith.constant 0 : i32
      %dma_wait3A_26 = tpu.memref_slice %arg5[%arg0, %mul3A_0, %dma_wait3A] : memref<2x10240x64xf32, #tpu.memory_space<hbm>> -> memref<1x640x64xf32, #tpu.memory_space<hbm>>
      %dma_wait3A_27 = tpu.memref_squeeze %dma_wait3A_26 : memref<1x640x64xf32, #tpu.memory_space<hbm>> -> memref<640x64xf32, #tpu.memory_space<hbm>>
      %dma_wait3A_28 = arith.constant 0 : i32
      %dma_wait3A_29 = tpu.memref_slice %arg7[%mul3A_0, %dma_wait3A_28] : memref<10240x64xf32, #tpu.memory_space<vmem_shared>> -> memref<640x64xf32, #tpu.memory_space<vmem_shared>>
      tpu.wait_dma2 semaphore(%run_scoped3A : memref<!tpu.dma_semaphore, #tpu.memory_space<semaphore_mem>>) src(%dma_wait3A_29 : memref<640x64xf32, #tpu.memory_space<vmem_shared>>) dst(%dma_wait3A_27 : memref<640x64xf32, #tpu.memory_space<hbm>>)
      tpu.yield
    }) : () -> ()
    return
  }
}

#map = affine_map<(d0, d1) -> (0, 0, 0)>
#map1 = affine_map<(d0, d1) -> (0, 0)>
module attributes {stable_mosaic.version = 14 : i64} {
  func.func @seg_kernel(%arg0: i32, %arg1: i32, %arg2: memref<2x10000x64xf32, #tpu.memory_space<hbm>>, %arg3: memref<2560x128xi32, #tpu.memory_space<hbm>>, %arg4: memref<2560x128xi32, #tpu.memory_space<hbm>>, %arg5: memref<2x10240x64xf32, #tpu.memory_space<hbm>>, %arg6: memref<10000x64xf32, #tpu.memory_space<vmem_shared>>, %arg7: memref<10240x64xf32, #tpu.memory_space<vmem_shared>>, %arg8: memref<20x128xi32, #tpu.memory_space<vmem>>, %arg9: memref<20x128xi32, #tpu.memory_space<vmem>>, %arg10: memref<128x64xf32, #tpu.memory_space<vmem>>, %arg11: memref<128x64xf32, #tpu.memory_space<vmem>>, %arg12: memref<128x64xf32, #tpu.memory_space<vmem>>, %arg13: memref<128x64xf32, #tpu.memory_space<vmem>>, %arg14: memref<128x64xf32, #tpu.memory_space<vmem>>, %arg15: memref<!tpu.dma_semaphore, #tpu.memory_space<semaphore_mem>>, %arg16: memref<!tpu.dma_semaphore, #tpu.memory_space<semaphore_mem>>, %arg17: memref<!tpu.dma_semaphore, #tpu.memory_space<semaphore_mem>>, %arg18: memref<!tpu.dma_semaphore, #tpu.memory_space<semaphore_mem>>, %arg19: memref<!tpu.dma_semaphore, #tpu.memory_space<semaphore_mem>>) attributes {dimension_semantics = [#tpu.dimension_semantics<core_parallel>, #tpu.dimension_semantics<subcore_parallel>], iteration_bounds = array<i64: 2, 16>, scalar_prefetch = 0 : i64, scratch_operands = 14 : i64, tpu.core_type = #tpu.core_type<sc_vector_subcore>, window_params = [{transform_indices = #map}, {transform_indices = #map1}, {transform_indices = #map1}, {transform_indices = #map}]} {
    %mul3A = arith.constant 640 : i32
    %mul3A_0 = arith.muli %arg1, %mul3A : i32
    %mul3A_1 = arith.constant 160 : i32
    %mul3A_2 = arith.muli %arg1, %mul3A_1 : i32
    %mul3A_3 = arith.constant 625 : i32
    %mul3A_4 = arith.muli %arg1, %mul3A_3 : i32
    %mul3A_5 = arith.constant 625 : i32
    %mul3A_6 = arith.muli %arg1, %mul3A_5 : i32
    "tpu.region"() ({
      %run_scoped3A = tpu.sem_alloc : memref<!tpu.dma_semaphore, #tpu.memory_space<semaphore_mem>>
      %dma_start3A = arith.constant 0 : i32
      %dma_start3A_22 = tpu.memref_slice %arg6[%mul3A_6, %dma_start3A] : memref<10000x64xf32, #tpu.memory_space<vmem_shared>> -> memref<625x64xf32, #tpu.memory_space<vmem_shared>>
      %dma_start3A_23 = arith.constant 0 : i32
      %dma_start3A_24 = tpu.memref_slice %arg2[%arg0, %mul3A_4, %dma_start3A_23] : memref<2x10000x64xf32, #tpu.memory_space<hbm>> -> memref<1x625x64xf32, #tpu.memory_space<hbm>>
      %dma_start3A_25 = tpu.memref_squeeze %dma_start3A_24 : memref<1x625x64xf32, #tpu.memory_space<hbm>> -> memref<625x64xf32, #tpu.memory_space<hbm>>
      tpu.enqueue_dma source(%dma_start3A_25 : memref<625x64xf32, #tpu.memory_space<hbm>>) target(%dma_start3A_22 : memref<625x64xf32, #tpu.memory_space<vmem_shared>>) target_semaphore(%run_scoped3A : memref<!tpu.dma_semaphore, #tpu.memory_space<semaphore_mem>>)
      %dma_wait3A = arith.constant 0 : i32
      %dma_wait3A_26 = tpu.memref_slice %arg6[%mul3A_6, %dma_wait3A] : memref<10000x64xf32, #tpu.memory_space<vmem_shared>> -> memref<625x64xf32, #tpu.memory_space<vmem_shared>>
      %dma_wait3A_27 = arith.constant 0 : i32
      %dma_wait3A_28 = tpu.memref_slice %arg2[%arg0, %mul3A_4, %dma_wait3A_27] : memref<2x10000x64xf32, #tpu.memory_space<hbm>> -> memref<1x625x64xf32, #tpu.memory_space<hbm>>
      %dma_wait3A_29 = tpu.memref_squeeze %dma_wait3A_28 : memref<1x625x64xf32, #tpu.memory_space<hbm>> -> memref<625x64xf32, #tpu.memory_space<hbm>>
      tpu.wait_dma2 semaphore(%run_scoped3A : memref<!tpu.dma_semaphore, #tpu.memory_space<semaphore_mem>>) src(%dma_wait3A_29 : memref<625x64xf32, #tpu.memory_space<hbm>>) dst(%dma_wait3A_26 : memref<625x64xf32, #tpu.memory_space<vmem_shared>>)
      tpu.yield
    }) : () -> ()
    %scan3A = arith.constant 0 : i32
    %scan3A_7 = arith.constant 128 : i32
    %scan3A_8 = arith.addi %scan3A, %scan3A_7 : i32
    %scan3A_9 = arith.constant 1 : i32
    scf.for %scan3A_22 = %scan3A to %scan3A_8 step %scan3A_9  : i32 {
      %mul3A_23 = arith.constant 1 : i32
      %mul3A_24 = arith.muli %scan3A_22, %mul3A_23 : i32
      %add3A = arith.constant 0 : i32
      %add3A_25 = arith.addi %add3A, %mul3A_24 : i32
      %scan3A_26 = arith.constant 0 : i32
      %scan3A_27 = arith.constant 4 : i32
      %scan3A_28 = arith.addi %scan3A_26, %scan3A_27 : i32
      %scan3A_29 = arith.constant 1 : i32
      scf.for %scan3A_31 = %scan3A_26 to %scan3A_28 step %scan3A_29  : i32 {
        %mul3A_32 = arith.constant 1 : i32
        %mul3A_33 = arith.muli %scan3A_31, %mul3A_32 : i32
        %add3A_34 = arith.constant 0 : i32
        %add3A_35 = arith.addi %add3A_34, %mul3A_33 : i32
        %broadcast_in_dim3A = arith.constant 0.000000e+00 : f32
        %broadcast_in_dim3A_36 = vector.broadcast %broadcast_in_dim3A : f32 to vector<16xf32>
        %mul3A_37 = arith.constant 16 : i32
        %mul3A_38 = arith.muli %add3A_35, %mul3A_37 : i32
        %swap3A = arith.index_cast %add3A_25 : i32 to index
        %swap3A_39 = arith.index_cast %mul3A_38 : i32 to index
        %swap3A_40 = tpu.vector_load %arg10[%swap3A, %swap3A_39] {strides = array<i32>} : memref<128x64xf32, #tpu.memory_space<vmem>>, vector<1x16xf32>,
        %swap3A_41 = vector.shape_cast %swap3A_40 : vector<1x16xf32> to vector<16xf32>
        %swap3A_42 = vector.shape_cast %broadcast_in_dim3A_36 : vector<16xf32> to vector<1x16xf32>
        tpu.vector_store %arg10[%swap3A, %swap3A_39], %swap3A_42 {strides = array<i32>} : memref<128x64xf32, #tpu.memory_space<vmem>>, vector<1x16xf32>,
      }
      %scan3A_30 = arith.constant 4 : i32
    }
    %scan3A_10 = arith.constant 128 : i32
    %scan3A_11 = arith.constant 0 : i32
    %scan3A_12 = arith.constant 5 : i32
    %scan3A_13 = arith.addi %scan3A_11, %scan3A_12 : i32
    %scan3A_14 = arith.constant 1 : i32
    scf.for %scan3A_22 = %scan3A_11 to %scan3A_13 step %scan3A_14  : i32 {
      %mul3A_23 = arith.constant 1 : i32
      %mul3A_24 = arith.muli %scan3A_22, %mul3A_23 : i32
      %add3A = arith.constant 0 : i32
      %add3A_25 = arith.addi %add3A, %mul3A_24 : i32
      %mul3A_26 = arith.constant 128 : i32
      %mul3A_27 = arith.muli %add3A_25, %mul3A_26 : i32
      %add3A_28 = arith.addi %mul3A_0, %mul3A_27 : i32
      "tpu.region"() ({
        %run_scoped3A = tpu.sem_alloc : memref<!tpu.dma_semaphore, #tpu.memory_space<semaphore_mem>>
        %dma_start3A = arith.constant 0 : i32
        %dma_start3A_29 = tpu.memref_slice %arg7[%add3A_28, %dma_start3A] : memref<10240x64xf32, #tpu.memory_space<vmem_shared>> -> memref<128x64xf32, #tpu.memory_space<vmem_shared>>
        %dma_start3A_30 = arith.constant 0 : i32
        %dma_start3A_31 = tpu.memref_slice %arg7[%add3A_28, %dma_start3A_30] : memref<10240x64xf32, #tpu.memory_space<vmem_shared>> -> memref<128x64xf32, #tpu.memory_space<vmem_shared>>
        tpu.enqueue_dma source(%arg10 : memref<128x64xf32, #tpu.memory_space<vmem>>) target(%dma_start3A_31 : memref<128x64xf32, #tpu.memory_space<vmem_shared>>) target_semaphore(%run_scoped3A : memref<!tpu.dma_semaphore, #tpu.memory_space<semaphore_mem>>)
        %dma_wait3A = arith.constant 0 : i32
        %dma_wait3A_32 = tpu.memref_slice %arg7[%add3A_28, %dma_wait3A] : memref<10240x64xf32, #tpu.memory_space<vmem_shared>> -> memref<128x64xf32, #tpu.memory_space<vmem_shared>>
        %dma_wait3A_33 = arith.constant 0 : i32
        %dma_wait3A_34 = tpu.memref_slice %arg7[%add3A_28, %dma_wait3A_33] : memref<10240x64xf32, #tpu.memory_space<vmem_shared>> -> memref<128x64xf32, #tpu.memory_space<vmem_shared>>
        tpu.wait_dma2 semaphore(%run_scoped3A : memref<!tpu.dma_semaphore, #tpu.memory_space<semaphore_mem>>) src(%arg10 : memref<128x64xf32, #tpu.memory_space<vmem>>) dst(%dma_wait3A_34 : memref<128x64xf32, #tpu.memory_space<vmem_shared>>)
        tpu.yield
      }) : () -> ()
    }
    %scan3A_15 = arith.constant 5 : i32
    %barrier3A = arith.constant 0 : index
    tpu.barrier barrier_id(%barrier3A)
    %scan3A_16 = arith.constant 0 : i32
    %scan3A_17 = arith.constant 8 : i32
    %scan3A_18 = arith.addi %scan3A_16, %scan3A_17 : i32
    %scan3A_19 = arith.constant 1 : i32
    scf.for %scan3A_22 = %scan3A_16 to %scan3A_18 step %scan3A_19  : i32 {
      %mul3A_23 = arith.constant 1 : i32
      %mul3A_24 = arith.muli %scan3A_22, %mul3A_23 : i32
      %add3A = arith.constant 0 : i32
      %add3A_25 = arith.addi %add3A, %mul3A_24 : i32
      %mul3A_26 = arith.constant 20 : i32
      %mul3A_27 = arith.muli %add3A_25, %mul3A_26 : i32
      %add3A_28 = arith.addi %mul3A_2, %mul3A_27 : i32
      "tpu.region"() ({
        %run_scoped3A = tpu.sem_alloc : memref<!tpu.dma_semaphore, #tpu.memory_space<semaphore_mem>>
        %dma_start3A_71 = arith.constant 0 : i32
        %dma_start3A_72 = tpu.memref_slice %arg3[%add3A_28, %dma_start3A_71] : memref<2560x128xi32, #tpu.memory_space<hbm>> -> memref<20x128xi32, #tpu.memory_space<hbm>>
        %dma_start3A_73 = arith.constant 0 : i32
        %dma_start3A_74 = tpu.memref_slice %arg3[%add3A_28, %dma_start3A_73] : memref<2560x128xi32, #tpu.memory_space<hbm>> -> memref<20x128xi32, #tpu.memory_space<hbm>>
        tpu.enqueue_dma source(%dma_start3A_74 : memref<20x128xi32, #tpu.memory_space<hbm>>) target(%arg8 : memref<20x128xi32, #tpu.memory_space<vmem>>) target_semaphore(%run_scoped3A : memref<!tpu.dma_semaphore, #tpu.memory_space<semaphore_mem>>)
        %dma_wait3A = arith.constant 0 : i32
        %dma_wait3A_75 = tpu.memref_slice %arg3[%add3A_28, %dma_wait3A] : memref<2560x128xi32, #tpu.memory_space<hbm>> -> memref<20x128xi32, #tpu.memory_space<hbm>>
        %dma_wait3A_76 = arith.constant 0 : i32
        %dma_wait3A_77 = tpu.memref_slice %arg3[%add3A_28, %dma_wait3A_76] : memref<2560x128xi32, #tpu.memory_space<hbm>> -> memref<20x128xi32, #tpu.memory_space<hbm>>
        tpu.wait_dma2 semaphore(%run_scoped3A : memref<!tpu.dma_semaphore, #tpu.memory_space<semaphore_mem>>) src(%dma_wait3A_77 : memref<20x128xi32, #tpu.memory_space<hbm>>) dst(%arg8 : memref<20x128xi32, #tpu.memory_space<vmem>>)
        tpu.yield
      }) : () -> ()
      %mul3A_29 = arith.constant 20 : i32
      %mul3A_30 = arith.muli %add3A_25, %mul3A_29 : i32
      %add3A_31 = arith.addi %mul3A_2, %mul3A_30 : i32
      "tpu.region"() ({
        %run_scoped3A = tpu.sem_alloc : memref<!tpu.dma_semaphore, #tpu.memory_space<semaphore_mem>>
        %dma_start3A_71 = arith.constant 0 : i32
        %dma_start3A_72 = tpu.memref_slice %arg4[%add3A_31, %dma_start3A_71] : memref<2560x128xi32, #tpu.memory_space<hbm>> -> memref<20x128xi32, #tpu.memory_space<hbm>>
        %dma_start3A_73 = arith.constant 0 : i32
        %dma_start3A_74 = tpu.memref_slice %arg4[%add3A_31, %dma_start3A_73] : memref<2560x128xi32, #tpu.memory_space<hbm>> -> memref<20x128xi32, #tpu.memory_space<hbm>>
        tpu.enqueue_dma source(%dma_start3A_74 : memref<20x128xi32, #tpu.memory_space<hbm>>) target(%arg9 : memref<20x128xi32, #tpu.memory_space<vmem>>) target_semaphore(%run_scoped3A : memref<!tpu.dma_semaphore, #tpu.memory_space<semaphore_mem>>)
        %dma_wait3A = arith.constant 0 : i32
        %dma_wait3A_75 = tpu.memref_slice %arg4[%add3A_31, %dma_wait3A] : memref<2560x128xi32, #tpu.memory_space<hbm>> -> memref<20x128xi32, #tpu.memory_space<hbm>>
        %dma_wait3A_76 = arith.constant 0 : i32
        %dma_wait3A_77 = tpu.memref_slice %arg4[%add3A_31, %dma_wait3A_76] : memref<2560x128xi32, #tpu.memory_space<hbm>> -> memref<20x128xi32, #tpu.memory_space<hbm>>
        tpu.wait_dma2 semaphore(%run_scoped3A : memref<!tpu.dma_semaphore, #tpu.memory_space<semaphore_mem>>) src(%dma_wait3A_77 : memref<20x128xi32, #tpu.memory_space<hbm>>) dst(%arg9 : memref<20x128xi32, #tpu.memory_space<vmem>>)
        tpu.yield
      }) : () -> ()
      %dma_start3A = arith.constant 0 : i32
      %dma_start3A_32 = arith.constant 0 : i32
      %dma_start3A_33 = tpu.memref_slice %arg8[%dma_start3A, %dma_start3A_32] : memref<20x128xi32, #tpu.memory_space<vmem>> -> memref<1x128xi32, #tpu.memory_space<vmem>>
      %dma_start3A_34 = tpu.memref_squeeze %dma_start3A_33 : memref<1x128xi32, #tpu.memory_space<vmem>> -> memref<128xi32, #tpu.memory_space<vmem>>
      %dma_start3A_35 = arith.constant 0 : i32
      %dma_start3A_36 = arith.constant 0 : i32
      %dma_start3A_37 = tpu.memref_slice %arg6[%dma_start3A_35, %dma_start3A_36] : memref<10000x64xf32, #tpu.memory_space<vmem_shared>> -> memref<10000x64xf32, #tpu.memory_space<vmem_shared>>
      tpu.enqueue_indirect_dma source(%dma_start3A_37 : memref<10000x64xf32, #tpu.memory_space<vmem_shared>>) target(%arg10 : memref<128x64xf32, #tpu.memory_space<vmem>>) offsets(%dma_start3A_34 : memref<128xi32, #tpu.memory_space<vmem>>) semaphore(%arg15 : memref<!tpu.dma_semaphore, #tpu.memory_space<semaphore_mem>>)
      %dma_start3A_38 = arith.constant 1 : i32
      %dma_start3A_39 = arith.constant 0 : i32
      %dma_start3A_40 = tpu.memref_slice %arg8[%dma_start3A_38, %dma_start3A_39] : memref<20x128xi32, #tpu.memory_space<vmem>> -> memref<1x128xi32, #tpu.memory_space<vmem>>
      %dma_start3A_41 = tpu.memref_squeeze %dma_start3A_40 : memref<1x128xi32, #tpu.memory_space<vmem>> -> memref<128xi32, #tpu.memory_space<vmem>>
      %dma_start3A_42 = arith.constant 0 : i32
      %dma_start3A_43 = arith.constant 0 : i32
      %dma_start3A_44 = tpu.memref_slice %arg6[%dma_start3A_42, %dma_start3A_43] : memref<10000x64xf32, #tpu.memory_space<vmem_shared>> -> memref<10000x64xf32, #tpu.memory_space<vmem_shared>>
      tpu.enqueue_indirect_dma source(%dma_start3A_44 : memref<10000x64xf32, #tpu.memory_space<vmem_shared>>) target(%arg11 : memref<128x64xf32, #tpu.memory_space<vmem>>) offsets(%dma_start3A_41 : memref<128xi32, #tpu.memory_space<vmem>>) semaphore(%arg16 : memref<!tpu.dma_semaphore, #tpu.memory_space<semaphore_mem>>)
      %dma_start3A_45 = arith.constant 2 : i32
      %dma_start3A_46 = arith.constant 0 : i32
      %dma_start3A_47 = tpu.memref_slice %arg8[%dma_start3A_45, %dma_start3A_46] : memref<20x128xi32, #tpu.memory_space<vmem>> -> memref<1x128xi32, #tpu.memory_space<vmem>>
      %dma_start3A_48 = tpu.memref_squeeze %dma_start3A_47 : memref<1x128xi32, #tpu.memory_space<vmem>> -> memref<128xi32, #tpu.memory_space<vmem>>
      %dma_start3A_49 = arith.constant 0 : i32
      %dma_start3A_50 = arith.constant 0 : i32
      %dma_start3A_51 = tpu.memref_slice %arg6[%dma_start3A_49, %dma_start3A_50] : memref<10000x64xf32, #tpu.memory_space<vmem_shared>> -> memref<10000x64xf32, #tpu.memory_space<vmem_shared>>
      tpu.enqueue_indirect_dma source(%dma_start3A_51 : memref<10000x64xf32, #tpu.memory_space<vmem_shared>>) target(%arg12 : memref<128x64xf32, #tpu.memory_space<vmem>>) offsets(%dma_start3A_48 : memref<128xi32, #tpu.memory_space<vmem>>) semaphore(%arg17 : memref<!tpu.dma_semaphore, #tpu.memory_space<semaphore_mem>>)
      %dma_start3A_52 = arith.constant 3 : i32
      %dma_start3A_53 = arith.constant 0 : i32
      %dma_start3A_54 = tpu.memref_slice %arg8[%dma_start3A_52, %dma_start3A_53] : memref<20x128xi32, #tpu.memory_space<vmem>> -> memref<1x128xi32, #tpu.memory_space<vmem>>
      %dma_start3A_55 = tpu.memref_squeeze %dma_start3A_54 : memref<1x128xi32, #tpu.memory_space<vmem>> -> memref<128xi32, #tpu.memory_space<vmem>>
      %dma_start3A_56 = arith.constant 0 : i32
      %dma_start3A_57 = arith.constant 0 : i32
      %dma_start3A_58 = tpu.memref_slice %arg6[%dma_start3A_56, %dma_start3A_57] : memref<10000x64xf32, #tpu.memory_space<vmem_shared>> -> memref<10000x64xf32, #tpu.memory_space<vmem_shared>>
      tpu.enqueue_indirect_dma source(%dma_start3A_58 : memref<10000x64xf32, #tpu.memory_space<vmem_shared>>) target(%arg13 : memref<128x64xf32, #tpu.memory_space<vmem>>) offsets(%dma_start3A_55 : memref<128xi32, #tpu.memory_space<vmem>>) semaphore(%arg18 : memref<!tpu.dma_semaphore, #tpu.memory_space<semaphore_mem>>)
      %dma_start3A_59 = arith.constant 4 : i32
      %dma_start3A_60 = arith.constant 0 : i32
      %dma_start3A_61 = tpu.memref_slice %arg8[%dma_start3A_59, %dma_start3A_60] : memref<20x128xi32, #tpu.memory_space<vmem>> -> memref<1x128xi32, #tpu.memory_space<vmem>>
      %dma_start3A_62 = tpu.memref_squeeze %dma_start3A_61 : memref<1x128xi32, #tpu.memory_space<vmem>> -> memref<128xi32, #tpu.memory_space<vmem>>
      %dma_start3A_63 = arith.constant 0 : i32
      %dma_start3A_64 = arith.constant 0 : i32
      %dma_start3A_65 = tpu.memref_slice %arg6[%dma_start3A_63, %dma_start3A_64] : memref<10000x64xf32, #tpu.memory_space<vmem_shared>> -> memref<10000x64xf32, #tpu.memory_space<vmem_shared>>
      tpu.enqueue_indirect_dma source(%dma_start3A_65 : memref<10000x64xf32, #tpu.memory_space<vmem_shared>>) target(%arg14 : memref<128x64xf32, #tpu.memory_space<vmem>>) offsets(%dma_start3A_62 : memref<128xi32, #tpu.memory_space<vmem>>) semaphore(%arg19 : memref<!tpu.dma_semaphore, #tpu.memory_space<semaphore_mem>>)
      %scan3A_66 = arith.constant 0 : i32
      %scan3A_67 = arith.constant 4 : i32
      %scan3A_68 = arith.addi %scan3A_66, %scan3A_67 : i32
      %scan3A_69 = arith.constant 1 : i32
      scf.for %scan3A_71 = %scan3A_66 to %scan3A_68 step %scan3A_69  : i32 {
        %mul3A_72 = arith.constant 5 : i32
        %mul3A_73 = arith.muli %scan3A_71, %mul3A_72 : i32
        %add3A_74 = arith.constant 0 : i32
        %add3A_75 = arith.addi %add3A_74, %mul3A_73 : i32
        %dma_wait3A = arith.constant 0 : i32
        %dma_wait3A_76 = arith.constant 0 : i32
        %dma_wait3A_77 = tpu.memref_slice %arg8[%dma_wait3A, %dma_wait3A_76] : memref<20x128xi32, #tpu.memory_space<vmem>> -> memref<1x128xi32, #tpu.memory_space<vmem>>
        %dma_wait3A_78 = tpu.memref_squeeze %dma_wait3A_77 : memref<1x128xi32, #tpu.memory_space<vmem>> -> memref<128xi32, #tpu.memory_space<vmem>>
        %dma_wait3A_79 = arith.constant 0 : i32
        %dma_wait3A_80 = arith.constant 0 : i32
        %dma_wait3A_81 = tpu.memref_slice %arg6[%dma_wait3A_79, %dma_wait3A_80] : memref<10000x64xf32, #tpu.memory_space<vmem_shared>> -> memref<10000x64xf32, #tpu.memory_space<vmem_shared>>
        tpu.wait_indirect_dma semaphore(%arg15 : memref<!tpu.dma_semaphore, #tpu.memory_space<semaphore_mem>>) src(%dma_wait3A_81 : memref<10000x64xf32, #tpu.memory_space<vmem_shared>>) dst(%arg10 : memref<128x64xf32, #tpu.memory_space<vmem>>)
        %add3A_82 = arith.constant 0 : i32
        %add3A_83 = arith.addi %add3A_75, %add3A_82 : i32
        "tpu.region"() ({
          %run_scoped3A = tpu.sem_alloc : memref<!tpu.dma_semaphore, #tpu.memory_space<semaphore_mem>>
          %dma_start3A_162 = arith.constant 0 : i32
          %dma_start3A_163 = tpu.memref_slice %arg9[%add3A_83, %dma_start3A_162] : memref<20x128xi32, #tpu.memory_space<vmem>> -> memref<1x128xi32, #tpu.memory_space<vmem>>
          %dma_start3A_164 = tpu.memref_squeeze %dma_start3A_163 : memref<1x128xi32, #tpu.memory_space<vmem>> -> memref<128xi32, #tpu.memory_space<vmem>>
          %dma_start3A_165 = arith.constant 0 : i32
          %dma_start3A_166 = arith.constant 0 : i32
          %dma_start3A_167 = tpu.memref_slice %arg7[%dma_start3A_165, %dma_start3A_166] : memref<10240x64xf32, #tpu.memory_space<vmem_shared>> -> memref<10240x64xf32, #tpu.memory_space<vmem_shared>>
          tpu.enqueue_indirect_dma source(%arg10 : memref<128x64xf32, #tpu.memory_space<vmem>>) target(%dma_start3A_167 : memref<10240x64xf32, #tpu.memory_space<vmem_shared>>) offsets(%dma_start3A_164 : memref<128xi32, #tpu.memory_space<vmem>>) semaphore(%run_scoped3A : memref<!tpu.dma_semaphore, #tpu.memory_space<semaphore_mem>>) {add = true}
          %dma_wait3A_168 = arith.constant 0 : i32
          %dma_wait3A_169 = tpu.memref_slice %arg9[%add3A_83, %dma_wait3A_168] : memref<20x128xi32, #tpu.memory_space<vmem>> -> memref<1x128xi32, #tpu.memory_space<vmem>>
          %dma_wait3A_170 = tpu.memref_squeeze %dma_wait3A_169 : memref<1x128xi32, #tpu.memory_space<vmem>> -> memref<128xi32, #tpu.memory_space<vmem>>
          %dma_wait3A_171 = arith.constant 0 : i32
          %dma_wait3A_172 = arith.constant 0 : i32
          %dma_wait3A_173 = tpu.memref_slice %arg7[%dma_wait3A_171, %dma_wait3A_172] : memref<10240x64xf32, #tpu.memory_space<vmem_shared>> -> memref<10240x64xf32, #tpu.memory_space<vmem_shared>>
          tpu.wait_indirect_dma semaphore(%run_scoped3A : memref<!tpu.dma_semaphore, #tpu.memory_space<semaphore_mem>>) src(%arg10 : memref<128x64xf32, #tpu.memory_space<vmem>>) dst(%dma_wait3A_173 : memref<10240x64xf32, #tpu.memory_space<vmem_shared>>)
          tpu.yield
        }) : () -> ()
        %add3A_84 = arith.constant 0 : i32
        %add3A_85 = arith.addi %add3A_75, %add3A_84 : i32
        %add3A_86 = arith.constant 5 : i32
        %add3A_87 = arith.addi %add3A_85, %add3A_86 : i32
        %lt3A = arith.constant 20 : i32
        %lt3A_88 = arith.cmpi slt, %add3A_87, %lt3A : i32
        %convert_element_type3A = arith.extui %lt3A_88 : i1 to i32
        %cond3A = arith.constant 0 : i32
        %cond3A_89 = arith.cmpi ne, %convert_element_type3A, %cond3A : i32
        scf.if %cond3A_89 {
          %add3A_162 = arith.constant 0 : i32
          %add3A_163 = arith.addi %add3A_75, %add3A_162 : i32
          %add3A_164 = arith.constant 5 : i32
          %add3A_165 = arith.addi %add3A_163, %add3A_164 : i32
          %dma_start3A_166 = arith.constant 0 : i32
          %dma_start3A_167 = tpu.memref_slice %arg8[%add3A_165, %dma_start3A_166] : memref<20x128xi32, #tpu.memory_space<vmem>> -> memref<1x128xi32, #tpu.memory_space<vmem>>
          %dma_start3A_168 = tpu.memref_squeeze %dma_start3A_167 : memref<1x128xi32, #tpu.memory_space<vmem>> -> memref<128xi32, #tpu.memory_space<vmem>>
          %dma_start3A_169 = arith.constant 0 : i32
          %dma_start3A_170 = arith.constant 0 : i32
          %dma_start3A_171 = tpu.memref_slice %arg6[%dma_start3A_169, %dma_start3A_170] : memref<10000x64xf32, #tpu.memory_space<vmem_shared>> -> memref<10000x64xf32, #tpu.memory_space<vmem_shared>>
          tpu.enqueue_indirect_dma source(%dma_start3A_171 : memref<10000x64xf32, #tpu.memory_space<vmem_shared>>) target(%arg10 : memref<128x64xf32, #tpu.memory_space<vmem>>) offsets(%dma_start3A_168 : memref<128xi32, #tpu.memory_space<vmem>>) semaphore(%arg15 : memref<!tpu.dma_semaphore, #tpu.memory_space<semaphore_mem>>)
        } else {
        }
        %dma_wait3A_90 = arith.constant 1 : i32
        %dma_wait3A_91 = arith.constant 0 : i32
        %dma_wait3A_92 = tpu.memref_slice %arg8[%dma_wait3A_90, %dma_wait3A_91] : memref<20x128xi32, #tpu.memory_space<vmem>> -> memref<1x128xi32, #tpu.memory_space<vmem>>
        %dma_wait3A_93 = tpu.memref_squeeze %dma_wait3A_92 : memref<1x128xi32, #tpu.memory_space<vmem>> -> memref<128xi32, #tpu.memory_space<vmem>>
        %dma_wait3A_94 = arith.constant 0 : i32
        %dma_wait3A_95 = arith.constant 0 : i32
        %dma_wait3A_96 = tpu.memref_slice %arg6[%dma_wait3A_94, %dma_wait3A_95] : memref<10000x64xf32, #tpu.memory_space<vmem_shared>> -> memref<10000x64xf32, #tpu.memory_space<vmem_shared>>
        tpu.wait_indirect_dma semaphore(%arg16 : memref<!tpu.dma_semaphore, #tpu.memory_space<semaphore_mem>>) src(%dma_wait3A_96 : memref<10000x64xf32, #tpu.memory_space<vmem_shared>>) dst(%arg11 : memref<128x64xf32, #tpu.memory_space<vmem>>)
        %add3A_97 = arith.constant 1 : i32
        %add3A_98 = arith.addi %add3A_75, %add3A_97 : i32
        "tpu.region"() ({
          %run_scoped3A = tpu.sem_alloc : memref<!tpu.dma_semaphore, #tpu.memory_space<semaphore_mem>>
          %dma_start3A_162 = arith.constant 0 : i32
          %dma_start3A_163 = tpu.memref_slice %arg9[%add3A_98, %dma_start3A_162] : memref<20x128xi32, #tpu.memory_space<vmem>> -> memref<1x128xi32, #tpu.memory_space<vmem>>
          %dma_start3A_164 = tpu.memref_squeeze %dma_start3A_163 : memref<1x128xi32, #tpu.memory_space<vmem>> -> memref<128xi32, #tpu.memory_space<vmem>>
          %dma_start3A_165 = arith.constant 0 : i32
          %dma_start3A_166 = arith.constant 0 : i32
          %dma_start3A_167 = tpu.memref_slice %arg7[%dma_start3A_165, %dma_start3A_166] : memref<10240x64xf32, #tpu.memory_space<vmem_shared>> -> memref<10240x64xf32, #tpu.memory_space<vmem_shared>>
          tpu.enqueue_indirect_dma source(%arg11 : memref<128x64xf32, #tpu.memory_space<vmem>>) target(%dma_start3A_167 : memref<10240x64xf32, #tpu.memory_space<vmem_shared>>) offsets(%dma_start3A_164 : memref<128xi32, #tpu.memory_space<vmem>>) semaphore(%run_scoped3A : memref<!tpu.dma_semaphore, #tpu.memory_space<semaphore_mem>>) {add = true}
          %dma_wait3A_168 = arith.constant 0 : i32
          %dma_wait3A_169 = tpu.memref_slice %arg9[%add3A_98, %dma_wait3A_168] : memref<20x128xi32, #tpu.memory_space<vmem>> -> memref<1x128xi32, #tpu.memory_space<vmem>>
          %dma_wait3A_170 = tpu.memref_squeeze %dma_wait3A_169 : memref<1x128xi32, #tpu.memory_space<vmem>> -> memref<128xi32, #tpu.memory_space<vmem>>
          %dma_wait3A_171 = arith.constant 0 : i32
          %dma_wait3A_172 = arith.constant 0 : i32
          %dma_wait3A_173 = tpu.memref_slice %arg7[%dma_wait3A_171, %dma_wait3A_172] : memref<10240x64xf32, #tpu.memory_space<vmem_shared>> -> memref<10240x64xf32, #tpu.memory_space<vmem_shared>>
          tpu.wait_indirect_dma semaphore(%run_scoped3A : memref<!tpu.dma_semaphore, #tpu.memory_space<semaphore_mem>>) src(%arg11 : memref<128x64xf32, #tpu.memory_space<vmem>>) dst(%dma_wait3A_173 : memref<10240x64xf32, #tpu.memory_space<vmem_shared>>)
          tpu.yield
        }) : () -> ()
        %add3A_99 = arith.constant 1 : i32
        %add3A_100 = arith.addi %add3A_75, %add3A_99 : i32
        %add3A_101 = arith.constant 5 : i32
        %add3A_102 = arith.addi %add3A_100, %add3A_101 : i32
        %lt3A_103 = arith.constant 20 : i32
        %lt3A_104 = arith.cmpi slt, %add3A_102, %lt3A_103 : i32
        %convert_element_type3A_105 = arith.extui %lt3A_104 : i1 to i32
        %cond3A_106 = arith.constant 0 : i32
        %cond3A_107 = arith.cmpi ne, %convert_element_type3A_105, %cond3A_106 : i32
        scf.if %cond3A_107 {
          %add3A_162 = arith.constant 1 : i32
          %add3A_163 = arith.addi %add3A_75, %add3A_162 : i32
          %add3A_164 = arith.constant 5 : i32
          %add3A_165 = arith.addi %add3A_163, %add3A_164 : i32
          %dma_start3A_166 = arith.constant 0 : i32
          %dma_start3A_167 = tpu.memref_slice %arg8[%add3A_165, %dma_start3A_166] : memref<20x128xi32, #tpu.memory_space<vmem>> -> memref<1x128xi32, #tpu.memory_space<vmem>>
          %dma_start3A_168 = tpu.memref_squeeze %dma_start3A_167 : memref<1x128xi32, #tpu.memory_space<vmem>> -> memref<128xi32, #tpu.memory_space<vmem>>
          %dma_start3A_169 = arith.constant 0 : i32
          %dma_start3A_170 = arith.constant 0 : i32
          %dma_start3A_171 = tpu.memref_slice %arg6[%dma_start3A_169, %dma_start3A_170] : memref<10000x64xf32, #tpu.memory_space<vmem_shared>> -> memref<10000x64xf32, #tpu.memory_space<vmem_shared>>
          tpu.enqueue_indirect_dma source(%dma_start3A_171 : memref<10000x64xf32, #tpu.memory_space<vmem_shared>>) target(%arg11 : memref<128x64xf32, #tpu.memory_space<vmem>>) offsets(%dma_start3A_168 : memref<128xi32, #tpu.memory_space<vmem>>) semaphore(%arg16 : memref<!tpu.dma_semaphore, #tpu.memory_space<semaphore_mem>>)
        } else {
        }
        %dma_wait3A_108 = arith.constant 2 : i32
        %dma_wait3A_109 = arith.constant 0 : i32
        %dma_wait3A_110 = tpu.memref_slice %arg8[%dma_wait3A_108, %dma_wait3A_109] : memref<20x128xi32, #tpu.memory_space<vmem>> -> memref<1x128xi32, #tpu.memory_space<vmem>>
        %dma_wait3A_111 = tpu.memref_squeeze %dma_wait3A_110 : memref<1x128xi32, #tpu.memory_space<vmem>> -> memref<128xi32, #tpu.memory_space<vmem>>
        %dma_wait3A_112 = arith.constant 0 : i32
        %dma_wait3A_113 = arith.constant 0 : i32
        %dma_wait3A_114 = tpu.memref_slice %arg6[%dma_wait3A_112, %dma_wait3A_113] : memref<10000x64xf32, #tpu.memory_space<vmem_shared>> -> memref<10000x64xf32, #tpu.memory_space<vmem_shared>>
        tpu.wait_indirect_dma semaphore(%arg17 : memref<!tpu.dma_semaphore, #tpu.memory_space<semaphore_mem>>) src(%dma_wait3A_114 : memref<10000x64xf32, #tpu.memory_space<vmem_shared>>) dst(%arg12 : memref<128x64xf32, #tpu.memory_space<vmem>>)
        %add3A_115 = arith.constant 2 : i32
        %add3A_116 = arith.addi %add3A_75, %add3A_115 : i32
        "tpu.region"() ({
          %run_scoped3A = tpu.sem_alloc : memref<!tpu.dma_semaphore, #tpu.memory_space<semaphore_mem>>
          %dma_start3A_162 = arith.constant 0 : i32
          %dma_start3A_163 = tpu.memref_slice %arg9[%add3A_116, %dma_start3A_162] : memref<20x128xi32, #tpu.memory_space<vmem>> -> memref<1x128xi32, #tpu.memory_space<vmem>>
          %dma_start3A_164 = tpu.memref_squeeze %dma_start3A_163 : memref<1x128xi32, #tpu.memory_space<vmem>> -> memref<128xi32, #tpu.memory_space<vmem>>
          %dma_start3A_165 = arith.constant 0 : i32
          %dma_start3A_166 = arith.constant 0 : i32
          %dma_start3A_167 = tpu.memref_slice %arg7[%dma_start3A_165, %dma_start3A_166] : memref<10240x64xf32, #tpu.memory_space<vmem_shared>> -> memref<10240x64xf32, #tpu.memory_space<vmem_shared>>
          tpu.enqueue_indirect_dma source(%arg12 : memref<128x64xf32, #tpu.memory_space<vmem>>) target(%dma_start3A_167 : memref<10240x64xf32, #tpu.memory_space<vmem_shared>>) offsets(%dma_start3A_164 : memref<128xi32, #tpu.memory_space<vmem>>) semaphore(%run_scoped3A : memref<!tpu.dma_semaphore, #tpu.memory_space<semaphore_mem>>) {add = true}
          %dma_wait3A_168 = arith.constant 0 : i32
          %dma_wait3A_169 = tpu.memref_slice %arg9[%add3A_116, %dma_wait3A_168] : memref<20x128xi32, #tpu.memory_space<vmem>> -> memref<1x128xi32, #tpu.memory_space<vmem>>
          %dma_wait3A_170 = tpu.memref_squeeze %dma_wait3A_169 : memref<1x128xi32, #tpu.memory_space<vmem>> -> memref<128xi32, #tpu.memory_space<vmem>>
          %dma_wait3A_171 = arith.constant 0 : i32
          %dma_wait3A_172 = arith.constant 0 : i32
          %dma_wait3A_173 = tpu.memref_slice %arg7[%dma_wait3A_171, %dma_wait3A_172] : memref<10240x64xf32, #tpu.memory_space<vmem_shared>> -> memref<10240x64xf32, #tpu.memory_space<vmem_shared>>
          tpu.wait_indirect_dma semaphore(%run_scoped3A : memref<!tpu.dma_semaphore, #tpu.memory_space<semaphore_mem>>) src(%arg12 : memref<128x64xf32, #tpu.memory_space<vmem>>) dst(%dma_wait3A_173 : memref<10240x64xf32, #tpu.memory_space<vmem_shared>>)
          tpu.yield
        }) : () -> ()
        %add3A_117 = arith.constant 2 : i32
        %add3A_118 = arith.addi %add3A_75, %add3A_117 : i32
        %add3A_119 = arith.constant 5 : i32
        %add3A_120 = arith.addi %add3A_118, %add3A_119 : i32
        %lt3A_121 = arith.constant 20 : i32
        %lt3A_122 = arith.cmpi slt, %add3A_120, %lt3A_121 : i32
        %convert_element_type3A_123 = arith.extui %lt3A_122 : i1 to i32
        %cond3A_124 = arith.constant 0 : i32
        %cond3A_125 = arith.cmpi ne, %convert_element_type3A_123, %cond3A_124 : i32
        scf.if %cond3A_125 {
          %add3A_162 = arith.constant 2 : i32
          %add3A_163 = arith.addi %add3A_75, %add3A_162 : i32
          %add3A_164 = arith.constant 5 : i32
          %add3A_165 = arith.addi %add3A_163, %add3A_164 : i32
          %dma_start3A_166 = arith.constant 0 : i32
          %dma_start3A_167 = tpu.memref_slice %arg8[%add3A_165, %dma_start3A_166] : memref<20x128xi32, #tpu.memory_space<vmem>> -> memref<1x128xi32, #tpu.memory_space<vmem>>
          %dma_start3A_168 = tpu.memref_squeeze %dma_start3A_167 : memref<1x128xi32, #tpu.memory_space<vmem>> -> memref<128xi32, #tpu.memory_space<vmem>>
          %dma_start3A_169 = arith.constant 0 : i32
          %dma_start3A_170 = arith.constant 0 : i32
          %dma_start3A_171 = tpu.memref_slice %arg6[%dma_start3A_169, %dma_start3A_170] : memref<10000x64xf32, #tpu.memory_space<vmem_shared>> -> memref<10000x64xf32, #tpu.memory_space<vmem_shared>>
          tpu.enqueue_indirect_dma source(%dma_start3A_171 : memref<10000x64xf32, #tpu.memory_space<vmem_shared>>) target(%arg12 : memref<128x64xf32, #tpu.memory_space<vmem>>) offsets(%dma_start3A_168 : memref<128xi32, #tpu.memory_space<vmem>>) semaphore(%arg17 : memref<!tpu.dma_semaphore, #tpu.memory_space<semaphore_mem>>)
        } else {
        }
        %dma_wait3A_126 = arith.constant 3 : i32
        %dma_wait3A_127 = arith.constant 0 : i32
        %dma_wait3A_128 = tpu.memref_slice %arg8[%dma_wait3A_126, %dma_wait3A_127] : memref<20x128xi32, #tpu.memory_space<vmem>> -> memref<1x128xi32, #tpu.memory_space<vmem>>
        %dma_wait3A_129 = tpu.memref_squeeze %dma_wait3A_128 : memref<1x128xi32, #tpu.memory_space<vmem>> -> memref<128xi32, #tpu.memory_space<vmem>>
        %dma_wait3A_130 = arith.constant 0 : i32
        %dma_wait3A_131 = arith.constant 0 : i32
        %dma_wait3A_132 = tpu.memref_slice %arg6[%dma_wait3A_130, %dma_wait3A_131] : memref<10000x64xf32, #tpu.memory_space<vmem_shared>> -> memref<10000x64xf32, #tpu.memory_space<vmem_shared>>
        tpu.wait_indirect_dma semaphore(%arg18 : memref<!tpu.dma_semaphore, #tpu.memory_space<semaphore_mem>>) src(%dma_wait3A_132 : memref<10000x64xf32, #tpu.memory_space<vmem_shared>>) dst(%arg13 : memref<128x64xf32, #tpu.memory_space<vmem>>)
        %add3A_133 = arith.constant 3 : i32
        %add3A_134 = arith.addi %add3A_75, %add3A_133 : i32
        "tpu.region"() ({
          %run_scoped3A = tpu.sem_alloc : memref<!tpu.dma_semaphore, #tpu.memory_space<semaphore_mem>>
          %dma_start3A_162 = arith.constant 0 : i32
          %dma_start3A_163 = tpu.memref_slice %arg9[%add3A_134, %dma_start3A_162] : memref<20x128xi32, #tpu.memory_space<vmem>> -> memref<1x128xi32, #tpu.memory_space<vmem>>
          %dma_start3A_164 = tpu.memref_squeeze %dma_start3A_163 : memref<1x128xi32, #tpu.memory_space<vmem>> -> memref<128xi32, #tpu.memory_space<vmem>>
          %dma_start3A_165 = arith.constant 0 : i32
          %dma_start3A_166 = arith.constant 0 : i32
          %dma_start3A_167 = tpu.memref_slice %arg7[%dma_start3A_165, %dma_start3A_166] : memref<10240x64xf32, #tpu.memory_space<vmem_shared>> -> memref<10240x64xf32, #tpu.memory_space<vmem_shared>>
          tpu.enqueue_indirect_dma source(%arg13 : memref<128x64xf32, #tpu.memory_space<vmem>>) target(%dma_start3A_167 : memref<10240x64xf32, #tpu.memory_space<vmem_shared>>) offsets(%dma_start3A_164 : memref<128xi32, #tpu.memory_space<vmem>>) semaphore(%run_scoped3A : memref<!tpu.dma_semaphore, #tpu.memory_space<semaphore_mem>>) {add = true}
          %dma_wait3A_168 = arith.constant 0 : i32
          %dma_wait3A_169 = tpu.memref_slice %arg9[%add3A_134, %dma_wait3A_168] : memref<20x128xi32, #tpu.memory_space<vmem>> -> memref<1x128xi32, #tpu.memory_space<vmem>>
          %dma_wait3A_170 = tpu.memref_squeeze %dma_wait3A_169 : memref<1x128xi32, #tpu.memory_space<vmem>> -> memref<128xi32, #tpu.memory_space<vmem>>
          %dma_wait3A_171 = arith.constant 0 : i32
          %dma_wait3A_172 = arith.constant 0 : i32
          %dma_wait3A_173 = tpu.memref_slice %arg7[%dma_wait3A_171, %dma_wait3A_172] : memref<10240x64xf32, #tpu.memory_space<vmem_shared>> -> memref<10240x64xf32, #tpu.memory_space<vmem_shared>>
          tpu.wait_indirect_dma semaphore(%run_scoped3A : memref<!tpu.dma_semaphore, #tpu.memory_space<semaphore_mem>>) src(%arg13 : memref<128x64xf32, #tpu.memory_space<vmem>>) dst(%dma_wait3A_173 : memref<10240x64xf32, #tpu.memory_space<vmem_shared>>)
          tpu.yield
        }) : () -> ()
        %add3A_135 = arith.constant 3 : i32
        %add3A_136 = arith.addi %add3A_75, %add3A_135 : i32
        %add3A_137 = arith.constant 5 : i32
        %add3A_138 = arith.addi %add3A_136, %add3A_137 : i32
        %lt3A_139 = arith.constant 20 : i32
        %lt3A_140 = arith.cmpi slt, %add3A_138, %lt3A_139 : i32
        %convert_element_type3A_141 = arith.extui %lt3A_140 : i1 to i32
        %cond3A_142 = arith.constant 0 : i32
        %cond3A_143 = arith.cmpi ne, %convert_element_type3A_141, %cond3A_142 : i32
        scf.if %cond3A_143 {
          %add3A_162 = arith.constant 3 : i32
          %add3A_163 = arith.addi %add3A_75, %add3A_162 : i32
          %add3A_164 = arith.constant 5 : i32
          %add3A_165 = arith.addi %add3A_163, %add3A_164 : i32
          %dma_start3A_166 = arith.constant 0 : i32
          %dma_start3A_167 = tpu.memref_slice %arg8[%add3A_165, %dma_start3A_166] : memref<20x128xi32, #tpu.memory_space<vmem>> -> memref<1x128xi32, #tpu.memory_space<vmem>>
          %dma_start3A_168 = tpu.memref_squeeze %dma_start3A_167 : memref<1x128xi32, #tpu.memory_space<vmem>> -> memref<128xi32, #tpu.memory_space<vmem>>
          %dma_start3A_169 = arith.constant 0 : i32
          %dma_start3A_170 = arith.constant 0 : i32
          %dma_start3A_171 = tpu.memref_slice %arg6[%dma_start3A_169, %dma_start3A_170] : memref<10000x64xf32, #tpu.memory_space<vmem_shared>> -> memref<10000x64xf32, #tpu.memory_space<vmem_shared>>
          tpu.enqueue_indirect_dma source(%dma_start3A_171 : memref<10000x64xf32, #tpu.memory_space<vmem_shared>>) target(%arg13 : memref<128x64xf32, #tpu.memory_space<vmem>>) offsets(%dma_start3A_168 : memref<128xi32, #tpu.memory_space<vmem>>) semaphore(%arg18 : memref<!tpu.dma_semaphore, #tpu.memory_space<semaphore_mem>>)
        } else {
        }
        %dma_wait3A_144 = arith.constant 4 : i32
        %dma_wait3A_145 = arith.constant 0 : i32
        %dma_wait3A_146 = tpu.memref_slice %arg8[%dma_wait3A_144, %dma_wait3A_145] : memref<20x128xi32, #tpu.memory_space<vmem>> -> memref<1x128xi32, #tpu.memory_space<vmem>>
        %dma_wait3A_147 = tpu.memref_squeeze %dma_wait3A_146 : memref<1x128xi32, #tpu.memory_space<vmem>> -> memref<128xi32, #tpu.memory_space<vmem>>
        %dma_wait3A_148 = arith.constant 0 : i32
        %dma_wait3A_149 = arith.constant 0 : i32
        %dma_wait3A_150 = tpu.memref_slice %arg6[%dma_wait3A_148, %dma_wait3A_149] : memref<10000x64xf32, #tpu.memory_space<vmem_shared>> -> memref<10000x64xf32, #tpu.memory_space<vmem_shared>>
        tpu.wait_indirect_dma semaphore(%arg19 : memref<!tpu.dma_semaphore, #tpu.memory_space<semaphore_mem>>) src(%dma_wait3A_150 : memref<10000x64xf32, #tpu.memory_space<vmem_shared>>) dst(%arg14 : memref<128x64xf32, #tpu.memory_space<vmem>>)
        %add3A_151 = arith.constant 4 : i32
        %add3A_152 = arith.addi %add3A_75, %add3A_151 : i32
        "tpu.region"() ({
          %run_scoped3A = tpu.sem_alloc : memref<!tpu.dma_semaphore, #tpu.memory_space<semaphore_mem>>
          %dma_start3A_162 = arith.constant 0 : i32
          %dma_start3A_163 = tpu.memref_slice %arg9[%add3A_152, %dma_start3A_162] : memref<20x128xi32, #tpu.memory_space<vmem>> -> memref<1x128xi32, #tpu.memory_space<vmem>>
          %dma_start3A_164 = tpu.memref_squeeze %dma_start3A_163 : memref<1x128xi32, #tpu.memory_space<vmem>> -> memref<128xi32, #tpu.memory_space<vmem>>
          %dma_start3A_165 = arith.constant 0 : i32
          %dma_start3A_166 = arith.constant 0 : i32
          %dma_start3A_167 = tpu.memref_slice %arg7[%dma_start3A_165, %dma_start3A_166] : memref<10240x64xf32, #tpu.memory_space<vmem_shared>> -> memref<10240x64xf32, #tpu.memory_space<vmem_shared>>
          tpu.enqueue_indirect_dma source(%arg14 : memref<128x64xf32, #tpu.memory_space<vmem>>) target(%dma_start3A_167 : memref<10240x64xf32, #tpu.memory_space<vmem_shared>>) offsets(%dma_start3A_164 : memref<128xi32, #tpu.memory_space<vmem>>) semaphore(%run_scoped3A : memref<!tpu.dma_semaphore, #tpu.memory_space<semaphore_mem>>) {add = true}
          %dma_wait3A_168 = arith.constant 0 : i32
          %dma_wait3A_169 = tpu.memref_slice %arg9[%add3A_152, %dma_wait3A_168] : memref<20x128xi32, #tpu.memory_space<vmem>> -> memref<1x128xi32, #tpu.memory_space<vmem>>
          %dma_wait3A_170 = tpu.memref_squeeze %dma_wait3A_169 : memref<1x128xi32, #tpu.memory_space<vmem>> -> memref<128xi32, #tpu.memory_space<vmem>>
          %dma_wait3A_171 = arith.constant 0 : i32
          %dma_wait3A_172 = arith.constant 0 : i32
          %dma_wait3A_173 = tpu.memref_slice %arg7[%dma_wait3A_171, %dma_wait3A_172] : memref<10240x64xf32, #tpu.memory_space<vmem_shared>> -> memref<10240x64xf32, #tpu.memory_space<vmem_shared>>
          tpu.wait_indirect_dma semaphore(%run_scoped3A : memref<!tpu.dma_semaphore, #tpu.memory_space<semaphore_mem>>) src(%arg14 : memref<128x64xf32, #tpu.memory_space<vmem>>) dst(%dma_wait3A_173 : memref<10240x64xf32, #tpu.memory_space<vmem_shared>>)
          tpu.yield
        }) : () -> ()
        %add3A_153 = arith.constant 4 : i32
        %add3A_154 = arith.addi %add3A_75, %add3A_153 : i32
        %add3A_155 = arith.constant 5 : i32
        %add3A_156 = arith.addi %add3A_154, %add3A_155 : i32
        %lt3A_157 = arith.constant 20 : i32
        %lt3A_158 = arith.cmpi slt, %add3A_156, %lt3A_157 : i32
        %convert_element_type3A_159 = arith.extui %lt3A_158 : i1 to i32
        %cond3A_160 = arith.constant 0 : i32
        %cond3A_161 = arith.cmpi ne, %convert_element_type3A_159, %cond3A_160 : i32
        scf.if %cond3A_161 {
          %add3A_162 = arith.constant 4 : i32
          %add3A_163 = arith.addi %add3A_75, %add3A_162 : i32
          %add3A_164 = arith.constant 5 : i32
          %add3A_165 = arith.addi %add3A_163, %add3A_164 : i32
          %dma_start3A_166 = arith.constant 0 : i32
          %dma_start3A_167 = tpu.memref_slice %arg8[%add3A_165, %dma_start3A_166] : memref<20x128xi32, #tpu.memory_space<vmem>> -> memref<1x128xi32, #tpu.memory_space<vmem>>
          %dma_start3A_168 = tpu.memref_squeeze %dma_start3A_167 : memref<1x128xi32, #tpu.memory_space<vmem>> -> memref<128xi32, #tpu.memory_space<vmem>>
          %dma_start3A_169 = arith.constant 0 : i32
          %dma_start3A_170 = arith.constant 0 : i32
          %dma_start3A_171 = tpu.memref_slice %arg6[%dma_start3A_169, %dma_start3A_170] : memref<10000x64xf32, #tpu.memory_space<vmem_shared>> -> memref<10000x64xf32, #tpu.memory_space<vmem_shared>>
          tpu.enqueue_indirect_dma source(%dma_start3A_171 : memref<10000x64xf32, #tpu.memory_space<vmem_shared>>) target(%arg14 : memref<128x64xf32, #tpu.memory_space<vmem>>) offsets(%dma_start3A_168 : memref<128xi32, #tpu.memory_space<vmem>>) semaphore(%arg19 : memref<!tpu.dma_semaphore, #tpu.memory_space<semaphore_mem>>)
        } else {
        }
      }
      %scan3A_70 = arith.constant 4 : i32
    }
    %scan3A_20 = arith.constant 8 : i32
    %barrier3A_21 = arith.constant 0 : index
    tpu.barrier barrier_id(%barrier3A_21)
    "tpu.region"() ({
      %run_scoped3A = tpu.sem_alloc : memref<!tpu.dma_semaphore, #tpu.memory_space<semaphore_mem>>
      %dma_start3A = arith.constant 0 : i32
      %dma_start3A_22 = tpu.memref_slice %arg5[%arg0, %mul3A_0, %dma_start3A] : memref<2x10240x64xf32, #tpu.memory_space<hbm>> -> memref<1x640x64xf32, #tpu.memory_space<hbm>>
      %dma_start3A_23 = tpu.memref_squeeze %dma_start3A_22 : memref<1x640x64xf32, #tpu.memory_space<hbm>> -> memref<640x64xf32, #tpu.memory_space<hbm>>
      %dma_start3A_24 = arith.constant 0 : i32
      %dma_start3A_25 = tpu.memref_slice %arg7[%mul3A_0, %dma_start3A_24] : memref<10240x64xf32, #tpu.memory_space<vmem_shared>> -> memref<640x64xf32, #tpu.memory_space<vmem_shared>>
      tpu.enqueue_dma source(%dma_start3A_25 : memref<640x64xf32, #tpu.memory_space<vmem_shared>>) target(%dma_start3A_23 : memref<640x64xf32, #tpu.memory_space<hbm>>) target_semaphore(%run_scoped3A : memref<!tpu.dma_semaphore, #tpu.memory_space<semaphore_mem>>)
      %dma_wait3A = arith.constant 0 : i32
      %dma_wait3A_26 = tpu.memref_slice %arg5[%arg0, %mul3A_0, %dma_wait3A] : memref<2x10240x64xf32, #tpu.memory_space<hbm>> -> memref<1x640x64xf32, #tpu.memory_space<hbm>>
      %dma_wait3A_27 = tpu.memref_squeeze %dma_wait3A_26 : memref<1x640x64xf32, #tpu.memory_space<hbm>> -> memref<640x64xf32, #tpu.memory_space<hbm>>
      %dma_wait3A_28 = arith.constant 0 : i32
      %dma_wait3A_29 = tpu.memref_slice %arg7[%mul3A_0, %dma_wait3A_28] : memref<10240x64xf32, #tpu.memory_space<vmem_shared>> -> memref<640x64xf32, #tpu.memory_space<vmem_shared>>
      tpu.wait_dma2 semaphore(%run_scoped3A : memref<!tpu.dma_semaphore, #tpu.memory_space<semaphore_mem>>) src(%dma_wait3A_29 : memref<640x64xf32, #tpu.memory_space<vmem_shared>>) dst(%dma_wait3A_27 : memref<640x64xf32, #tpu.memory_space<hbm>>)
      tpu.yield
    }) : () -> ()
    return
  }
}

#map = affine_map<(d0, d1) -> (0, 0)>
#map1 = affine_map<(d0, d1) -> (0, 0, 0)>
module attributes {stable_mosaic.version = 14 : i64} {
  func.func @deg_kernel(%arg0: i32, %arg1: i32, %arg2: memref<2560x128xi32, #tpu.memory_space<hbm>>, %arg3: memref<2x10240x16xf32, #tpu.memory_space<hbm>>, %arg4: memref<10240x16xf32, #tpu.memory_space<vmem_shared>>, %arg5: memref<80x128xi32, #tpu.memory_space<vmem>>, %arg6: memref<128x16xf32, #tpu.memory_space<vmem>>, %arg7: memref<128x16xf32, #tpu.memory_space<vmem>>) attributes {dimension_semantics = [#tpu.dimension_semantics<core_parallel>, #tpu.dimension_semantics<subcore_parallel>], iteration_bounds = array<i64: 2, 16>, scalar_prefetch = 0 : i64, scratch_operands = 4 : i64, tpu.core_type = #tpu.core_type<sc_vector_subcore>, window_params = [{transform_indices = #map}, {transform_indices = #map1}]} {
    %mul3A = arith.constant 16 : i32
    %mul3A_0 = arith.muli %arg0, %mul3A : i32
    %add3A = arith.addi %mul3A_0, %arg1 : i32
    %scan3A = arith.constant 0 : i32
    %scan3A_1 = arith.constant 128 : i32
    %scan3A_2 = arith.addi %scan3A, %scan3A_1 : i32
    %scan3A_3 = arith.constant 1 : i32
    scf.for %scan3A_20 = %scan3A to %scan3A_2 step %scan3A_3  : i32 {
      %mul3A_21 = arith.constant 1 : i32
      %mul3A_22 = arith.muli %scan3A_20, %mul3A_21 : i32
      %add3A_23 = arith.constant 0 : i32
      %add3A_24 = arith.addi %add3A_23, %mul3A_22 : i32
      %broadcast_in_dim3A = arith.constant 1.000000e+00 : f32
      %broadcast_in_dim3A_25 = vector.broadcast %broadcast_in_dim3A : f32 to vector<16xf32>
      %swap3A = arith.index_cast %add3A_24 : i32 to index
      %swap3A_26 = arith.constant 0 : index
      %swap3A_27 = tpu.vector_load %arg6[%swap3A, %swap3A_26] {strides = array<i32>} : memref<128x16xf32, #tpu.memory_space<vmem>>, vector<1x16xf32>,
      %swap3A_28 = vector.shape_cast %swap3A_27 : vector<1x16xf32> to vector<16xf32>
      %swap3A_29 = vector.shape_cast %broadcast_in_dim3A_25 : vector<16xf32> to vector<1x16xf32>
      tpu.vector_store %arg6[%swap3A, %swap3A_26], %swap3A_29 {strides = array<i32>} : memref<128x16xf32, #tpu.memory_space<vmem>>, vector<1x16xf32>,
      %broadcast_in_dim3A_30 = arith.constant 0.000000e+00 : f32
      %broadcast_in_dim3A_31 = vector.broadcast %broadcast_in_dim3A_30 : f32 to vector<16xf32>
      %swap3A_32 = arith.index_cast %add3A_24 : i32 to index
      %swap3A_33 = arith.constant 0 : index
      %swap3A_34 = tpu.vector_load %arg7[%swap3A_32, %swap3A_33] {strides = array<i32>} : memref<128x16xf32, #tpu.memory_space<vmem>>, vector<1x16xf32>,
      %swap3A_35 = vector.shape_cast %swap3A_34 : vector<1x16xf32> to vector<16xf32>
      %swap3A_36 = vector.shape_cast %broadcast_in_dim3A_31 : vector<16xf32> to vector<1x16xf32>
      tpu.vector_store %arg7[%swap3A_32, %swap3A_33], %swap3A_36 {strides = array<i32>} : memref<128x16xf32, #tpu.memory_space<vmem>>, vector<1x16xf32>,
    }
    %scan3A_4 = arith.constant 128 : i32
    %mul3A_5 = arith.constant 640 : i32
    %mul3A_6 = arith.muli %arg1, %mul3A_5 : i32
    %scan3A_7 = arith.constant 0 : i32
    %scan3A_8 = arith.constant 5 : i32
    %scan3A_9 = arith.addi %scan3A_7, %scan3A_8 : i32
    %scan3A_10 = arith.constant 1 : i32
    scf.for %scan3A_20 = %scan3A_7 to %scan3A_9 step %scan3A_10  : i32 {
      %mul3A_21 = arith.constant 1 : i32
      %mul3A_22 = arith.muli %scan3A_20, %mul3A_21 : i32
      %add3A_23 = arith.constant 0 : i32
      %add3A_24 = arith.addi %add3A_23, %mul3A_22 : i32
      %mul3A_25 = arith.constant 128 : i32
      %mul3A_26 = arith.muli %add3A_24, %mul3A_25 : i32
      %add3A_27 = arith.addi %mul3A_6, %mul3A_26 : i32
      "tpu.region"() ({
        %run_scoped3A = tpu.sem_alloc : memref<!tpu.dma_semaphore, #tpu.memory_space<semaphore_mem>>
        %dma_start3A = arith.constant 0 : i32
        %dma_start3A_28 = tpu.memref_slice %arg4[%add3A_27, %dma_start3A] : memref<10240x16xf32, #tpu.memory_space<vmem_shared>> -> memref<128x16xf32, #tpu.memory_space<vmem_shared>>
        %dma_start3A_29 = arith.constant 0 : i32
        %dma_start3A_30 = tpu.memref_slice %arg4[%add3A_27, %dma_start3A_29] : memref<10240x16xf32, #tpu.memory_space<vmem_shared>> -> memref<128x16xf32, #tpu.memory_space<vmem_shared>>
        tpu.enqueue_dma source(%arg7 : memref<128x16xf32, #tpu.memory_space<vmem>>) target(%dma_start3A_30 : memref<128x16xf32, #tpu.memory_space<vmem_shared>>) target_semaphore(%run_scoped3A : memref<!tpu.dma_semaphore, #tpu.memory_space<semaphore_mem>>)
        %dma_wait3A = arith.constant 0 : i32
        %dma_wait3A_31 = tpu.memref_slice %arg4[%add3A_27, %dma_wait3A] : memref<10240x16xf32, #tpu.memory_space<vmem_shared>> -> memref<128x16xf32, #tpu.memory_space<vmem_shared>>
        %dma_wait3A_32 = arith.constant 0 : i32
        %dma_wait3A_33 = tpu.memref_slice %arg4[%add3A_27, %dma_wait3A_32] : memref<10240x16xf32, #tpu.memory_space<vmem_shared>> -> memref<128x16xf32, #tpu.memory_space<vmem_shared>>
        tpu.wait_dma2 semaphore(%run_scoped3A : memref<!tpu.dma_semaphore, #tpu.memory_space<semaphore_mem>>) src(%arg7 : memref<128x16xf32, #tpu.memory_space<vmem>>) dst(%dma_wait3A_33 : memref<128x16xf32, #tpu.memory_space<vmem_shared>>)
        tpu.yield
      }) : () -> ()
    }
    %scan3A_11 = arith.constant 5 : i32
    %mul3A_12 = arith.constant 80 : i32
    %mul3A_13 = arith.muli %add3A, %mul3A_12 : i32
    "tpu.region"() ({
      %run_scoped3A = tpu.sem_alloc : memref<!tpu.dma_semaphore, #tpu.memory_space<semaphore_mem>>
      %dma_start3A = arith.constant 0 : i32
      %dma_start3A_20 = tpu.memref_slice %arg2[%mul3A_13, %dma_start3A] : memref<2560x128xi32, #tpu.memory_space<hbm>> -> memref<80x128xi32, #tpu.memory_space<hbm>>
      %dma_start3A_21 = arith.constant 0 : i32
      %dma_start3A_22 = tpu.memref_slice %arg2[%mul3A_13, %dma_start3A_21] : memref<2560x128xi32, #tpu.memory_space<hbm>> -> memref<80x128xi32, #tpu.memory_space<hbm>>
      tpu.enqueue_dma source(%dma_start3A_22 : memref<80x128xi32, #tpu.memory_space<hbm>>) target(%arg5 : memref<80x128xi32, #tpu.memory_space<vmem>>) target_semaphore(%run_scoped3A : memref<!tpu.dma_semaphore, #tpu.memory_space<semaphore_mem>>)
      %dma_wait3A = arith.constant 0 : i32
      %dma_wait3A_23 = tpu.memref_slice %arg2[%mul3A_13, %dma_wait3A] : memref<2560x128xi32, #tpu.memory_space<hbm>> -> memref<80x128xi32, #tpu.memory_space<hbm>>
      %dma_wait3A_24 = arith.constant 0 : i32
      %dma_wait3A_25 = tpu.memref_slice %arg2[%mul3A_13, %dma_wait3A_24] : memref<2560x128xi32, #tpu.memory_space<hbm>> -> memref<80x128xi32, #tpu.memory_space<hbm>>
      tpu.wait_dma2 semaphore(%run_scoped3A : memref<!tpu.dma_semaphore, #tpu.memory_space<semaphore_mem>>) src(%dma_wait3A_25 : memref<80x128xi32, #tpu.memory_space<hbm>>) dst(%arg5 : memref<80x128xi32, #tpu.memory_space<vmem>>)
      tpu.yield
    }) : () -> ()
    %barrier3A = arith.constant 0 : index
    tpu.barrier barrier_id(%barrier3A)
    %scan3A_14 = arith.constant 0 : i32
    %scan3A_15 = arith.constant 80 : i32
    %scan3A_16 = arith.addi %scan3A_14, %scan3A_15 : i32
    %scan3A_17 = arith.constant 1 : i32
    scf.for %scan3A_20 = %scan3A_14 to %scan3A_16 step %scan3A_17  : i32 {
      %mul3A_21 = arith.constant 1 : i32
      %mul3A_22 = arith.muli %scan3A_20, %mul3A_21 : i32
      %add3A_23 = arith.constant 0 : i32
      %add3A_24 = arith.addi %add3A_23, %mul3A_22 : i32
      "tpu.region"() ({
        %run_scoped3A = tpu.sem_alloc : memref<!tpu.dma_semaphore, #tpu.memory_space<semaphore_mem>>
        %dma_start3A = arith.constant 0 : i32
        %dma_start3A_25 = tpu.memref_slice %arg5[%add3A_24, %dma_start3A] : memref<80x128xi32, #tpu.memory_space<vmem>> -> memref<1x128xi32, #tpu.memory_space<vmem>>
        %dma_start3A_26 = tpu.memref_squeeze %dma_start3A_25 : memref<1x128xi32, #tpu.memory_space<vmem>> -> memref<128xi32, #tpu.memory_space<vmem>>
        %dma_start3A_27 = arith.constant 0 : i32
        %dma_start3A_28 = arith.constant 0 : i32
        %dma_start3A_29 = tpu.memref_slice %arg4[%dma_start3A_27, %dma_start3A_28] : memref<10240x16xf32, #tpu.memory_space<vmem_shared>> -> memref<10240x16xf32, #tpu.memory_space<vmem_shared>>
        tpu.enqueue_indirect_dma source(%arg6 : memref<128x16xf32, #tpu.memory_space<vmem>>) target(%dma_start3A_29 : memref<10240x16xf32, #tpu.memory_space<vmem_shared>>) offsets(%dma_start3A_26 : memref<128xi32, #tpu.memory_space<vmem>>) semaphore(%run_scoped3A : memref<!tpu.dma_semaphore, #tpu.memory_space<semaphore_mem>>) {add = true}
        %dma_wait3A = arith.constant 0 : i32
        %dma_wait3A_30 = tpu.memref_slice %arg5[%add3A_24, %dma_wait3A] : memref<80x128xi32, #tpu.memory_space<vmem>> -> memref<1x128xi32, #tpu.memory_space<vmem>>
        %dma_wait3A_31 = tpu.memref_squeeze %dma_wait3A_30 : memref<1x128xi32, #tpu.memory_space<vmem>> -> memref<128xi32, #tpu.memory_space<vmem>>
        %dma_wait3A_32 = arith.constant 0 : i32
        %dma_wait3A_33 = arith.constant 0 : i32
        %dma_wait3A_34 = tpu.memref_slice %arg4[%dma_wait3A_32, %dma_wait3A_33] : memref<10240x16xf32, #tpu.memory_space<vmem_shared>> -> memref<10240x16xf32, #tpu.memory_space<vmem_shared>>
        tpu.wait_indirect_dma semaphore(%run_scoped3A : memref<!tpu.dma_semaphore, #tpu.memory_space<semaphore_mem>>) src(%arg6 : memref<128x16xf32, #tpu.memory_space<vmem>>) dst(%dma_wait3A_34 : memref<10240x16xf32, #tpu.memory_space<vmem_shared>>)
        tpu.yield
      }) : () -> ()
    }
    %scan3A_18 = arith.constant 80 : i32
    %barrier3A_19 = arith.constant 0 : index
    tpu.barrier barrier_id(%barrier3A_19)
    "tpu.region"() ({
      %run_scoped3A = tpu.sem_alloc : memref<!tpu.dma_semaphore, #tpu.memory_space<semaphore_mem>>
      %dma_start3A = arith.constant 0 : i32
      %dma_start3A_20 = tpu.memref_slice %arg3[%arg0, %mul3A_6, %dma_start3A] : memref<2x10240x16xf32, #tpu.memory_space<hbm>> -> memref<1x640x16xf32, #tpu.memory_space<hbm>>
      %dma_start3A_21 = tpu.memref_squeeze %dma_start3A_20 : memref<1x640x16xf32, #tpu.memory_space<hbm>> -> memref<640x16xf32, #tpu.memory_space<hbm>>
      %dma_start3A_22 = arith.constant 0 : i32
      %dma_start3A_23 = tpu.memref_slice %arg4[%mul3A_6, %dma_start3A_22] : memref<10240x16xf32, #tpu.memory_space<vmem_shared>> -> memref<640x16xf32, #tpu.memory_space<vmem_shared>>
      tpu.enqueue_dma source(%dma_start3A_23 : memref<640x16xf32, #tpu.memory_space<vmem_shared>>) target(%dma_start3A_21 : memref<640x16xf32, #tpu.memory_space<hbm>>) target_semaphore(%run_scoped3A : memref<!tpu.dma_semaphore, #tpu.memory_space<semaphore_mem>>)
      %dma_wait3A = arith.constant 0 : i32
      %dma_wait3A_24 = tpu.memref_slice %arg3[%arg0, %mul3A_6, %dma_wait3A] : memref<2x10240x16xf32, #tpu.memory_space<hbm>> -> memref<1x640x16xf32, #tpu.memory_space<hbm>>
      %dma_wait3A_25 = tpu.memref_squeeze %dma_wait3A_24 : memref<1x640x16xf32, #tpu.memory_space<hbm>> -> memref<640x16xf32, #tpu.memory_space<hbm>>
      %dma_wait3A_26 = arith.constant 0 : i32
      %dma_wait3A_27 = tpu.memref_slice %arg4[%mul3A_6, %dma_wait3A_26] : memref<10240x16xf32, #tpu.memory_space<vmem_shared>> -> memref<640x16xf32, #tpu.memory_space<vmem_shared>>
      tpu.wait_dma2 semaphore(%run_scoped3A : memref<!tpu.dma_semaphore, #tpu.memory_space<semaphore_mem>>) src(%dma_wait3A_27 : memref<640x16xf32, #tpu.memory_space<vmem_shared>>) dst(%dma_wait3A_25 : memref<640x16xf32, #tpu.memory_space<hbm>>)
      tpu.yield
    }) : () -> ()
    return
  }
}

module attributes {stable_mosaic.version = 14 : i64} {
  func.func @mm_kernel(%arg0: i32, %arg1: memref<1000x128xf32, #tpu.memory_space<vmem>>, %arg2: memref<128x256xf32, #tpu.memory_space<vmem>>, %arg3: memref<1000x256xf32, #tpu.memory_space<vmem>>) attributes {dimension_semantics = [#tpu.dimension_semantics<arbitrary>], iteration_bounds = array<i64: 10>, scalar_prefetch = 0 : i64, scratch_operands = 0 : i64, tpu.core_type = #tpu.core_type<tc>, window_params = [{transform_indices = @transform_0, window_bounds = array<i64: 1000, 128>}, {pipeline_mode = #tpu.pipeline_mode<synchronous>, transform_indices = @transform_1, window_bounds = array<i64: 128, 256>}, {transform_indices = @transform_2, window_bounds = array<i64: 1000, 256>}]} {
    %get3A = arith.constant 0 : index
    %get3A_0 = arith.constant 0 : index
    %get3A_1 = vector.load %arg1[%get3A, %get3A_0] : memref<1000x128xf32, #tpu.memory_space<vmem>>, vector<1000x128xf32>
    %get3A_2 = arith.constant 0 : index
    %get3A_3 = arith.constant 0 : index
    %get3A_4 = vector.load %arg2[%get3A_2, %get3A_3] : memref<128x256xf32, #tpu.memory_space<vmem>>, vector<128x256xf32>
    %dot_general3A = arith.constant dense<0.000000e+00> : vector<1000x256xf32>
    %dot_general3A_5 = tpu.matmul %get3A_1, %get3A_4, %dot_general3A {dimension_numbers = #tpu.dot_dimension_numbers<[1], [0], [0], [1], [0, 0, 1, 1], [], []>, precision = #tpu.contract_precision<fp32>, transpose_lhs_hint = false} : vector<1000x128xf32>, vector<128x256xf32>, vector<1000x256xf32> -> vector<1000x256xf32>
    %swap3A = arith.constant 0 : index
    %swap3A_6 = arith.constant 0 : index
    %swap3A_7 = vector.load %arg3[%swap3A, %swap3A_6] : memref<1000x256xf32, #tpu.memory_space<vmem>>, vector<1000x256xf32>
    tpu.vector_store %arg3[%swap3A, %swap3A_6], %dot_general3A_5 {strides = array<i32>} : memref<1000x256xf32, #tpu.memory_space<vmem>>, vector<1000x256xf32>,
    return
  }
  func.func @transform_0(%arg0: i32) -> (i32, i32) {
    %c0_i32 = arith.constant 0 : i32
    %c0_i32_0 = arith.constant 0 : i32
    return %arg0, %c0_i32 : i32, i32
  }
  func.func @transform_1(%arg0: i32) -> (i32, i32) {
    %c0_i32 = arith.constant 0 : i32
    %c0_i32_0 = arith.constant 0 : i32
    %c0_i32_1 = arith.constant 0 : i32
    return %c0_i32, %c0_i32_0 : i32, i32
  }
  func.func @transform_2(%arg0: i32) -> (i32, i32) {
    %c0_i32 = arith.constant 0 : i32
    %c0_i32_0 = arith.constant 0 : i32
    return %arg0, %c0_i32 : i32, i32
  }
}

module attributes {stable_mosaic.version = 14 : i64} {
  func.func @k(%arg0: i32, %arg1: memref<2x1000x64xf32, #tpu.memory_space<vmem>>, %arg2: memref<2x1000x16xf32, #tpu.memory_space<vmem>>, %arg3: memref<1000x256xf32, #tpu.memory_space<vmem>>, %arg4: memref<128x256xf32, #tpu.memory_space<vmem>>, %arg5: memref<1x256xf32, #tpu.memory_space<vmem>>, %arg6: memref<256x128xf32, #tpu.memory_space<vmem>>, %arg7: memref<1000x256xf32, #tpu.memory_space<vmem>>, %arg8: memref<2x1000x64xf32, #tpu.memory_space<vmem>>) attributes {dimension_semantics = [#tpu.dimension_semantics<arbitrary>], iteration_bounds = array<i64: 10>, scalar_prefetch = 0 : i64, scratch_operands = 0 : i64, tpu.core_type = #tpu.core_type<tc>, window_params = [{transform_indices = @transform_0, window_bounds = array<i64: 2, 1000, 64>}, {transform_indices = @transform_1, window_bounds = array<i64: 2, 1000, 16>}, {transform_indices = @transform_2, window_bounds = array<i64: 1000, 256>}, {pipeline_mode = #tpu.pipeline_mode<synchronous>, transform_indices = @transform_3, window_bounds = array<i64: 128, 256>}, {pipeline_mode = #tpu.pipeline_mode<synchronous>, transform_indices = @transform_4, window_bounds = array<i64: 1, 256>}, {pipeline_mode = #tpu.pipeline_mode<synchronous>, transform_indices = @transform_5, window_bounds = array<i64: 256, 128>}, {transform_indices = @transform_6, window_bounds = array<i64: 1000, 256>}, {transform_indices = @transform_7, window_bounds = array<i64: 2, 1000, 64>}]} {
    %get3A = arith.constant 0 : index
    %get3A_0 = arith.constant 0 : index
    %get3A_1 = arith.constant 0 : index
    %get3A_2 = vector.load %arg1[%get3A, %get3A_0, %get3A_1] : memref<2x1000x64xf32, #tpu.memory_space<vmem>>, vector<1x1000x64xf32>
    %get3A_3 = vector.shape_cast %get3A_2 : vector<1x1000x64xf32> to vector<1000x64xf32>
    %get3A_4 = arith.constant 1 : index
    %get3A_5 = arith.constant 0 : index
    %get3A_6 = arith.constant 0 : index
    %get3A_7 = vector.load %arg1[%get3A_4, %get3A_5, %get3A_6] : memref<2x1000x64xf32, #tpu.memory_space<vmem>>, vector<1x1000x64xf32>
    %get3A_8 = vector.shape_cast %get3A_7 : vector<1x1000x64xf32> to vector<1000x64xf32>
    %concatenate3A = tpu.concatenate %get3A_3, %get3A_8 in 1 : vector<1000x64xf32>, vector<1000x64xf32> -> vector<1000x128xf32>
    %get3A_9 = arith.constant 0 : index
    %get3A_10 = arith.constant 0 : index
    %get3A_11 = arith.constant 0 : index
    %get3A_12 = vector.load %arg2[%get3A_9, %get3A_10, %get3A_11] : memref<2x1000x16xf32, #tpu.memory_space<vmem>>, vector<1x1000x16xf32>
    %get3A_13 = vector.shape_cast %get3A_12 : vector<1x1000x16xf32> to vector<1000x16xf32>
    %slice3A = vector.extract_strided_slice %get3A_13 {offsets = [0, 0], sizes = [1000, 1], strides = [1, 1]} : vector<1000x16xf32> to vector<1000x1xf32>
    %get3A_14 = arith.constant 1 : index
    %get3A_15 = arith.constant 0 : index
    %get3A_16 = arith.constant 0 : index
    %get3A_17 = vector.load %arg2[%get3A_14, %get3A_15, %get3A_16] : memref<2x1000x16xf32, #tpu.memory_space<vmem>>, vector<1x1000x16xf32>
    %get3A_18 = vector.shape_cast %get3A_17 : vector<1x1000x16xf32> to vector<1000x16xf32>
    %slice3A_19 = vector.extract_strided_slice %get3A_18 {offsets = [0, 0], sizes = [1000, 1], strides = [1, 1]} : vector<1000x16xf32> to vector<1000x1xf32>
    %add3A = arith.addf %slice3A, %slice3A_19 : vector<1000x1xf32>
    %max3A = arith.constant 1.000000e+00 : f32
    %max3A_20 = vector.broadcast %max3A : f32 to vector<1000x1xf32>
    %max3A_21 = arith.maximumf %add3A, %max3A_20 : vector<1000x1xf32>
    %div3A = vector.broadcast %max3A_21 : vector<1000x1xf32> to vector<1000x128xf32>
    %div3A_22 = arith.divf %concatenate3A, %div3A : vector<1000x128xf32>
    %get3A_23 = arith.constant 0 : index
    %get3A_24 = arith.constant 0 : index
    %get3A_25 = vector.load %arg4[%get3A_23, %get3A_24] : memref<128x256xf32, #tpu.memory_space<vmem>>, vector<128x256xf32>
    %dot_general3A = arith.constant dense<0.000000e+00> : vector<1000x256xf32>
    %dot_general3A_26 = tpu.matmul %div3A_22, %get3A_25, %dot_general3A {dimension_numbers = #tpu.dot_dimension_numbers<[1], [0], [0], [1], [0, 0, 1, 1], [], []>, precision = #tpu.contract_precision<fp32>, transpose_lhs_hint = false} : vector<1000x128xf32>, vector<128x256xf32>, vector<1000x256xf32> -> vector<1000x256xf32>
    %get3A_27 = arith.constant 0 : index
    %get3A_28 = arith.constant 0 : index
    %get3A_29 = vector.load %arg3[%get3A_27, %get3A_28] : memref<1000x256xf32, #tpu.memory_space<vmem>>, vector<1000x256xf32>
    %add3A_30 = arith.addf %dot_general3A_26, %get3A_29 : vector<1000x256xf32>
    %get3A_31 = arith.constant 0 : index
    %get3A_32 = arith.constant 0 : index
    %get3A_33 = vector.load %arg5[%get3A_31, %get3A_32] : memref<1x256xf32, #tpu.memory_space<vmem>>, vector<1x256xf32>
    %add3A_34 = vector.broadcast %get3A_33 : vector<1x256xf32> to vector<1000x256xf32>
    %add3A_35 = arith.addf %add3A_30, %add3A_34 : vector<1000x256xf32>
    %max3A_36 = arith.constant 0.000000e+00 : f32
    %max3A_37 = vector.broadcast %max3A_36 : f32 to vector<1000x256xf32>
    %max3A_38 = arith.maximumf %add3A_35, %max3A_37 : vector<1000x256xf32>
    %swap3A = arith.constant 0 : index
    %swap3A_39 = arith.constant 0 : index
    %swap3A_40 = vector.load %arg7[%swap3A, %swap3A_39] : memref<1000x256xf32, #tpu.memory_space<vmem>>, vector<1000x256xf32>
    tpu.vector_store %arg7[%swap3A, %swap3A_39], %max3A_38 {strides = array<i32>} : memref<1000x256xf32, #tpu.memory_space<vmem>>, vector<1000x256xf32>,
    %get3A_41 = arith.constant 0 : index
    %get3A_42 = arith.constant 0 : index
    %get3A_43 = vector.load %arg6[%get3A_41, %get3A_42] : memref<256x128xf32, #tpu.memory_space<vmem>>, vector<256x128xf32>
    %dot_general3A_44 = arith.constant dense<0.000000e+00> : vector<1000x128xf32>
    %dot_general3A_45 = tpu.matmul %max3A_38, %get3A_43, %dot_general3A_44 {dimension_numbers = #tpu.dot_dimension_numbers<[1], [0], [0], [1], [0, 0, 1, 1], [], []>, precision = #tpu.contract_precision<fp32>, transpose_lhs_hint = false} : vector<1000x256xf32>, vector<256x128xf32>, vector<1000x128xf32> -> vector<1000x128xf32>
    %slice3A_46 = vector.extract_strided_slice %dot_general3A_45 {offsets = [0, 0], sizes = [1000, 64], strides = [1, 1]} : vector<1000x128xf32> to vector<1000x64xf32>
    %swap3A_47 = arith.constant 0 : index
    %swap3A_48 = arith.constant 0 : index
    %swap3A_49 = arith.constant 0 : index
    %swap3A_50 = vector.load %arg8[%swap3A_47, %swap3A_48, %swap3A_49] : memref<2x1000x64xf32, #tpu.memory_space<vmem>>, vector<1x1000x64xf32>
    %swap3A_51 = vector.shape_cast %swap3A_50 : vector<1x1000x64xf32> to vector<1000x64xf32>
    %swap3A_52 = vector.shape_cast %slice3A_46 : vector<1000x64xf32> to vector<1x1000x64xf32>
    tpu.vector_store %arg8[%swap3A_47, %swap3A_48, %swap3A_49], %swap3A_52 {strides = array<i32>} : memref<2x1000x64xf32, #tpu.memory_space<vmem>>, vector<1x1000x64xf32>,
    %slice3A_53 = vector.extract_strided_slice %dot_general3A_45 {offsets = [0, 64], sizes = [1000, 64], strides = [1, 1]} : vector<1000x128xf32> to vector<1000x64xf32>
    %swap3A_54 = arith.constant 1 : index
    %swap3A_55 = arith.constant 0 : index
    %swap3A_56 = arith.constant 0 : index
    %swap3A_57 = vector.load %arg8[%swap3A_54, %swap3A_55, %swap3A_56] : memref<2x1000x64xf32, #tpu.memory_space<vmem>>, vector<1x1000x64xf32>
    %swap3A_58 = vector.shape_cast %swap3A_57 : vector<1x1000x64xf32> to vector<1000x64xf32>
    %swap3A_59 = vector.shape_cast %slice3A_53 : vector<1000x64xf32> to vector<1x1000x64xf32>
    tpu.vector_store %arg8[%swap3A_54, %swap3A_55, %swap3A_56], %swap3A_59 {strides = array<i32>} : memref<2x1000x64xf32, #tpu.memory_space<vmem>>, vector<1x1000x64xf32>,
    return
  }
  func.func @transform_0(%arg0: i32) -> (i32, i32, i32) {
    %c0_i32 = arith.constant 0 : i32
    %c0_i32_0 = arith.constant 0 : i32
    %c0_i32_1 = arith.constant 0 : i32
    return %c0_i32, %arg0, %c0_i32_0 : i32, i32, i32
  }
  func.func @transform_1(%arg0: i32) -> (i32, i32, i32) {
    %c0_i32 = arith.constant 0 : i32
    %c0_i32_0 = arith.constant 0 : i32
    %c0_i32_1 = arith.constant 0 : i32
    return %c0_i32, %arg0, %c0_i32_0 : i32, i32, i32
  }
  func.func @transform_2(%arg0: i32) -> (i32, i32) {
    %c0_i32 = arith.constant 0 : i32
    %c0_i32_0 = arith.constant 0 : i32
    return %arg0, %c0_i32 : i32, i32
  }
  func.func @transform_3(%arg0: i32) -> (i32, i32) {
    %c0_i32 = arith.constant 0 : i32
    %c0_i32_0 = arith.constant 0 : i32
    %c0_i32_1 = arith.constant 0 : i32
    return %c0_i32, %c0_i32_0 : i32, i32
  }
  func.func @transform_4(%arg0: i32) -> (i32, i32) {
    %c0_i32 = arith.constant 0 : i32
    %c0_i32_0 = arith.constant 0 : i32
    %c0_i32_1 = arith.constant 0 : i32
    return %c0_i32, %c0_i32_0 : i32, i32
  }
  func.func @transform_5(%arg0: i32) -> (i32, i32) {
    %c0_i32 = arith.constant 0 : i32
    %c0_i32_0 = arith.constant 0 : i32
    %c0_i32_1 = arith.constant 0 : i32
    return %c0_i32, %c0_i32_0 : i32, i32
  }
  func.func @transform_6(%arg0: i32) -> (i32, i32) {
    %c0_i32 = arith.constant 0 : i32
    %c0_i32_0 = arith.constant 0 : i32
    return %arg0, %c0_i32 : i32, i32
  }
  func.func @transform_7(%arg0: i32) -> (i32, i32, i32) {
    %c0_i32 = arith.constant 0 : i32
    %c0_i32_0 = arith.constant 0 : i32
    %c0_i32_1 = arith.constant 0 : i32
    return %c0_i32, %arg0, %c0_i32_0 : i32, i32, i32
  }
}

module attributes {stable_mosaic.version = 14 : i64} {
  func.func @mm_kernel(%arg0: i32, %arg1: memref<1000x256xf32, #tpu.memory_space<vmem>>, %arg2: memref<256x128xf32, #tpu.memory_space<vmem>>, %arg3: memref<1000x128xf32, #tpu.memory_space<vmem>>) attributes {dimension_semantics = [#tpu.dimension_semantics<arbitrary>], iteration_bounds = array<i64: 10>, scalar_prefetch = 0 : i64, scratch_operands = 0 : i64, tpu.core_type = #tpu.core_type<tc>, window_params = [{transform_indices = @transform_0, window_bounds = array<i64: 1000, 256>}, {pipeline_mode = #tpu.pipeline_mode<synchronous>, transform_indices = @transform_1, window_bounds = array<i64: 256, 128>}, {transform_indices = @transform_2, window_bounds = array<i64: 1000, 128>}]} {
    %get3A = arith.constant 0 : index
    %get3A_0 = arith.constant 0 : index
    %get3A_1 = vector.load %arg1[%get3A, %get3A_0] : memref<1000x256xf32, #tpu.memory_space<vmem>>, vector<1000x256xf32>
    %get3A_2 = arith.constant 0 : index
    %get3A_3 = arith.constant 0 : index
    %get3A_4 = vector.load %arg2[%get3A_2, %get3A_3] : memref<256x128xf32, #tpu.memory_space<vmem>>, vector<256x128xf32>
    %dot_general3A = arith.constant dense<0.000000e+00> : vector<1000x128xf32>
    %dot_general3A_5 = tpu.matmul %get3A_1, %get3A_4, %dot_general3A {dimension_numbers = #tpu.dot_dimension_numbers<[1], [0], [0], [1], [0, 0, 1, 1], [], []>, precision = #tpu.contract_precision<fp32>, transpose_lhs_hint = false} : vector<1000x256xf32>, vector<256x128xf32>, vector<1000x128xf32> -> vector<1000x128xf32>
    %swap3A = arith.constant 0 : index
    %swap3A_6 = arith.constant 0 : index
    %swap3A_7 = vector.load %arg3[%swap3A, %swap3A_6] : memref<1000x128xf32, #tpu.memory_space<vmem>>, vector<1000x128xf32>
    tpu.vector_store %arg3[%swap3A, %swap3A_6], %dot_general3A_5 {strides = array<i32>} : memref<1000x128xf32, #tpu.memory_space<vmem>>, vector<1000x128xf32>,
    return
  }
  func.func @transform_0(%arg0: i32) -> (i32, i32) {
    %c0_i32 = arith.constant 0 : i32
    %c0_i32_0 = arith.constant 0 : i32
    return %arg0, %c0_i32 : i32, i32
  }
  func.func @transform_1(%arg0: i32) -> (i32, i32) {
    %c0_i32 = arith.constant 0 : i32
    %c0_i32_0 = arith.constant 0 : i32
    %c0_i32_1 = arith.constant 0 : i32
    return %c0_i32, %c0_i32_0 : i32, i32
  }
  func.func @transform_2(%arg0: i32) -> (i32, i32) {
    %c0_i32 = arith.constant 0 : i32
    %c0_i32_0 = arith.constant 0 : i32
    return %arg0, %c0_i32 : i32, i32
  }
}

module attributes {stable_mosaic.version = 14 : i64} {
  func.func @k(%arg0: i32, %arg1: memref<2x1000x64xf32, #tpu.memory_space<vmem>>, %arg2: memref<2x1000x16xf32, #tpu.memory_space<vmem>>, %arg3: memref<1000x128xf32, #tpu.memory_space<vmem>>, %arg4: memref<1x128xf32, #tpu.memory_space<vmem>>, %arg5: memref<128x16xf32, #tpu.memory_space<vmem>>, %arg6: memref<1000x128xf32, #tpu.memory_space<vmem>>, %arg7: memref<1000x16xf32, #tpu.memory_space<vmem>>) attributes {dimension_semantics = [#tpu.dimension_semantics<arbitrary>], iteration_bounds = array<i64: 10>, scalar_prefetch = 0 : i64, scratch_operands = 0 : i64, tpu.core_type = #tpu.core_type<tc>, window_params = [{transform_indices = @transform_0, window_bounds = array<i64: 2, 1000, 64>}, {transform_indices = @transform_1, window_bounds = array<i64: 2, 1000, 16>}, {transform_indices = @transform_2, window_bounds = array<i64: 1000, 128>}, {pipeline_mode = #tpu.pipeline_mode<synchronous>, transform_indices = @transform_3, window_bounds = array<i64: 1, 128>}, {pipeline_mode = #tpu.pipeline_mode<synchronous>, transform_indices = @transform_4, window_bounds = array<i64: 128, 16>}, {transform_indices = @transform_5, window_bounds = array<i64: 1000, 128>}, {transform_indices = @transform_6, window_bounds = array<i64: 1000, 16>}]} {
    %get3A = arith.constant 0 : index
    %get3A_0 = arith.constant 0 : index
    %get3A_1 = arith.constant 0 : index
    %get3A_2 = vector.load %arg1[%get3A, %get3A_0, %get3A_1] : memref<2x1000x64xf32, #tpu.memory_space<vmem>>, vector<1x1000x64xf32>
    %get3A_3 = vector.shape_cast %get3A_2 : vector<1x1000x64xf32> to vector<1000x64xf32>
    %get3A_4 = arith.constant 1 : index
    %get3A_5 = arith.constant 0 : index
    %get3A_6 = arith.constant 0 : index
    %get3A_7 = vector.load %arg1[%get3A_4, %get3A_5, %get3A_6] : memref<2x1000x64xf32, #tpu.memory_space<vmem>>, vector<1x1000x64xf32>
    %get3A_8 = vector.shape_cast %get3A_7 : vector<1x1000x64xf32> to vector<1000x64xf32>
    %concatenate3A = tpu.concatenate %get3A_3, %get3A_8 in 1 : vector<1000x64xf32>, vector<1000x64xf32> -> vector<1000x128xf32>
    %get3A_9 = arith.constant 0 : index
    %get3A_10 = arith.constant 0 : index
    %get3A_11 = arith.constant 0 : index
    %get3A_12 = vector.load %arg2[%get3A_9, %get3A_10, %get3A_11] : memref<2x1000x16xf32, #tpu.memory_space<vmem>>, vector<1x1000x16xf32>
    %get3A_13 = vector.shape_cast %get3A_12 : vector<1x1000x16xf32> to vector<1000x16xf32>
    %slice3A = vector.extract_strided_slice %get3A_13 {offsets = [0, 0], sizes = [1000, 1], strides = [1, 1]} : vector<1000x16xf32> to vector<1000x1xf32>
    %get3A_14 = arith.constant 1 : index
    %get3A_15 = arith.constant 0 : index
    %get3A_16 = arith.constant 0 : index
    %get3A_17 = vector.load %arg2[%get3A_14, %get3A_15, %get3A_16] : memref<2x1000x16xf32, #tpu.memory_space<vmem>>, vector<1x1000x16xf32>
    %get3A_18 = vector.shape_cast %get3A_17 : vector<1x1000x16xf32> to vector<1000x16xf32>
    %slice3A_19 = vector.extract_strided_slice %get3A_18 {offsets = [0, 0], sizes = [1000, 1], strides = [1, 1]} : vector<1000x16xf32> to vector<1000x1xf32>
    %add3A = arith.addf %slice3A, %slice3A_19 : vector<1000x1xf32>
    %max3A = arith.constant 1.000000e+00 : f32
    %max3A_20 = vector.broadcast %max3A : f32 to vector<1000x1xf32>
    %max3A_21 = arith.maximumf %add3A, %max3A_20 : vector<1000x1xf32>
    %div3A = vector.broadcast %max3A_21 : vector<1000x1xf32> to vector<1000x128xf32>
    %div3A_22 = arith.divf %concatenate3A, %div3A : vector<1000x128xf32>
    %get3A_23 = arith.constant 0 : index
    %get3A_24 = arith.constant 0 : index
    %get3A_25 = vector.load %arg3[%get3A_23, %get3A_24] : memref<1000x128xf32, #tpu.memory_space<vmem>>, vector<1000x128xf32>
    %add3A_26 = arith.addf %div3A_22, %get3A_25 : vector<1000x128xf32>
    %get3A_27 = arith.constant 0 : index
    %get3A_28 = arith.constant 0 : index
    %get3A_29 = vector.load %arg4[%get3A_27, %get3A_28] : memref<1x128xf32, #tpu.memory_space<vmem>>, vector<1x128xf32>
    %add3A_30 = vector.broadcast %get3A_29 : vector<1x128xf32> to vector<1000x128xf32>
    %add3A_31 = arith.addf %add3A_26, %add3A_30 : vector<1000x128xf32>
    %max3A_32 = arith.constant 0.000000e+00 : f32
    %max3A_33 = vector.broadcast %max3A_32 : f32 to vector<1000x128xf32>
    %max3A_34 = arith.maximumf %add3A_31, %max3A_33 : vector<1000x128xf32>
    %swap3A = arith.constant 0 : index
    %swap3A_35 = arith.constant 0 : index
    %swap3A_36 = vector.load %arg6[%swap3A, %swap3A_35] : memref<1000x128xf32, #tpu.memory_space<vmem>>, vector<1000x128xf32>
    tpu.vector_store %arg6[%swap3A, %swap3A_35], %max3A_34 {strides = array<i32>} : memref<1000x128xf32, #tpu.memory_space<vmem>>, vector<1000x128xf32>,
    %get3A_37 = arith.constant 0 : index
    %get3A_38 = arith.constant 0 : index
    %get3A_39 = vector.load %arg5[%get3A_37, %get3A_38] : memref<128x16xf32, #tpu.memory_space<vmem>>, vector<128x16xf32>
    %dot_general3A = arith.constant dense<0.000000e+00> : vector<1000x16xf32>
    %dot_general3A_40 = tpu.matmul %max3A_34, %get3A_39, %dot_general3A {dimension_numbers = #tpu.dot_dimension_numbers<[1], [0], [0], [1], [0, 0, 1, 1], [], []>, precision = #tpu.contract_precision<fp32>, transpose_lhs_hint = false} : vector<1000x128xf32>, vector<128x16xf32>, vector<1000x16xf32> -> vector<1000x16xf32>
    %swap3A_41 = arith.constant 0 : index
    %swap3A_42 = arith.constant 0 : index
    %swap3A_43 = vector.load %arg7[%swap3A_41, %swap3A_42] : memref<1000x16xf32, #tpu.memory_space<vmem>>, vector<1000x16xf32>
    tpu.vector_store %arg7[%swap3A_41, %swap3A_42], %dot_general3A_40 {strides = array<i32>} : memref<1000x16xf32, #tpu.memory_space<vmem>>, vector<1000x16xf32>,
    return
  }
  func.func @transform_0(%arg0: i32) -> (i32, i32, i32) {
    %c0_i32 = arith.constant 0 : i32
    %c0_i32_0 = arith.constant 0 : i32
    %c0_i32_1 = arith.constant 0 : i32
    return %c0_i32, %arg0, %c0_i32_0 : i32, i32, i32
  }
  func.func @transform_1(%arg0: i32) -> (i32, i32, i32) {
    %c0_i32 = arith.constant 0 : i32
    %c0_i32_0 = arith.constant 0 : i32
    %c0_i32_1 = arith.constant 0 : i32
    return %c0_i32, %arg0, %c0_i32_0 : i32, i32, i32
  }
  func.func @transform_2(%arg0: i32) -> (i32, i32) {
    %c0_i32 = arith.constant 0 : i32
    %c0_i32_0 = arith.constant 0 : i32
    return %arg0, %c0_i32 : i32, i32
  }
  func.func @transform_3(%arg0: i32) -> (i32, i32) {
    %c0_i32 = arith.constant 0 : i32
    %c0_i32_0 = arith.constant 0 : i32
    %c0_i32_1 = arith.constant 0 : i32
    return %c0_i32, %c0_i32_0 : i32, i32
  }
  func.func @transform_4(%arg0: i32) -> (i32, i32) {
    %c0_i32 = arith.constant 0 : i32
    %c0_i32_0 = arith.constant 0 : i32
    %c0_i32_1 = arith.constant 0 : i32
    return %c0_i32, %c0_i32_0 : i32, i32
  }
  func.func @transform_5(%arg0: i32) -> (i32, i32) {
    %c0_i32 = arith.constant 0 : i32
    %c0_i32_0 = arith.constant 0 : i32
    return %arg0, %c0_i32 : i32, i32
  }
  func.func @transform_6(%arg0: i32) -> (i32, i32) {
    %c0_i32 = arith.constant 0 : i32
    %c0_i32_0 = arith.constant 0 : i32
    return %arg0, %c0_i32 : i32, i32
  }
}

module attributes {stable_mosaic.version = 14 : i64} {
  func.func @mm_kernel(%arg0: i32, %arg1: memref<1000x128xf32, #tpu.memory_space<vmem>>, %arg2: memref<128x16xf32, #tpu.memory_space<vmem>>, %arg3: memref<1000x16xf32, #tpu.memory_space<vmem>>) attributes {dimension_semantics = [#tpu.dimension_semantics<arbitrary>], iteration_bounds = array<i64: 10>, scalar_prefetch = 0 : i64, scratch_operands = 0 : i64, tpu.core_type = #tpu.core_type<tc>, window_params = [{transform_indices = @transform_0, window_bounds = array<i64: 1000, 128>}, {pipeline_mode = #tpu.pipeline_mode<synchronous>, transform_indices = @transform_1, window_bounds = array<i64: 128, 16>}, {transform_indices = @transform_2, window_bounds = array<i64: 1000, 16>}]} {
    %get3A = arith.constant 0 : index
    %get3A_0 = arith.constant 0 : index
    %get3A_1 = vector.load %arg1[%get3A, %get3A_0] : memref<1000x128xf32, #tpu.memory_space<vmem>>, vector<1000x128xf32>
    %get3A_2 = arith.constant 0 : index
    %get3A_3 = arith.constant 0 : index
    %get3A_4 = vector.load %arg2[%get3A_2, %get3A_3] : memref<128x16xf32, #tpu.memory_space<vmem>>, vector<128x16xf32>
    %dot_general3A = arith.constant dense<0.000000e+00> : vector<1000x16xf32>
    %dot_general3A_5 = tpu.matmul %get3A_1, %get3A_4, %dot_general3A {dimension_numbers = #tpu.dot_dimension_numbers<[1], [0], [0], [1], [0, 0, 1, 1], [], []>, precision = #tpu.contract_precision<fp32>, transpose_lhs_hint = false} : vector<1000x128xf32>, vector<128x16xf32>, vector<1000x16xf32> -> vector<1000x16xf32>
    %swap3A = arith.constant 0 : index
    %swap3A_6 = arith.constant 0 : index
    %swap3A_7 = vector.load %arg3[%swap3A, %swap3A_6] : memref<1000x16xf32, #tpu.memory_space<vmem>>, vector<1000x16xf32>
    tpu.vector_store %arg3[%swap3A, %swap3A_6], %dot_general3A_5 {strides = array<i32>} : memref<1000x16xf32, #tpu.memory_space<vmem>>, vector<1000x16xf32>,
    return
  }
  func.func @transform_0(%arg0: i32) -> (i32, i32) {
    %c0_i32 = arith.constant 0 : i32
    %c0_i32_0 = arith.constant 0 : i32
    return %arg0, %c0_i32 : i32, i32
  }
  func.func @transform_1(%arg0: i32) -> (i32, i32) {
    %c0_i32 = arith.constant 0 : i32
    %c0_i32_0 = arith.constant 0 : i32
    %c0_i32_1 = arith.constant 0 : i32
    return %c0_i32, %c0_i32_0 : i32, i32
  }
  func.func @transform_2(%arg0: i32) -> (i32, i32) {
    %c0_i32 = arith.constant 0 : i32
    %c0_i32_0 = arith.constant 0 : i32
    return %arg0, %c0_i32 : i32, i32
  }
}

module attributes {stable_mosaic.version = 14 : i64} {
  func.func @k(%arg0: memref<2x10000x16xf32, #tpu.memory_space<vmem>>, %arg1: memref<2x10000x16xf32, #tpu.memory_space<vmem>>, %arg2: memref<10000x16xf32, #tpu.memory_space<vmem>>, %arg3: memref<1x16xf32, #tpu.memory_space<vmem>>, %arg4: memref<1x10000xi32, #tpu.memory_space<vmem>>, %arg5: memref<128x16xf32, #tpu.memory_space<vmem>>, %arg6: memref<16x1xf32, #tpu.memory_space<vmem>>, %arg7: memref<1x1xf32, #tpu.memory_space<vmem>>, %arg8: memref<128x1xf32, #tpu.memory_space<vmem>>, %arg9: memref<128x16xf32, #tpu.memory_space<vmem>>) attributes {dimension_semantics = [], scalar_prefetch = 0 : i64, scratch_operands = 0 : i64, tpu.core_type = #tpu.core_type<tc>} {
    %get3A = arith.constant 0 : index
    %get3A_0 = arith.constant 0 : index
    %get3A_1 = arith.constant 0 : index
    %get3A_2 = vector.load %arg0[%get3A, %get3A_0, %get3A_1] : memref<2x10000x16xf32, #tpu.memory_space<vmem>>, vector<1x10000x16xf32>
    %get3A_3 = vector.shape_cast %get3A_2 : vector<1x10000x16xf32> to vector<10000x16xf32>
    %get3A_4 = arith.constant 1 : index
    %get3A_5 = arith.constant 0 : index
    %get3A_6 = arith.constant 0 : index
    %get3A_7 = vector.load %arg0[%get3A_4, %get3A_5, %get3A_6] : memref<2x10000x16xf32, #tpu.memory_space<vmem>>, vector<1x10000x16xf32>
    %get3A_8 = vector.shape_cast %get3A_7 : vector<1x10000x16xf32> to vector<10000x16xf32>
    %add3A = arith.addf %get3A_3, %get3A_8 : vector<10000x16xf32>
    %get3A_9 = arith.constant 0 : index
    %get3A_10 = arith.constant 0 : index
    %get3A_11 = arith.constant 0 : index
    %get3A_12 = vector.load %arg1[%get3A_9, %get3A_10, %get3A_11] : memref<2x10000x16xf32, #tpu.memory_space<vmem>>, vector<1x10000x16xf32>
    %get3A_13 = vector.shape_cast %get3A_12 : vector<1x10000x16xf32> to vector<10000x16xf32>
    %slice3A = vector.extract_strided_slice %get3A_13 {offsets = [0, 0], sizes = [10000, 1], strides = [1, 1]} : vector<10000x16xf32> to vector<10000x1xf32>
    %get3A_14 = arith.constant 1 : index
    %get3A_15 = arith.constant 0 : index
    %get3A_16 = arith.constant 0 : index
    %get3A_17 = vector.load %arg1[%get3A_14, %get3A_15, %get3A_16] : memref<2x10000x16xf32, #tpu.memory_space<vmem>>, vector<1x10000x16xf32>
    %get3A_18 = vector.shape_cast %get3A_17 : vector<1x10000x16xf32> to vector<10000x16xf32>
    %slice3A_19 = vector.extract_strided_slice %get3A_18 {offsets = [0, 0], sizes = [10000, 1], strides = [1, 1]} : vector<10000x16xf32> to vector<10000x1xf32>
    %add3A_20 = arith.addf %slice3A, %slice3A_19 : vector<10000x1xf32>
    %max3A = arith.constant 1.000000e+00 : f32
    %max3A_21 = vector.broadcast %max3A : f32 to vector<10000x1xf32>
    %max3A_22 = arith.maximumf %add3A_20, %max3A_21 : vector<10000x1xf32>
    %div3A = vector.broadcast %max3A_22 : vector<10000x1xf32> to vector<10000x16xf32>
    %div3A_23 = arith.divf %add3A, %div3A : vector<10000x16xf32>
    %get3A_24 = arith.constant 0 : index
    %get3A_25 = arith.constant 0 : index
    %get3A_26 = vector.load %arg2[%get3A_24, %get3A_25] : memref<10000x16xf32, #tpu.memory_space<vmem>>, vector<10000x16xf32>
    %add3A_27 = arith.addf %div3A_23, %get3A_26 : vector<10000x16xf32>
    %get3A_28 = arith.constant 0 : index
    %get3A_29 = arith.constant 0 : index
    %get3A_30 = vector.load %arg3[%get3A_28, %get3A_29] : memref<1x16xf32, #tpu.memory_space<vmem>>, vector<1x16xf32>
    %add3A_31 = vector.broadcast %get3A_30 : vector<1x16xf32> to vector<10000x16xf32>
    %add3A_32 = arith.addf %add3A_27, %add3A_31 : vector<10000x16xf32>
    %iota3A = tpu.iota {dimensions = array<i32: 0>} : vector<128x10000xi32>
    %get3A_33 = arith.constant 0 : index
    %get3A_34 = arith.constant 0 : index
    %get3A_35 = vector.load %arg4[%get3A_33, %get3A_34] : memref<1x10000xi32, #tpu.memory_space<vmem>>, vector<1x10000xi32>
    %eq3A = vector.broadcast %get3A_35 : vector<1x10000xi32> to vector<128x10000xi32>
    %eq3A_36 = arith.cmpi eq, %iota3A, %eq3A : vector<128x10000xi32>
    %convert_element_type3A = arith.extui %eq3A_36 : vector<128x10000xi1> to vector<128x10000xi32>
    %convert_element_type3A_37 = arith.sitofp %convert_element_type3A : vector<128x10000xi32> to vector<128x10000xf32>
    %broadcast_in_dim3A = arith.constant 1.000000e+00 : f32
    %broadcast_in_dim3A_38 = vector.broadcast %broadcast_in_dim3A : f32 to vector<10000x16xf32>
    %concatenate3A = tpu.concatenate %add3A_32, %broadcast_in_dim3A_38 in 1 : vector<10000x16xf32>, vector<10000x16xf32> -> vector<10000x32xf32>
    %dot_general3A = arith.constant dense<0.000000e+00> : vector<128x32xf32>
    %dot_general3A_39 = tpu.matmul %convert_element_type3A_37, %concatenate3A, %dot_general3A {dimension_numbers = #tpu.dot_dimension_numbers<[1], [0], [0], [1], [0, 0, 1, 1], [], []>, precision = #tpu.contract_precision<fp32>, transpose_lhs_hint = false} : vector<128x10000xf32>, vector<10000x32xf32>, vector<128x32xf32> -> vector<128x32xf32>
    %slice3A_40 = vector.extract_strided_slice %dot_general3A_39 {offsets = [0, 16], sizes = [128, 1], strides = [1, 1]} : vector<128x32xf32> to vector<128x1xf32>
    %slice3A_41 = vector.extract_strided_slice %dot_general3A_39 {offsets = [0, 0], sizes = [128, 16], strides = [1, 1]} : vector<128x32xf32> to vector<128x16xf32>
    %max3A_42 = arith.constant 1.000000e+00 : f32
    %max3A_43 = vector.broadcast %max3A_42 : f32 to vector<128x1xf32>
    %max3A_44 = arith.maximumf %slice3A_40, %max3A_43 : vector<128x1xf32>
    %div3A_45 = vector.broadcast %max3A_44 : vector<128x1xf32> to vector<128x16xf32>
    %div3A_46 = arith.divf %slice3A_41, %div3A_45 : vector<128x16xf32>
    %get3A_47 = arith.constant 0 : index
    %get3A_48 = arith.constant 0 : index
    %get3A_49 = vector.load %arg5[%get3A_47, %get3A_48] : memref<128x16xf32, #tpu.memory_space<vmem>>, vector<128x16xf32>
    %mul3A = arith.mulf %div3A_46, %get3A_49 : vector<128x16xf32>
    %mul3A_50 = arith.constant 2.000000e+00 : f32
    %mul3A_51 = vector.broadcast %mul3A_50 : f32 to vector<128x16xf32>
    %mul3A_52 = arith.mulf %mul3A, %mul3A_51 : vector<128x16xf32>
    %swap3A = arith.constant 0 : index
    %swap3A_53 = arith.constant 0 : index
    %swap3A_54 = vector.load %arg9[%swap3A, %swap3A_53] : memref<128x16xf32, #tpu.memory_space<vmem>>, vector<128x16xf32>
    tpu.vector_store %arg9[%swap3A, %swap3A_53], %mul3A_52 {strides = array<i32>} : memref<128x16xf32, #tpu.memory_space<vmem>>, vector<128x16xf32>,
    %get3A_55 = arith.constant 0 : index
    %get3A_56 = arith.constant 0 : index
    %get3A_57 = vector.load %arg6[%get3A_55, %get3A_56] : memref<16x1xf32, #tpu.memory_space<vmem>>, vector<16x1xf32>
    %dot_general3A_58 = arith.constant dense<0.000000e+00> : vector<128x1xf32>
    %dot_general3A_59 = tpu.matmul %mul3A_52, %get3A_57, %dot_general3A_58 {dimension_numbers = #tpu.dot_dimension_numbers<[1], [0], [0], [1], [0, 0, 1, 1], [], []>, precision = #tpu.contract_precision<fp32>, transpose_lhs_hint = false} : vector<128x16xf32>, vector<16x1xf32>, vector<128x1xf32> -> vector<128x1xf32>
    %get3A_60 = arith.constant 0 : index
    %get3A_61 = arith.constant 0 : index
    %get3A_62 = vector.load %arg7[%get3A_60, %get3A_61] : memref<1x1xf32, #tpu.memory_space<vmem>>, vector<1x1xf32>
    %add3A_63 = vector.broadcast %get3A_62 : vector<1x1xf32> to vector<128x1xf32>
    %add3A_64 = arith.addf %dot_general3A_59, %add3A_63 : vector<128x1xf32>
    %swap3A_65 = arith.constant 0 : index
    %swap3A_66 = arith.constant 0 : index
    %swap3A_67 = vector.load %arg8[%swap3A_65, %swap3A_66] : memref<128x1xf32, #tpu.memory_space<vmem>>, vector<128x1xf32>
    tpu.vector_store %arg8[%swap3A_65, %swap3A_66], %add3A_64 {strides = array<i32>} : memref<128x1xf32, #tpu.memory_space<vmem>>, vector<128x1xf32>,
    return
  }
}

</mosaic_0001>

<sc_bundles>
// kernel: kernel.12.cloned.1.call-start
scs
__scs_entry_jumppad:
0x0: {  	(pc) =	sbr.rel $0x88, $3  }
0x1: {  	(tag) =	ssettag $0x0;
	lr =	simm.s32 $0x1  }
0x2: {  	[smem:$0x3F93] =	sst lr;
	_ =	strace $0xD0000000  }
0x3: {  	_ = 	snop  }
0x4: {  	_ = 	snop  }
0x5: {  	_ = 	snop  }
0x6: {  	_ = 	snop  }
0x7: {  	_ = 	snop  }
__scs_overlays_trampoline_lowered:
0x8: {  	[smem:$0x3FA2] =	sst s0  }
0x9: {  	[smem:$0x3FA3] =	sst s1  }
0xa: {  	[smem:$0x3FA4] =	sst s2  }
0xb: {  	[smem:$0x3FA5] =	sst s3  }
0xc: {  	[smem:$0x3FA6] =	sst s4  }
0xd: {  	[smem:$0x3FA7] =	sst s5  }
0xe: {  	[smem:$0x3FA8] =	sst s6  }
0xf: {  	[smem:$0x3FA9] =	sst s7  }
0x10: {  	[smem:$0x3FAA] =	sst s8  }
0x11: {  	[smem:$0x3FAB] =	sst s9;
	s0 =	simm.s32 @!p0 $0x0  }
0x12: {  	s1 =	sld [smem:$0x3F91];
	s0 =	simm.s32 @p0 $0x1  }
0x13: {  	[smem:$0x3FAC] =	sst s0;
	s0 =	simm.s32 @!p1 $0x0  }
0x14: {  	s2 =	sld [smem:$0x3F90];
	s0 =	simm.s32 @p1 $0x1  }
0x15: {  	[smem:$0x3FAD] =	sst s0;
	s0 =	simm.s32 @!p2 $0x0  }
0x16: {  	s3 =	sld [smem:$0x3FDB];
	s0 =	simm.s32 @p2 $0x1  }
0x17: {  	s4 =	simm.s32 $0x1BF5;
	[smem:$0x3FAF] =	sst s0  }
0x18: {  	s0 =	sld [smem:$0x3F92];
	_ =	swait.ge [sflag:s4], $0x0  }
0x19: {  	s7 =	sld [smem:$0x3F93]  }
0x1a: {  	s8 =	sadd.s32 $0xFFFFE003, lr  }
0x1b: {  	s9 =	sadd.s32 $0xFFFFFEF7, lr;
	s5 =	simm.s32 $0xFFFFFFFF;
	p2 =	slt.u32 s8, $0xFFFFF086  }
0x1c: {  	p1 =	slt.u32 s9, $0xF7A;
	s5 =	simm.s32 @!p2 $0x0  }
0x1d: {  	s5 =	simm.s32 @p1 $0x1;
	p0 =	seq.s32 s7, s2  }
0x1e: {  	s7 =	smul.u32 @!p0 $0xF7A, s2;
	p2 =	seq.s32 @!p0 s5, $0x0  }
0x1f: {  	s9 =	smul.u32 $0xF7A, s1;
	s8 =	simm.s32 @!p0 $0x1BF5;
	p2 =	por !p2, p0  }
0x20: {  	[sflag:s8] =	ssyncset.s32 @!p0 $0xFFFFF086;
	s6 =	sadd.s32 @!p0 s3, s7;
	s7 =	simm.s32 @!p0 $0x108  }
0x21: {  	s3 =	sadd.s32 s3, s9;
	s6 =	sadd.s32 @!p0 $0x88, s6;
	s7 =	simm.s32 @p2 $0x1082  }
0x22: {  	[simem:s7], [sflag:s8] =	dma.local @!p0 [hbm:s6], $0xF7A  }
0x23: {  	s9 =	sor.u32 $0xD0000000, s2;
	s6 =	simm.s32 $0x108;
	_ =	swait.ge @!p0 [sflag:s8], $0x0  }
0x24: {  	s3 =	sadd.s32 $0x88, s3;
	s6 =	simm.s32 @!p1 $0x1082;
	[sflag:s4] =	ssyncset.s32 $0xFFFFF086  }
0x25: {  	[simem:s6], [sflag:s4] =	dma.local [hbm:s3], $0xF7A  }
0x26: {  	[smem:$0x3F93] =	sst s1;
	(tag) =	ssettag s2;
	_ =	strace s9  }
0x27: {  	s1 =	sld [smem:$0x3FA3]  }
0x28: {  	s2 =	sld [smem:$0x3FA4]  }
0x29: {  	s4 =	sld [smem:$0x3FA6]  }
0x2a: {  	p0 =	seq.s32 s5, $0x0;
	s5 =	sld [smem:$0x3FA7]  }
0x2b: {  	s6 =	sld [smem:$0x3FA8]  }
0x2c: {  	s7 =	sld [smem:$0x3FA9]  }
0x2d: {  	s3 =	simm.s32 $0x108;
	s8 =	sld [smem:$0x3FAA]  }
0x2e: {  	s3 =	simm.s32 @!p0 $0x1082;
	s9 =	sld [smem:$0x3FAB]  }
0x2f: {  	lr =	sadd.s32 s0, s3;
	s0 =	sld [smem:$0x3FA2]  }
0x30: {  	s3 =	sld [smem:$0x3FA5]  }
0x31: {  	[smem:$0x3FAE] =	sst s10  }
0x32: {  	s10 =	sld [smem:$0x3FAC];
	_ =	sdelay $0x3  }
0x33: {  	p0 =	seq.s32 s10, $0x1;
	s10 =	sld [smem:$0x3FAE];
	_ =	sdelay $0x3  }
0x34: {  	[smem:$0x3FAE] =	sst s10  }
0x35: {  	s10 =	sld [smem:$0x3FAD];
	_ =	sdelay $0x3  }
0x36: {  	p1 =	seq.s32 s10, $0x1;
	s10 =	sld [smem:$0x3FAE];
	_ =	sdelay $0x3  }
0x37: {  	[smem:$0x3FAE] =	sst s10  }
0x38: {  	s10 =	sld [smem:$0x3FAF]  }
0x39: {  	_ = 	snop;
	(pc) =	sbr.ind lr, $3  }
0x3a: {  	_ = 	snop  }
0x3b: {  	_ = 	snop  }
0x3c: {  	p2 =	seq.s32 s10, $0x1;
	s10 =	sld [smem:$0x3FAE]  }
0x3d: {  	_ =	shalt  }
0x3e: {  	_ =	shalt  }
0x3f: {  	_ =	shalt  }
0x40: {  	_ =	shalt  }
0x41: {  	_ =	shalt  }
0x42: {  	_ =	shalt  }
0x43: {  	_ =	shalt  }
0x44: {  	_ =	shalt  }
0x45: {  	_ =	shalt  }
0x46: {  	_ =	shalt  }
0x47: {  	_ =	shalt  }
0x48: {  	_ =	shalt  }
0x49: {  	_ =	shalt  }
0x4a: {  	_ =	shalt  }
0x4b: {  	_ =	shalt  }
0x4c: {  	_ =	shalt  }
0x4d: {  	_ =	shalt  }
0x4e: {  	_ =	shalt  }
0x4f: {  	_ =	shalt  }
0x50: {  	_ =	shalt  }
0x51: {  	_ =	shalt  }
0x52: {  	_ =	shalt  }
0x53: {  	_ =	shalt  }
0x54: {  	_ =	shalt  }
0x55: {  	_ =	shalt  }
0x56: {  	_ =	shalt  }
0x57: {  	_ =	shalt  }
0x58: {  	_ =	shalt  }
0x59: {  	_ =	shalt  }
0x5a: {  	_ =	shalt  }
0x5b: {  	_ =	shalt  }
0x5c: {  	_ =	shalt  }
0x5d: {  	_ =	shalt  }
0x5e: {  	_ =	shalt  }
0x5f: {  	_ =	shalt  }
0x60: {  	_ =	shalt  }
0x61: {  	_ =	shalt  }
0x62: {  	_ =	shalt  }
0x63: {  	_ =	shalt  }
0x64: {  	_ =	shalt  }
0x65: {  	_ =	shalt  }
0x66: {  	_ =	shalt  }
0x67: {  	_ =	shalt  }
0x68: {  	_ =	shalt  }
0x69: {  	_ =	shalt  }
0x6a: {  	_ =	shalt  }
0x6b: {  	_ =	shalt  }
0x6c: {  	_ =	shalt  }
0x6d: {  	_ =	shalt  }
0x6e: {  	_ =	shalt  }
0x6f: {  	_ =	shalt  }
0x70: {  	_ =	shalt  }
0x71: {  	_ =	shalt  }
0x72: {  	_ =	shalt  }
0x73: {  	_ =	shalt  }
0x74: {  	_ =	shalt  }
0x75: {  	_ =	shalt  }
0x76: {  	_ =	shalt  }
0x77: {  	_ =	shalt  }
0x78: {  	_ =	shalt  }
0x79: {  	_ =	shalt  }
0x7a: {  	_ =	shalt  }
0x7b: {  	_ =	shalt  }
0x7c: {  	_ =	shalt  }
0x7d: {  	_ =	shalt  }
0x7e: {  	_ =	shalt  }
0x7f: {  	_ =	shalt  }
0x80: {  	_ =	shalt  }
0x81: {  	_ =	shalt  }
0x82: {  	_ =	shalt  }
0x83: {  	_ =	shalt  }
0x84: {  	_ =	shalt  }
0x85: {  	_ =	shalt  }
0x86: {  	_ =	shalt  }
0x87: {  	_ =	shalt  }
.Lfunc_end0:
.L_simem_size_0:
called_computation_lowered:
.L_overlay_start_0:
0x88: {  	s2 =	sld [smem:$0x3FD9]  }
0x89: {  	s3 =	sld [smem:$0x3FFE];
	_ =	sdelay $0x1  }
0x8a: {  	s1 =	srdreg.scid  }
0x8b: {  	s0 =	sand.u32 $0x1, s1  }
0x8c: {  	s17 =	sshll.u32 s0, $0xA;
	s2 =	sadd.s32 s3, s2  }
0x8d: {  	s2 =	sadd.s32 s2, s17  }
0x8e: {  	[smem:$0x3FBA] =	sst s2  }
0x8f: {  	_ = 	snop  }
0x90: {  	(tm) =	ssettm $0x1  }
0x91: {  	s18 =	sld [smem:$0x3FFB];
	_ =	sdelay $0x3  }
0x92: {  	_ =	strace s18  }
0x93: {  	s2 =	sld [smem:$0x3FFC];
	_ =	sdelay $0x3  }
0x94: {  	_ =	strace s2  }
0x95: {  	s2 =	sld [smem:$0x3FFD];
	_ =	sdelay $0x3  }
0x96: {  	_ =	strace s2  }
0x97: {  	_ =	strace $0x8FFFFFFF  }
0x98: {  	s19 =	sld [smem:$0x3FDB];
	_ =	sdelay $0x1  }
0x99: {  	s20 =	simm.s32 $_scs_section_size  }
0x9a: {  	s4 =	simm.s32 $_size__tile_overlayer_lowered;
	s5 =	simm.s32 $_tile_overlayer_lowered  }
0x9b: {  	s6 =	simm.s32 $0x1BFF;
	s21 =	sshll.u32 s5, $0x1;
	s3 =	sadd.s32 s20, s19  }
0x9c: {  	s22 =	simm.s32 $0x0;
	s4 =	sshll.u32 s4, $0x1;
	s5 =	sadd.s32 s21, s3  }
0x9d: {  	[timem:s22], [sflag:s6] =	dma.local [hbm:s5], s4  }
0x9e: {  	_ =	swait.ge [sflag:s6], s4  }
0x9f: {  	s4 =	ssub.s32 $0x0, s4;
	[sflag:s6] =	ssyncset.done $0x0  }
0xa0: {  	[sflag:s6] =	ssyncadd.s32 s4;
	_ =	sdelay $0x1  }
0xa1: {  	s23 =	simm.s32 $0x1B8B  }
0xa2: {  	_ =	swait.ge [sflag:s23], $0x1  }
0xa3: {  	[sflag:s23] =	ssyncset.done $0x0  }
0xa4: {  	[sflag:s23] =	ssyncadd.s32 $0xFFFFFFFF  }
0xa5: {  	s4 =	sld [smem:$0x0]  }
0xa6: {  	s5 =	sand.u32 $0xFFFFFFFE, s1  }
0xa7: {  	p0 =	sne.s32 s1, s5  }
0xa8: {  	s5 =	sshll.u32 @p0 s5, $0xE  }
0xa9: {  	s5 =	sadd.s32 @p0 $0x11B8D, s5;
	s6 =	sshll.u32 @p0 s4, $0x11  }
0xaa: {  	s5 =	sor.u32 @p0 s6, s5  }
0xab: {  	[sflag:s5] =	ssyncadd.remote.s32 @p0 $0x1;
	_ =	sdelay $0x1  }
0xac: {  	s5 =	simm.s32 @p0 $0x1B8D  }
0xad: {  	_ =	swait.eq @p0 [sflag:s5], $0x1  }
0xae: {  	[sflag:s5] =	ssyncadd.s32 @p0 $0xFFFFFFFF  }
0xaf: {  	s6 =	sshll.u32 @!p0 s1, $0xE  }
0xb0: {  	s6 =	sor.u32 @!p0 $0x4000, s6;
	s5 =	simm.s32 @!p0 $0x1B8D  }
0xb1: {  	s4 =	sshll.u32 @!p0 s4, $0x11;
	s6 =	sadd.s32 @!p0 $0x11B8D, s6;
	_ =	swait.eq @!p0 [sflag:s5], $0x1  }
0xb2: {  	s4 =	sor.u32 @!p0 s4, s6;
	[sflag:s5] =	ssyncadd.s32 @!p0 $0xFFFFFFFF  }
0xb3: {  	s25 =	simm.s32 $0x1B8E;
	s24 =	sld [smem:$0x3FFE];
	[sflag:s4] =	ssyncadd.remote.s32 @!p0 $0x1  }
0xb4: {  	s26 =	simm.s32 $execute0_lowered;
	[smem:$0x3FD2] =	sst s25  }
0xb5: {  	s5 =	sshll.u32 s26, $0x1;
	_ =	strace $0x80000049;
	[dreg:$0x1] =	wrdreg $0xFFFFFFFF  }
0xb6: {  	s28 =	simm.s32 $_size_execute0_lowered;
	s3 =	sadd.s32 s3, s5;
	[dreg:$0x0] =	wrdreg $0x0  }
0xb7: {  	s5 =	sshll.u32 s28, $0x1;
	[dreg:$0x2] =	wrdreg s3  }
0xb8: {  	[dreg:$0x3] =	wrdreg s5  }
0xb9: {  	[dreg:$0x4] =	wrdreg $0xC0  }
0xba: {  	_ =	task [dreg:s22], $0x5FFFF  }
0xbb: {  	[dreg:$0x1] =	wrdreg $0xFFFFFFFF  }
0xbc: {  	[dreg:$0x0] =	wrdreg $0x60  }
0xbd: {  	[dreg:$0x2] =	wrdreg s24  }
0xbe: {  	[dreg:$0x3] =	wrdreg $0x0  }
0xbf: {  	[dreg:$0x4] =	wrdreg $0x9  }
0xc0: {  	_ =	task.clear_ibuf [dreg:s22], $0x5FFFF;
	_ =	strace $0x90000049  }
0xc1: {  	s29 =	simm.s32 $0x9;
	_ =	strace $0x8000004B  }
0xc2: {  	_ =	swait.ge [sflag:s29], $0x1  }
0xc3: {  	[sflag:s29] =	ssyncadd.s32 $0xFFFFFFFF  }
0xc4: {  	_ =	strace $0x9000004B  }
0xc5: {  	_ =	sfence  }
0xc6: {  	s30 =	sld [smem:$0x0];
	_ =	sdelay $0x2  }
0xc7: {  	s31 =	sshll.u32 s1, $0xD;
	s1 =	sshrl.u32 s1, $0x2  }
0xc8: {  	s4 =	sand.u32 $0x4000, s31;
	s1 =	sadd.s32 s1, s30  }
0xc9: {  	s0 =	sor.u32 s4, s0;
	s1 =	sshll.u32 s1, $0x11  }
0xca: {  	s0 =	sor.u32 s1, s0  }
0xcb: {  	s0 =	sadd.s32 $0x8F2B, s0  }
0xcc: {  	[sflag:s0] =	ssyncadd.remote.s32 $0x1  }
0xcd: {  	_ =	sfence.sel $0xFFFF  }
0xce: {  	[dreg:$0x0] =	wrdreg $0xFFFFFFFF;
	(pc) =	sbr.abs _section_cstart, $3  }
0xcf: {  	[dreg:$0x1] =	wrdreg $0xFFFFFFFF  }
0xd0: {  	_ =	task.clear_ibuf [dreg:s22], $0x2FFFF;
	_ =	strace $0x9FFFFFFF  }
0xd1: {  	(tm) =	ssettm $0x7FFFFFFF  }
tec
execute0_lowered:
.L_overlay_start_1:
0x0: {  	(tag) =	ssettag $0x1  }
0x1: {  	s4 =	rddreg [dreg:$0x0]  }
0x2: {  	s2 =	rddreg [dreg:$0x1]  }
0x3: {  	s1 =	srdreg.scid;
	s0 =	rddreg [dreg:$0x2]  }
0x4: {  	s3 =	simm.s32 $0x0;
	s12 =	simm.s32 $0x5800;
	s13 =	simm.s32 $0x1  }
0x5: {  	s14 =	simm.s32 $0x2800;
	s15 =	simm.s32 $0x80;
	s5 =	sand.u32 $0x1, s1  }
0x6: {  	s16 =	simm.s32 $0x5000;
	s1 =	stileid.u32;
	s7 =	smul.u32 $0x28000, s5  }
0x7: {  	[smem:$0x7FF] =	sst s3;
	s6 =	sshll.u32 s5, $0x4;
	s8 =	smul.u32 $0x2800, s1  }
0x8: {  	_ =	strace $0x8000004A;
	s9 =	smul.u32 $0xA000, s1;
	s5 =	ssub.s32 $0x2, s5  }
0x9: {  	s17 =	sshll.u32 s1, $0x6;
	s6 =	sor.u32 s1, s6;
	s31 =	sshrl.u32 s5, $0x1  }
0xa: {  	s17 =	sor.u32 $0x1C01, s17;
	s6 =	smul.u32 $0x500, s6;
	s7 =	sadd.s32 s8, s7  }
0xb: {  	s9 =	sshrl.u32 s9, $0x2;
	s10 =	ssub.s32 s5, s31;
	s18 =	sadd.s32 s8, s2  }
0xc: {  	s7 =	sshrl.u32 s7, $0x3;
	s18 =	sshrl.u32 s18, $0x3;
	s6 =	sadd.s32 s6, s4  }
0xd: {  	s7 =	sadd.s32 s7, s4;
	s4 =	sadd.s32 s9, s2;
	s5 =	sadd.s32 $0x2A600, s6  }
0xe: {  	s6 =	sadd.s32 $0x66600, s7;
	s7 =	smax.u32 s10, $0x1;
	s8 =	sadd.s32 $0x800, s4  }
0xf: {  	v0 =	vimm.f32 $1.000000000e+00;
	v1 =	vimm.f32 $0.0e+00;
	s9 =	sadd.s32 $0x1000, s4;
	s10 =	sadd.s32 $0x1800, s4;
	s11 =	sadd.s32 $0x2000, s4  }
.LBB2_1:
0x10: {  	s19 =	simm.s32 $0x40;
	s20 =	simm.s32 $0x0  }
.LBB2_2:
0x11: {  	p0 =	sne.s32 s19, $0x1FC0;
	[tilespmem:s20+$0x5000] =	vst v0;
	s21 =	smov.u32 s19;
	s19 =	sadd.s32 $0x40, s19  }
.Ltmp0:
0x12: {  	[tilespmem:s20+$0x5800] =	vst v1;
	(pc) =	sbr.rel @p0 .LBB2_2-.Ltmp0, $2  }
0x13: {  	_ =	sdelay $0x2  }
0x14: {  	s20 =	sshra.s32 s21, $0x2  }
0x15: {  	[tilespmem:s20+$0x5000] =	vst v0  }
0x16: {  	[tilespmem:s20+$0x5800] =	vst v1  }
0x17: {  	[spmem:s4] =	stream.linear.scatter [tilespmem:s12], [sflag:$0x1], $0x800, $0x38;
	[tilespmem:$0x6000] =	vst v63  }
0x18: {  	_ =	swait.ge [sflag:s13], $0x800  }
0x19: {  	[sflag:s13] =	ssyncset.done $0x0  }
0x1a: {  	[sflag:s13] =	ssyncadd.s32 $0xFFFFF800  }
0x1b: {  	[spmem:s8] =	stream.linear.scatter [tilespmem:s12], [sflag:$0x1], $0x800, $0x38;
	[tilespmem:$0x6000] =	vst v63  }
0x1c: {  	_ =	swait.ge [sflag:s13], $0x800  }
0x1d: {  	[sflag:s13] =	ssyncset.done $0x0  }
0x1e: {  	[sflag:s13] =	ssyncadd.s32 $0xFFFFF800  }
0x1f: {  	[spmem:s9] =	stream.linear.scatter [tilespmem:s12], [sflag:$0x1], $0x800, $0x38;
	[tilespmem:$0x6000] =	vst v63  }
0x20: {  	_ =	swait.ge [sflag:s13], $0x800  }
0x21: {  	[sflag:s13] =	ssyncset.done $0x0  }
0x22: {  	[sflag:s13] =	ssyncadd.s32 $0xFFFFF800  }
0x23: {  	[spmem:s10] =	stream.linear.scatter [tilespmem:s12], [sflag:$0x1], $0x800, $0x38;
	[tilespmem:$0x6000] =	vst v63  }
0x24: {  	_ =	swait.ge [sflag:s13], $0x800  }
0x25: {  	[sflag:s13] =	ssyncset.done $0x0  }
0x26: {  	[sflag:s13] =	ssyncadd.s32 $0xFFFFF800  }
0x27: {  	[spmem:s11] =	stream.linear.scatter [tilespmem:s12], [sflag:$0x1], $0x800, $0x38;
	[tilespmem:$0x6000] =	vst v63  }
0x28: {  	_ =	swait.ge [sflag:s13], $0x800  }
0x29: {  	[sflag:s13] =	ssyncset.done $0x0  }
0x2a: {  	s19 =	simm.s32 $0x0;
	[sflag:s13] =	ssyncadd.s32 $0xFFFFF800  }
0x2b: {  	[tilespmem:s14], [sflag:$0x1] =	stream.linear.gather [hbm4b:s5+s19], $0x2800, $0x38;
	[tilespmem:$0x6000] =	vst v63  }
0x2c: {  	_ =	swait.ge [sflag:s13], $0x2800  }
0x2d: {  	[sflag:s13] =	ssyncset.done $0x0  }
0x2e: {  	[sflag:s13] =	ssyncadd.s32 $0xFFFFD800  }
0x2f: {  	s31 =	simm.s32 $0x2800;
	[bflag:$0x0] =	sbarrier.arrive $0xFFFF  }
0x30: {  	[spmem:s2] =	stream.indirect.scatter.add.f32 [tilespmem:s16], [sflag:$0x1], $0x10, s31, s15, $0xb8;
	[tilespmem:$0x6000] =	vst v63  }
0x31: {  	s19 =	simm.s32 $0x200;
	_ =	swait.ge [sflag:s13], $0x800  }
.LBB2_4:
0x32: {  	s20 =	sshra.s32 s19, $0x2;
	[sflag:s13] =	ssyncset.done $0x0;
	p0 =	sne.s32 s19, $0x9E00  }
.Ltmp1:
0x33: {  	s20 =	sadd.s32 $0x2800, s20;
	[sflag:s13] =	ssyncadd.s32 $0xFFFFF800;
	(pc) =	sbr.rel @p0 .LBB2_4-.Ltmp1, $3  }
0x34: {  	[spmem:s2] =	stream.indirect.scatter.add.f32 [tilespmem:s16], [sflag:$0x1], $0x10, s20, s15, $0xb8;
	[tilespmem:$0x6000] =	vst v63  }
0x35: {  	s19 =	sadd.s32 $0x200, s19;
	_ =	sdelay $0x1  }
0x36: {  	_ =	swait.ge [sflag:s13], $0x800  }
0x37: {  	[sflag:s13] =	ssyncset.done $0x0;
	s3 =	sadd.s32 $0x1, s3  }
0x38: {  	[sflag:s13] =	ssyncadd.s32 $0xFFFFF800;
	p0 =	sne.s32 s3, s7  }
.Ltmp2:
0x39: {  	[bflag:$0x0] =	sbarrier.arrive $0xFFFF;
	(pc) =	sbr.rel @p0 .LBB2_1-.Ltmp2, $4  }
0x3a: {  	[hbm:s6], [sflag:s17] =	dma.local [spmem:s18], $0x500  }
0x3b: {  	_ =	swait.ge [sflag:s13], $0x500  }
0x3c: {  	[sflag:s13] =	ssyncset.done $0x0  }
0x3d: {  	[sflag:s13] =	ssyncadd.s32 $0xFFFFFB00  }
0x3e: {  	_ =	sfence.sel $0x180000  }
0x3f: {  	[bflag:$0x0] =	sbarrier.arrive $0xFFFF  }
0x40: {  	p0 =	sne.s32 s1, $0x0;
	_ =	strace $0x9000004A  }
0x41: {  	s0 =	sadd.s32 @!p0 $0x100000, s0;
	[bflag:$0x2] =	sbarrier.arrive $0xFFFF  }
0x42: {  	[sflag:s0] =	ssyncadd.tile.s32 @!p0 $0x1;
	_ =	shalt  }
.Lfunc_end2:
_tile_overlayer_lowered:
.L_overlay_start_2:
0x43: {  	(tag) =	ssettag $0x2  }
0x44: {  	s0 =	rddreg [dreg:$0x0];
	s2 =	stileid.u32  }
0x45: {  	s1 =	rddreg [dreg:$0x1];
	p0 =	sne.s32 s2, $0x0  }
0x46: {  	s3 =	rddreg [dreg:$0x2];
	[bflag:$0x3] =	sbarrier.arrive $0xFFFF;
	s2 =	simm.s32 @!p0 $0x1C01  }
0x47: {  	[timem:s3], [sflag:s2] =	dma.local @!p0 [hbm:s0], s1  }
0x48: {  	s0 =	simm.s32 @!p0 $0x1  }
0x49: {  	_ =	swait.ge @!p0 [sflag:s0], s1  }
0x4a: {  	s1 =	ssub.s32 @!p0 $0x0, s1;
	[sflag:s0] =	ssyncset.done @!p0 $0x0  }
0x4b: {  	[sflag:s0] =	ssyncadd.s32 @!p0 s1  }
0x4c: {  	[bflag:$0x3] =	sbarrier.arrive $0xFFFF  }
0x4d: {  	_ =	shalt  }

// kernel: kernel.15.cloned.1.call-start
scs
__scs_entry_jumppad:
0x0: {  	(pc) =	sbr.rel $0x88, $3  }
0x1: {  	(tag) =	ssettag $0x0;
	lr =	simm.s32 $0x1  }
0x2: {  	[smem:$0x3F93] =	sst lr;
	_ =	strace $0xD0000000  }
0x3: {  	_ = 	snop  }
0x4: {  	_ = 	snop  }
0x5: {  	_ = 	snop  }
0x6: {  	_ = 	snop  }
0x7: {  	_ = 	snop  }
__scs_overlays_trampoline_lowered:
0x8: {  	[smem:$0x3FA2] =	sst s0  }
0x9: {  	[smem:$0x3FA3] =	sst s1  }
0xa: {  	[smem:$0x3FA4] =	sst s2  }
0xb: {  	[smem:$0x3FA5] =	sst s3  }
0xc: {  	[smem:$0x3FA6] =	sst s4  }
0xd: {  	[smem:$0x3FA7] =	sst s5  }
0xe: {  	[smem:$0x3FA8] =	sst s6  }
0xf: {  	[smem:$0x3FA9] =	sst s7  }
0x10: {  	[smem:$0x3FAA] =	sst s8  }
0x11: {  	[smem:$0x3FAB] =	sst s9;
	s0 =	simm.s32 @!p0 $0x0  }
0x12: {  	s1 =	sld [smem:$0x3F91];
	s0 =	simm.s32 @p0 $0x1  }
0x13: {  	[smem:$0x3FAC] =	sst s0;
	s0 =	simm.s32 @!p1 $0x0  }
0x14: {  	s2 =	sld [smem:$0x3F90];
	s0 =	simm.s32 @p1 $0x1  }
0x15: {  	[smem:$0x3FAD] =	sst s0;
	s0 =	simm.s32 @!p2 $0x0  }
0x16: {  	s3 =	sld [smem:$0x3FDB];
	s0 =	simm.s32 @p2 $0x1  }
0x17: {  	s4 =	simm.s32 $0x1BF5;
	[smem:$0x3FAF] =	sst s0  }
0x18: {  	s0 =	sld [smem:$0x3F92];
	_ =	swait.ge [sflag:s4], $0x0  }
0x19: {  	s7 =	sld [smem:$0x3F93]  }
0x1a: {  	s8 =	sadd.s32 $0xFFFFE003, lr  }
0x1b: {  	s9 =	sadd.s32 $0xFFFFFEF7, lr;
	s5 =	simm.s32 $0xFFFFFFFF;
	p2 =	slt.u32 s8, $0xFFFFF086  }
0x1c: {  	p1 =	slt.u32 s9, $0xF7A;
	s5 =	simm.s32 @!p2 $0x0  }
0x1d: {  	s5 =	simm.s32 @p1 $0x1;
	p0 =	seq.s32 s7, s2  }
0x1e: {  	s7 =	smul.u32 @!p0 $0xF7A, s2;
	p2 =	seq.s32 @!p0 s5, $0x0  }
0x1f: {  	s9 =	smul.u32 $0xF7A, s1;
	s8 =	simm.s32 @!p0 $0x1BF5;
	p2 =	por !p2, p0  }
0x20: {  	[sflag:s8] =	ssyncset.s32 @!p0 $0xFFFFF086;
	s6 =	sadd.s32 @!p0 s3, s7;
	s7 =	simm.s32 @!p0 $0x108  }
0x21: {  	s3 =	sadd.s32 s3, s9;
	s6 =	sadd.s32 @!p0 $0x88, s6;
	s7 =	simm.s32 @p2 $0x1082  }
0x22: {  	[simem:s7], [sflag:s8] =	dma.local @!p0 [hbm:s6], $0xF7A  }
0x23: {  	s9 =	sor.u32 $0xD0000000, s2;
	s6 =	simm.s32 $0x108;
	_ =	swait.ge @!p0 [sflag:s8], $0x0  }
0x24: {  	s3 =	sadd.s32 $0x88, s3;
	s6 =	simm.s32 @!p1 $0x1082;
	[sflag:s4] =	ssyncset.s32 $0xFFFFF086  }
0x25: {  	[simem:s6], [sflag:s4] =	dma.local [hbm:s3], $0xF7A  }
0x26: {  	[smem:$0x3F93] =	sst s1;
	(tag) =	ssettag s2;
	_ =	strace s9  }
0x27: {  	s1 =	sld [smem:$0x3FA3]  }
0x28: {  	s2 =	sld [smem:$0x3FA4]  }
0x29: {  	s4 =	sld [smem:$0x3FA6]  }
0x2a: {  	p0 =	seq.s32 s5, $0x0;
	s5 =	sld [smem:$0x3FA7]  }
0x2b: {  	s6 =	sld [smem:$0x3FA8]  }
0x2c: {  	s7 =	sld [smem:$0x3FA9]  }
0x2d: {  	s3 =	simm.s32 $0x108;
	s8 =	sld [smem:$0x3FAA]  }
0x2e: {  	s3 =	simm.s32 @!p0 $0x1082;
	s9 =	sld [smem:$0x3FAB]  }
0x2f: {  	lr =	sadd.s32 s0, s3;
	s0 =	sld [smem:$0x3FA2]  }
0x30: {  	s3 =	sld [smem:$0x3FA5]  }
0x31: {  	[smem:$0x3FAE] =	sst s10  }
0x32: {  	s10 =	sld [smem:$0x3FAC];
	_ =	sdelay $0x3  }
0x33: {  	p0 =	seq.s32 s10, $0x1;
	s10 =	sld [smem:$0x3FAE];
	_ =	sdelay $0x3  }
0x34: {  	[smem:$0x3FAE] =	sst s10  }
0x35: {  	s10 =	sld [smem:$0x3FAD];
	_ =	sdelay $0x3  }
0x36: {  	p1 =	seq.s32 s10, $0x1;
	s10 =	sld [smem:$0x3FAE];
	_ =	sdelay $0x3  }
0x37: {  	[smem:$0x3FAE] =	sst s10  }
0x38: {  	s10 =	sld [smem:$0x3FAF]  }
0x39: {  	_ = 	snop;
	(pc) =	sbr.ind lr, $3  }
0x3a: {  	_ = 	snop  }
0x3b: {  	_ = 	snop  }
0x3c: {  	p2 =	seq.s32 s10, $0x1;
	s10 =	sld [smem:$0x3FAE]  }
0x3d: {  	_ =	shalt  }
0x3e: {  	_ =	shalt  }
0x3f: {  	_ =	shalt  }
0x40: {  	_ =	shalt  }
0x41: {  	_ =	shalt  }
0x42: {  	_ =	shalt  }
0x43: {  	_ =	shalt  }
0x44: {  	_ =	shalt  }
0x45: {  	_ =	shalt  }
0x46: {  	_ =	shalt  }
0x47: {  	_ =	shalt  }
0x48: {  	_ =	shalt  }
0x49: {  	_ =	shalt  }
0x4a: {  	_ =	shalt  }
0x4b: {  	_ =	shalt  }
0x4c: {  	_ =	shalt  }
0x4d: {  	_ =	shalt  }
0x4e: {  	_ =	shalt  }
0x4f: {  	_ =	shalt  }
0x50: {  	_ =	shalt  }
0x51: {  	_ =	shalt  }
0x52: {  	_ =	shalt  }
0x53: {  	_ =	shalt  }
0x54: {  	_ =	shalt  }
0x55: {  	_ =	shalt  }
0x56: {  	_ =	shalt  }
0x57: {  	_ =	shalt  }
0x58: {  	_ =	shalt  }
0x59: {  	_ =	shalt  }
0x5a: {  	_ =	shalt  }
0x5b: {  	_ =	shalt  }
0x5c: {  	_ =	shalt  }
0x5d: {  	_ =	shalt  }
0x5e: {  	_ =	shalt  }
0x5f: {  	_ =	shalt  }
0x60: {  	_ =	shalt  }
0x61: {  	_ =	shalt  }
0x62: {  	_ =	shalt  }
0x63: {  	_ =	shalt  }
0x64: {  	_ =	shalt  }
0x65: {  	_ =	shalt  }
0x66: {  	_ =	shalt  }
0x67: {  	_ =	shalt  }
0x68: {  	_ =	shalt  }
0x69: {  	_ =	shalt  }
0x6a: {  	_ =	shalt  }
0x6b: {  	_ =	shalt  }
0x6c: {  	_ =	shalt  }
0x6d: {  	_ =	shalt  }
0x6e: {  	_ =	shalt  }
0x6f: {  	_ =	shalt  }
0x70: {  	_ =	shalt  }
0x71: {  	_ =	shalt  }
0x72: {  	_ =	shalt  }
0x73: {  	_ =	shalt  }
0x74: {  	_ =	shalt  }
0x75: {  	_ =	shalt  }
0x76: {  	_ =	shalt  }
0x77: {  	_ =	shalt  }
0x78: {  	_ =	shalt  }
0x79: {  	_ =	shalt  }
0x7a: {  	_ =	shalt  }
0x7b: {  	_ =	shalt  }
0x7c: {  	_ =	shalt  }
0x7d: {  	_ =	shalt  }
0x7e: {  	_ =	shalt  }
0x7f: {  	_ =	shalt  }
0x80: {  	_ =	shalt  }
0x81: {  	_ =	shalt  }
0x82: {  	_ =	shalt  }
0x83: {  	_ =	shalt  }
0x84: {  	_ =	shalt  }
0x85: {  	_ =	shalt  }
0x86: {  	_ =	shalt  }
0x87: {  	_ =	shalt  }
.Lfunc_end0:
.L_simem_size_0:
called_computation.1_lowered:
.L_overlay_start_0:
0x88: {  	s2 =	sld [smem:$0x3FD9]  }
0x89: {  	s3 =	sld [smem:$0x3FFE];
	_ =	sdelay $0x1  }
0x8a: {  	s1 =	srdreg.scid  }
0x8b: {  	s0 =	sand.u32 $0x1, s1  }
0x8c: {  	s16 =	sshll.u32 s0, $0xA;
	s2 =	sadd.s32 s3, s2  }
0x8d: {  	s2 =	sadd.s32 s2, s16  }
0x8e: {  	[smem:$0x3FBA] =	sst s2  }
0x8f: {  	_ = 	snop  }
0x90: {  	(tm) =	ssettm $0x1  }
0x91: {  	s17 =	sld [smem:$0x3FFB];
	_ =	sdelay $0x3  }
0x92: {  	_ =	strace s17  }
0x93: {  	s2 =	sld [smem:$0x3FFC];
	_ =	sdelay $0x3  }
0x94: {  	_ =	strace s2  }
0x95: {  	s2 =	sld [smem:$0x3FFD];
	_ =	sdelay $0x3  }
0x96: {  	_ =	strace s2  }
0x97: {  	_ =	strace $0x8FFFFFFF  }
0x98: {  	s18 =	sld [smem:$0x3FDB];
	_ =	sdelay $0x1  }
0x99: {  	s19 =	simm.s32 $_scs_section_size  }
0x9a: {  	s4 =	simm.s32 $_size__tile_overlayer_lowered;
	s5 =	simm.s32 $_tile_overlayer_lowered  }
0x9b: {  	s22 =	simm.s32 $0x1BFF;
	s21 =	sshll.u32 s5, $0x1;
	s2 =	sadd.s32 s19, s18  }
0x9c: {  	s6 =	simm.s32 $0x0;
	s20 =	sshll.u32 s4, $0x1;
	s4 =	sadd.s32 s21, s2  }
0x9d: {  	[timem:s6], [sflag:s22] =	dma.local [hbm:s4], s20  }
0x9e: {  	_ =	swait.ge [sflag:s22], s20  }
0x9f: {  	s3 =	ssub.s32 $0x0, s20;
	[sflag:s22] =	ssyncset.done $0x0  }
0xa0: {  	[sflag:s22] =	ssyncadd.s32 s3;
	_ =	sdelay $0x1  }
0xa1: {  	s23 =	simm.s32 $0x1B8B  }
0xa2: {  	_ =	swait.ge [sflag:s23], $0x1  }
0xa3: {  	[sflag:s23] =	ssyncset.done $0x0  }
0xa4: {  	s25 =	simm.s32 $0x1B8E;
	s24 =	sld [smem:$0x3FFE];
	[sflag:s23] =	ssyncadd.s32 $0xFFFFFFFF  }
0xa5: {  	s26 =	simm.s32 $execute0_lowered;
	[smem:$0x3FD2] =	sst s25  }
0xa6: {  	s4 =	sshll.u32 s26, $0x1;
	_ =	strace $0x80000046;
	[dreg:$0x1] =	wrdreg $0xFFFFFFFF  }
0xa7: {  	s28 =	simm.s32 $_size_execute0_lowered;
	s2 =	sadd.s32 s2, s4;
	[dreg:$0x0] =	wrdreg $0x0  }
0xa8: {  	s4 =	sshll.u32 s28, $0x1;
	[dreg:$0x2] =	wrdreg s2  }
0xa9: {  	[dreg:$0x3] =	wrdreg s4  }
0xaa: {  	[dreg:$0x4] =	wrdreg $0xC0  }
0xab: {  	_ =	task [dreg:s6], $0x5FFFF  }
0xac: {  	[dreg:$0x1] =	wrdreg $0xFFFFFFFF  }
0xad: {  	[dreg:$0x0] =	wrdreg $0x60  }
0xae: {  	[dreg:$0x2] =	wrdreg s24  }
0xaf: {  	[dreg:$0x3] =	wrdreg $0x0  }
0xb0: {  	[dreg:$0x4] =	wrdreg $0x9C400  }
0xb1: {  	[dreg:$0x5] =	wrdreg $0xA  }
0xb2: {  	_ =	task.clear_ibuf [dreg:s6], $0x6FFFF;
	_ =	strace $0x90000046  }
0xb3: {  	s29 =	simm.s32 $0xA;
	_ =	strace $0x80000048  }
0xb4: {  	_ =	swait.ge [sflag:s29], $0x1  }
0xb5: {  	[sflag:s29] =	ssyncadd.s32 $0xFFFFFFFF  }
0xb6: {  	_ =	strace $0x90000048  }
0xb7: {  	_ =	sfence  }
0xb8: {  	s30 =	sld [smem:$0x0];
	_ =	sdelay $0x2  }
0xb9: {  	s31 =	sshll.u32 s1, $0xD;
	s1 =	sshrl.u32 s1, $0x2  }
0xba: {  	s3 =	sand.u32 $0x4000, s31;
	s1 =	sadd.s32 s1, s30  }
0xbb: {  	s0 =	sor.u32 s3, s0;
	s1 =	sshll.u32 s1, $0x11  }
0xbc: {  	s0 =	sor.u32 s1, s0  }
0xbd: {  	s0 =	sadd.s32 $0x8F2B, s0  }
0xbe: {  	[sflag:s0] =	ssyncadd.remote.s32 $0x1  }
0xbf: {  	_ =	sfence.sel $0xFFFF  }
0xc0: {  	[dreg:$0x0] =	wrdreg $0xFFFFFFFF;
	(pc) =	sbr.abs _section_cstart, $3  }
0xc1: {  	[dreg:$0x1] =	wrdreg $0xFFFFFFFF  }
0xc2: {  	_ =	task.clear_ibuf [dreg:s6], $0x2FFFF;
	_ =	strace $0x9FFFFFFF  }
0xc3: {  	(tm) =	ssettm $0x7FFFFFFF  }
tec
execute0_lowered:
.L_overlay_start_1:
0x0: {  	(tag) =	ssettag $0x1  }
0x1: {  	s0 =	srdreg.scid;
	s1 =	rddreg [dreg:$0x0]  }
0x2: {  	s11 =	stileid.u32;
	s2 =	rddreg [dreg:$0x1]  }
0x3: {  	s3 =	rddreg [dreg:$0x2];
	s4 =	simm.s32 $0x0;
	s23 =	simm.s32 $0x13CC0  }
0x4: {  	s24 =	simm.s32 $0x13D40;
	s26 =	simm.s32 $0x13DC0;
	[smem:$0x7FF] =	sst s4  }
0x5: {  	s12 =	simm.s32 $0x13EC0;
	_ =	strace $0x80000047;
	[dreg:$0x6] =	wrdreg s23  }
0x6: {  	s13 =	simm.s32 $0x146C0;
	s15 =	simm.s32 $0x13F40;
	[dreg:$0x7] =	wrdreg s24  }
0x7: {  	s17 =	simm.s32 $0x14740;
	s18 =	simm.s32 $0x13FC0;
	[dreg:$0x8] =	wrdreg s26  }
0x8: {  	s20 =	simm.s32 $0x147C0;
	s21 =	simm.s32 $0x14040;
	[dreg:$0xa] =	wrdreg s12  }
0x9: {  	s22 =	simm.s32 $0x14840;
	s28 =	simm.s32 $0x3;
	[dreg:$0xb] =	wrdreg s13  }
0xa: {  	s29 =	simm.s32 $0x4;
	s6 =	smul.u32 $0x9C40, s11;
	[dreg:$0xc] =	wrdreg s15  }
0xb: {  	s30 =	simm.s32 $0x5;
	s7 =	smul.u32 $0xA00, s11;
	[dreg:$0xd] =	wrdreg s17  }
0xc: {  	s31 =	simm.s32 $0x144C0;
	s9 =	smul.u32 $0xA000, s11;
	[dreg:$0xe] =	wrdreg s18  }
0xd: {  	s0 =	sand.u32 $0x1, s0;
	s16 =	smul.u32 $0x28000, s11;
	[dreg:$0xf] =	wrdreg s20  }
0xe: {  	s14 =	sshll.u32 s11, $0x6;
	s5 =	smul.u32 $0x9C400, s0;
	[dreg:$0x10] =	wrdreg s21  }
0xf: {  	s11 =	simm.s32 $0x141C0;
	s8 =	smul.u32 $0xA0000, s0;
	[dreg:$0x11] =	wrdreg s22  }
0x10: {  	s0 =	ssub.s32 $0x2, s0;
	s23 =	simm.s32 $0x140C0;
	[dreg:$0x16] =	wrdreg s11  }
0x11: {  	s14 =	sor.u32 $0x1C06, s14;
	s24 =	simm.s32 $0x148C0;
	[dreg:$0x12] =	wrdreg s23  }
0x12: {  	s26 =	simm.s32 $0x14140;
	s13 =	simm.s32 $0x149C0;
	[dreg:$0x13] =	wrdreg s24  }
0x13: {  	s17 =	simm.s32 $0x14A40;
	s18 =	simm.s32 $0x142C0;
	[dreg:$0x14] =	wrdreg s26  }
0x14: {  	s20 =	simm.s32 $0x14340;
	s21 =	simm.s32 $0x14B40;
	[dreg:$0x17] =	wrdreg s13  }
0x15: {  	s22 =	simm.s32 $0x143C0;
	s11 =	simm.s32 $0x14EC0;
	[dreg:$0x19] =	wrdreg s17  }
0x16: {  	s7 =	sadd.s32 s7, s1;
	s25 =	sshrl.u32 s0, $0x1;
	[dreg:$0x1a] =	wrdreg s18  }
0x17: {  	s19 =	sshrl.u32 s16, $0x2;
	s16 =	simm.s32 $0x14240;
	[dreg:$0x1c] =	wrdreg s20  }
0x18: {  	s17 =	simm.s32 $0x13C40;
	s18 =	simm.s32 $0x14640;
	[dreg:$0x1d] =	wrdreg s21  }
0x19: {  	s20 =	simm.s32 $0x17040;
	s21 =	simm.s32 $0x19040;
	[dreg:$0x1e] =	wrdreg s22  }
0x1a: {  	s23 =	simm.s32 $0x14BC0;
	s22 =	simm.s32 $0x1B040;
	s24 =	simm.s32 $0x14440  }
0x1b: {  	s13 =	simm.s32 $0x14FC0;
	[smem:$0x7FD] =	sst s14;
	s5 =	sadd.s32 s6, s5  }
0x1c: {  	s8 =	sadd.s32 s9, s8;
	s10 =	sadd.s32 $0x2A600, s7;
	[dreg:$0x18] =	wrdreg s16  }
0x1d: {  	s7 =	sadd.s32 $0x34600, s7;
	s0 =	ssub.s32 s0, s25;
	[dreg:$0x1f] =	wrdreg s23  }
0x1e: {  	s6 =	sadd.s32 s6, s2;
	s16 =	simm.s32 $0x15040;
	[smem:$0x7FA] =	sst s24  }
0x1f: {  	s23 =	simm.s32 $0x1D040;
	s24 =	simm.s32 $0x1;
	[dreg:$0x4] =	wrdreg s10  }
0x20: {  	s5 =	sshrl.u32 s5, $0x3;
	[dreg:$0x5] =	wrdreg s7;
	s10 =	simm.s32 $0x13E40  }
0x21: {  	s8 =	sshrl.u32 s8, $0x3;
	s0 =	smax.u32 s0, $0x1;
	[dreg:$0x9] =	wrdreg s10  }
0x22: {  	s7 =	sadd.s32 s19, s3;
	s15 =	sshrl.u32 s6, $0x3;
	[smem:$0x7F3] =	sst s0  }
0x23: {  	s19 =	simm.s32 $0x14AC0;
	s5 =	sadd.s32 s5, s1;
	[smem:$0x7F7] =	sst s7  }
0x24: {  	s1 =	sadd.s32 s8, s1;
	s25 =	sadd.s32 $0x2000, s7;
	[smem:$0x7F9] =	sst s15  }
0x25: {  	s8 =	sadd.s32 $0x4000, s7;
	s10 =	sadd.s32 $0x6000, s7;
	[dreg:$0x1b] =	wrdreg s19  }
0x26: {  	s12 =	sadd.s32 $0x8000, s7;
	s15 =	simm.s32 $0x6;
	[smem:$0x7F4] =	sst s25  }
0x27: {  	s19 =	simm.s32 $0x80;
	s0 =	simm.s32 $0x14540;
	[smem:$0x7F5] =	sst s8  }
0x28: {  	s7 =	simm.s32 $0x0;
	s5 =	sadd.s32 $0x3400, s5;
	[smem:$0x7F6] =	sst s10  }
0x29: {  	s1 =	sadd.s32 $0x3E600, s1;
	[smem:$0x7F8] =	sst s12;
	s25 =	simm.s32 $0x14C40  }
0x2a: {  	s8 =	simm.s32 $0x145C0;
	s10 =	simm.s32 $0x14E40;
	[smem:$0x7F1] =	sst s5  }
0x2b: {  	s12 =	simm.s32 $0x14F40;
	[smem:$0x7F2] =	sst s1;
	s5 =	sadd.s32 s9, s3  }
0x2c: {  	s9 =	simm.s32 $0x14940;
	[smem:$0x7FB] =	sst s25;
	s1 =	simm.s32 $0x14CC0  }
0x2d: {  	[dreg:$0x15] =	wrdreg s9;
	s26 =	sshrl.u32 s5, $0x3;
	s5 =	simm.s32 $0x14D40  }
0x2e: {  	v0 =	vimm.f32 $0.0e+00;
	s9 =	simm.s32 $0x14DC0;
	[smem:$0x7FC] =	sst s26;
	s26 =	simm.s32 $0x2  }
.LBB2_1:
0x2f: {  	s6 =	sld [smem:$0x7F1]  }
0x30: {  	s25 =	sld [smem:$0x7F9];
	_ =	sdelay $0x1  }
0x31: {  	[smem:$0x7F0] =	sst s7  }
0x32: {  	[spmem:s25], [sflag:s14] =	dma.local [hbm:s6], $0x1388  }
0x33: {  	_ =	swait.ge [sflag:s15], $0x1388  }
0x34: {  	[sflag:s15] =	ssyncset.done $0x0  }
0x35: {  	s7 =	simm.s32 $0x0;
	s25 =	simm.s32 $0x100;
	[sflag:s15] =	ssyncadd.s32 $0xFFFFEC78  }
.LBB2_2:
0x36: {  	p0 =	sne.s32 s25, $0x7F00;
	[tilespmem:s7+$0x15070] =	vst v0;
	s6 =	smov.u32 s25;
	s25 =	sadd.s32 $0x100, s25  }
.Ltmp0:
0x37: {  	[tilespmem:s7+$0x15060] =	vst v0;
	(pc) =	sbr.rel @p0 .LBB2_2-.Ltmp0, $3  }
0x38: {  	[tilespmem:s7+$0x15040] =	vst v0  }
0x39: {  	[tilespmem:s7+$0x15050] =	vst v0;
	_ =	sdelay $0x1  }
0x3a: {  	s7 =	sshra.s32 s6, $0x2  }
0x3b: {  	[tilespmem:s7+$0x15070] =	vst v0  }
0x3c: {  	[tilespmem:s7+$0x15060] =	vst v0;
	s6 =	sld [smem:$0x7F7]  }
0x3d: {  	[tilespmem:s7+$0x15040] =	vst v0  }
0x3e: {  	[tilespmem:s7+$0x15050] =	vst v0  }
0x3f: {  	[spmem:s6] =	stream.linear.scatter [tilespmem:s16], [sflag:$0x6], $0x2000, $0x38;
	[tilespmem:$0x1F040] =	vst v63  }
0x40: {  	_ =	swait.ge [sflag:s15], $0x2000  }
0x41: {  	s14 =	sld [smem:$0x7F4]  }
0x42: {  	[sflag:s15] =	ssyncset.done $0x0  }
0x43: {  	[sflag:s15] =	ssyncadd.s32 $0xFFFFE000  }
0x44: {  	[spmem:s14] =	stream.linear.scatter [tilespmem:s16], [sflag:$0x6], $0x2000, $0x38;
	[tilespmem:$0x1F040] =	vst v63  }
0x45: {  	_ =	swait.ge [sflag:s15], $0x2000  }
0x46: {  	s25 =	sld [smem:$0x7F5]  }
0x47: {  	[sflag:s15] =	ssyncset.done $0x0  }
0x48: {  	[sflag:s15] =	ssyncadd.s32 $0xFFFFE000  }
0x49: {  	[spmem:s25] =	stream.linear.scatter [tilespmem:s16], [sflag:$0x6], $0x2000, $0x38;
	[tilespmem:$0x1F040] =	vst v63  }
0x4a: {  	_ =	swait.ge [sflag:s15], $0x2000  }
0x4b: {  	s7 =	sld [smem:$0x7F6]  }
0x4c: {  	[sflag:s15] =	ssyncset.done $0x0  }
0x4d: {  	[sflag:s15] =	ssyncadd.s32 $0xFFFFE000  }
0x4e: {  	[spmem:s7] =	stream.linear.scatter [tilespmem:s16], [sflag:$0x6], $0x2000, $0x38;
	[tilespmem:$0x1F040] =	vst v63  }
0x4f: {  	_ =	swait.ge [sflag:s15], $0x2000  }
0x50: {  	s14 =	sld [smem:$0x7F8]  }
0x51: {  	[sflag:s15] =	ssyncset.done $0x0  }
0x52: {  	[sflag:s15] =	ssyncadd.s32 $0xFFFFE000  }
0x53: {  	[spmem:s14] =	stream.linear.scatter [tilespmem:s16], [sflag:$0x6], $0x2000, $0x38;
	[tilespmem:$0x1F040] =	vst v63  }
0x54: {  	_ =	swait.ge [sflag:s15], $0x2000  }
0x55: {  	[sflag:s15] =	ssyncset.done $0x0  }
0x56: {  	[sflag:s15] =	ssyncadd.s32 $0xFFFFE000  }
0x57: {  	[bflag:$0x0] =	sbarrier.arrive $0xFFFF  }
0x58: {  	s25 =	rddreg [dreg:$0x5]  }
0x59: {  	s6 =	sadd.s32 $0x0, s25  }
0x5a: {  	[tilespmem:s17], [sflag:$0x6] =	stream.linear.gather [hbm4b:s6+s4], $0xA00, $0x38;
	[tilespmem:$0x1F040] =	vst v63  }
0x5b: {  	_ =	swait.ge [sflag:s15], $0xA00  }
0x5c: {  	s7 =	rddreg [dreg:$0x4];
	[sflag:s15] =	ssyncset.done $0x0  }
0x5d: {  	[sflag:s15] =	ssyncadd.s32 $0xFFFFF600;
	s6 =	sadd.s32 $0x0, s7  }
0x5e: {  	[tilespmem:s18], [sflag:$0x6] =	stream.linear.gather [hbm4b:s6+s4], $0xA00, $0x38;
	[tilespmem:$0x1F040] =	vst v63  }
0x5f: {  	_ =	swait.ge [sflag:s15], $0xA00  }
0x60: {  	[sflag:s15] =	ssyncset.done $0x0  }
0x61: {  	[sflag:s15] =	ssyncadd.s32 $0xFFFFF600  }
0x62: {  	[tilespmem:s16], [sflag:$0x1] =	stream.indirect.gather [spmem:s2], $0x40, s17, s19, $0xb8;
	[tilespmem:$0x1F040] =	vst v63  }
0x63: {  	s14 =	rddreg [dreg:$0x6]  }
0x64: {  	[tilespmem:s20], [sflag:$0x2] =	stream.indirect.gather [spmem:s2], $0x40, s14, s19, $0xb8;
	[tilespmem:$0x1F040] =	vst v63  }
0x65: {  	s25 =	rddreg [dreg:$0x7]  }
0x66: {  	[tilespmem:s21], [sflag:$0x3] =	stream.indirect.gather [spmem:s2], $0x40, s25, s19, $0xb8;
	[tilespmem:$0x1F040] =	vst v63  }
0x67: {  	s14 =	rddreg [dreg:$0x8]  }
0x68: {  	[tilespmem:s22], [sflag:$0x4] =	stream.indirect.gather [spmem:s2], $0x40, s14, s19, $0xb8;
	[tilespmem:$0x1F040] =	vst v63  }
0x69: {  	s25 =	rddreg [dreg:$0x9]  }
0x6a: {  	[tilespmem:s23], [sflag:$0x5] =	stream.indirect.gather [spmem:s2], $0x40, s25, s19, $0xb8;
	[tilespmem:$0x1F040] =	vst v63  }
0x6b: {  	_ =	swait.ge [sflag:s24], $0x2000  }
0x6c: {  	[sflag:s24] =	ssyncset.done $0x0  }
0x6d: {  	[sflag:s24] =	ssyncadd.s32 $0xFFFFE000  }
0x6e: {  	[spmem:s3] =	stream.indirect.scatter.add.f32 [tilespmem:s16], [sflag:$0x6], $0x40, s18, s19, $0xb8;
	[tilespmem:$0x1F040] =	vst v63  }
0x6f: {  	_ =	swait.ge [sflag:s15], $0x2000  }
0x70: {  	[sflag:s15] =	ssyncset.done $0x0  }
0x71: {  	s7 =	rddreg [dreg:$0xa];
	[sflag:s15] =	ssyncadd.s32 $0xFFFFE000  }
0x72: {  	[tilespmem:s16], [sflag:$0x1] =	stream.indirect.gather [spmem:s2], $0x40, s7, s19, $0xb8;
	[tilespmem:$0x1F040] =	vst v63  }
0x73: {  	_ =	swait.ge [sflag:s26], $0x2000  }
0x74: {  	[sflag:s26] =	ssyncset.done $0x0  }
0x75: {  	s14 =	rddreg [dreg:$0xb];
	[sflag:s26] =	ssyncadd.s32 $0xFFFFE000  }
0x76: {  	[spmem:s3] =	stream.indirect.scatter.add.f32 [tilespmem:s20], [sflag:$0x6], $0x40, s14, s19, $0xb8;
	[tilespmem:$0x1F040] =	vst v63  }
0x77: {  	_ =	swait.ge [sflag:s15], $0x2000  }
0x78: {  	[sflag:s15] =	ssyncset.done $0x0  }
0x79: {  	s25 =	rddreg [dreg:$0xc];
	[sflag:s15] =	ssyncadd.s32 $0xFFFFE000  }
0x7a: {  	[tilespmem:s20], [sflag:$0x2] =	stream.indirect.gather [spmem:s2], $0x40, s25, s19, $0xb8;
	[tilespmem:$0x1F040] =	vst v63  }
0x7b: {  	_ =	swait.ge [sflag:s28], $0x2000  }
0x7c: {  	[sflag:s28] =	ssyncset.done $0x0  }
0x7d: {  	s7 =	rddreg [dreg:$0xd];
	[sflag:s28] =	ssyncadd.s32 $0xFFFFE000  }
0x7e: {  	[spmem:s3] =	stream.indirect.scatter.add.f32 [tilespmem:s21], [sflag:$0x6], $0x40, s7, s19, $0xb8;
	[tilespmem:$0x1F040] =	vst v63  }
0x7f: {  	_ =	swait.ge [sflag:s15], $0x2000  }
0x80: {  	[sflag:s15] =	ssyncset.done $0x0  }
0x81: {  	s14 =	rddreg [dreg:$0xe];
	[sflag:s15] =	ssyncadd.s32 $0xFFFFE000  }
0x82: {  	[tilespmem:s21], [sflag:$0x3] =	stream.indirect.gather [spmem:s2], $0x40, s14, s19, $0xb8;
	[tilespmem:$0x1F040] =	vst v63  }
0x83: {  	_ =	swait.ge [sflag:s29], $0x2000  }
0x84: {  	[sflag:s29] =	ssyncset.done $0x0  }
0x85: {  	s25 =	rddreg [dreg:$0xf];
	[sflag:s29] =	ssyncadd.s32 $0xFFFFE000  }
0x86: {  	[spmem:s3] =	stream.indirect.scatter.add.f32 [tilespmem:s22], [sflag:$0x6], $0x40, s25, s19, $0xb8;
	[tilespmem:$0x1F040] =	vst v63  }
0x87: {  	_ =	swait.ge [sflag:s15], $0x2000  }
0x88: {  	[sflag:s15] =	ssyncset.done $0x0  }
0x89: {  	s7 =	rddreg [dreg:$0x10];
	[sflag:s15] =	ssyncadd.s32 $0xFFFFE000  }
0x8a: {  	[tilespmem:s22], [sflag:$0x4] =	stream.indirect.gather [spmem:s2], $0x40, s7, s19, $0xb8;
	[tilespmem:$0x1F040] =	vst v63  }
0x8b: {  	_ =	swait.ge [sflag:s30], $0x2000  }
0x8c: {  	[sflag:s30] =	ssyncset.done $0x0  }
0x8d: {  	s14 =	rddreg [dreg:$0x11];
	[sflag:s30] =	ssyncadd.s32 $0xFFFFE000  }
0x8e: {  	[spmem:s3] =	stream.indirect.scatter.add.f32 [tilespmem:s23], [sflag:$0x6], $0x40, s14, s19, $0xb8;
	[tilespmem:$0x1F040] =	vst v63  }
0x8f: {  	_ =	swait.ge [sflag:s15], $0x2000  }
0x90: {  	[sflag:s15] =	ssyncset.done $0x0  }
0x91: {  	s25 =	rddreg [dreg:$0x12];
	[sflag:s15] =	ssyncadd.s32 $0xFFFFE000  }
0x92: {  	[tilespmem:s23], [sflag:$0x5] =	stream.indirect.gather [spmem:s2], $0x40, s25, s19, $0xb8;
	[tilespmem:$0x1F040] =	vst v63  }
0x93: {  	_ =	swait.ge [sflag:s24], $0x2000  }
0x94: {  	[sflag:s24] =	ssyncset.done $0x0  }
0x95: {  	s7 =	rddreg [dreg:$0x13];
	[sflag:s24] =	ssyncadd.s32 $0xFFFFE000  }
0x96: {  	[spmem:s3] =	stream.indirect.scatter.add.f32 [tilespmem:s16], [sflag:$0x6], $0x40, s7, s19, $0xb8;
	[tilespmem:$0x1F040] =	vst v63  }
0x97: {  	_ =	swait.ge [sflag:s15], $0x2000  }
0x98: {  	[sflag:s15] =	ssyncset.done $0x0  }
0x99: {  	s14 =	rddreg [dreg:$0x14];
	[sflag:s15] =	ssyncadd.s32 $0xFFFFE000  }
0x9a: {  	[tilespmem:s16], [sflag:$0x1] =	stream.indirect.gather [spmem:s2], $0x40, s14, s19, $0xb8;
	[tilespmem:$0x1F040] =	vst v63  }
0x9b: {  	_ =	swait.ge [sflag:s26], $0x2000  }
0x9c: {  	[sflag:s26] =	ssyncset.done $0x0  }
0x9d: {  	s25 =	rddreg [dreg:$0x15];
	[sflag:s26] =	ssyncadd.s32 $0xFFFFE000  }
0x9e: {  	[spmem:s3] =	stream.indirect.scatter.add.f32 [tilespmem:s20], [sflag:$0x6], $0x40, s25, s19, $0xb8;
	[tilespmem:$0x1F040] =	vst v63  }
0x9f: {  	_ =	swait.ge [sflag:s15], $0x2000  }
0xa0: {  	[sflag:s15] =	ssyncset.done $0x0  }
0xa1: {  	s7 =	rddreg [dreg:$0x16];
	[sflag:s15] =	ssyncadd.s32 $0xFFFFE000  }
0xa2: {  	[tilespmem:s20], [sflag:$0x2] =	stream.indirect.gather [spmem:s2], $0x40, s7, s19, $0xb8;
	[tilespmem:$0x1F040] =	vst v63  }
0xa3: {  	_ =	swait.ge [sflag:s28], $0x2000  }
0xa4: {  	[sflag:s28] =	ssyncset.done $0x0  }
0xa5: {  	s14 =	rddreg [dreg:$0x17];
	[sflag:s28] =	ssyncadd.s32 $0xFFFFE000  }
0xa6: {  	[spmem:s3] =	stream.indirect.scatter.add.f32 [tilespmem:s21], [sflag:$0x6], $0x40, s14, s19, $0xb8;
	[tilespmem:$0x1F040] =	vst v63  }
0xa7: {  	_ =	swait.ge [sflag:s15], $0x2000  }
0xa8: {  	[sflag:s15] =	ssyncset.done $0x0  }
0xa9: {  	s25 =	rddreg [dreg:$0x18];
	[sflag:s15] =	ssyncadd.s32 $0xFFFFE000  }
0xaa: {  	[tilespmem:s21], [sflag:$0x3] =	stream.indirect.gather [spmem:s2], $0x40, s25, s19, $0xb8;
	[tilespmem:$0x1F040] =	vst v63  }
0xab: {  	_ =	swait.ge [sflag:s29], $0x2000  }
0xac: {  	[sflag:s29] =	ssyncset.done $0x0  }
0xad: {  	s7 =	rddreg [dreg:$0x19];
	[sflag:s29] =	ssyncadd.s32 $0xFFFFE000  }
0xae: {  	[spmem:s3] =	stream.indirect.scatter.add.f32 [tilespmem:s22], [sflag:$0x6], $0x40, s7, s19, $0xb8;
	[tilespmem:$0x1F040] =	vst v63  }
0xaf: {  	_ =	swait.ge [sflag:s15], $0x2000  }
0xb0: {  	[sflag:s15] =	ssyncset.done $0x0  }
0xb1: {  	s14 =	rddreg [dreg:$0x1a];
	[sflag:s15] =	ssyncadd.s32 $0xFFFFE000  }
0xb2: {  	[tilespmem:s22], [sflag:$0x4] =	stream.indirect.gather [spmem:s2], $0x40, s14, s19, $0xb8;
	[tilespmem:$0x1F040] =	vst v63  }
0xb3: {  	_ =	swait.ge [sflag:s30], $0x2000  }
0xb4: {  	[sflag:s30] =	ssyncset.done $0x0  }
0xb5: {  	s25 =	rddreg [dreg:$0x1b];
	[sflag:s30] =	ssyncadd.s32 $0xFFFFE000  }
0xb6: {  	[spmem:s3] =	stream.indirect.scatter.add.f32 [tilespmem:s23], [sflag:$0x6], $0x40, s25, s19, $0xb8;
	[tilespmem:$0x1F040] =	vst v63  }
0xb7: {  	_ =	swait.ge [sflag:s15], $0x2000  }
0xb8: {  	[sflag:s15] =	ssyncset.done $0x0  }
0xb9: {  	s7 =	rddreg [dreg:$0x1c];
	[sflag:s15] =	ssyncadd.s32 $0xFFFFE000  }
0xba: {  	[tilespmem:s23], [sflag:$0x5] =	stream.indirect.gather [spmem:s2], $0x40, s7, s19, $0xb8;
	[tilespmem:$0x1F040] =	vst v63  }
0xbb: {  	_ =	swait.ge [sflag:s24], $0x2000  }
0xbc: {  	[sflag:s24] =	ssyncset.done $0x0  }
0xbd: {  	s14 =	rddreg [dreg:$0x1d];
	[sflag:s24] =	ssyncadd.s32 $0xFFFFE000  }
0xbe: {  	[spmem:s3] =	stream.indirect.scatter.add.f32 [tilespmem:s16], [sflag:$0x6], $0x40, s14, s19, $0xb8;
	[tilespmem:$0x1F040] =	vst v63  }
0xbf: {  	_ =	swait.ge [sflag:s15], $0x2000  }
0xc0: {  	[sflag:s15] =	ssyncset.done $0x0  }
0xc1: {  	s25 =	rddreg [dreg:$0x1e];
	[sflag:s15] =	ssyncadd.s32 $0xFFFFE000  }
0xc2: {  	[tilespmem:s16], [sflag:$0x1] =	stream.indirect.gather [spmem:s2], $0x40, s25, s19, $0xb8;
	[tilespmem:$0x1F040] =	vst v63  }
0xc3: {  	_ =	swait.ge [sflag:s26], $0x2000  }
0xc4: {  	[sflag:s26] =	ssyncset.done $0x0  }
0xc5: {  	s7 =	rddreg [dreg:$0x1f];
	[sflag:s26] =	ssyncadd.s32 $0xFFFFE000  }
0xc6: {  	[spmem:s3] =	stream.indirect.scatter.add.f32 [tilespmem:s20], [sflag:$0x6], $0x40, s7, s19, $0xb8;
	[tilespmem:$0x1F040] =	vst v63  }
0xc7: {  	_ =	swait.ge [sflag:s15], $0x2000  }
0xc8: {  	s14 =	sld [smem:$0x7FA]  }
0xc9: {  	[sflag:s15] =	ssyncset.done $0x0  }
0xca: {  	[sflag:s15] =	ssyncadd.s32 $0xFFFFE000  }
0xcb: {  	[tilespmem:s20], [sflag:$0x2] =	stream.indirect.gather [spmem:s2], $0x40, s14, s19, $0xb8;
	[tilespmem:$0x1F040] =	vst v63  }
0xcc: {  	_ =	swait.ge [sflag:s28], $0x2000  }
0xcd: {  	s25 =	sld [smem:$0x7FB]  }
0xce: {  	[sflag:s28] =	ssyncset.done $0x0  }
0xcf: {  	[sflag:s28] =	ssyncadd.s32 $0xFFFFE000  }
0xd0: {  	[spmem:s3] =	stream.indirect.scatter.add.f32 [tilespmem:s21], [sflag:$0x6], $0x40, s25, s19, $0xb8;
	[tilespmem:$0x1F040] =	vst v63  }
0xd1: {  	_ =	swait.ge [sflag:s15], $0x2000  }
0xd2: {  	[sflag:s15] =	ssyncset.done $0x0  }
0xd3: {  	[sflag:s15] =	ssyncadd.s32 $0xFFFFE000  }
0xd4: {  	[tilespmem:s21], [sflag:$0x3] =	stream.indirect.gather [spmem:s2], $0x40, s31, s19, $0xb8;
	[tilespmem:$0x1F040] =	vst v63  }
0xd5: {  	_ =	swait.ge [sflag:s29], $0x2000  }
0xd6: {  	[sflag:s29] =	ssyncset.done $0x0  }
0xd7: {  	[sflag:s29] =	ssyncadd.s32 $0xFFFFE000  }
0xd8: {  	[spmem:s3] =	stream.indirect.scatter.add.f32 [tilespmem:s22], [sflag:$0x6], $0x40, s1, s19, $0xb8;
	[tilespmem:$0x1F040] =	vst v63  }
0xd9: {  	_ =	swait.ge [sflag:s15], $0x2000  }
0xda: {  	[sflag:s15] =	ssyncset.done $0x0  }
0xdb: {  	[sflag:s15] =	ssyncadd.s32 $0xFFFFE000  }
0xdc: {  	[tilespmem:s22], [sflag:$0x4] =	stream.indirect.gather [spmem:s2], $0x40, s0, s19, $0xb8;
	[tilespmem:$0x1F040] =	vst v63  }
0xdd: {  	_ =	swait.ge [sflag:s30], $0x2000  }
0xde: {  	[sflag:s30] =	ssyncset.done $0x0  }
0xdf: {  	[sflag:s30] =	ssyncadd.s32 $0xFFFFE000  }
0xe0: {  	[spmem:s3] =	stream.indirect.scatter.add.f32 [tilespmem:s23], [sflag:$0x6], $0x40, s5, s19, $0xb8;
	[tilespmem:$0x1F040] =	vst v63  }
0xe1: {  	_ =	swait.ge [sflag:s15], $0x2000  }
0xe2: {  	[sflag:s15] =	ssyncset.done $0x0  }
0xe3: {  	[sflag:s15] =	ssyncadd.s32 $0xFFFFE000  }
0xe4: {  	[tilespmem:s23], [sflag:$0x5] =	stream.indirect.gather [spmem:s2], $0x40, s8, s19, $0xb8;
	[tilespmem:$0x1F040] =	vst v63  }
0xe5: {  	_ =	swait.ge [sflag:s24], $0x2000  }
0xe6: {  	[sflag:s24] =	ssyncset.done $0x0  }
0xe7: {  	[sflag:s24] =	ssyncadd.s32 $0xFFFFE000  }
0xe8: {  	[spmem:s3] =	stream.indirect.scatter.add.f32 [tilespmem:s16], [sflag:$0x6], $0x40, s9, s19, $0xb8;
	[tilespmem:$0x1F040] =	vst v63  }
0xe9: {  	_ =	swait.ge [sflag:s15], $0x2000  }
0xea: {  	[sflag:s15] =	ssyncset.done $0x0  }
0xeb: {  	[sflag:s15] =	ssyncadd.s32 $0xFFFFE000  }
0xec: {  	_ =	swait.ge [sflag:s26], $0x2000  }
0xed: {  	[sflag:s26] =	ssyncset.done $0x0  }
0xee: {  	[sflag:s26] =	ssyncadd.s32 $0xFFFFE000  }
0xef: {  	[spmem:s3] =	stream.indirect.scatter.add.f32 [tilespmem:s20], [sflag:$0x6], $0x40, s10, s19, $0xb8;
	[tilespmem:$0x1F040] =	vst v63  }
0xf0: {  	_ =	swait.ge [sflag:s15], $0x2000  }
0xf1: {  	[sflag:s15] =	ssyncset.done $0x0  }
0xf2: {  	[sflag:s15] =	ssyncadd.s32 $0xFFFFE000  }
0xf3: {  	_ =	swait.ge [sflag:s28], $0x2000  }
0xf4: {  	[sflag:s28] =	ssyncset.done $0x0  }
0xf5: {  	[sflag:s28] =	ssyncadd.s32 $0xFFFFE000  }
0xf6: {  	[spmem:s3] =	stream.indirect.scatter.add.f32 [tilespmem:s21], [sflag:$0x6], $0x40, s11, s19, $0xb8;
	[tilespmem:$0x1F040] =	vst v63  }
0xf7: {  	_ =	swait.ge [sflag:s15], $0x2000  }
0xf8: {  	[sflag:s15] =	ssyncset.done $0x0  }
0xf9: {  	[sflag:s15] =	ssyncadd.s32 $0xFFFFE000  }
0xfa: {  	_ =	swait.ge [sflag:s29], $0x2000  }
0xfb: {  	[sflag:s29] =	ssyncset.done $0x0  }
0xfc: {  	[sflag:s29] =	ssyncadd.s32 $0xFFFFE000  }
0xfd: {  	[spmem:s3] =	stream.indirect.scatter.add.f32 [tilespmem:s22], [sflag:$0x6], $0x40, s12, s19, $0xb8;
	[tilespmem:$0x1F040] =	vst v63  }
0xfe: {  	_ =	swait.ge [sflag:s15], $0x2000  }
0xff: {  	[sflag:s15] =	ssyncset.done $0x0  }
0x100: {  	[sflag:s15] =	ssyncadd.s32 $0xFFFFE000  }
0x101: {  	_ =	swait.ge [sflag:s30], $0x2000  }
0x102: {  	[sflag:s30] =	ssyncset.done $0x0  }
0x103: {  	[sflag:s30] =	ssyncadd.s32 $0xFFFFE000  }
0x104: {  	[spmem:s3] =	stream.indirect.scatter.add.f32 [tilespmem:s23], [sflag:$0x6], $0x40, s13, s19, $0xb8;
	[tilespmem:$0x1F040] =	vst v63  }
0x105: {  	s7 =	simm.s32 $0x280;
	_ =	swait.ge [sflag:s15], $0x2000  }
0x106: {  	s25 =	simm.s32 $0x140;
	s6 =	rddreg [dreg:$0x5];
	[sflag:s15] =	ssyncset.done $0x0  }
.LBB2_4:
0x107: {  	[sflag:s15] =	ssyncadd.s32 $0xFFFFE000;
	s6 =	sadd.s32 s25, s6  }
0x108: {  	[tilespmem:s17], [sflag:$0x6] =	stream.linear.gather [hbm4b:s6+s4], $0xA00, $0x38;
	[tilespmem:$0x1F040] =	vst v63  }
0x109: {  	_ =	swait.ge [sflag:s15], $0xA00  }
0x10a: {  	s6 =	rddreg [dreg:$0x4];
	[sflag:s15] =	ssyncset.done $0x0  }
0x10b: {  	[sflag:s15] =	ssyncadd.s32 $0xFFFFF600;
	s6 =	sadd.s32 s25, s6  }
0x10c: {  	[tilespmem:s18], [sflag:$0x6] =	stream.linear.gather [hbm4b:s6+s4], $0xA00, $0x38;
	[tilespmem:$0x1F040] =	vst v63  }
0x10d: {  	_ =	swait.ge [sflag:s15], $0xA00  }
0x10e: {  	[sflag:s15] =	ssyncset.done $0x0  }
0x10f: {  	[sflag:s15] =	ssyncadd.s32 $0xFFFFF600  }
0x110: {  	[tilespmem:s16], [sflag:$0x1] =	stream.indirect.gather [spmem:s2], $0x40, s17, s19, $0xb8;
	[tilespmem:$0x1F040] =	vst v63  }
0x111: {  	s14 =	smov.u32 s7;
	s6 =	rddreg [dreg:$0x6]  }
0x112: {  	[tilespmem:s20], [sflag:$0x2] =	stream.indirect.gather [spmem:s2], $0x40, s6, s19, $0xb8;
	[tilespmem:$0x1F040] =	vst v63  }
0x113: {  	s25 =	smov.u32 s14;
	s14 =	rddreg [dreg:$0x7]  }
0x114: {  	[tilespmem:s21], [sflag:$0x3] =	stream.indirect.gather [spmem:s2], $0x40, s14, s19, $0xb8;
	[tilespmem:$0x1F040] =	vst v63  }
0x115: {  	s6 =	rddreg [dreg:$0x8]  }
0x116: {  	[tilespmem:s22], [sflag:$0x4] =	stream.indirect.gather [spmem:s2], $0x40, s6, s19, $0xb8;
	[tilespmem:$0x1F040] =	vst v63  }
0x117: {  	s14 =	rddreg [dreg:$0x9]  }
0x118: {  	[tilespmem:s23], [sflag:$0x5] =	stream.indirect.gather [spmem:s2], $0x40, s14, s19, $0xb8;
	[tilespmem:$0x1F040] =	vst v63  }
0x119: {  	_ =	swait.ge [sflag:s24], $0x2000  }
0x11a: {  	[sflag:s24] =	ssyncset.done $0x0  }
0x11b: {  	[sflag:s24] =	ssyncadd.s32 $0xFFFFE000  }
0x11c: {  	[spmem:s3] =	stream.indirect.scatter.add.f32 [tilespmem:s16], [sflag:$0x6], $0x40, s18, s19, $0xb8;
	[tilespmem:$0x1F040] =	vst v63  }
0x11d: {  	_ =	swait.ge [sflag:s15], $0x2000  }
0x11e: {  	[sflag:s15] =	ssyncset.done $0x0  }
0x11f: {  	s14 =	rddreg [dreg:$0xa];
	[sflag:s15] =	ssyncadd.s32 $0xFFFFE000  }
0x120: {  	[tilespmem:s16], [sflag:$0x1] =	stream.indirect.gather [spmem:s2], $0x40, s14, s19, $0xb8;
	[tilespmem:$0x1F040] =	vst v63  }
0x121: {  	_ =	swait.ge [sflag:s26], $0x2000  }
0x122: {  	[sflag:s26] =	ssyncset.done $0x0  }
0x123: {  	s14 =	rddreg [dreg:$0xb];
	[sflag:s26] =	ssyncadd.s32 $0xFFFFE000  }
0x124: {  	[spmem:s3] =	stream.indirect.scatter.add.f32 [tilespmem:s20], [sflag:$0x6], $0x40, s14, s19, $0xb8;
	[tilespmem:$0x1F040] =	vst v63  }
0x125: {  	_ =	swait.ge [sflag:s15], $0x2000  }
0x126: {  	[sflag:s15] =	ssyncset.done $0x0  }
0x127: {  	s14 =	rddreg [dreg:$0xc];
	[sflag:s15] =	ssyncadd.s32 $0xFFFFE000  }
0x128: {  	[tilespmem:s20], [sflag:$0x2] =	stream.indirect.gather [spmem:s2], $0x40, s14, s19, $0xb8;
	[tilespmem:$0x1F040] =	vst v63  }
0x129: {  	_ =	swait.ge [sflag:s28], $0x2000  }
0x12a: {  	[sflag:s28] =	ssyncset.done $0x0  }
0x12b: {  	s14 =	rddreg [dreg:$0xd];
	[sflag:s28] =	ssyncadd.s32 $0xFFFFE000  }
0x12c: {  	[spmem:s3] =	stream.indirect.scatter.add.f32 [tilespmem:s21], [sflag:$0x6], $0x40, s14, s19, $0xb8;
	[tilespmem:$0x1F040] =	vst v63  }
0x12d: {  	_ =	swait.ge [sflag:s15], $0x2000  }
0x12e: {  	[sflag:s15] =	ssyncset.done $0x0  }
0x12f: {  	s14 =	rddreg [dreg:$0xe];
	[sflag:s15] =	ssyncadd.s32 $0xFFFFE000  }
0x130: {  	[tilespmem:s21], [sflag:$0x3] =	stream.indirect.gather [spmem:s2], $0x40, s14, s19, $0xb8;
	[tilespmem:$0x1F040] =	vst v63  }
0x131: {  	_ =	swait.ge [sflag:s29], $0x2000  }
0x132: {  	[sflag:s29] =	ssyncset.done $0x0  }
0x133: {  	s14 =	rddreg [dreg:$0xf];
	[sflag:s29] =	ssyncadd.s32 $0xFFFFE000  }
0x134: {  	[spmem:s3] =	stream.indirect.scatter.add.f32 [tilespmem:s22], [sflag:$0x6], $0x40, s14, s19, $0xb8;
	[tilespmem:$0x1F040] =	vst v63  }
0x135: {  	_ =	swait.ge [sflag:s15], $0x2000  }
0x136: {  	[sflag:s15] =	ssyncset.done $0x0  }
0x137: {  	s14 =	rddreg [dreg:$0x10];
	[sflag:s15] =	ssyncadd.s32 $0xFFFFE000  }
0x138: {  	[tilespmem:s22], [sflag:$0x4] =	stream.indirect.gather [spmem:s2], $0x40, s14, s19, $0xb8;
	[tilespmem:$0x1F040] =	vst v63  }
0x139: {  	_ =	swait.ge [sflag:s30], $0x2000  }
0x13a: {  	[sflag:s30] =	ssyncset.done $0x0  }
0x13b: {  	s14 =	rddreg [dreg:$0x11];
	[sflag:s30] =	ssyncadd.s32 $0xFFFFE000  }
0x13c: {  	[spmem:s3] =	stream.indirect.scatter.add.f32 [tilespmem:s23], [sflag:$0x6], $0x40, s14, s19, $0xb8;
	[tilespmem:$0x1F040] =	vst v63  }
0x13d: {  	_ =	swait.ge [sflag:s15], $0x2000  }
0x13e: {  	[sflag:s15] =	ssyncset.done $0x0  }
0x13f: {  	s14 =	rddreg [dreg:$0x12];
	[sflag:s15] =	ssyncadd.s32 $0xFFFFE000  }
0x140: {  	[tilespmem:s23], [sflag:$0x5] =	stream.indirect.gather [spmem:s2], $0x40, s14, s19, $0xb8;
	[tilespmem:$0x1F040] =	vst v63  }
0x141: {  	_ =	swait.ge [sflag:s24], $0x2000  }
0x142: {  	[sflag:s24] =	ssyncset.done $0x0  }
0x143: {  	s14 =	rddreg [dreg:$0x13];
	[sflag:s24] =	ssyncadd.s32 $0xFFFFE000  }
0x144: {  	[spmem:s3] =	stream.indirect.scatter.add.f32 [tilespmem:s16], [sflag:$0x6], $0x40, s14, s19, $0xb8;
	[tilespmem:$0x1F040] =	vst v63  }
0x145: {  	_ =	swait.ge [sflag:s15], $0x2000  }
0x146: {  	[sflag:s15] =	ssyncset.done $0x0  }
0x147: {  	s14 =	rddreg [dreg:$0x14];
	[sflag:s15] =	ssyncadd.s32 $0xFFFFE000  }
0x148: {  	[tilespmem:s16], [sflag:$0x1] =	stream.indirect.gather [spmem:s2], $0x40, s14, s19, $0xb8;
	[tilespmem:$0x1F040] =	vst v63  }
0x149: {  	_ =	swait.ge [sflag:s26], $0x2000  }
0x14a: {  	[sflag:s26] =	ssyncset.done $0x0  }
0x14b: {  	s14 =	rddreg [dreg:$0x15];
	[sflag:s26] =	ssyncadd.s32 $0xFFFFE000  }
0x14c: {  	[spmem:s3] =	stream.indirect.scatter.add.f32 [tilespmem:s20], [sflag:$0x6], $0x40, s14, s19, $0xb8;
	[tilespmem:$0x1F040] =	vst v63  }
0x14d: {  	_ =	swait.ge [sflag:s15], $0x2000  }
0x14e: {  	[sflag:s15] =	ssyncset.done $0x0  }
0x14f: {  	s14 =	rddreg [dreg:$0x16];
	[sflag:s15] =	ssyncadd.s32 $0xFFFFE000  }
0x150: {  	[tilespmem:s20], [sflag:$0x2] =	stream.indirect.gather [spmem:s2], $0x40, s14, s19, $0xb8;
	[tilespmem:$0x1F040] =	vst v63  }
0x151: {  	_ =	swait.ge [sflag:s28], $0x2000  }
0x152: {  	[sflag:s28] =	ssyncset.done $0x0  }
0x153: {  	s14 =	rddreg [dreg:$0x17];
	[sflag:s28] =	ssyncadd.s32 $0xFFFFE000  }
0x154: {  	[spmem:s3] =	stream.indirect.scatter.add.f32 [tilespmem:s21], [sflag:$0x6], $0x40, s14, s19, $0xb8;
	[tilespmem:$0x1F040] =	vst v63  }
0x155: {  	_ =	swait.ge [sflag:s15], $0x2000  }
0x156: {  	[sflag:s15] =	ssyncset.done $0x0  }
0x157: {  	s14 =	rddreg [dreg:$0x18];
	[sflag:s15] =	ssyncadd.s32 $0xFFFFE000  }
0x158: {  	[tilespmem:s21], [sflag:$0x3] =	stream.indirect.gather [spmem:s2], $0x40, s14, s19, $0xb8;
	[tilespmem:$0x1F040] =	vst v63  }
0x159: {  	_ =	swait.ge [sflag:s29], $0x2000  }
0x15a: {  	[sflag:s29] =	ssyncset.done $0x0  }
0x15b: {  	s14 =	rddreg [dreg:$0x19];
	[sflag:s29] =	ssyncadd.s32 $0xFFFFE000  }
0x15c: {  	[spmem:s3] =	stream.indirect.scatter.add.f32 [tilespmem:s22], [sflag:$0x6], $0x40, s14, s19, $0xb8;
	[tilespmem:$0x1F040] =	vst v63  }
0x15d: {  	_ =	swait.ge [sflag:s15], $0x2000  }
0x15e: {  	[sflag:s15] =	ssyncset.done $0x0  }
0x15f: {  	s14 =	rddreg [dreg:$0x1a];
	[sflag:s15] =	ssyncadd.s32 $0xFFFFE000  }
0x160: {  	[tilespmem:s22], [sflag:$0x4] =	stream.indirect.gather [spmem:s2], $0x40, s14, s19, $0xb8;
	[tilespmem:$0x1F040] =	vst v63  }
0x161: {  	_ =	swait.ge [sflag:s30], $0x2000  }
0x162: {  	[sflag:s30] =	ssyncset.done $0x0  }
0x163: {  	s14 =	rddreg [dreg:$0x1b];
	[sflag:s30] =	ssyncadd.s32 $0xFFFFE000  }
0x164: {  	[spmem:s3] =	stream.indirect.scatter.add.f32 [tilespmem:s23], [sflag:$0x6], $0x40, s14, s19, $0xb8;
	[tilespmem:$0x1F040] =	vst v63  }
0x165: {  	_ =	swait.ge [sflag:s15], $0x2000  }
0x166: {  	[sflag:s15] =	ssyncset.done $0x0  }
0x167: {  	s14 =	rddreg [dreg:$0x1c];
	[sflag:s15] =	ssyncadd.s32 $0xFFFFE000  }
0x168: {  	[tilespmem:s23], [sflag:$0x5] =	stream.indirect.gather [spmem:s2], $0x40, s14, s19, $0xb8;
	[tilespmem:$0x1F040] =	vst v63  }
0x169: {  	_ =	swait.ge [sflag:s24], $0x2000  }
0x16a: {  	[sflag:s24] =	ssyncset.done $0x0  }
0x16b: {  	s14 =	rddreg [dreg:$0x1d];
	[sflag:s24] =	ssyncadd.s32 $0xFFFFE000  }
0x16c: {  	[spmem:s3] =	stream.indirect.scatter.add.f32 [tilespmem:s16], [sflag:$0x6], $0x40, s14, s19, $0xb8;
	[tilespmem:$0x1F040] =	vst v63  }
0x16d: {  	_ =	swait.ge [sflag:s15], $0x2000  }
0x16e: {  	[sflag:s15] =	ssyncset.done $0x0  }
0x16f: {  	s14 =	rddreg [dreg:$0x1e];
	[sflag:s15] =	ssyncadd.s32 $0xFFFFE000  }
0x170: {  	[tilespmem:s16], [sflag:$0x1] =	stream.indirect.gather [spmem:s2], $0x40, s14, s19, $0xb8;
	[tilespmem:$0x1F040] =	vst v63  }
0x171: {  	_ =	swait.ge [sflag:s26], $0x2000  }
0x172: {  	[sflag:s26] =	ssyncset.done $0x0  }
0x173: {  	s14 =	rddreg [dreg:$0x1f];
	[sflag:s26] =	ssyncadd.s32 $0xFFFFE000  }
0x174: {  	[spmem:s3] =	stream.indirect.scatter.add.f32 [tilespmem:s20], [sflag:$0x6], $0x40, s14, s19, $0xb8;
	[tilespmem:$0x1F040] =	vst v63  }
0x175: {  	_ =	swait.ge [sflag:s15], $0x2000  }
0x176: {  	s14 =	sld [smem:$0x7FA]  }
0x177: {  	[sflag:s15] =	ssyncset.done $0x0  }
0x178: {  	[sflag:s15] =	ssyncadd.s32 $0xFFFFE000  }
0x179: {  	[tilespmem:s20], [sflag:$0x2] =	stream.indirect.gather [spmem:s2], $0x40, s14, s19, $0xb8;
	[tilespmem:$0x1F040] =	vst v63  }
0x17a: {  	_ =	swait.ge [sflag:s28], $0x2000  }
0x17b: {  	s14 =	sld [smem:$0x7FB]  }
0x17c: {  	[sflag:s28] =	ssyncset.done $0x0  }
0x17d: {  	[sflag:s28] =	ssyncadd.s32 $0xFFFFE000  }
0x17e: {  	[spmem:s3] =	stream.indirect.scatter.add.f32 [tilespmem:s21], [sflag:$0x6], $0x40, s14, s19, $0xb8;
	[tilespmem:$0x1F040] =	vst v63  }
0x17f: {  	_ =	swait.ge [sflag:s15], $0x2000  }
0x180: {  	[sflag:s15] =	ssyncset.done $0x0  }
0x181: {  	[sflag:s15] =	ssyncadd.s32 $0xFFFFE000  }
0x182: {  	[tilespmem:s21], [sflag:$0x3] =	stream.indirect.gather [spmem:s2], $0x40, s31, s19, $0xb8;
	[tilespmem:$0x1F040] =	vst v63  }
0x183: {  	_ =	swait.ge [sflag:s29], $0x2000  }
0x184: {  	[sflag:s29] =	ssyncset.done $0x0  }
0x185: {  	[sflag:s29] =	ssyncadd.s32 $0xFFFFE000  }
0x186: {  	[spmem:s3] =	stream.indirect.scatter.add.f32 [tilespmem:s22], [sflag:$0x6], $0x40, s1, s19, $0xb8;
	[tilespmem:$0x1F040] =	vst v63  }
0x187: {  	_ =	swait.ge [sflag:s15], $0x2000  }
0x188: {  	[sflag:s15] =	ssyncset.done $0x0  }
0x189: {  	[sflag:s15] =	ssyncadd.s32 $0xFFFFE000  }
0x18a: {  	[tilespmem:s22], [sflag:$0x4] =	stream.indirect.gather [spmem:s2], $0x40, s0, s19, $0xb8;
	[tilespmem:$0x1F040] =	vst v63  }
0x18b: {  	_ =	swait.ge [sflag:s30], $0x2000  }
0x18c: {  	[sflag:s30] =	ssyncset.done $0x0  }
0x18d: {  	[sflag:s30] =	ssyncadd.s32 $0xFFFFE000  }
0x18e: {  	[spmem:s3] =	stream.indirect.scatter.add.f32 [tilespmem:s23], [sflag:$0x6], $0x40, s5, s19, $0xb8;
	[tilespmem:$0x1F040] =	vst v63  }
0x18f: {  	_ =	swait.ge [sflag:s15], $0x2000  }
0x190: {  	[sflag:s15] =	ssyncset.done $0x0  }
0x191: {  	[sflag:s15] =	ssyncadd.s32 $0xFFFFE000  }
0x192: {  	[tilespmem:s23], [sflag:$0x5] =	stream.indirect.gather [spmem:s2], $0x40, s8, s19, $0xb8;
	[tilespmem:$0x1F040] =	vst v63  }
0x193: {  	_ =	swait.ge [sflag:s24], $0x2000  }
0x194: {  	[sflag:s24] =	ssyncset.done $0x0  }
0x195: {  	[sflag:s24] =	ssyncadd.s32 $0xFFFFE000  }
0x196: {  	[spmem:s3] =	stream.indirect.scatter.add.f32 [tilespmem:s16], [sflag:$0x6], $0x40, s9, s19, $0xb8;
	[tilespmem:$0x1F040] =	vst v63  }
0x197: {  	_ =	swait.ge [sflag:s15], $0x2000  }
0x198: {  	[sflag:s15] =	ssyncset.done $0x0  }
0x199: {  	[sflag:s15] =	ssyncadd.s32 $0xFFFFE000  }
0x19a: {  	_ =	swait.ge [sflag:s26], $0x2000  }
0x19b: {  	[sflag:s26] =	ssyncset.done $0x0  }
0x19c: {  	[sflag:s26] =	ssyncadd.s32 $0xFFFFE000  }
0x19d: {  	[spmem:s3] =	stream.indirect.scatter.add.f32 [tilespmem:s20], [sflag:$0x6], $0x40, s10, s19, $0xb8;
	[tilespmem:$0x1F040] =	vst v63  }
0x19e: {  	_ =	swait.ge [sflag:s15], $0x2000  }
0x19f: {  	[sflag:s15] =	ssyncset.done $0x0  }
0x1a0: {  	[sflag:s15] =	ssyncadd.s32 $0xFFFFE000  }
0x1a1: {  	_ =	swait.ge [sflag:s28], $0x2000  }
0x1a2: {  	[sflag:s28] =	ssyncset.done $0x0  }
0x1a3: {  	[sflag:s28] =	ssyncadd.s32 $0xFFFFE000  }
0x1a4: {  	[spmem:s3] =	stream.indirect.scatter.add.f32 [tilespmem:s21], [sflag:$0x6], $0x40, s11, s19, $0xb8;
	[tilespmem:$0x1F040] =	vst v63  }
0x1a5: {  	_ =	swait.ge [sflag:s15], $0x2000  }
0x1a6: {  	[sflag:s15] =	ssyncset.done $0x0  }
0x1a7: {  	[sflag:s15] =	ssyncadd.s32 $0xFFFFE000  }
0x1a8: {  	_ =	swait.ge [sflag:s29], $0x2000  }
0x1a9: {  	[sflag:s29] =	ssyncset.done $0x0  }
0x1aa: {  	[sflag:s29] =	ssyncadd.s32 $0xFFFFE000  }
0x1ab: {  	[spmem:s3] =	stream.indirect.scatter.add.f32 [tilespmem:s22], [sflag:$0x6], $0x40, s12, s19, $0xb8;
	[tilespmem:$0x1F040] =	vst v63  }
0x1ac: {  	_ =	swait.ge [sflag:s15], $0x2000  }
0x1ad: {  	[sflag:s15] =	ssyncset.done $0x0  }
0x1ae: {  	[sflag:s15] =	ssyncadd.s32 $0xFFFFE000  }
0x1af: {  	p0 =	sne.s32 s7, $0x8C0;
	_ =	swait.ge [sflag:s30], $0x2000  }
.Ltmp1:
0x1b0: {  	[sflag:s30] =	ssyncset.done $0x0;
	(pc) =	sbr.rel @p0 .LBB2_4-.Ltmp1, $4  }
0x1b1: {  	[sflag:s30] =	ssyncadd.s32 $0xFFFFE000  }
0x1b2: {  	[spmem:s3] =	stream.indirect.scatter.add.f32 [tilespmem:s23], [sflag:$0x6], $0x40, s13, s19, $0xb8;
	[tilespmem:$0x1F040] =	vst v63  }
0x1b3: {  	_ =	swait.ge [sflag:s15], $0x2000  }
0x1b4: {  	s7 =	sadd.s32 $0x140, s7;
	s6 =	rddreg [dreg:$0x5];
	[sflag:s15] =	ssyncset.done $0x0  }
0x1b5: {  	[sflag:s15] =	ssyncadd.s32 $0xFFFFE000;
	s6 =	sadd.s32 s25, s6  }
0x1b6: {  	[tilespmem:s17], [sflag:$0x6] =	stream.linear.gather [hbm4b:s6+s4], $0xA00, $0x38;
	[tilespmem:$0x1F040] =	vst v63  }
0x1b7: {  	_ =	swait.ge [sflag:s15], $0xA00  }
0x1b8: {  	s14 =	rddreg [dreg:$0x4];
	[sflag:s15] =	ssyncset.done $0x0  }
0x1b9: {  	[sflag:s15] =	ssyncadd.s32 $0xFFFFF600;
	s6 =	sadd.s32 s25, s14  }
0x1ba: {  	[tilespmem:s18], [sflag:$0x6] =	stream.linear.gather [hbm4b:s6+s4], $0xA00, $0x38;
	[tilespmem:$0x1F040] =	vst v63  }
0x1bb: {  	_ =	swait.ge [sflag:s15], $0xA00  }
0x1bc: {  	[sflag:s15] =	ssyncset.done $0x0  }
0x1bd: {  	[sflag:s15] =	ssyncadd.s32 $0xFFFFF600  }
0x1be: {  	[tilespmem:s16], [sflag:$0x1] =	stream.indirect.gather [spmem:s2], $0x40, s17, s19, $0xb8;
	[tilespmem:$0x1F040] =	vst v63  }
0x1bf: {  	s25 =	rddreg [dreg:$0x6]  }
0x1c0: {  	[tilespmem:s20], [sflag:$0x2] =	stream.indirect.gather [spmem:s2], $0x40, s25, s19, $0xb8;
	[tilespmem:$0x1F040] =	vst v63  }
0x1c1: {  	s7 =	rddreg [dreg:$0x7]  }
0x1c2: {  	[tilespmem:s21], [sflag:$0x3] =	stream.indirect.gather [spmem:s2], $0x40, s7, s19, $0xb8;
	[tilespmem:$0x1F040] =	vst v63  }
0x1c3: {  	s14 =	rddreg [dreg:$0x8]  }
0x1c4: {  	[tilespmem:s22], [sflag:$0x4] =	stream.indirect.gather [spmem:s2], $0x40, s14, s19, $0xb8;
	[tilespmem:$0x1F040] =	vst v63  }
0x1c5: {  	s25 =	rddreg [dreg:$0x9]  }
0x1c6: {  	[tilespmem:s23], [sflag:$0x5] =	stream.indirect.gather [spmem:s2], $0x40, s25, s19, $0xb8;
	[tilespmem:$0x1F040] =	vst v63  }
0x1c7: {  	_ =	swait.ge [sflag:s24], $0x2000  }
0x1c8: {  	[sflag:s24] =	ssyncset.done $0x0  }
0x1c9: {  	[sflag:s24] =	ssyncadd.s32 $0xFFFFE000  }
0x1ca: {  	[spmem:s3] =	stream.indirect.scatter.add.f32 [tilespmem:s16], [sflag:$0x6], $0x40, s18, s19, $0xb8;
	[tilespmem:$0x1F040] =	vst v63  }
0x1cb: {  	_ =	swait.ge [sflag:s15], $0x2000  }
0x1cc: {  	[sflag:s15] =	ssyncset.done $0x0  }
0x1cd: {  	s7 =	rddreg [dreg:$0xa];
	[sflag:s15] =	ssyncadd.s32 $0xFFFFE000  }
0x1ce: {  	[tilespmem:s16], [sflag:$0x1] =	stream.indirect.gather [spmem:s2], $0x40, s7, s19, $0xb8;
	[tilespmem:$0x1F040] =	vst v63  }
0x1cf: {  	_ =	swait.ge [sflag:s26], $0x2000  }
0x1d0: {  	[sflag:s26] =	ssyncset.done $0x0  }
0x1d1: {  	s14 =	rddreg [dreg:$0xb];
	[sflag:s26] =	ssyncadd.s32 $0xFFFFE000  }
0x1d2: {  	[spmem:s3] =	stream.indirect.scatter.add.f32 [tilespmem:s20], [sflag:$0x6], $0x40, s14, s19, $0xb8;
	[tilespmem:$0x1F040] =	vst v63  }
0x1d3: {  	_ =	swait.ge [sflag:s15], $0x2000  }
0x1d4: {  	[sflag:s15] =	ssyncset.done $0x0  }
0x1d5: {  	s25 =	rddreg [dreg:$0xc];
	[sflag:s15] =	ssyncadd.s32 $0xFFFFE000  }
0x1d6: {  	[tilespmem:s20], [sflag:$0x2] =	stream.indirect.gather [spmem:s2], $0x40, s25, s19, $0xb8;
	[tilespmem:$0x1F040] =	vst v63  }
0x1d7: {  	_ =	swait.ge [sflag:s28], $0x2000  }
0x1d8: {  	[sflag:s28] =	ssyncset.done $0x0  }
0x1d9: {  	s7 =	rddreg [dreg:$0xd];
	[sflag:s28] =	ssyncadd.s32 $0xFFFFE000  }
0x1da: {  	[spmem:s3] =	stream.indirect.scatter.add.f32 [tilespmem:s21], [sflag:$0x6], $0x40, s7, s19, $0xb8;
	[tilespmem:$0x1F040] =	vst v63  }
0x1db: {  	_ =	swait.ge [sflag:s15], $0x2000  }
0x1dc: {  	[sflag:s15] =	ssyncset.done $0x0  }
0x1dd: {  	s14 =	rddreg [dreg:$0xe];
	[sflag:s15] =	ssyncadd.s32 $0xFFFFE000  }
0x1de: {  	[tilespmem:s21], [sflag:$0x3] =	stream.indirect.gather [spmem:s2], $0x40, s14, s19, $0xb8;
	[tilespmem:$0x1F040] =	vst v63  }
0x1df: {  	_ =	swait.ge [sflag:s29], $0x2000  }
0x1e0: {  	[sflag:s29] =	ssyncset.done $0x0  }
0x1e1: {  	s25 =	rddreg [dreg:$0xf];
	[sflag:s29] =	ssyncadd.s32 $0xFFFFE000  }
0x1e2: {  	[spmem:s3] =	stream.indirect.scatter.add.f32 [tilespmem:s22], [sflag:$0x6], $0x40, s25, s19, $0xb8;
	[tilespmem:$0x1F040] =	vst v63  }
0x1e3: {  	_ =	swait.ge [sflag:s15], $0x2000  }
0x1e4: {  	[sflag:s15] =	ssyncset.done $0x0  }
0x1e5: {  	s7 =	rddreg [dreg:$0x10];
	[sflag:s15] =	ssyncadd.s32 $0xFFFFE000  }
0x1e6: {  	[tilespmem:s22], [sflag:$0x4] =	stream.indirect.gather [spmem:s2], $0x40, s7, s19, $0xb8;
	[tilespmem:$0x1F040] =	vst v63  }
0x1e7: {  	_ =	swait.ge [sflag:s30], $0x2000  }
0x1e8: {  	[sflag:s30] =	ssyncset.done $0x0  }
0x1e9: {  	s14 =	rddreg [dreg:$0x11];
	[sflag:s30] =	ssyncadd.s32 $0xFFFFE000  }
0x1ea: {  	[spmem:s3] =	stream.indirect.scatter.add.f32 [tilespmem:s23], [sflag:$0x6], $0x40, s14, s19, $0xb8;
	[tilespmem:$0x1F040] =	vst v63  }
0x1eb: {  	_ =	swait.ge [sflag:s15], $0x2000  }
0x1ec: {  	[sflag:s15] =	ssyncset.done $0x0  }
0x1ed: {  	s25 =	rddreg [dreg:$0x12];
	[sflag:s15] =	ssyncadd.s32 $0xFFFFE000  }
0x1ee: {  	[tilespmem:s23], [sflag:$0x5] =	stream.indirect.gather [spmem:s2], $0x40, s25, s19, $0xb8;
	[tilespmem:$0x1F040] =	vst v63  }
0x1ef: {  	_ =	swait.ge [sflag:s24], $0x2000  }
0x1f0: {  	[sflag:s24] =	ssyncset.done $0x0  }
0x1f1: {  	s7 =	rddreg [dreg:$0x13];
	[sflag:s24] =	ssyncadd.s32 $0xFFFFE000  }
0x1f2: {  	[spmem:s3] =	stream.indirect.scatter.add.f32 [tilespmem:s16], [sflag:$0x6], $0x40, s7, s19, $0xb8;
	[tilespmem:$0x1F040] =	vst v63  }
0x1f3: {  	_ =	swait.ge [sflag:s15], $0x2000  }
0x1f4: {  	[sflag:s15] =	ssyncset.done $0x0  }
0x1f5: {  	s14 =	rddreg [dreg:$0x14];
	[sflag:s15] =	ssyncadd.s32 $0xFFFFE000  }
0x1f6: {  	[tilespmem:s16], [sflag:$0x1] =	stream.indirect.gather [spmem:s2], $0x40, s14, s19, $0xb8;
	[tilespmem:$0x1F040] =	vst v63  }
0x1f7: {  	_ =	swait.ge [sflag:s26], $0x2000  }
0x1f8: {  	[sflag:s26] =	ssyncset.done $0x0  }
0x1f9: {  	s25 =	rddreg [dreg:$0x15];
	[sflag:s26] =	ssyncadd.s32 $0xFFFFE000  }
0x1fa: {  	[spmem:s3] =	stream.indirect.scatter.add.f32 [tilespmem:s20], [sflag:$0x6], $0x40, s25, s19, $0xb8;
	[tilespmem:$0x1F040] =	vst v63  }
0x1fb: {  	_ =	swait.ge [sflag:s15], $0x2000  }
0x1fc: {  	[sflag:s15] =	ssyncset.done $0x0  }
0x1fd: {  	s7 =	rddreg [dreg:$0x16];
	[sflag:s15] =	ssyncadd.s32 $0xFFFFE000  }
0x1fe: {  	[tilespmem:s20], [sflag:$0x2] =	stream.indirect.gather [spmem:s2], $0x40, s7, s19, $0xb8;
	[tilespmem:$0x1F040] =	vst v63  }
0x1ff: {  	_ =	swait.ge [sflag:s28], $0x2000  }
0x200: {  	[sflag:s28] =	ssyncset.done $0x0  }
0x201: {  	s14 =	rddreg [dreg:$0x17];
	[sflag:s28] =	ssyncadd.s32 $0xFFFFE000  }
0x202: {  	[spmem:s3] =	stream.indirect.scatter.add.f32 [tilespmem:s21], [sflag:$0x6], $0x40, s14, s19, $0xb8;
	[tilespmem:$0x1F040] =	vst v63  }
0x203: {  	_ =	swait.ge [sflag:s15], $0x2000  }
0x204: {  	[sflag:s15] =	ssyncset.done $0x0  }
0x205: {  	s25 =	rddreg [dreg:$0x18];
	[sflag:s15] =	ssyncadd.s32 $0xFFFFE000  }
0x206: {  	[tilespmem:s21], [sflag:$0x3] =	stream.indirect.gather [spmem:s2], $0x40, s25, s19, $0xb8;
	[tilespmem:$0x1F040] =	vst v63  }
0x207: {  	_ =	swait.ge [sflag:s29], $0x2000  }
0x208: {  	[sflag:s29] =	ssyncset.done $0x0  }
0x209: {  	s7 =	rddreg [dreg:$0x19];
	[sflag:s29] =	ssyncadd.s32 $0xFFFFE000  }
0x20a: {  	[spmem:s3] =	stream.indirect.scatter.add.f32 [tilespmem:s22], [sflag:$0x6], $0x40, s7, s19, $0xb8;
	[tilespmem:$0x1F040] =	vst v63  }
0x20b: {  	_ =	swait.ge [sflag:s15], $0x2000  }
0x20c: {  	[sflag:s15] =	ssyncset.done $0x0  }
0x20d: {  	s14 =	rddreg [dreg:$0x1a];
	[sflag:s15] =	ssyncadd.s32 $0xFFFFE000  }
0x20e: {  	[tilespmem:s22], [sflag:$0x4] =	stream.indirect.gather [spmem:s2], $0x40, s14, s19, $0xb8;
	[tilespmem:$0x1F040] =	vst v63  }
0x20f: {  	_ =	swait.ge [sflag:s30], $0x2000  }
0x210: {  	[sflag:s30] =	ssyncset.done $0x0  }
0x211: {  	s25 =	rddreg [dreg:$0x1b];
	[sflag:s30] =	ssyncadd.s32 $0xFFFFE000  }
0x212: {  	[spmem:s3] =	stream.indirect.scatter.add.f32 [tilespmem:s23], [sflag:$0x6], $0x40, s25, s19, $0xb8;
	[tilespmem:$0x1F040] =	vst v63  }
0x213: {  	_ =	swait.ge [sflag:s15], $0x2000  }
0x214: {  	[sflag:s15] =	ssyncset.done $0x0  }
0x215: {  	s7 =	rddreg [dreg:$0x1c];
	[sflag:s15] =	ssyncadd.s32 $0xFFFFE000  }
0x216: {  	[tilespmem:s23], [sflag:$0x5] =	stream.indirect.gather [spmem:s2], $0x40, s7, s19, $0xb8;
	[tilespmem:$0x1F040] =	vst v63  }
0x217: {  	_ =	swait.ge [sflag:s24], $0x2000  }
0x218: {  	[sflag:s24] =	ssyncset.done $0x0  }
0x219: {  	s14 =	rddreg [dreg:$0x1d];
	[sflag:s24] =	ssyncadd.s32 $0xFFFFE000  }
0x21a: {  	[spmem:s3] =	stream.indirect.scatter.add.f32 [tilespmem:s16], [sflag:$0x6], $0x40, s14, s19, $0xb8;
	[tilespmem:$0x1F040] =	vst v63  }
0x21b: {  	_ =	swait.ge [sflag:s15], $0x2000  }
0x21c: {  	[sflag:s15] =	ssyncset.done $0x0  }
0x21d: {  	s25 =	rddreg [dreg:$0x1e];
	[sflag:s15] =	ssyncadd.s32 $0xFFFFE000  }
0x21e: {  	[tilespmem:s16], [sflag:$0x1] =	stream.indirect.gather [spmem:s2], $0x40, s25, s19, $0xb8;
	[tilespmem:$0x1F040] =	vst v63  }
0x21f: {  	_ =	swait.ge [sflag:s26], $0x2000  }
0x220: {  	[sflag:s26] =	ssyncset.done $0x0  }
0x221: {  	s7 =	rddreg [dreg:$0x1f];
	[sflag:s26] =	ssyncadd.s32 $0xFFFFE000  }
0x222: {  	[spmem:s3] =	stream.indirect.scatter.add.f32 [tilespmem:s20], [sflag:$0x6], $0x40, s7, s19, $0xb8;
	[tilespmem:$0x1F040] =	vst v63  }
0x223: {  	_ =	swait.ge [sflag:s15], $0x2000  }
0x224: {  	s14 =	sld [smem:$0x7FA]  }
0x225: {  	[sflag:s15] =	ssyncset.done $0x0  }
0x226: {  	[sflag:s15] =	ssyncadd.s32 $0xFFFFE000  }
0x227: {  	[tilespmem:s20], [sflag:$0x2] =	stream.indirect.gather [spmem:s2], $0x40, s14, s19, $0xb8;
	[tilespmem:$0x1F040] =	vst v63  }
0x228: {  	_ =	swait.ge [sflag:s28], $0x2000  }
0x229: {  	s25 =	sld [smem:$0x7FB]  }
0x22a: {  	[sflag:s28] =	ssyncset.done $0x0  }
0x22b: {  	[sflag:s28] =	ssyncadd.s32 $0xFFFFE000  }
0x22c: {  	[spmem:s3] =	stream.indirect.scatter.add.f32 [tilespmem:s21], [sflag:$0x6], $0x40, s25, s19, $0xb8;
	[tilespmem:$0x1F040] =	vst v63  }
0x22d: {  	_ =	swait.ge [sflag:s15], $0x2000  }
0x22e: {  	[sflag:s15] =	ssyncset.done $0x0  }
0x22f: {  	[sflag:s15] =	ssyncadd.s32 $0xFFFFE000  }
0x230: {  	[tilespmem:s21], [sflag:$0x3] =	stream.indirect.gather [spmem:s2], $0x40, s31, s19, $0xb8;
	[tilespmem:$0x1F040] =	vst v63  }
0x231: {  	_ =	swait.ge [sflag:s29], $0x2000  }
0x232: {  	[sflag:s29] =	ssyncset.done $0x0  }
0x233: {  	[sflag:s29] =	ssyncadd.s32 $0xFFFFE000  }
0x234: {  	[spmem:s3] =	stream.indirect.scatter.add.f32 [tilespmem:s22], [sflag:$0x6], $0x40, s1, s19, $0xb8;
	[tilespmem:$0x1F040] =	vst v63  }
0x235: {  	_ =	swait.ge [sflag:s15], $0x2000  }
0x236: {  	[sflag:s15] =	ssyncset.done $0x0  }
0x237: {  	[sflag:s15] =	ssyncadd.s32 $0xFFFFE000  }
0x238: {  	[tilespmem:s22], [sflag:$0x4] =	stream.indirect.gather [spmem:s2], $0x40, s0, s19, $0xb8;
	[tilespmem:$0x1F040] =	vst v63  }
0x239: {  	_ =	swait.ge [sflag:s30], $0x2000  }
0x23a: {  	[sflag:s30] =	ssyncset.done $0x0  }
0x23b: {  	[sflag:s30] =	ssyncadd.s32 $0xFFFFE000  }
0x23c: {  	[spmem:s3] =	stream.indirect.scatter.add.f32 [tilespmem:s23], [sflag:$0x6], $0x40, s5, s19, $0xb8;
	[tilespmem:$0x1F040] =	vst v63  }
0x23d: {  	_ =	swait.ge [sflag:s15], $0x2000  }
0x23e: {  	[sflag:s15] =	ssyncset.done $0x0  }
0x23f: {  	[sflag:s15] =	ssyncadd.s32 $0xFFFFE000  }
0x240: {  	[tilespmem:s23], [sflag:$0x5] =	stream.indirect.gather [spmem:s2], $0x40, s8, s19, $0xb8;
	[tilespmem:$0x1F040] =	vst v63  }
0x241: {  	_ =	swait.ge [sflag:s24], $0x2000  }
0x242: {  	[sflag:s24] =	ssyncset.done $0x0  }
0x243: {  	[sflag:s24] =	ssyncadd.s32 $0xFFFFE000  }
0x244: {  	[spmem:s3] =	stream.indirect.scatter.add.f32 [tilespmem:s16], [sflag:$0x6], $0x40, s9, s19, $0xb8;
	[tilespmem:$0x1F040] =	vst v63  }
0x245: {  	_ =	swait.ge [sflag:s15], $0x2000  }
0x246: {  	[sflag:s15] =	ssyncset.done $0x0  }
0x247: {  	[sflag:s15] =	ssyncadd.s32 $0xFFFFE000  }
0x248: {  	_ =	swait.ge [sflag:s26], $0x2000  }
0x249: {  	[sflag:s26] =	ssyncset.done $0x0  }
0x24a: {  	[sflag:s26] =	ssyncadd.s32 $0xFFFFE000  }
0x24b: {  	[spmem:s3] =	stream.indirect.scatter.add.f32 [tilespmem:s20], [sflag:$0x6], $0x40, s10, s19, $0xb8;
	[tilespmem:$0x1F040] =	vst v63  }
0x24c: {  	_ =	swait.ge [sflag:s15], $0x2000  }
0x24d: {  	[sflag:s15] =	ssyncset.done $0x0  }
0x24e: {  	[sflag:s15] =	ssyncadd.s32 $0xFFFFE000  }
0x24f: {  	_ =	swait.ge [sflag:s28], $0x2000  }
0x250: {  	[sflag:s28] =	ssyncset.done $0x0  }
0x251: {  	[sflag:s28] =	ssyncadd.s32 $0xFFFFE000  }
0x252: {  	[spmem:s3] =	stream.indirect.scatter.add.f32 [tilespmem:s21], [sflag:$0x6], $0x40, s11, s19, $0xb8;
	[tilespmem:$0x1F040] =	vst v63  }
0x253: {  	_ =	swait.ge [sflag:s15], $0x2000  }
0x254: {  	[sflag:s15] =	ssyncset.done $0x0  }
0x255: {  	[sflag:s15] =	ssyncadd.s32 $0xFFFFE000  }
0x256: {  	_ =	swait.ge [sflag:s29], $0x2000  }
0x257: {  	[sflag:s29] =	ssyncset.done $0x0  }
0x258: {  	[sflag:s29] =	ssyncadd.s32 $0xFFFFE000  }
0x259: {  	[spmem:s3] =	stream.indirect.scatter.add.f32 [tilespmem:s22], [sflag:$0x6], $0x40, s12, s19, $0xb8;
	[tilespmem:$0x1F040] =	vst v63  }
0x25a: {  	_ =	swait.ge [sflag:s15], $0x2000  }
0x25b: {  	[sflag:s15] =	ssyncset.done $0x0  }
0x25c: {  	[sflag:s15] =	ssyncadd.s32 $0xFFFFE000  }
0x25d: {  	_ =	swait.ge [sflag:s30], $0x2000  }
0x25e: {  	[sflag:s30] =	ssyncset.done $0x0  }
0x25f: {  	[sflag:s30] =	ssyncadd.s32 $0xFFFFE000  }
0x260: {  	[spmem:s3] =	stream.indirect.scatter.add.f32 [tilespmem:s23], [sflag:$0x6], $0x40, s13, s19, $0xb8;
	[tilespmem:$0x1F040] =	vst v63  }
0x261: {  	_ =	swait.ge [sflag:s15], $0x2000  }
0x262: {  	[sflag:s15] =	ssyncset.done $0x0  }
0x263: {  	[sflag:s15] =	ssyncadd.s32 $0xFFFFE000  }
0x264: {  	[bflag:$0x0] =	sbarrier.arrive $0xFFFF  }
0x265: {  	s14 =	sld [smem:$0x7FD]  }
0x266: {  	s7 =	sld [smem:$0x7F2]  }
0x267: {  	s25 =	sld [smem:$0x7FC];
	_ =	sdelay $0x2  }
0x268: {  	[hbm:s7], [sflag:s14] =	dma.local [spmem:s25], $0x1400  }
0x269: {  	_ =	swait.ge [sflag:s15], $0x1400  }
0x26a: {  	s6 =	sld [smem:$0x7F0]  }
0x26b: {  	s25 =	sld [smem:$0x7F3];
	_ =	sdelay $0x1  }
0x26c: {  	s7 =	sadd.s32 $0x1, s6  }
0x26d: {  	p0 =	sne.s32 s7, s25  }
.Ltmp2:
0x26e: {  	_ = 	snop;
	(pc) =	sbr.rel @p0 .LBB2_1-.Ltmp2, $3  }
0x26f: {  	_ =	sdelay $0x1  }
0x270: {  	[sflag:s15] =	ssyncset.done $0x0  }
0x271: {  	[sflag:s15] =	ssyncadd.s32 $0xFFFFEC00  }
0x272: {  	_ =	sfence.sel $0x180000  }
0x273: {  	[bflag:$0x0] =	sbarrier.arrive $0xFFFF  }
0x274: {  	_ =	strace $0x90000047  }
0x275: {  	s0 =	stileid.u32;
	[bflag:$0x2] =	sbarrier.arrive $0xFFFF  }
0x276: {  	p0 =	sne.s32 s0, $0x0;
	s0 =	rddreg [dreg:$0x3]  }
0x277: {  	s0 =	sadd.s32 @!p0 $0x100000, s0  }
0x278: {  	[sflag:s0] =	ssyncadd.tile.s32 @!p0 $0x1;
	_ =	shalt  }
.Lfunc_end2:
_tile_overlayer_lowered:
.L_overlay_start_2:
0x279: {  	(tag) =	ssettag $0x2  }
0x27a: {  	s0 =	rddreg [dreg:$0x0];
	s2 =	stileid.u32  }
0x27b: {  	s1 =	rddreg [dreg:$0x1];
	p0 =	sne.s32 s2, $0x0  }
0x27c: {  	s3 =	rddreg [dreg:$0x2];
	[bflag:$0x3] =	sbarrier.arrive $0xFFFF;
	s2 =	simm.s32 @!p0 $0x1C06  }
0x27d: {  	[timem:s3], [sflag:s2] =	dma.local @!p0 [hbm:s0], s1  }
0x27e: {  	s0 =	simm.s32 @!p0 $0x6  }
0x27f: {  	_ =	swait.ge @!p0 [sflag:s0], s1  }
0x280: {  	s1 =	ssub.s32 @!p0 $0x0, s1;
	[sflag:s0] =	ssyncset.done @!p0 $0x0  }
0x281: {  	[sflag:s0] =	ssyncadd.s32 @!p0 s1  }
0x282: {  	[bflag:$0x3] =	sbarrier.arrive $0xFFFF  }
0x283: {  	_ =	shalt  }

// kernel: kernel.18.cloned.1.call-start
scs
__scs_entry_jumppad:
0x0: {  	(pc) =	sbr.rel $0x88, $3  }
0x1: {  	(tag) =	ssettag $0x0;
	lr =	simm.s32 $0x1  }
0x2: {  	[smem:$0x3F93] =	sst lr;
	_ =	strace $0xD0000000  }
0x3: {  	_ = 	snop  }
0x4: {  	_ = 	snop  }
0x5: {  	_ = 	snop  }
0x6: {  	_ = 	snop  }
0x7: {  	_ = 	snop  }
__scs_overlays_trampoline_lowered:
0x8: {  	[smem:$0x3FA2] =	sst s0  }
0x9: {  	[smem:$0x3FA3] =	sst s1  }
0xa: {  	[smem:$0x3FA4] =	sst s2  }
0xb: {  	[smem:$0x3FA5] =	sst s3  }
0xc: {  	[smem:$0x3FA6] =	sst s4  }
0xd: {  	[smem:$0x3FA7] =	sst s5  }
0xe: {  	[smem:$0x3FA8] =	sst s6  }
0xf: {  	[smem:$0x3FA9] =	sst s7  }
0x10: {  	[smem:$0x3FAA] =	sst s8  }
0x11: {  	[smem:$0x3FAB] =	sst s9;
	s0 =	simm.s32 @!p0 $0x0  }
0x12: {  	s1 =	sld [smem:$0x3F91];
	s0 =	simm.s32 @p0 $0x1  }
0x13: {  	[smem:$0x3FAC] =	sst s0;
	s0 =	simm.s32 @!p1 $0x0  }
0x14: {  	s2 =	sld [smem:$0x3F90];
	s0 =	simm.s32 @p1 $0x1  }
0x15: {  	[smem:$0x3FAD] =	sst s0;
	s0 =	simm.s32 @!p2 $0x0  }
0x16: {  	s3 =	sld [smem:$0x3FDB];
	s0 =	simm.s32 @p2 $0x1  }
0x17: {  	s4 =	simm.s32 $0x1BF5;
	[smem:$0x3FAF] =	sst s0  }
0x18: {  	s0 =	sld [smem:$0x3F92];
	_ =	swait.ge [sflag:s4], $0x0  }
0x19: {  	s7 =	sld [smem:$0x3F93]  }
0x1a: {  	s8 =	sadd.s32 $0xFFFFE003, lr  }
0x1b: {  	s9 =	sadd.s32 $0xFFFFFEF7, lr;
	s5 =	simm.s32 $0xFFFFFFFF;
	p2 =	slt.u32 s8, $0xFFFFF086  }
0x1c: {  	p1 =	slt.u32 s9, $0xF7A;
	s5 =	simm.s32 @!p2 $0x0  }
0x1d: {  	s5 =	simm.s32 @p1 $0x1;
	p0 =	seq.s32 s7, s2  }
0x1e: {  	s7 =	smul.u32 @!p0 $0xF7A, s2;
	p2 =	seq.s32 @!p0 s5, $0x0  }
0x1f: {  	s9 =	smul.u32 $0xF7A, s1;
	s8 =	simm.s32 @!p0 $0x1BF5;
	p2 =	por !p2, p0  }
0x20: {  	[sflag:s8] =	ssyncset.s32 @!p0 $0xFFFFF086;
	s6 =	sadd.s32 @!p0 s3, s7;
	s7 =	simm.s32 @!p0 $0x108  }
0x21: {  	s3 =	sadd.s32 s3, s9;
	s6 =	sadd.s32 @!p0 $0x88, s6;
	s7 =	simm.s32 @p2 $0x1082  }
0x22: {  	[simem:s7], [sflag:s8] =	dma.local @!p0 [hbm:s6], $0xF7A  }
0x23: {  	s9 =	sor.u32 $0xD0000000, s2;
	s6 =	simm.s32 $0x108;
	_ =	swait.ge @!p0 [sflag:s8], $0x0  }
0x24: {  	s3 =	sadd.s32 $0x88, s3;
	s6 =	simm.s32 @!p1 $0x1082;
	[sflag:s4] =	ssyncset.s32 $0xFFFFF086  }
0x25: {  	[simem:s6], [sflag:s4] =	dma.local [hbm:s3], $0xF7A  }
0x26: {  	[smem:$0x3F93] =	sst s1;
	(tag) =	ssettag s2;
	_ =	strace s9  }
0x27: {  	s1 =	sld [smem:$0x3FA3]  }
0x28: {  	s2 =	sld [smem:$0x3FA4]  }
0x29: {  	s4 =	sld [smem:$0x3FA6]  }
0x2a: {  	p0 =	seq.s32 s5, $0x0;
	s5 =	sld [smem:$0x3FA7]  }
0x2b: {  	s6 =	sld [smem:$0x3FA8]  }
0x2c: {  	s7 =	sld [smem:$0x3FA9]  }
0x2d: {  	s3 =	simm.s32 $0x108;
	s8 =	sld [smem:$0x3FAA]  }
0x2e: {  	s3 =	simm.s32 @!p0 $0x1082;
	s9 =	sld [smem:$0x3FAB]  }
0x2f: {  	lr =	sadd.s32 s0, s3;
	s0 =	sld [smem:$0x3FA2]  }
0x30: {  	s3 =	sld [smem:$0x3FA5]  }
0x31: {  	[smem:$0x3FAE] =	sst s10  }
0x32: {  	s10 =	sld [smem:$0x3FAC];
	_ =	sdelay $0x3  }
0x33: {  	p0 =	seq.s32 s10, $0x1;
	s10 =	sld [smem:$0x3FAE];
	_ =	sdelay $0x3  }
0x34: {  	[smem:$0x3FAE] =	sst s10  }
0x35: {  	s10 =	sld [smem:$0x3FAD];
	_ =	sdelay $0x3  }
0x36: {  	p1 =	seq.s32 s10, $0x1;
	s10 =	sld [smem:$0x3FAE];
	_ =	sdelay $0x3  }
0x37: {  	[smem:$0x3FAE] =	sst s10  }
0x38: {  	s10 =	sld [smem:$0x3FAF]  }
0x39: {  	_ = 	snop;
	(pc) =	sbr.ind lr, $3  }
0x3a: {  	_ = 	snop  }
0x3b: {  	_ = 	snop  }
0x3c: {  	p2 =	seq.s32 s10, $0x1;
	s10 =	sld [smem:$0x3FAE]  }
0x3d: {  	_ =	shalt  }
0x3e: {  	_ =	shalt  }
0x3f: {  	_ =	shalt  }
0x40: {  	_ =	shalt  }
0x41: {  	_ =	shalt  }
0x42: {  	_ =	shalt  }
0x43: {  	_ =	shalt  }
0x44: {  	_ =	shalt  }
0x45: {  	_ =	shalt  }
0x46: {  	_ =	shalt  }
0x47: {  	_ =	shalt  }
0x48: {  	_ =	shalt  }
0x49: {  	_ =	shalt  }
0x4a: {  	_ =	shalt  }
0x4b: {  	_ =	shalt  }
0x4c: {  	_ =	shalt  }
0x4d: {  	_ =	shalt  }
0x4e: {  	_ =	shalt  }
0x4f: {  	_ =	shalt  }
0x50: {  	_ =	shalt  }
0x51: {  	_ =	shalt  }
0x52: {  	_ =	shalt  }
0x53: {  	_ =	shalt  }
0x54: {  	_ =	shalt  }
0x55: {  	_ =	shalt  }
0x56: {  	_ =	shalt  }
0x57: {  	_ =	shalt  }
0x58: {  	_ =	shalt  }
0x59: {  	_ =	shalt  }
0x5a: {  	_ =	shalt  }
0x5b: {  	_ =	shalt  }
0x5c: {  	_ =	shalt  }
0x5d: {  	_ =	shalt  }
0x5e: {  	_ =	shalt  }
0x5f: {  	_ =	shalt  }
0x60: {  	_ =	shalt  }
0x61: {  	_ =	shalt  }
0x62: {  	_ =	shalt  }
0x63: {  	_ =	shalt  }
0x64: {  	_ =	shalt  }
0x65: {  	_ =	shalt  }
0x66: {  	_ =	shalt  }
0x67: {  	_ =	shalt  }
0x68: {  	_ =	shalt  }
0x69: {  	_ =	shalt  }
0x6a: {  	_ =	shalt  }
0x6b: {  	_ =	shalt  }
0x6c: {  	_ =	shalt  }
0x6d: {  	_ =	shalt  }
0x6e: {  	_ =	shalt  }
0x6f: {  	_ =	shalt  }
0x70: {  	_ =	shalt  }
0x71: {  	_ =	shalt  }
0x72: {  	_ =	shalt  }
0x73: {  	_ =	shalt  }
0x74: {  	_ =	shalt  }
0x75: {  	_ =	shalt  }
0x76: {  	_ =	shalt  }
0x77: {  	_ =	shalt  }
0x78: {  	_ =	shalt  }
0x79: {  	_ =	shalt  }
0x7a: {  	_ =	shalt  }
0x7b: {  	_ =	shalt  }
0x7c: {  	_ =	shalt  }
0x7d: {  	_ =	shalt  }
0x7e: {  	_ =	shalt  }
0x7f: {  	_ =	shalt  }
0x80: {  	_ =	shalt  }
0x81: {  	_ =	shalt  }
0x82: {  	_ =	shalt  }
0x83: {  	_ =	shalt  }
0x84: {  	_ =	shalt  }
0x85: {  	_ =	shalt  }
0x86: {  	_ =	shalt  }
0x87: {  	_ =	shalt  }
.Lfunc_end0:
.L_simem_size_0:
called_computation.2_lowered:
.L_overlay_start_0:
0x88: {  	s2 =	sld [smem:$0x3FD9]  }
0x89: {  	s3 =	sld [smem:$0x3FFE];
	_ =	sdelay $0x1  }
0x8a: {  	s1 =	srdreg.scid  }
0x8b: {  	s0 =	sand.u32 $0x1, s1  }
0x8c: {  	s16 =	sshll.u32 s0, $0xA;
	s2 =	sadd.s32 s3, s2  }
0x8d: {  	s2 =	sadd.s32 s2, s16  }
0x8e: {  	[smem:$0x3FBA] =	sst s2  }
0x8f: {  	_ = 	snop  }
0x90: {  	(tm) =	ssettm $0x1  }
0x91: {  	s17 =	sld [smem:$0x3FFB];
	_ =	sdelay $0x3  }
0x92: {  	_ =	strace s17  }
0x93: {  	s2 =	sld [smem:$0x3FFC];
	_ =	sdelay $0x3  }
0x94: {  	_ =	strace s2  }
0x95: {  	s2 =	sld [smem:$0x3FFD];
	_ =	sdelay $0x3  }
0x96: {  	_ =	strace s2  }
0x97: {  	_ =	strace $0x8FFFFFFF  }
0x98: {  	s18 =	sld [smem:$0x3FDB];
	_ =	sdelay $0x1  }
0x99: {  	s19 =	simm.s32 $_scs_section_size  }
0x9a: {  	s4 =	simm.s32 $_size__tile_overlayer_lowered;
	s5 =	simm.s32 $_tile_overlayer_lowered  }
0x9b: {  	s22 =	simm.s32 $0x1BFF;
	s21 =	sshll.u32 s5, $0x1;
	s2 =	sadd.s32 s19, s18  }
0x9c: {  	s6 =	simm.s32 $0x0;
	s20 =	sshll.u32 s4, $0x1;
	s4 =	sadd.s32 s21, s2  }
0x9d: {  	[timem:s6], [sflag:s22] =	dma.local [hbm:s4], s20  }
0x9e: {  	_ =	swait.ge [sflag:s22], s20  }
0x9f: {  	s3 =	ssub.s32 $0x0, s20;
	[sflag:s22] =	ssyncset.done $0x0  }
0xa0: {  	[sflag:s22] =	ssyncadd.s32 s3;
	_ =	sdelay $0x1  }
0xa1: {  	s23 =	simm.s32 $0x1B8B  }
0xa2: {  	_ =	swait.ge [sflag:s23], $0x1  }
0xa3: {  	[sflag:s23] =	ssyncset.done $0x0  }
0xa4: {  	s25 =	simm.s32 $0x1B8E;
	s24 =	sld [smem:$0x3FFE];
	[sflag:s23] =	ssyncadd.s32 $0xFFFFFFFF  }
0xa5: {  	s26 =	simm.s32 $execute0_lowered;
	[smem:$0x3FD2] =	sst s25  }
0xa6: {  	s4 =	sshll.u32 s26, $0x1;
	_ =	strace $0x8000004C;
	[dreg:$0x1] =	wrdreg $0xFFFFFFFF  }
0xa7: {  	s28 =	simm.s32 $_size_execute0_lowered;
	s2 =	sadd.s32 s2, s4;
	[dreg:$0x0] =	wrdreg $0x0  }
0xa8: {  	s4 =	sshll.u32 s28, $0x1;
	[dreg:$0x2] =	wrdreg s2  }
0xa9: {  	[dreg:$0x3] =	wrdreg s4  }
0xaa: {  	[dreg:$0x4] =	wrdreg $0xC0  }
0xab: {  	_ =	task [dreg:s6], $0x5FFFF  }
0xac: {  	[dreg:$0x1] =	wrdreg $0xFFFFFFFF  }
0xad: {  	[dreg:$0x0] =	wrdreg $0x60  }
0xae: {  	[dreg:$0x2] =	wrdreg s24  }
0xaf: {  	[dreg:$0x3] =	wrdreg $0x0  }
0xb0: {  	[dreg:$0x4] =	wrdreg $0x9C400  }
0xb1: {  	[dreg:$0x5] =	wrdreg $0x9  }
0xb2: {  	_ =	task.clear_ibuf [dreg:s6], $0x6FFFF;
	_ =	strace $0x9000004C  }
0xb3: {  	s29 =	simm.s32 $0x9;
	_ =	strace $0x8000004E  }
0xb4: {  	_ =	swait.ge [sflag:s29], $0x1  }
0xb5: {  	[sflag:s29] =	ssyncadd.s32 $0xFFFFFFFF  }
0xb6: {  	_ =	strace $0x9000004E  }
0xb7: {  	_ =	sfence  }
0xb8: {  	s30 =	sld [smem:$0x0];
	_ =	sdelay $0x2  }
0xb9: {  	s31 =	sshll.u32 s1, $0xD;
	s1 =	sshrl.u32 s1, $0x2  }
0xba: {  	s3 =	sand.u32 $0x4000, s31;
	s1 =	sadd.s32 s1, s30  }
0xbb: {  	s0 =	sor.u32 s3, s0;
	s1 =	sshll.u32 s1, $0x11  }
0xbc: {  	s0 =	sor.u32 s1, s0  }
0xbd: {  	s0 =	sadd.s32 $0x8F2B, s0  }
0xbe: {  	[sflag:s0] =	ssyncadd.remote.s32 $0x1  }
0xbf: {  	_ =	sfence.sel $0xFFFF  }
0xc0: {  	[dreg:$0x0] =	wrdreg $0xFFFFFFFF;
	(pc) =	sbr.abs _section_cstart, $3  }
0xc1: {  	[dreg:$0x1] =	wrdreg $0xFFFFFFFF  }
0xc2: {  	_ =	task.clear_ibuf [dreg:s6], $0x2FFFF;
	_ =	strace $0x9FFFFFFF  }
0xc3: {  	(tm) =	ssettm $0x7FFFFFFF  }
tec
execute0_lowered:
.L_overlay_start_1:
0x0: {  	(tag) =	ssettag $0x1  }
0x1: {  	s0 =	srdreg.scid;
	s1 =	rddreg [dreg:$0x0]  }
0x2: {  	s11 =	stileid.u32;
	s2 =	rddreg [dreg:$0x1]  }
0x3: {  	s3 =	rddreg [dreg:$0x2];
	s4 =	simm.s32 $0x0;
	s23 =	simm.s32 $0x13CC0  }
0x4: {  	s24 =	simm.s32 $0x13D40;
	s26 =	simm.s32 $0x13DC0;
	[smem:$0x7FF] =	sst s4  }
0x5: {  	s12 =	simm.s32 $0x13EC0;
	_ =	strace $0x8000004D;
	[dreg:$0x6] =	wrdreg s23  }
0x6: {  	s13 =	simm.s32 $0x146C0;
	s15 =	simm.s32 $0x13F40;
	[dreg:$0x7] =	wrdreg s24  }
0x7: {  	s17 =	simm.s32 $0x14740;
	s18 =	simm.s32 $0x13FC0;
	[dreg:$0x8] =	wrdreg s26  }
0x8: {  	s20 =	simm.s32 $0x147C0;
	s21 =	simm.s32 $0x14040;
	[dreg:$0xa] =	wrdreg s12  }
0x9: {  	s22 =	simm.s32 $0x14840;
	s28 =	simm.s32 $0x3;
	[dreg:$0xb] =	wrdreg s13  }
0xa: {  	s29 =	simm.s32 $0x4;
	s6 =	smul.u32 $0x9C40, s11;
	[dreg:$0xc] =	wrdreg s15  }
0xb: {  	s30 =	simm.s32 $0x5;
	s7 =	smul.u32 $0xA00, s11;
	[dreg:$0xd] =	wrdreg s17  }
0xc: {  	s31 =	simm.s32 $0x144C0;
	s9 =	smul.u32 $0xA000, s11;
	[dreg:$0xe] =	wrdreg s18  }
0xd: {  	s0 =	sand.u32 $0x1, s0;
	s16 =	smul.u32 $0x28000, s11;
	[dreg:$0xf] =	wrdreg s20  }
0xe: {  	s14 =	sshll.u32 s11, $0x6;
	s5 =	smul.u32 $0x9C400, s0;
	[dreg:$0x10] =	wrdreg s21  }
0xf: {  	s11 =	simm.s32 $0x141C0;
	s8 =	smul.u32 $0xA0000, s0;
	[dreg:$0x11] =	wrdreg s22  }
0x10: {  	s0 =	ssub.s32 $0x2, s0;
	s23 =	simm.s32 $0x140C0;
	[dreg:$0x16] =	wrdreg s11  }
0x11: {  	s14 =	sor.u32 $0x1C06, s14;
	s24 =	simm.s32 $0x148C0;
	[dreg:$0x12] =	wrdreg s23  }
0x12: {  	s26 =	simm.s32 $0x14140;
	s13 =	simm.s32 $0x149C0;
	[dreg:$0x13] =	wrdreg s24  }
0x13: {  	s17 =	simm.s32 $0x14A40;
	s18 =	simm.s32 $0x142C0;
	[dreg:$0x14] =	wrdreg s26  }
0x14: {  	s20 =	simm.s32 $0x14340;
	s21 =	simm.s32 $0x14B40;
	[dreg:$0x17] =	wrdreg s13  }
0x15: {  	s22 =	simm.s32 $0x143C0;
	s11 =	simm.s32 $0x14EC0;
	[dreg:$0x19] =	wrdreg s17  }
0x16: {  	s7 =	sadd.s32 s7, s1;
	s25 =	sshrl.u32 s0, $0x1;
	[dreg:$0x1a] =	wrdreg s18  }
0x17: {  	s19 =	sshrl.u32 s16, $0x2;
	s16 =	simm.s32 $0x14240;
	[dreg:$0x1c] =	wrdreg s20  }
0x18: {  	s17 =	simm.s32 $0x13C40;
	s18 =	simm.s32 $0x14640;
	[dreg:$0x1d] =	wrdreg s21  }
0x19: {  	s20 =	simm.s32 $0x17040;
	s21 =	simm.s32 $0x19040;
	[dreg:$0x1e] =	wrdreg s22  }
0x1a: {  	s23 =	simm.s32 $0x14BC0;
	s22 =	simm.s32 $0x1B040;
	s24 =	simm.s32 $0x14440  }
0x1b: {  	s13 =	simm.s32 $0x14FC0;
	[smem:$0x7FD] =	sst s14;
	s5 =	sadd.s32 s6, s5  }
0x1c: {  	s8 =	sadd.s32 s9, s8;
	s10 =	sadd.s32 $0x2A600, s7;
	[dreg:$0x18] =	wrdreg s16  }
0x1d: {  	s7 =	sadd.s32 $0x34600, s7;
	s0 =	ssub.s32 s0, s25;
	[dreg:$0x1f] =	wrdreg s23  }
0x1e: {  	s6 =	sadd.s32 s6, s2;
	s16 =	simm.s32 $0x15040;
	[smem:$0x7FA] =	sst s24  }
0x1f: {  	s23 =	simm.s32 $0x1D040;
	s24 =	simm.s32 $0x1;
	[dreg:$0x4] =	wrdreg s10  }
0x20: {  	s5 =	sshrl.u32 s5, $0x3;
	[dreg:$0x5] =	wrdreg s7;
	s10 =	simm.s32 $0x13E40  }
0x21: {  	s8 =	sshrl.u32 s8, $0x3;
	s0 =	smax.u32 s0, $0x1;
	[dreg:$0x9] =	wrdreg s10  }
0x22: {  	s7 =	sadd.s32 s19, s3;
	s15 =	sshrl.u32 s6, $0x3;
	[smem:$0x7F3] =	sst s0  }
0x23: {  	s19 =	simm.s32 $0x14AC0;
	s5 =	sadd.s32 s5, s1;
	[smem:$0x7F7] =	sst s7  }
0x24: {  	s1 =	sadd.s32 s8, s1;
	s25 =	sadd.s32 $0x2000, s7;
	[smem:$0x7F9] =	sst s15  }
0x25: {  	s8 =	sadd.s32 $0x4000, s7;
	s10 =	sadd.s32 $0x6000, s7;
	[dreg:$0x1b] =	wrdreg s19  }
0x26: {  	s12 =	sadd.s32 $0x8000, s7;
	s15 =	simm.s32 $0x6;
	[smem:$0x7F4] =	sst s25  }
0x27: {  	s19 =	simm.s32 $0x80;
	s0 =	simm.s32 $0x14540;
	[smem:$0x7F5] =	sst s8  }
0x28: {  	s7 =	simm.s32 $0x0;
	s5 =	sadd.s32 $0x3400, s5;
	[smem:$0x7F6] =	sst s10  }
0x29: {  	s1 =	sadd.s32 $0x3E600, s1;
	[smem:$0x7F8] =	sst s12;
	s25 =	simm.s32 $0x14C40  }
0x2a: {  	s8 =	simm.s32 $0x145C0;
	s10 =	simm.s32 $0x14E40;
	[smem:$0x7F1] =	sst s5  }
0x2b: {  	s12 =	simm.s32 $0x14F40;
	[smem:$0x7F2] =	sst s1;
	s5 =	sadd.s32 s9, s3  }
0x2c: {  	s9 =	simm.s32 $0x14940;
	[smem:$0x7FB] =	sst s25;
	s1 =	simm.s32 $0x14CC0  }
0x2d: {  	[dreg:$0x15] =	wrdreg s9;
	s26 =	sshrl.u32 s5, $0x3;
	s5 =	simm.s32 $0x14D40  }
0x2e: {  	v0 =	vimm.f32 $0.0e+00;
	s9 =	simm.s32 $0x14DC0;
	[smem:$0x7FC] =	sst s26;
	s26 =	simm.s32 $0x2  }
.LBB2_1:
0x2f: {  	s6 =	sld [smem:$0x7F1]  }
0x30: {  	s25 =	sld [smem:$0x7F9];
	_ =	sdelay $0x1  }
0x31: {  	[smem:$0x7F0] =	sst s7  }
0x32: {  	[spmem:s25], [sflag:s14] =	dma.local [hbm:s6], $0x1388  }
0x33: {  	_ =	swait.ge [sflag:s15], $0x1388  }
0x34: {  	[sflag:s15] =	ssyncset.done $0x0  }
0x35: {  	s7 =	simm.s32 $0x0;
	s25 =	simm.s32 $0x100;
	[sflag:s15] =	ssyncadd.s32 $0xFFFFEC78  }
.LBB2_2:
0x36: {  	p0 =	sne.s32 s25, $0x7F00;
	[tilespmem:s7+$0x15070] =	vst v0;
	s6 =	smov.u32 s25;
	s25 =	sadd.s32 $0x100, s25  }
.Ltmp0:
0x37: {  	[tilespmem:s7+$0x15060] =	vst v0;
	(pc) =	sbr.rel @p0 .LBB2_2-.Ltmp0, $3  }
0x38: {  	[tilespmem:s7+$0x15040] =	vst v0  }
0x39: {  	[tilespmem:s7+$0x15050] =	vst v0;
	_ =	sdelay $0x1  }
0x3a: {  	s7 =	sshra.s32 s6, $0x2  }
0x3b: {  	[tilespmem:s7+$0x15070] =	vst v0  }
0x3c: {  	[tilespmem:s7+$0x15060] =	vst v0;
	s6 =	sld [smem:$0x7F7]  }
0x3d: {  	[tilespmem:s7+$0x15040] =	vst v0  }
0x3e: {  	[tilespmem:s7+$0x15050] =	vst v0  }
0x3f: {  	[spmem:s6] =	stream.linear.scatter [tilespmem:s16], [sflag:$0x6], $0x2000, $0x38;
	[tilespmem:$0x1F040] =	vst v63  }
0x40: {  	_ =	swait.ge [sflag:s15], $0x2000  }
0x41: {  	s14 =	sld [smem:$0x7F4]  }
0x42: {  	[sflag:s15] =	ssyncset.done $0x0  }
0x43: {  	[sflag:s15] =	ssyncadd.s32 $0xFFFFE000  }
0x44: {  	[spmem:s14] =	stream.linear.scatter [tilespmem:s16], [sflag:$0x6], $0x2000, $0x38;
	[tilespmem:$0x1F040] =	vst v63  }
0x45: {  	_ =	swait.ge [sflag:s15], $0x2000  }
0x46: {  	s25 =	sld [smem:$0x7F5]  }
0x47: {  	[sflag:s15] =	ssyncset.done $0x0  }
0x48: {  	[sflag:s15] =	ssyncadd.s32 $0xFFFFE000  }
0x49: {  	[spmem:s25] =	stream.linear.scatter [tilespmem:s16], [sflag:$0x6], $0x2000, $0x38;
	[tilespmem:$0x1F040] =	vst v63  }
0x4a: {  	_ =	swait.ge [sflag:s15], $0x2000  }
0x4b: {  	s7 =	sld [smem:$0x7F6]  }
0x4c: {  	[sflag:s15] =	ssyncset.done $0x0  }
0x4d: {  	[sflag:s15] =	ssyncadd.s32 $0xFFFFE000  }
0x4e: {  	[spmem:s7] =	stream.linear.scatter [tilespmem:s16], [sflag:$0x6], $0x2000, $0x38;
	[tilespmem:$0x1F040] =	vst v63  }
0x4f: {  	_ =	swait.ge [sflag:s15], $0x2000  }
0x50: {  	s14 =	sld [smem:$0x7F8]  }
0x51: {  	[sflag:s15] =	ssyncset.done $0x0  }
0x52: {  	[sflag:s15] =	ssyncadd.s32 $0xFFFFE000  }
0x53: {  	[spmem:s14] =	stream.linear.scatter [tilespmem:s16], [sflag:$0x6], $0x2000, $0x38;
	[tilespmem:$0x1F040] =	vst v63  }
0x54: {  	_ =	swait.ge [sflag:s15], $0x2000  }
0x55: {  	[sflag:s15] =	ssyncset.done $0x0  }
0x56: {  	[sflag:s15] =	ssyncadd.s32 $0xFFFFE000  }
0x57: {  	[bflag:$0x0] =	sbarrier.arrive $0xFFFF  }
0x58: {  	s25 =	rddreg [dreg:$0x5]  }
0x59: {  	s6 =	sadd.s32 $0x0, s25  }
0x5a: {  	[tilespmem:s17], [sflag:$0x6] =	stream.linear.gather [hbm4b:s6+s4], $0xA00, $0x38;
	[tilespmem:$0x1F040] =	vst v63  }
0x5b: {  	_ =	swait.ge [sflag:s15], $0xA00  }
0x5c: {  	s7 =	rddreg [dreg:$0x4];
	[sflag:s15] =	ssyncset.done $0x0  }
0x5d: {  	[sflag:s15] =	ssyncadd.s32 $0xFFFFF600;
	s6 =	sadd.s32 $0x0, s7  }
0x5e: {  	[tilespmem:s18], [sflag:$0x6] =	stream.linear.gather [hbm4b:s6+s4], $0xA00, $0x38;
	[tilespmem:$0x1F040] =	vst v63  }
0x5f: {  	_ =	swait.ge [sflag:s15], $0xA00  }
0x60: {  	[sflag:s15] =	ssyncset.done $0x0  }
0x61: {  	[sflag:s15] =	ssyncadd.s32 $0xFFFFF600  }
0x62: {  	[tilespmem:s16], [sflag:$0x1] =	stream.indirect.gather [spmem:s2], $0x40, s17, s19, $0xb8;
	[tilespmem:$0x1F040] =	vst v63  }
0x63: {  	s14 =	rddreg [dreg:$0x6]  }
0x64: {  	[tilespmem:s20], [sflag:$0x2] =	stream.indirect.gather [spmem:s2], $0x40, s14, s19, $0xb8;
	[tilespmem:$0x1F040] =	vst v63  }
0x65: {  	s25 =	rddreg [dreg:$0x7]  }
0x66: {  	[tilespmem:s21], [sflag:$0x3] =	stream.indirect.gather [spmem:s2], $0x40, s25, s19, $0xb8;
	[tilespmem:$0x1F040] =	vst v63  }
0x67: {  	s14 =	rddreg [dreg:$0x8]  }
0x68: {  	[tilespmem:s22], [sflag:$0x4] =	stream.indirect.gather [spmem:s2], $0x40, s14, s19, $0xb8;
	[tilespmem:$0x1F040] =	vst v63  }
0x69: {  	s25 =	rddreg [dreg:$0x9]  }
0x6a: {  	[tilespmem:s23], [sflag:$0x5] =	stream.indirect.gather [spmem:s2], $0x40, s25, s19, $0xb8;
	[tilespmem:$0x1F040] =	vst v63  }
0x6b: {  	_ =	swait.ge [sflag:s24], $0x2000  }
0x6c: {  	[sflag:s24] =	ssyncset.done $0x0  }
0x6d: {  	[sflag:s24] =	ssyncadd.s32 $0xFFFFE000  }
0x6e: {  	[spmem:s3] =	stream.indirect.scatter.add.f32 [tilespmem:s16], [sflag:$0x6], $0x40, s18, s19, $0xb8;
	[tilespmem:$0x1F040] =	vst v63  }
0x6f: {  	_ =	swait.ge [sflag:s15], $0x2000  }
0x70: {  	[sflag:s15] =	ssyncset.done $0x0  }
0x71: {  	s7 =	rddreg [dreg:$0xa];
	[sflag:s15] =	ssyncadd.s32 $0xFFFFE000  }
0x72: {  	[tilespmem:s16], [sflag:$0x1] =	stream.indirect.gather [spmem:s2], $0x40, s7, s19, $0xb8;
	[tilespmem:$0x1F040] =	vst v63  }
0x73: {  	_ =	swait.ge [sflag:s26], $0x2000  }
0x74: {  	[sflag:s26] =	ssyncset.done $0x0  }
0x75: {  	s14 =	rddreg [dreg:$0xb];
	[sflag:s26] =	ssyncadd.s32 $0xFFFFE000  }
0x76: {  	[spmem:s3] =	stream.indirect.scatter.add.f32 [tilespmem:s20], [sflag:$0x6], $0x40, s14, s19, $0xb8;
	[tilespmem:$0x1F040] =	vst v63  }
0x77: {  	_ =	swait.ge [sflag:s15], $0x2000  }
0x78: {  	[sflag:s15] =	ssyncset.done $0x0  }
0x79: {  	s25 =	rddreg [dreg:$0xc];
	[sflag:s15] =	ssyncadd.s32 $0xFFFFE000  }
0x7a: {  	[tilespmem:s20], [sflag:$0x2] =	stream.indirect.gather [spmem:s2], $0x40, s25, s19, $0xb8;
	[tilespmem:$0x1F040] =	vst v63  }
0x7b: {  	_ =	swait.ge [sflag:s28], $0x2000  }
0x7c: {  	[sflag:s28] =	ssyncset.done $0x0  }
0x7d: {  	s7 =	rddreg [dreg:$0xd];
	[sflag:s28] =	ssyncadd.s32 $0xFFFFE000  }
0x7e: {  	[spmem:s3] =	stream.indirect.scatter.add.f32 [tilespmem:s21], [sflag:$0x6], $0x40, s7, s19, $0xb8;
	[tilespmem:$0x1F040] =	vst v63  }
0x7f: {  	_ =	swait.ge [sflag:s15], $0x2000  }
0x80: {  	[sflag:s15] =	ssyncset.done $0x0  }
0x81: {  	s14 =	rddreg [dreg:$0xe];
	[sflag:s15] =	ssyncadd.s32 $0xFFFFE000  }
0x82: {  	[tilespmem:s21], [sflag:$0x3] =	stream.indirect.gather [spmem:s2], $0x40, s14, s19, $0xb8;
	[tilespmem:$0x1F040] =	vst v63  }
0x83: {  	_ =	swait.ge [sflag:s29], $0x2000  }
0x84: {  	[sflag:s29] =	ssyncset.done $0x0  }
0x85: {  	s25 =	rddreg [dreg:$0xf];
	[sflag:s29] =	ssyncadd.s32 $0xFFFFE000  }
0x86: {  	[spmem:s3] =	stream.indirect.scatter.add.f32 [tilespmem:s22], [sflag:$0x6], $0x40, s25, s19, $0xb8;
	[tilespmem:$0x1F040] =	vst v63  }
0x87: {  	_ =	swait.ge [sflag:s15], $0x2000  }
0x88: {  	[sflag:s15] =	ssyncset.done $0x0  }
0x89: {  	s7 =	rddreg [dreg:$0x10];
	[sflag:s15] =	ssyncadd.s32 $0xFFFFE000  }
0x8a: {  	[tilespmem:s22], [sflag:$0x4] =	stream.indirect.gather [spmem:s2], $0x40, s7, s19, $0xb8;
	[tilespmem:$0x1F040] =	vst v63  }
0x8b: {  	_ =	swait.ge [sflag:s30], $0x2000  }
0x8c: {  	[sflag:s30] =	ssyncset.done $0x0  }
0x8d: {  	s14 =	rddreg [dreg:$0x11];
	[sflag:s30] =	ssyncadd.s32 $0xFFFFE000  }
0x8e: {  	[spmem:s3] =	stream.indirect.scatter.add.f32 [tilespmem:s23], [sflag:$0x6], $0x40, s14, s19, $0xb8;
	[tilespmem:$0x1F040] =	vst v63  }
0x8f: {  	_ =	swait.ge [sflag:s15], $0x2000  }
0x90: {  	[sflag:s15] =	ssyncset.done $0x0  }
0x91: {  	s25 =	rddreg [dreg:$0x12];
	[sflag:s15] =	ssyncadd.s32 $0xFFFFE000  }
0x92: {  	[tilespmem:s23], [sflag:$0x5] =	stream.indirect.gather [spmem:s2], $0x40, s25, s19, $0xb8;
	[tilespmem:$0x1F040] =	vst v63  }
0x93: {  	_ =	swait.ge [sflag:s24], $0x2000  }
0x94: {  	[sflag:s24] =	ssyncset.done $0x0  }
0x95: {  	s7 =	rddreg [dreg:$0x13];
	[sflag:s24] =	ssyncadd.s32 $0xFFFFE000  }
0x96: {  	[spmem:s3] =	stream.indirect.scatter.add.f32 [tilespmem:s16], [sflag:$0x6], $0x40, s7, s19, $0xb8;
	[tilespmem:$0x1F040] =	vst v63  }
0x97: {  	_ =	swait.ge [sflag:s15], $0x2000  }
0x98: {  	[sflag:s15] =	ssyncset.done $0x0  }
0x99: {  	s14 =	rddreg [dreg:$0x14];
	[sflag:s15] =	ssyncadd.s32 $0xFFFFE000  }
0x9a: {  	[tilespmem:s16], [sflag:$0x1] =	stream.indirect.gather [spmem:s2], $0x40, s14, s19, $0xb8;
	[tilespmem:$0x1F040] =	vst v63  }
0x9b: {  	_ =	swait.ge [sflag:s26], $0x2000  }
0x9c: {  	[sflag:s26] =	ssyncset.done $0x0  }
0x9d: {  	s25 =	rddreg [dreg:$0x15];
	[sflag:s26] =	ssyncadd.s32 $0xFFFFE000  }
0x9e: {  	[spmem:s3] =	stream.indirect.scatter.add.f32 [tilespmem:s20], [sflag:$0x6], $0x40, s25, s19, $0xb8;
	[tilespmem:$0x1F040] =	vst v63  }
0x9f: {  	_ =	swait.ge [sflag:s15], $0x2000  }
0xa0: {  	[sflag:s15] =	ssyncset.done $0x0  }
0xa1: {  	s7 =	rddreg [dreg:$0x16];
	[sflag:s15] =	ssyncadd.s32 $0xFFFFE000  }
0xa2: {  	[tilespmem:s20], [sflag:$0x2] =	stream.indirect.gather [spmem:s2], $0x40, s7, s19, $0xb8;
	[tilespmem:$0x1F040] =	vst v63  }
0xa3: {  	_ =	swait.ge [sflag:s28], $0x2000  }
0xa4: {  	[sflag:s28] =	ssyncset.done $0x0  }
0xa5: {  	s14 =	rddreg [dreg:$0x17];
	[sflag:s28] =	ssyncadd.s32 $0xFFFFE000  }
0xa6: {  	[spmem:s3] =	stream.indirect.scatter.add.f32 [tilespmem:s21], [sflag:$0x6], $0x40, s14, s19, $0xb8;
	[tilespmem:$0x1F040] =	vst v63  }
0xa7: {  	_ =	swait.ge [sflag:s15], $0x2000  }
0xa8: {  	[sflag:s15] =	ssyncset.done $0x0  }
0xa9: {  	s25 =	rddreg [dreg:$0x18];
	[sflag:s15] =	ssyncadd.s32 $0xFFFFE000  }
0xaa: {  	[tilespmem:s21], [sflag:$0x3] =	stream.indirect.gather [spmem:s2], $0x40, s25, s19, $0xb8;
	[tilespmem:$0x1F040] =	vst v63  }
0xab: {  	_ =	swait.ge [sflag:s29], $0x2000  }
0xac: {  	[sflag:s29] =	ssyncset.done $0x0  }
0xad: {  	s7 =	rddreg [dreg:$0x19];
	[sflag:s29] =	ssyncadd.s32 $0xFFFFE000  }
0xae: {  	[spmem:s3] =	stream.indirect.scatter.add.f32 [tilespmem:s22], [sflag:$0x6], $0x40, s7, s19, $0xb8;
	[tilespmem:$0x1F040] =	vst v63  }
0xaf: {  	_ =	swait.ge [sflag:s15], $0x2000  }
0xb0: {  	[sflag:s15] =	ssyncset.done $0x0  }
0xb1: {  	s14 =	rddreg [dreg:$0x1a];
	[sflag:s15] =	ssyncadd.s32 $0xFFFFE000  }
0xb2: {  	[tilespmem:s22], [sflag:$0x4] =	stream.indirect.gather [spmem:s2], $0x40, s14, s19, $0xb8;
	[tilespmem:$0x1F040] =	vst v63  }
0xb3: {  	_ =	swait.ge [sflag:s30], $0x2000  }
0xb4: {  	[sflag:s30] =	ssyncset.done $0x0  }
0xb5: {  	s25 =	rddreg [dreg:$0x1b];
	[sflag:s30] =	ssyncadd.s32 $0xFFFFE000  }
0xb6: {  	[spmem:s3] =	stream.indirect.scatter.add.f32 [tilespmem:s23], [sflag:$0x6], $0x40, s25, s19, $0xb8;
	[tilespmem:$0x1F040] =	vst v63  }
0xb7: {  	_ =	swait.ge [sflag:s15], $0x2000  }
0xb8: {  	[sflag:s15] =	ssyncset.done $0x0  }
0xb9: {  	s7 =	rddreg [dreg:$0x1c];
	[sflag:s15] =	ssyncadd.s32 $0xFFFFE000  }
0xba: {  	[tilespmem:s23], [sflag:$0x5] =	stream.indirect.gather [spmem:s2], $0x40, s7, s19, $0xb8;
	[tilespmem:$0x1F040] =	vst v63  }
0xbb: {  	_ =	swait.ge [sflag:s24], $0x2000  }
0xbc: {  	[sflag:s24] =	ssyncset.done $0x0  }
0xbd: {  	s14 =	rddreg [dreg:$0x1d];
	[sflag:s24] =	ssyncadd.s32 $0xFFFFE000  }
0xbe: {  	[spmem:s3] =	stream.indirect.scatter.add.f32 [tilespmem:s16], [sflag:$0x6], $0x40, s14, s19, $0xb8;
	[tilespmem:$0x1F040] =	vst v63  }
0xbf: {  	_ =	swait.ge [sflag:s15], $0x2000  }
0xc0: {  	[sflag:s15] =	ssyncset.done $0x0  }
0xc1: {  	s25 =	rddreg [dreg:$0x1e];
	[sflag:s15] =	ssyncadd.s32 $0xFFFFE000  }
0xc2: {  	[tilespmem:s16], [sflag:$0x1] =	stream.indirect.gather [spmem:s2], $0x40, s25, s19, $0xb8;
	[tilespmem:$0x1F040] =	vst v63  }
0xc3: {  	_ =	swait.ge [sflag:s26], $0x2000  }
0xc4: {  	[sflag:s26] =	ssyncset.done $0x0  }
0xc5: {  	s7 =	rddreg [dreg:$0x1f];
	[sflag:s26] =	ssyncadd.s32 $0xFFFFE000  }
0xc6: {  	[spmem:s3] =	stream.indirect.scatter.add.f32 [tilespmem:s20], [sflag:$0x6], $0x40, s7, s19, $0xb8;
	[tilespmem:$0x1F040] =	vst v63  }
0xc7: {  	_ =	swait.ge [sflag:s15], $0x2000  }
0xc8: {  	s14 =	sld [smem:$0x7FA]  }
0xc9: {  	[sflag:s15] =	ssyncset.done $0x0  }
0xca: {  	[sflag:s15] =	ssyncadd.s32 $0xFFFFE000  }
0xcb: {  	[tilespmem:s20], [sflag:$0x2] =	stream.indirect.gather [spmem:s2], $0x40, s14, s19, $0xb8;
	[tilespmem:$0x1F040] =	vst v63  }
0xcc: {  	_ =	swait.ge [sflag:s28], $0x2000  }
0xcd: {  	s25 =	sld [smem:$0x7FB]  }
0xce: {  	[sflag:s28] =	ssyncset.done $0x0  }
0xcf: {  	[sflag:s28] =	ssyncadd.s32 $0xFFFFE000  }
0xd0: {  	[spmem:s3] =	stream.indirect.scatter.add.f32 [tilespmem:s21], [sflag:$0x6], $0x40, s25, s19, $0xb8;
	[tilespmem:$0x1F040] =	vst v63  }
0xd1: {  	_ =	swait.ge [sflag:s15], $0x2000  }
0xd2: {  	[sflag:s15] =	ssyncset.done $0x0  }
0xd3: {  	[sflag:s15] =	ssyncadd.s32 $0xFFFFE000  }
0xd4: {  	[tilespmem:s21], [sflag:$0x3] =	stream.indirect.gather [spmem:s2], $0x40, s31, s19, $0xb8;
	[tilespmem:$0x1F040] =	vst v63  }
0xd5: {  	_ =	swait.ge [sflag:s29], $0x2000  }
0xd6: {  	[sflag:s29] =	ssyncset.done $0x0  }
0xd7: {  	[sflag:s29] =	ssyncadd.s32 $0xFFFFE000  }
0xd8: {  	[spmem:s3] =	stream.indirect.scatter.add.f32 [tilespmem:s22], [sflag:$0x6], $0x40, s1, s19, $0xb8;
	[tilespmem:$0x1F040] =	vst v63  }
0xd9: {  	_ =	swait.ge [sflag:s15], $0x2000  }
0xda: {  	[sflag:s15] =	ssyncset.done $0x0  }
0xdb: {  	[sflag:s15] =	ssyncadd.s32 $0xFFFFE000  }
0xdc: {  	[tilespmem:s22], [sflag:$0x4] =	stream.indirect.gather [spmem:s2], $0x40, s0, s19, $0xb8;
	[tilespmem:$0x1F040] =	vst v63  }
0xdd: {  	_ =	swait.ge [sflag:s30], $0x2000  }
0xde: {  	[sflag:s30] =	ssyncset.done $0x0  }
0xdf: {  	[sflag:s30] =	ssyncadd.s32 $0xFFFFE000  }
0xe0: {  	[spmem:s3] =	stream.indirect.scatter.add.f32 [tilespmem:s23], [sflag:$0x6], $0x40, s5, s19, $0xb8;
	[tilespmem:$0x1F040] =	vst v63  }
0xe1: {  	_ =	swait.ge [sflag:s15], $0x2000  }
0xe2: {  	[sflag:s15] =	ssyncset.done $0x0  }
0xe3: {  	[sflag:s15] =	ssyncadd.s32 $0xFFFFE000  }
0xe4: {  	[tilespmem:s23], [sflag:$0x5] =	stream.indirect.gather [spmem:s2], $0x40, s8, s19, $0xb8;
	[tilespmem:$0x1F040] =	vst v63  }
0xe5: {  	_ =	swait.ge [sflag:s24], $0x2000  }
0xe6: {  	[sflag:s24] =	ssyncset.done $0x0  }
0xe7: {  	[sflag:s24] =	ssyncadd.s32 $0xFFFFE000  }
0xe8: {  	[spmem:s3] =	stream.indirect.scatter.add.f32 [tilespmem:s16], [sflag:$0x6], $0x40, s9, s19, $0xb8;
	[tilespmem:$0x1F040] =	vst v63  }
0xe9: {  	_ =	swait.ge [sflag:s15], $0x2000  }
0xea: {  	[sflag:s15] =	ssyncset.done $0x0  }
0xeb: {  	[sflag:s15] =	ssyncadd.s32 $0xFFFFE000  }
0xec: {  	_ =	swait.ge [sflag:s26], $0x2000  }
0xed: {  	[sflag:s26] =	ssyncset.done $0x0  }
0xee: {  	[sflag:s26] =	ssyncadd.s32 $0xFFFFE000  }
0xef: {  	[spmem:s3] =	stream.indirect.scatter.add.f32 [tilespmem:s20], [sflag:$0x6], $0x40, s10, s19, $0xb8;
	[tilespmem:$0x1F040] =	vst v63  }
0xf0: {  	_ =	swait.ge [sflag:s15], $0x2000  }
0xf1: {  	[sflag:s15] =	ssyncset.done $0x0  }
0xf2: {  	[sflag:s15] =	ssyncadd.s32 $0xFFFFE000  }
0xf3: {  	_ =	swait.ge [sflag:s28], $0x2000  }
0xf4: {  	[sflag:s28] =	ssyncset.done $0x0  }
0xf5: {  	[sflag:s28] =	ssyncadd.s32 $0xFFFFE000  }
0xf6: {  	[spmem:s3] =	stream.indirect.scatter.add.f32 [tilespmem:s21], [sflag:$0x6], $0x40, s11, s19, $0xb8;
	[tilespmem:$0x1F040] =	vst v63  }
0xf7: {  	_ =	swait.ge [sflag:s15], $0x2000  }
0xf8: {  	[sflag:s15] =	ssyncset.done $0x0  }
0xf9: {  	[sflag:s15] =	ssyncadd.s32 $0xFFFFE000  }
0xfa: {  	_ =	swait.ge [sflag:s29], $0x2000  }
0xfb: {  	[sflag:s29] =	ssyncset.done $0x0  }
0xfc: {  	[sflag:s29] =	ssyncadd.s32 $0xFFFFE000  }
0xfd: {  	[spmem:s3] =	stream.indirect.scatter.add.f32 [tilespmem:s22], [sflag:$0x6], $0x40, s12, s19, $0xb8;
	[tilespmem:$0x1F040] =	vst v63  }
0xfe: {  	_ =	swait.ge [sflag:s15], $0x2000  }
0xff: {  	[sflag:s15] =	ssyncset.done $0x0  }
0x100: {  	[sflag:s15] =	ssyncadd.s32 $0xFFFFE000  }
0x101: {  	_ =	swait.ge [sflag:s30], $0x2000  }
0x102: {  	[sflag:s30] =	ssyncset.done $0x0  }
0x103: {  	[sflag:s30] =	ssyncadd.s32 $0xFFFFE000  }
0x104: {  	[spmem:s3] =	stream.indirect.scatter.add.f32 [tilespmem:s23], [sflag:$0x6], $0x40, s13, s19, $0xb8;
	[tilespmem:$0x1F040] =	vst v63  }
0x105: {  	s7 =	simm.s32 $0x280;
	_ =	swait.ge [sflag:s15], $0x2000  }
0x106: {  	s25 =	simm.s32 $0x140;
	s6 =	rddreg [dreg:$0x5];
	[sflag:s15] =	ssyncset.done $0x0  }
.LBB2_4:
0x107: {  	[sflag:s15] =	ssyncadd.s32 $0xFFFFE000;
	s6 =	sadd.s32 s25, s6  }
0x108: {  	[tilespmem:s17], [sflag:$0x6] =	stream.linear.gather [hbm4b:s6+s4], $0xA00, $0x38;
	[tilespmem:$0x1F040] =	vst v63  }
0x109: {  	_ =	swait.ge [sflag:s15], $0xA00  }
0x10a: {  	s6 =	rddreg [dreg:$0x4];
	[sflag:s15] =	ssyncset.done $0x0  }
0x10b: {  	[sflag:s15] =	ssyncadd.s32 $0xFFFFF600;
	s6 =	sadd.s32 s25, s6  }
0x10c: {  	[tilespmem:s18], [sflag:$0x6] =	stream.linear.gather [hbm4b:s6+s4], $0xA00, $0x38;
	[tilespmem:$0x1F040] =	vst v63  }
0x10d: {  	_ =	swait.ge [sflag:s15], $0xA00  }
0x10e: {  	[sflag:s15] =	ssyncset.done $0x0  }
0x10f: {  	[sflag:s15] =	ssyncadd.s32 $0xFFFFF600  }
0x110: {  	[tilespmem:s16], [sflag:$0x1] =	stream.indirect.gather [spmem:s2], $0x40, s17, s19, $0xb8;
	[tilespmem:$0x1F040] =	vst v63  }
0x111: {  	s14 =	smov.u32 s7;
	s6 =	rddreg [dreg:$0x6]  }
0x112: {  	[tilespmem:s20], [sflag:$0x2] =	stream.indirect.gather [spmem:s2], $0x40, s6, s19, $0xb8;
	[tilespmem:$0x1F040] =	vst v63  }
0x113: {  	s25 =	smov.u32 s14;
	s14 =	rddreg [dreg:$0x7]  }
0x114: {  	[tilespmem:s21], [sflag:$0x3] =	stream.indirect.gather [spmem:s2], $0x40, s14, s19, $0xb8;
	[tilespmem:$0x1F040] =	vst v63  }
0x115: {  	s6 =	rddreg [dreg:$0x8]  }
0x116: {  	[tilespmem:s22], [sflag:$0x4] =	stream.indirect.gather [spmem:s2], $0x40, s6, s19, $0xb8;
	[tilespmem:$0x1F040] =	vst v63  }
0x117: {  	s14 =	rddreg [dreg:$0x9]  }
0x118: {  	[tilespmem:s23], [sflag:$0x5] =	stream.indirect.gather [spmem:s2], $0x40, s14, s19, $0xb8;
	[tilespmem:$0x1F040] =	vst v63  }
0x119: {  	_ =	swait.ge [sflag:s24], $0x2000  }
0x11a: {  	[sflag:s24] =	ssyncset.done $0x0  }
0x11b: {  	[sflag:s24] =	ssyncadd.s32 $0xFFFFE000  }
0x11c: {  	[spmem:s3] =	stream.indirect.scatter.add.f32 [tilespmem:s16], [sflag:$0x6], $0x40, s18, s19, $0xb8;
	[tilespmem:$0x1F040] =	vst v63  }
0x11d: {  	_ =	swait.ge [sflag:s15], $0x2000  }
0x11e: {  	[sflag:s15] =	ssyncset.done $0x0  }
0x11f: {  	s14 =	rddreg [dreg:$0xa];
	[sflag:s15] =	ssyncadd.s32 $0xFFFFE000  }
0x120: {  	[tilespmem:s16], [sflag:$0x1] =	stream.indirect.gather [spmem:s2], $0x40, s14, s19, $0xb8;
	[tilespmem:$0x1F040] =	vst v63  }
0x121: {  	_ =	swait.ge [sflag:s26], $0x2000  }
0x122: {  	[sflag:s26] =	ssyncset.done $0x0  }
0x123: {  	s14 =	rddreg [dreg:$0xb];
	[sflag:s26] =	ssyncadd.s32 $0xFFFFE000  }
0x124: {  	[spmem:s3] =	stream.indirect.scatter.add.f32 [tilespmem:s20], [sflag:$0x6], $0x40, s14, s19, $0xb8;
	[tilespmem:$0x1F040] =	vst v63  }
0x125: {  	_ =	swait.ge [sflag:s15], $0x2000  }
0x126: {  	[sflag:s15] =	ssyncset.done $0x0  }
0x127: {  	s14 =	rddreg [dreg:$0xc];
	[sflag:s15] =	ssyncadd.s32 $0xFFFFE000  }
0x128: {  	[tilespmem:s20], [sflag:$0x2] =	stream.indirect.gather [spmem:s2], $0x40, s14, s19, $0xb8;
	[tilespmem:$0x1F040] =	vst v63  }
0x129: {  	_ =	swait.ge [sflag:s28], $0x2000  }
0x12a: {  	[sflag:s28] =	ssyncset.done $0x0  }
0x12b: {  	s14 =	rddreg [dreg:$0xd];
	[sflag:s28] =	ssyncadd.s32 $0xFFFFE000  }
0x12c: {  	[spmem:s3] =	stream.indirect.scatter.add.f32 [tilespmem:s21], [sflag:$0x6], $0x40, s14, s19, $0xb8;
	[tilespmem:$0x1F040] =	vst v63  }
0x12d: {  	_ =	swait.ge [sflag:s15], $0x2000  }
0x12e: {  	[sflag:s15] =	ssyncset.done $0x0  }
0x12f: {  	s14 =	rddreg [dreg:$0xe];
	[sflag:s15] =	ssyncadd.s32 $0xFFFFE000  }
0x130: {  	[tilespmem:s21], [sflag:$0x3] =	stream.indirect.gather [spmem:s2], $0x40, s14, s19, $0xb8;
	[tilespmem:$0x1F040] =	vst v63  }
0x131: {  	_ =	swait.ge [sflag:s29], $0x2000  }
0x132: {  	[sflag:s29] =	ssyncset.done $0x0  }
0x133: {  	s14 =	rddreg [dreg:$0xf];
	[sflag:s29] =	ssyncadd.s32 $0xFFFFE000  }
0x134: {  	[spmem:s3] =	stream.indirect.scatter.add.f32 [tilespmem:s22], [sflag:$0x6], $0x40, s14, s19, $0xb8;
	[tilespmem:$0x1F040] =	vst v63  }
0x135: {  	_ =	swait.ge [sflag:s15], $0x2000  }
0x136: {  	[sflag:s15] =	ssyncset.done $0x0  }
0x137: {  	s14 =	rddreg [dreg:$0x10];
	[sflag:s15] =	ssyncadd.s32 $0xFFFFE000  }
0x138: {  	[tilespmem:s22], [sflag:$0x4] =	stream.indirect.gather [spmem:s2], $0x40, s14, s19, $0xb8;
	[tilespmem:$0x1F040] =	vst v63  }
0x139: {  	_ =	swait.ge [sflag:s30], $0x2000  }
0x13a: {  	[sflag:s30] =	ssyncset.done $0x0  }
0x13b: {  	s14 =	rddreg [dreg:$0x11];
	[sflag:s30] =	ssyncadd.s32 $0xFFFFE000  }
0x13c: {  	[spmem:s3] =	stream.indirect.scatter.add.f32 [tilespmem:s23], [sflag:$0x6], $0x40, s14, s19, $0xb8;
	[tilespmem:$0x1F040] =	vst v63  }
0x13d: {  	_ =	swait.ge [sflag:s15], $0x2000  }
0x13e: {  	[sflag:s15] =	ssyncset.done $0x0  }
0x13f: {  	s14 =	rddreg [dreg:$0x12];
	[sflag:s15] =	ssyncadd.s32 $0xFFFFE000  }
0x140: {  	[tilespmem:s23], [sflag:$0x5] =	stream.indirect.gather [spmem:s2], $0x40, s14, s19, $0xb8;
	[tilespmem:$0x1F040] =	vst v63  }
0x141: {  	_ =	swait.ge [sflag:s24], $0x2000  }
0x142: {  	[sflag:s24] =	ssyncset.done $0x0  }
0x143: {  	s14 =	rddreg [dreg:$0x13];
	[sflag:s24] =	ssyncadd.s32 $0xFFFFE000  }
0x144: {  	[spmem:s3] =	stream.indirect.scatter.add.f32 [tilespmem:s16], [sflag:$0x6], $0x40, s14, s19, $0xb8;
	[tilespmem:$0x1F040] =	vst v63  }
0x145: {  	_ =	swait.ge [sflag:s15], $0x2000  }
0x146: {  	[sflag:s15] =	ssyncset.done $0x0  }
0x147: {  	s14 =	rddreg [dreg:$0x14];
	[sflag:s15] =	ssyncadd.s32 $0xFFFFE000  }
0x148: {  	[tilespmem:s16], [sflag:$0x1] =	stream.indirect.gather [spmem:s2], $0x40, s14, s19, $0xb8;
	[tilespmem:$0x1F040] =	vst v63  }
0x149: {  	_ =	swait.ge [sflag:s26], $0x2000  }
0x14a: {  	[sflag:s26] =	ssyncset.done $0x0  }
0x14b: {  	s14 =	rddreg [dreg:$0x15];
	[sflag:s26] =	ssyncadd.s32 $0xFFFFE000  }
0x14c: {  	[spmem:s3] =	stream.indirect.scatter.add.f32 [tilespmem:s20], [sflag:$0x6], $0x40, s14, s19, $0xb8;
	[tilespmem:$0x1F040] =	vst v63  }
0x14d: {  	_ =	swait.ge [sflag:s15], $0x2000  }
0x14e: {  	[sflag:s15] =	ssyncset.done $0x0  }
0x14f: {  	s14 =	rddreg [dreg:$0x16];
	[sflag:s15] =	ssyncadd.s32 $0xFFFFE000  }
0x150: {  	[tilespmem:s20], [sflag:$0x2] =	stream.indirect.gather [spmem:s2], $0x40, s14, s19, $0xb8;
	[tilespmem:$0x1F040] =	vst v63  }
0x151: {  	_ =	swait.ge [sflag:s28], $0x2000  }
0x152: {  	[sflag:s28] =	ssyncset.done $0x0  }
0x153: {  	s14 =	rddreg [dreg:$0x17];
	[sflag:s28] =	ssyncadd.s32 $0xFFFFE000  }
0x154: {  	[spmem:s3] =	stream.indirect.scatter.add.f32 [tilespmem:s21], [sflag:$0x6], $0x40, s14, s19, $0xb8;
	[tilespmem:$0x1F040] =	vst v63  }
0x155: {  	_ =	swait.ge [sflag:s15], $0x2000  }
0x156: {  	[sflag:s15] =	ssyncset.done $0x0  }
0x157: {  	s14 =	rddreg [dreg:$0x18];
	[sflag:s15] =	ssyncadd.s32 $0xFFFFE000  }
0x158: {  	[tilespmem:s21], [sflag:$0x3] =	stream.indirect.gather [spmem:s2], $0x40, s14, s19, $0xb8;
	[tilespmem:$0x1F040] =	vst v63  }
0x159: {  	_ =	swait.ge [sflag:s29], $0x2000  }
0x15a: {  	[sflag:s29] =	ssyncset.done $0x0  }
0x15b: {  	s14 =	rddreg [dreg:$0x19];
	[sflag:s29] =	ssyncadd.s32 $0xFFFFE000  }
0x15c: {  	[spmem:s3] =	stream.indirect.scatter.add.f32 [tilespmem:s22], [sflag:$0x6], $0x40, s14, s19, $0xb8;
	[tilespmem:$0x1F040] =	vst v63  }
0x15d: {  	_ =	swait.ge [sflag:s15], $0x2000  }
0x15e: {  	[sflag:s15] =	ssyncset.done $0x0  }
0x15f: {  	s14 =	rddreg [dreg:$0x1a];
	[sflag:s15] =	ssyncadd.s32 $0xFFFFE000  }
0x160: {  	[tilespmem:s22], [sflag:$0x4] =	stream.indirect.gather [spmem:s2], $0x40, s14, s19, $0xb8;
	[tilespmem:$0x1F040] =	vst v63  }
0x161: {  	_ =	swait.ge [sflag:s30], $0x2000  }
0x162: {  	[sflag:s30] =	ssyncset.done $0x0  }
0x163: {  	s14 =	rddreg [dreg:$0x1b];
	[sflag:s30] =	ssyncadd.s32 $0xFFFFE000  }
0x164: {  	[spmem:s3] =	stream.indirect.scatter.add.f32 [tilespmem:s23], [sflag:$0x6], $0x40, s14, s19, $0xb8;
	[tilespmem:$0x1F040] =	vst v63  }
0x165: {  	_ =	swait.ge [sflag:s15], $0x2000  }
0x166: {  	[sflag:s15] =	ssyncset.done $0x0  }
0x167: {  	s14 =	rddreg [dreg:$0x1c];
	[sflag:s15] =	ssyncadd.s32 $0xFFFFE000  }
0x168: {  	[tilespmem:s23], [sflag:$0x5] =	stream.indirect.gather [spmem:s2], $0x40, s14, s19, $0xb8;
	[tilespmem:$0x1F040] =	vst v63  }
0x169: {  	_ =	swait.ge [sflag:s24], $0x2000  }
0x16a: {  	[sflag:s24] =	ssyncset.done $0x0  }
0x16b: {  	s14 =	rddreg [dreg:$0x1d];
	[sflag:s24] =	ssyncadd.s32 $0xFFFFE000  }
0x16c: {  	[spmem:s3] =	stream.indirect.scatter.add.f32 [tilespmem:s16], [sflag:$0x6], $0x40, s14, s19, $0xb8;
	[tilespmem:$0x1F040] =	vst v63  }
0x16d: {  	_ =	swait.ge [sflag:s15], $0x2000  }
0x16e: {  	[sflag:s15] =	ssyncset.done $0x0  }
0x16f: {  	s14 =	rddreg [dreg:$0x1e];
	[sflag:s15] =	ssyncadd.s32 $0xFFFFE000  }
0x170: {  	[tilespmem:s16], [sflag:$0x1] =	stream.indirect.gather [spmem:s2], $0x40, s14, s19, $0xb8;
	[tilespmem:$0x1F040] =	vst v63  }
0x171: {  	_ =	swait.ge [sflag:s26], $0x2000  }
0x172: {  	[sflag:s26] =	ssyncset.done $0x0  }
0x173: {  	s14 =	rddreg [dreg:$0x1f];
	[sflag:s26] =	ssyncadd.s32 $0xFFFFE000  }
0x174: {  	[spmem:s3] =	stream.indirect.scatter.add.f32 [tilespmem:s20], [sflag:$0x6], $0x40, s14, s19, $0xb8;
	[tilespmem:$0x1F040] =	vst v63  }
0x175: {  	_ =	swait.ge [sflag:s15], $0x2000  }
0x176: {  	s14 =	sld [smem:$0x7FA]  }
0x177: {  	[sflag:s15] =	ssyncset.done $0x0  }
0x178: {  	[sflag:s15] =	ssyncadd.s32 $0xFFFFE000  }
0x179: {  	[tilespmem:s20], [sflag:$0x2] =	stream.indirect.gather [spmem:s2], $0x40, s14, s19, $0xb8;
	[tilespmem:$0x1F040] =	vst v63  }
0x17a: {  	_ =	swait.ge [sflag:s28], $0x2000  }
0x17b: {  	s14 =	sld [smem:$0x7FB]  }
0x17c: {  	[sflag:s28] =	ssyncset.done $0x0  }
0x17d: {  	[sflag:s28] =	ssyncadd.s32 $0xFFFFE000  }
0x17e: {  	[spmem:s3] =	stream.indirect.scatter.add.f32 [tilespmem:s21], [sflag:$0x6], $0x40, s14, s19, $0xb8;
	[tilespmem:$0x1F040] =	vst v63  }
0x17f: {  	_ =	swait.ge [sflag:s15], $0x2000  }
0x180: {  	[sflag:s15] =	ssyncset.done $0x0  }
0x181: {  	[sflag:s15] =	ssyncadd.s32 $0xFFFFE000  }
0x182: {  	[tilespmem:s21], [sflag:$0x3] =	stream.indirect.gather [spmem:s2], $0x40, s31, s19, $0xb8;
	[tilespmem:$0x1F040] =	vst v63  }
0x183: {  	_ =	swait.ge [sflag:s29], $0x2000  }
0x184: {  	[sflag:s29] =	ssyncset.done $0x0  }
0x185: {  	[sflag:s29] =	ssyncadd.s32 $0xFFFFE000  }
0x186: {  	[spmem:s3] =	stream.indirect.scatter.add.f32 [tilespmem:s22], [sflag:$0x6], $0x40, s1, s19, $0xb8;
	[tilespmem:$0x1F040] =	vst v63  }
0x187: {  	_ =	swait.ge [sflag:s15], $0x2000  }
0x188: {  	[sflag:s15] =	ssyncset.done $0x0  }
0x189: {  	[sflag:s15] =	ssyncadd.s32 $0xFFFFE000  }
0x18a: {  	[tilespmem:s22], [sflag:$0x4] =	stream.indirect.gather [spmem:s2], $0x40, s0, s19, $0xb8;
	[tilespmem:$0x1F040] =	vst v63  }
0x18b: {  	_ =	swait.ge [sflag:s30], $0x2000  }
0x18c: {  	[sflag:s30] =	ssyncset.done $0x0  }
0x18d: {  	[sflag:s30] =	ssyncadd.s32 $0xFFFFE000  }
0x18e: {  	[spmem:s3] =	stream.indirect.scatter.add.f32 [tilespmem:s23], [sflag:$0x6], $0x40, s5, s19, $0xb8;
	[tilespmem:$0x1F040] =	vst v63  }
0x18f: {  	_ =	swait.ge [sflag:s15], $0x2000  }
0x190: {  	[sflag:s15] =	ssyncset.done $0x0  }
0x191: {  	[sflag:s15] =	ssyncadd.s32 $0xFFFFE000  }
0x192: {  	[tilespmem:s23], [sflag:$0x5] =	stream.indirect.gather [spmem:s2], $0x40, s8, s19, $0xb8;
	[tilespmem:$0x1F040] =	vst v63  }
0x193: {  	_ =	swait.ge [sflag:s24], $0x2000  }
0x194: {  	[sflag:s24] =	ssyncset.done $0x0  }
0x195: {  	[sflag:s24] =	ssyncadd.s32 $0xFFFFE000  }
0x196: {  	[spmem:s3] =	stream.indirect.scatter.add.f32 [tilespmem:s16], [sflag:$0x6], $0x40, s9, s19, $0xb8;
	[tilespmem:$0x1F040] =	vst v63  }
0x197: {  	_ =	swait.ge [sflag:s15], $0x2000  }
0x198: {  	[sflag:s15] =	ssyncset.done $0x0  }
0x199: {  	[sflag:s15] =	ssyncadd.s32 $0xFFFFE000  }
0x19a: {  	_ =	swait.ge [sflag:s26], $0x2000  }
0x19b: {  	[sflag:s26] =	ssyncset.done $0x0  }
0x19c: {  	[sflag:s26] =	ssyncadd.s32 $0xFFFFE000  }
0x19d: {  	[spmem:s3] =	stream.indirect.scatter.add.f32 [tilespmem:s20], [sflag:$0x6], $0x40, s10, s19, $0xb8;
	[tilespmem:$0x1F040] =	vst v63  }
0x19e: {  	_ =	swait.ge [sflag:s15], $0x2000  }
0x19f: {  	[sflag:s15] =	ssyncset.done $0x0  }
0x1a0: {  	[sflag:s15] =	ssyncadd.s32 $0xFFFFE000  }
0x1a1: {  	_ =	swait.ge [sflag:s28], $0x2000  }
0x1a2: {  	[sflag:s28] =	ssyncset.done $0x0  }
0x1a3: {  	[sflag:s28] =	ssyncadd.s32 $0xFFFFE000  }
0x1a4: {  	[spmem:s3] =	stream.indirect.scatter.add.f32 [tilespmem:s21], [sflag:$0x6], $0x40, s11, s19, $0xb8;
	[tilespmem:$0x1F040] =	vst v63  }
0x1a5: {  	_ =	swait.ge [sflag:s15], $0x2000  }
0x1a6: {  	[sflag:s15] =	ssyncset.done $0x0  }
0x1a7: {  	[sflag:s15] =	ssyncadd.s32 $0xFFFFE000  }
0x1a8: {  	_ =	swait.ge [sflag:s29], $0x2000  }
0x1a9: {  	[sflag:s29] =	ssyncset.done $0x0  }
0x1aa: {  	[sflag:s29] =	ssyncadd.s32 $0xFFFFE000  }
0x1ab: {  	[spmem:s3] =	stream.indirect.scatter.add.f32 [tilespmem:s22], [sflag:$0x6], $0x40, s12, s19, $0xb8;
	[tilespmem:$0x1F040] =	vst v63  }
0x1ac: {  	_ =	swait.ge [sflag:s15], $0x2000  }
0x1ad: {  	[sflag:s15] =	ssyncset.done $0x0  }
0x1ae: {  	[sflag:s15] =	ssyncadd.s32 $0xFFFFE000  }
0x1af: {  	p0 =	sne.s32 s7, $0x8C0;
	_ =	swait.ge [sflag:s30], $0x2000  }
.Ltmp1:
0x1b0: {  	[sflag:s30] =	ssyncset.done $0x0;
	(pc) =	sbr.rel @p0 .LBB2_4-.Ltmp1, $4  }
0x1b1: {  	[sflag:s30] =	ssyncadd.s32 $0xFFFFE000  }
0x1b2: {  	[spmem:s3] =	stream.indirect.scatter.add.f32 [tilespmem:s23], [sflag:$0x6], $0x40, s13, s19, $0xb8;
	[tilespmem:$0x1F040] =	vst v63  }
0x1b3: {  	_ =	swait.ge [sflag:s15], $0x2000  }
0x1b4: {  	s7 =	sadd.s32 $0x140, s7;
	s6 =	rddreg [dreg:$0x5];
	[sflag:s15] =	ssyncset.done $0x0  }
0x1b5: {  	[sflag:s15] =	ssyncadd.s32 $0xFFFFE000;
	s6 =	sadd.s32 s25, s6  }
0x1b6: {  	[tilespmem:s17], [sflag:$0x6] =	stream.linear.gather [hbm4b:s6+s4], $0xA00, $0x38;
	[tilespmem:$0x1F040] =	vst v63  }
0x1b7: {  	_ =	swait.ge [sflag:s15], $0xA00  }
0x1b8: {  	s14 =	rddreg [dreg:$0x4];
	[sflag:s15] =	ssyncset.done $0x0  }
0x1b9: {  	[sflag:s15] =	ssyncadd.s32 $0xFFFFF600;
	s6 =	sadd.s32 s25, s14  }
0x1ba: {  	[tilespmem:s18], [sflag:$0x6] =	stream.linear.gather [hbm4b:s6+s4], $0xA00, $0x38;
	[tilespmem:$0x1F040] =	vst v63  }
0x1bb: {  	_ =	swait.ge [sflag:s15], $0xA00  }
0x1bc: {  	[sflag:s15] =	ssyncset.done $0x0  }
0x1bd: {  	[sflag:s15] =	ssyncadd.s32 $0xFFFFF600  }
0x1be: {  	[tilespmem:s16], [sflag:$0x1] =	stream.indirect.gather [spmem:s2], $0x40, s17, s19, $0xb8;
	[tilespmem:$0x1F040] =	vst v63  }
0x1bf: {  	s25 =	rddreg [dreg:$0x6]  }
0x1c0: {  	[tilespmem:s20], [sflag:$0x2] =	stream.indirect.gather [spmem:s2], $0x40, s25, s19, $0xb8;
	[tilespmem:$0x1F040] =	vst v63  }
0x1c1: {  	s7 =	rddreg [dreg:$0x7]  }
0x1c2: {  	[tilespmem:s21], [sflag:$0x3] =	stream.indirect.gather [spmem:s2], $0x40, s7, s19, $0xb8;
	[tilespmem:$0x1F040] =	vst v63  }
0x1c3: {  	s14 =	rddreg [dreg:$0x8]  }
0x1c4: {  	[tilespmem:s22], [sflag:$0x4] =	stream.indirect.gather [spmem:s2], $0x40, s14, s19, $0xb8;
	[tilespmem:$0x1F040] =	vst v63  }
0x1c5: {  	s25 =	rddreg [dreg:$0x9]  }
0x1c6: {  	[tilespmem:s23], [sflag:$0x5] =	stream.indirect.gather [spmem:s2], $0x40, s25, s19, $0xb8;
	[tilespmem:$0x1F040] =	vst v63  }
0x1c7: {  	_ =	swait.ge [sflag:s24], $0x2000  }
0x1c8: {  	[sflag:s24] =	ssyncset.done $0x0  }
0x1c9: {  	[sflag:s24] =	ssyncadd.s32 $0xFFFFE000  }
0x1ca: {  	[spmem:s3] =	stream.indirect.scatter.add.f32 [tilespmem:s16], [sflag:$0x6], $0x40, s18, s19, $0xb8;
	[tilespmem:$0x1F040] =	vst v63  }
0x1cb: {  	_ =	swait.ge [sflag:s15], $0x2000  }
0x1cc: {  	[sflag:s15] =	ssyncset.done $0x0  }
0x1cd: {  	s7 =	rddreg [dreg:$0xa];
	[sflag:s15] =	ssyncadd.s32 $0xFFFFE000  }
0x1ce: {  	[tilespmem:s16], [sflag:$0x1] =	stream.indirect.gather [spmem:s2], $0x40, s7, s19, $0xb8;
	[tilespmem:$0x1F040] =	vst v63  }
0x1cf: {  	_ =	swait.ge [sflag:s26], $0x2000  }
0x1d0: {  	[sflag:s26] =	ssyncset.done $0x0  }
0x1d1: {  	s14 =	rddreg [dreg:$0xb];
	[sflag:s26] =	ssyncadd.s32 $0xFFFFE000  }
0x1d2: {  	[spmem:s3] =	stream.indirect.scatter.add.f32 [tilespmem:s20], [sflag:$0x6], $0x40, s14, s19, $0xb8;
	[tilespmem:$0x1F040] =	vst v63  }
0x1d3: {  	_ =	swait.ge [sflag:s15], $0x2000  }
0x1d4: {  	[sflag:s15] =	ssyncset.done $0x0  }
0x1d5: {  	s25 =	rddreg [dreg:$0xc];
	[sflag:s15] =	ssyncadd.s32 $0xFFFFE000  }
0x1d6: {  	[tilespmem:s20], [sflag:$0x2] =	stream.indirect.gather [spmem:s2], $0x40, s25, s19, $0xb8;
	[tilespmem:$0x1F040] =	vst v63  }
0x1d7: {  	_ =	swait.ge [sflag:s28], $0x2000  }
0x1d8: {  	[sflag:s28] =	ssyncset.done $0x0  }
0x1d9: {  	s7 =	rddreg [dreg:$0xd];
	[sflag:s28] =	ssyncadd.s32 $0xFFFFE000  }
0x1da: {  	[spmem:s3] =	stream.indirect.scatter.add.f32 [tilespmem:s21], [sflag:$0x6], $0x40, s7, s19, $0xb8;
	[tilespmem:$0x1F040] =	vst v63  }
0x1db: {  	_ =	swait.ge [sflag:s15], $0x2000  }
0x1dc: {  	[sflag:s15] =	ssyncset.done $0x0  }
0x1dd: {  	s14 =	rddreg [dreg:$0xe];
	[sflag:s15] =	ssyncadd.s32 $0xFFFFE000  }
0x1de: {  	[tilespmem:s21], [sflag:$0x3] =	stream.indirect.gather [spmem:s2], $0x40, s14, s19, $0xb8;
	[tilespmem:$0x1F040] =	vst v63  }
0x1df: {  	_ =	swait.ge [sflag:s29], $0x2000  }
0x1e0: {  	[sflag:s29] =	ssyncset.done $0x0  }
0x1e1: {  	s25 =	rddreg [dreg:$0xf];
	[sflag:s29] =	ssyncadd.s32 $0xFFFFE000  }
0x1e2: {  	[spmem:s3] =	stream.indirect.scatter.add.f32 [tilespmem:s22], [sflag:$0x6], $0x40, s25, s19, $0xb8;
	[tilespmem:$0x1F040] =	vst v63  }
0x1e3: {  	_ =	swait.ge [sflag:s15], $0x2000  }
0x1e4: {  	[sflag:s15] =	ssyncset.done $0x0  }
0x1e5: {  	s7 =	rddreg [dreg:$0x10];
	[sflag:s15] =	ssyncadd.s32 $0xFFFFE000  }
0x1e6: {  	[tilespmem:s22], [sflag:$0x4] =	stream.indirect.gather [spmem:s2], $0x40, s7, s19, $0xb8;
	[tilespmem:$0x1F040] =	vst v63  }
0x1e7: {  	_ =	swait.ge [sflag:s30], $0x2000  }
0x1e8: {  	[sflag:s30] =	ssyncset.done $0x0  }
0x1e9: {  	s14 =	rddreg [dreg:$0x11];
	[sflag:s30] =	ssyncadd.s32 $0xFFFFE000  }
0x1ea: {  	[spmem:s3] =	stream.indirect.scatter.add.f32 [tilespmem:s23], [sflag:$0x6], $0x40, s14, s19, $0xb8;
	[tilespmem:$0x1F040] =	vst v63  }
0x1eb: {  	_ =	swait.ge [sflag:s15], $0x2000  }
0x1ec: {  	[sflag:s15] =	ssyncset.done $0x0  }
0x1ed: {  	s25 =	rddreg [dreg:$0x12];
	[sflag:s15] =	ssyncadd.s32 $0xFFFFE000  }
0x1ee: {  	[tilespmem:s23], [sflag:$0x5] =	stream.indirect.gather [spmem:s2], $0x40, s25, s19, $0xb8;
	[tilespmem:$0x1F040] =	vst v63  }
0x1ef: {  	_ =	swait.ge [sflag:s24], $0x2000  }
0x1f0: {  	[sflag:s24] =	ssyncset.done $0x0  }
0x1f1: {  	s7 =	rddreg [dreg:$0x13];
	[sflag:s24] =	ssyncadd.s32 $0xFFFFE000  }
0x1f2: {  	[spmem:s3] =	stream.indirect.scatter.add.f32 [tilespmem:s16], [sflag:$0x6], $0x40, s7, s19, $0xb8;
	[tilespmem:$0x1F040] =	vst v63  }
0x1f3: {  	_ =	swait.ge [sflag:s15], $0x2000  }
0x1f4: {  	[sflag:s15] =	ssyncset.done $0x0  }
0x1f5: {  	s14 =	rddreg [dreg:$0x14];
	[sflag:s15] =	ssyncadd.s32 $0xFFFFE000  }
0x1f6: {  	[tilespmem:s16], [sflag:$0x1] =	stream.indirect.gather [spmem:s2], $0x40, s14, s19, $0xb8;
	[tilespmem:$0x1F040] =	vst v63  }
0x1f7: {  	_ =	swait.ge [sflag:s26], $0x2000  }
0x1f8: {  	[sflag:s26] =	ssyncset.done $0x0  }
0x1f9: {  	s25 =	rddreg [dreg:$0x15];
	[sflag:s26] =	ssyncadd.s32 $0xFFFFE000  }
0x1fa: {  	[spmem:s3] =	stream.indirect.scatter.add.f32 [tilespmem:s20], [sflag:$0x6], $0x40, s25, s19, $0xb8;
	[tilespmem:$0x1F040] =	vst v63  }
0x1fb: {  	_ =	swait.ge [sflag:s15], $0x2000  }
0x1fc: {  	[sflag:s15] =	ssyncset.done $0x0  }
0x1fd: {  	s7 =	rddreg [dreg:$0x16];
	[sflag:s15] =	ssyncadd.s32 $0xFFFFE000  }
0x1fe: {  	[tilespmem:s20], [sflag:$0x2] =	stream.indirect.gather [spmem:s2], $0x40, s7, s19, $0xb8;
	[tilespmem:$0x1F040] =	vst v63  }
0x1ff: {  	_ =	swait.ge [sflag:s28], $0x2000  }
0x200: {  	[sflag:s28] =	ssyncset.done $0x0  }
0x201: {  	s14 =	rddreg [dreg:$0x17];
	[sflag:s28] =	ssyncadd.s32 $0xFFFFE000  }
0x202: {  	[spmem:s3] =	stream.indirect.scatter.add.f32 [tilespmem:s21], [sflag:$0x6], $0x40, s14, s19, $0xb8;
	[tilespmem:$0x1F040] =	vst v63  }
0x203: {  	_ =	swait.ge [sflag:s15], $0x2000  }
0x204: {  	[sflag:s15] =	ssyncset.done $0x0  }
0x205: {  	s25 =	rddreg [dreg:$0x18];
	[sflag:s15] =	ssyncadd.s32 $0xFFFFE000  }
0x206: {  	[tilespmem:s21], [sflag:$0x3] =	stream.indirect.gather [spmem:s2], $0x40, s25, s19, $0xb8;
	[tilespmem:$0x1F040] =	vst v63  }
0x207: {  	_ =	swait.ge [sflag:s29], $0x2000  }
0x208: {  	[sflag:s29] =	ssyncset.done $0x0  }
0x209: {  	s7 =	rddreg [dreg:$0x19];
	[sflag:s29] =	ssyncadd.s32 $0xFFFFE000  }
0x20a: {  	[spmem:s3] =	stream.indirect.scatter.add.f32 [tilespmem:s22], [sflag:$0x6], $0x40, s7, s19, $0xb8;
	[tilespmem:$0x1F040] =	vst v63  }
0x20b: {  	_ =	swait.ge [sflag:s15], $0x2000  }
0x20c: {  	[sflag:s15] =	ssyncset.done $0x0  }
0x20d: {  	s14 =	rddreg [dreg:$0x1a];
	[sflag:s15] =	ssyncadd.s32 $0xFFFFE000  }
0x20e: {  	[tilespmem:s22], [sflag:$0x4] =	stream.indirect.gather [spmem:s2], $0x40, s14, s19, $0xb8;
	[tilespmem:$0x1F040] =	vst v63  }
0x20f: {  	_ =	swait.ge [sflag:s30], $0x2000  }
0x210: {  	[sflag:s30] =	ssyncset.done $0x0  }
0x211: {  	s25 =	rddreg [dreg:$0x1b];
	[sflag:s30] =	ssyncadd.s32 $0xFFFFE000  }
0x212: {  	[spmem:s3] =	stream.indirect.scatter.add.f32 [tilespmem:s23], [sflag:$0x6], $0x40, s25, s19, $0xb8;
	[tilespmem:$0x1F040] =	vst v63  }
0x213: {  	_ =	swait.ge [sflag:s15], $0x2000  }
0x214: {  	[sflag:s15] =	ssyncset.done $0x0  }
0x215: {  	s7 =	rddreg [dreg:$0x1c];
	[sflag:s15] =	ssyncadd.s32 $0xFFFFE000  }
0x216: {  	[tilespmem:s23], [sflag:$0x5] =	stream.indirect.gather [spmem:s2], $0x40, s7, s19, $0xb8;
	[tilespmem:$0x1F040] =	vst v63  }
0x217: {  	_ =	swait.ge [sflag:s24], $0x2000  }
0x218: {  	[sflag:s24] =	ssyncset.done $0x0  }
0x219: {  	s14 =	rddreg [dreg:$0x1d];
	[sflag:s24] =	ssyncadd.s32 $0xFFFFE000  }
0x21a: {  	[spmem:s3] =	stream.indirect.scatter.add.f32 [tilespmem:s16], [sflag:$0x6], $0x40, s14, s19, $0xb8;
	[tilespmem:$0x1F040] =	vst v63  }
0x21b: {  	_ =	swait.ge [sflag:s15], $0x2000  }
0x21c: {  	[sflag:s15] =	ssyncset.done $0x0  }
0x21d: {  	s25 =	rddreg [dreg:$0x1e];
	[sflag:s15] =	ssyncadd.s32 $0xFFFFE000  }
0x21e: {  	[tilespmem:s16], [sflag:$0x1] =	stream.indirect.gather [spmem:s2], $0x40, s25, s19, $0xb8;
	[tilespmem:$0x1F040] =	vst v63  }
0x21f: {  	_ =	swait.ge [sflag:s26], $0x2000  }
0x220: {  	[sflag:s26] =	ssyncset.done $0x0  }
0x221: {  	s7 =	rddreg [dreg:$0x1f];
	[sflag:s26] =	ssyncadd.s32 $0xFFFFE000  }
0x222: {  	[spmem:s3] =	stream.indirect.scatter.add.f32 [tilespmem:s20], [sflag:$0x6], $0x40, s7, s19, $0xb8;
	[tilespmem:$0x1F040] =	vst v63  }
0x223: {  	_ =	swait.ge [sflag:s15], $0x2000  }
0x224: {  	s14 =	sld [smem:$0x7FA]  }
0x225: {  	[sflag:s15] =	ssyncset.done $0x0  }
0x226: {  	[sflag:s15] =	ssyncadd.s32 $0xFFFFE000  }
0x227: {  	[tilespmem:s20], [sflag:$0x2] =	stream.indirect.gather [spmem:s2], $0x40, s14, s19, $0xb8;
	[tilespmem:$0x1F040] =	vst v63  }
0x228: {  	_ =	swait.ge [sflag:s28], $0x2000  }
0x229: {  	s25 =	sld [smem:$0x7FB]  }
0x22a: {  	[sflag:s28] =	ssyncset.done $0x0  }
0x22b: {  	[sflag:s28] =	ssyncadd.s32 $0xFFFFE000  }
0x22c: {  	[spmem:s3] =	stream.indirect.scatter.add.f32 [tilespmem:s21], [sflag:$0x6], $0x40, s25, s19, $0xb8;
	[tilespmem:$0x1F040] =	vst v63  }
0x22d: {  	_ =	swait.ge [sflag:s15], $0x2000  }
0x22e: {  	[sflag:s15] =	ssyncset.done $0x0  }
0x22f: {  	[sflag:s15] =	ssyncadd.s32 $0xFFFFE000  }
0x230: {  	[tilespmem:s21], [sflag:$0x3] =	stream.indirect.gather [spmem:s2], $0x40, s31, s19, $0xb8;
	[tilespmem:$0x1F040] =	vst v63  }
0x231: {  	_ =	swait.ge [sflag:s29], $0x2000  }
0x232: {  	[sflag:s29] =	ssyncset.done $0x0  }
0x233: {  	[sflag:s29] =	ssyncadd.s32 $0xFFFFE000  }
0x234: {  	[spmem:s3] =	stream.indirect.scatter.add.f32 [tilespmem:s22], [sflag:$0x6], $0x40, s1, s19, $0xb8;
	[tilespmem:$0x1F040] =	vst v63  }
0x235: {  	_ =	swait.ge [sflag:s15], $0x2000  }
0x236: {  	[sflag:s15] =	ssyncset.done $0x0  }
0x237: {  	[sflag:s15] =	ssyncadd.s32 $0xFFFFE000  }
0x238: {  	[tilespmem:s22], [sflag:$0x4] =	stream.indirect.gather [spmem:s2], $0x40, s0, s19, $0xb8;
	[tilespmem:$0x1F040] =	vst v63  }
0x239: {  	_ =	swait.ge [sflag:s30], $0x2000  }
0x23a: {  	[sflag:s30] =	ssyncset.done $0x0  }
0x23b: {  	[sflag:s30] =	ssyncadd.s32 $0xFFFFE000  }
0x23c: {  	[spmem:s3] =	stream.indirect.scatter.add.f32 [tilespmem:s23], [sflag:$0x6], $0x40, s5, s19, $0xb8;
	[tilespmem:$0x1F040] =	vst v63  }
0x23d: {  	_ =	swait.ge [sflag:s15], $0x2000  }
0x23e: {  	[sflag:s15] =	ssyncset.done $0x0  }
0x23f: {  	[sflag:s15] =	ssyncadd.s32 $0xFFFFE000  }
0x240: {  	[tilespmem:s23], [sflag:$0x5] =	stream.indirect.gather [spmem:s2], $0x40, s8, s19, $0xb8;
	[tilespmem:$0x1F040] =	vst v63  }
0x241: {  	_ =	swait.ge [sflag:s24], $0x2000  }
0x242: {  	[sflag:s24] =	ssyncset.done $0x0  }
0x243: {  	[sflag:s24] =	ssyncadd.s32 $0xFFFFE000  }
0x244: {  	[spmem:s3] =	stream.indirect.scatter.add.f32 [tilespmem:s16], [sflag:$0x6], $0x40, s9, s19, $0xb8;
	[tilespmem:$0x1F040] =	vst v63  }
0x245: {  	_ =	swait.ge [sflag:s15], $0x2000  }
0x246: {  	[sflag:s15] =	ssyncset.done $0x0  }
0x247: {  	[sflag:s15] =	ssyncadd.s32 $0xFFFFE000  }
0x248: {  	_ =	swait.ge [sflag:s26], $0x2000  }
0x249: {  	[sflag:s26] =	ssyncset.done $0x0  }
0x24a: {  	[sflag:s26] =	ssyncadd.s32 $0xFFFFE000  }
0x24b: {  	[spmem:s3] =	stream.indirect.scatter.add.f32 [tilespmem:s20], [sflag:$0x6], $0x40, s10, s19, $0xb8;
	[tilespmem:$0x1F040] =	vst v63  }
0x24c: {  	_ =	swait.ge [sflag:s15], $0x2000  }
0x24d: {  	[sflag:s15] =	ssyncset.done $0x0  }
0x24e: {  	[sflag:s15] =	ssyncadd.s32 $0xFFFFE000  }
0x24f: {  	_ =	swait.ge [sflag:s28], $0x2000  }
0x250: {  	[sflag:s28] =	ssyncset.done $0x0  }
0x251: {  	[sflag:s28] =	ssyncadd.s32 $0xFFFFE000  }
0x252: {  	[spmem:s3] =	stream.indirect.scatter.add.f32 [tilespmem:s21], [sflag:$0x6], $0x40, s11, s19, $0xb8;
	[tilespmem:$0x1F040] =	vst v63  }
0x253: {  	_ =	swait.ge [sflag:s15], $0x2000  }
0x254: {  	[sflag:s15] =	ssyncset.done $0x0  }
0x255: {  	[sflag:s15] =	ssyncadd.s32 $0xFFFFE000  }
0x256: {  	_ =	swait.ge [sflag:s29], $0x2000  }
0x257: {  	[sflag:s29] =	ssyncset.done $0x0  }
0x258: {  	[sflag:s29] =	ssyncadd.s32 $0xFFFFE000  }
0x259: {  	[spmem:s3] =	stream.indirect.scatter.add.f32 [tilespmem:s22], [sflag:$0x6], $0x40, s12, s19, $0xb8;
	[tilespmem:$0x1F040] =	vst v63  }
0x25a: {  	_ =	swait.ge [sflag:s15], $0x2000  }
0x25b: {  	[sflag:s15] =	ssyncset.done $0x0  }
0x25c: {  	[sflag:s15] =	ssyncadd.s32 $0xFFFFE000  }
0x25d: {  	_ =	swait.ge [sflag:s30], $0x2000  }
0x25e: {  	[sflag:s30] =	ssyncset.done $0x0  }
0x25f: {  	[sflag:s30] =	ssyncadd.s32 $0xFFFFE000  }
0x260: {  	[spmem:s3] =	stream.indirect.scatter.add.f32 [tilespmem:s23], [sflag:$0x6], $0x40, s13, s19, $0xb8;
	[tilespmem:$0x1F040] =	vst v63  }
0x261: {  	_ =	swait.ge [sflag:s15], $0x2000  }
0x262: {  	[sflag:s15] =	ssyncset.done $0x0  }
0x263: {  	[sflag:s15] =	ssyncadd.s32 $0xFFFFE000  }
0x264: {  	[bflag:$0x0] =	sbarrier.arrive $0xFFFF  }
0x265: {  	s14 =	sld [smem:$0x7FD]  }
0x266: {  	s7 =	sld [smem:$0x7F2]  }
0x267: {  	s25 =	sld [smem:$0x7FC];
	_ =	sdelay $0x2  }
0x268: {  	[hbm:s7], [sflag:s14] =	dma.local [spmem:s25], $0x1400  }
0x269: {  	_ =	swait.ge [sflag:s15], $0x1400  }
0x26a: {  	s6 =	sld [smem:$0x7F0]  }
0x26b: {  	s25 =	sld [smem:$0x7F3];
	_ =	sdelay $0x1  }
0x26c: {  	s7 =	sadd.s32 $0x1, s6  }
0x26d: {  	p0 =	sne.s32 s7, s25  }
.Ltmp2:
0x26e: {  	_ = 	snop;
	(pc) =	sbr.rel @p0 .LBB2_1-.Ltmp2, $3  }
0x26f: {  	_ =	sdelay $0x1  }
0x270: {  	[sflag:s15] =	ssyncset.done $0x0  }
0x271: {  	[sflag:s15] =	ssyncadd.s32 $0xFFFFEC00  }
0x272: {  	_ =	sfence.sel $0x180000  }
0x273: {  	[bflag:$0x0] =	sbarrier.arrive $0xFFFF  }
0x274: {  	_ =	strace $0x9000004D  }
0x275: {  	s0 =	stileid.u32;
	[bflag:$0x2] =	sbarrier.arrive $0xFFFF  }
0x276: {  	p0 =	sne.s32 s0, $0x0;
	s0 =	rddreg [dreg:$0x3]  }
0x277: {  	s0 =	sadd.s32 @!p0 $0x100000, s0  }
0x278: {  	[sflag:s0] =	ssyncadd.tile.s32 @!p0 $0x1;
	_ =	shalt  }
.Lfunc_end2:
_tile_overlayer_lowered:
.L_overlay_start_2:
0x279: {  	(tag) =	ssettag $0x2  }
0x27a: {  	s0 =	rddreg [dreg:$0x0];
	s2 =	stileid.u32  }
0x27b: {  	s1 =	rddreg [dreg:$0x1];
	p0 =	sne.s32 s2, $0x0  }
0x27c: {  	s3 =	rddreg [dreg:$0x2];
	[bflag:$0x3] =	sbarrier.arrive $0xFFFF;
	s2 =	simm.s32 @!p0 $0x1C06  }
0x27d: {  	[timem:s3], [sflag:s2] =	dma.local @!p0 [hbm:s0], s1  }
0x27e: {  	s0 =	simm.s32 @!p0 $0x6  }
0x27f: {  	_ =	swait.ge @!p0 [sflag:s0], s1  }
0x280: {  	s1 =	ssub.s32 @!p0 $0x0, s1;
	[sflag:s0] =	ssyncset.done @!p0 $0x0  }
0x281: {  	[sflag:s0] =	ssyncadd.s32 @!p0 s1  }
0x282: {  	[bflag:$0x3] =	sbarrier.arrive $0xFFFF  }
0x283: {  	_ =	shalt  }

// kernel: kernel.21.cloned.1.call-start
scs
__scs_entry_jumppad:
0x0: {  	(pc) =	sbr.rel $0x88, $3  }
0x1: {  	(tag) =	ssettag $0x0;
	lr =	simm.s32 $0x1  }
0x2: {  	[smem:$0x3F93] =	sst lr;
	_ =	strace $0xD0000000  }
0x3: {  	_ = 	snop  }
0x4: {  	_ = 	snop  }
0x5: {  	_ = 	snop  }
0x6: {  	_ = 	snop  }
0x7: {  	_ = 	snop  }
__scs_overlays_trampoline_lowered:
0x8: {  	[smem:$0x3FA2] =	sst s0  }
0x9: {  	[smem:$0x3FA3] =	sst s1  }
0xa: {  	[smem:$0x3FA4] =	sst s2  }
0xb: {  	[smem:$0x3FA5] =	sst s3  }
0xc: {  	[smem:$0x3FA6] =	sst s4  }
0xd: {  	[smem:$0x3FA7] =	sst s5  }
0xe: {  	[smem:$0x3FA8] =	sst s6  }
0xf: {  	[smem:$0x3FA9] =	sst s7  }
0x10: {  	[smem:$0x3FAA] =	sst s8  }
0x11: {  	[smem:$0x3FAB] =	sst s9;
	s0 =	simm.s32 @!p0 $0x0  }
0x12: {  	s1 =	sld [smem:$0x3F91];
	s0 =	simm.s32 @p0 $0x1  }
0x13: {  	[smem:$0x3FAC] =	sst s0;
	s0 =	simm.s32 @!p1 $0x0  }
0x14: {  	s2 =	sld [smem:$0x3F90];
	s0 =	simm.s32 @p1 $0x1  }
0x15: {  	[smem:$0x3FAD] =	sst s0;
	s0 =	simm.s32 @!p2 $0x0  }
0x16: {  	s3 =	sld [smem:$0x3FDB];
	s0 =	simm.s32 @p2 $0x1  }
0x17: {  	s4 =	simm.s32 $0x1BF5;
	[smem:$0x3FAF] =	sst s0  }
0x18: {  	s0 =	sld [smem:$0x3F92];
	_ =	swait.ge [sflag:s4], $0x0  }
0x19: {  	s7 =	sld [smem:$0x3F93]  }
0x1a: {  	s8 =	sadd.s32 $0xFFFFE003, lr  }
0x1b: {  	s9 =	sadd.s32 $0xFFFFFEF7, lr;
	s5 =	simm.s32 $0xFFFFFFFF;
	p2 =	slt.u32 s8, $0xFFFFF086  }
0x1c: {  	p1 =	slt.u32 s9, $0xF7A;
	s5 =	simm.s32 @!p2 $0x0  }
0x1d: {  	s5 =	simm.s32 @p1 $0x1;
	p0 =	seq.s32 s7, s2  }
0x1e: {  	s7 =	smul.u32 @!p0 $0xF7A, s2;
	p2 =	seq.s32 @!p0 s5, $0x0  }
0x1f: {  	s9 =	smul.u32 $0xF7A, s1;
	s8 =	simm.s32 @!p0 $0x1BF5;
	p2 =	por !p2, p0  }
0x20: {  	[sflag:s8] =	ssyncset.s32 @!p0 $0xFFFFF086;
	s6 =	sadd.s32 @!p0 s3, s7;
	s7 =	simm.s32 @!p0 $0x108  }
0x21: {  	s3 =	sadd.s32 s3, s9;
	s6 =	sadd.s32 @!p0 $0x88, s6;
	s7 =	simm.s32 @p2 $0x1082  }
0x22: {  	[simem:s7], [sflag:s8] =	dma.local @!p0 [hbm:s6], $0xF7A  }
0x23: {  	s9 =	sor.u32 $0xD0000000, s2;
	s6 =	simm.s32 $0x108;
	_ =	swait.ge @!p0 [sflag:s8], $0x0  }
0x24: {  	s3 =	sadd.s32 $0x88, s3;
	s6 =	simm.s32 @!p1 $0x1082;
	[sflag:s4] =	ssyncset.s32 $0xFFFFF086  }
0x25: {  	[simem:s6], [sflag:s4] =	dma.local [hbm:s3], $0xF7A  }
0x26: {  	[smem:$0x3F93] =	sst s1;
	(tag) =	ssettag s2;
	_ =	strace s9  }
0x27: {  	s1 =	sld [smem:$0x3FA3]  }
0x28: {  	s2 =	sld [smem:$0x3FA4]  }
0x29: {  	s4 =	sld [smem:$0x3FA6]  }
0x2a: {  	p0 =	seq.s32 s5, $0x0;
	s5 =	sld [smem:$0x3FA7]  }
0x2b: {  	s6 =	sld [smem:$0x3FA8]  }
0x2c: {  	s7 =	sld [smem:$0x3FA9]  }
0x2d: {  	s3 =	simm.s32 $0x108;
	s8 =	sld [smem:$0x3FAA]  }
0x2e: {  	s3 =	simm.s32 @!p0 $0x1082;
	s9 =	sld [smem:$0x3FAB]  }
0x2f: {  	lr =	sadd.s32 s0, s3;
	s0 =	sld [smem:$0x3FA2]  }
0x30: {  	s3 =	sld [smem:$0x3FA5]  }
0x31: {  	[smem:$0x3FAE] =	sst s10  }
0x32: {  	s10 =	sld [smem:$0x3FAC];
	_ =	sdelay $0x3  }
0x33: {  	p0 =	seq.s32 s10, $0x1;
	s10 =	sld [smem:$0x3FAE];
	_ =	sdelay $0x3  }
0x34: {  	[smem:$0x3FAE] =	sst s10  }
0x35: {  	s10 =	sld [smem:$0x3FAD];
	_ =	sdelay $0x3  }
0x36: {  	p1 =	seq.s32 s10, $0x1;
	s10 =	sld [smem:$0x3FAE];
	_ =	sdelay $0x3  }
0x37: {  	[smem:$0x3FAE] =	sst s10  }
0x38: {  	s10 =	sld [smem:$0x3FAF]  }
0x39: {  	_ = 	snop;
	(pc) =	sbr.ind lr, $3  }
0x3a: {  	_ = 	snop  }
0x3b: {  	_ = 	snop  }
0x3c: {  	p2 =	seq.s32 s10, $0x1;
	s10 =	sld [smem:$0x3FAE]  }
0x3d: {  	_ =	shalt  }
0x3e: {  	_ =	shalt  }
0x3f: {  	_ =	shalt  }
0x40: {  	_ =	shalt  }
0x41: {  	_ =	shalt  }
0x42: {  	_ =	shalt  }
0x43: {  	_ =	shalt  }
0x44: {  	_ =	shalt  }
0x45: {  	_ =	shalt  }
0x46: {  	_ =	shalt  }
0x47: {  	_ =	shalt  }
0x48: {  	_ =	shalt  }
0x49: {  	_ =	shalt  }
0x4a: {  	_ =	shalt  }
0x4b: {  	_ =	shalt  }
0x4c: {  	_ =	shalt  }
0x4d: {  	_ =	shalt  }
0x4e: {  	_ =	shalt  }
0x4f: {  	_ =	shalt  }
0x50: {  	_ =	shalt  }
0x51: {  	_ =	shalt  }
0x52: {  	_ =	shalt  }
0x53: {  	_ =	shalt  }
0x54: {  	_ =	shalt  }
0x55: {  	_ =	shalt  }
0x56: {  	_ =	shalt  }
0x57: {  	_ =	shalt  }
0x58: {  	_ =	shalt  }
0x59: {  	_ =	shalt  }
0x5a: {  	_ =	shalt  }
0x5b: {  	_ =	shalt  }
0x5c: {  	_ =	shalt  }
0x5d: {  	_ =	shalt  }
0x5e: {  	_ =	shalt  }
0x5f: {  	_ =	shalt  }
0x60: {  	_ =	shalt  }
0x61: {  	_ =	shalt  }
0x62: {  	_ =	shalt  }
0x63: {  	_ =	shalt  }
0x64: {  	_ =	shalt  }
0x65: {  	_ =	shalt  }
0x66: {  	_ =	shalt  }
0x67: {  	_ =	shalt  }
0x68: {  	_ =	shalt  }
0x69: {  	_ =	shalt  }
0x6a: {  	_ =	shalt  }
0x6b: {  	_ =	shalt  }
0x6c: {  	_ =	shalt  }
0x6d: {  	_ =	shalt  }
0x6e: {  	_ =	shalt  }
0x6f: {  	_ =	shalt  }
0x70: {  	_ =	shalt  }
0x71: {  	_ =	shalt  }
0x72: {  	_ =	shalt  }
0x73: {  	_ =	shalt  }
0x74: {  	_ =	shalt  }
0x75: {  	_ =	shalt  }
0x76: {  	_ =	shalt  }
0x77: {  	_ =	shalt  }
0x78: {  	_ =	shalt  }
0x79: {  	_ =	shalt  }
0x7a: {  	_ =	shalt  }
0x7b: {  	_ =	shalt  }
0x7c: {  	_ =	shalt  }
0x7d: {  	_ =	shalt  }
0x7e: {  	_ =	shalt  }
0x7f: {  	_ =	shalt  }
0x80: {  	_ =	shalt  }
0x81: {  	_ =	shalt  }
0x82: {  	_ =	shalt  }
0x83: {  	_ =	shalt  }
0x84: {  	_ =	shalt  }
0x85: {  	_ =	shalt  }
0x86: {  	_ =	shalt  }
0x87: {  	_ =	shalt  }
.Lfunc_end0:
.L_simem_size_0:
called_computation.3_lowered:
.L_overlay_start_0:
0x88: {  	s2 =	sld [smem:$0x3FD9]  }
0x89: {  	s3 =	sld [smem:$0x3FFE];
	_ =	sdelay $0x1  }
0x8a: {  	s1 =	srdreg.scid  }
0x8b: {  	s0 =	sand.u32 $0x1, s1  }
0x8c: {  	s16 =	sshll.u32 s0, $0xA;
	s2 =	sadd.s32 s3, s2  }
0x8d: {  	s2 =	sadd.s32 s2, s16  }
0x8e: {  	[smem:$0x3FBA] =	sst s2  }
0x8f: {  	_ = 	snop  }
0x90: {  	(tm) =	ssettm $0x1  }
0x91: {  	s17 =	sld [smem:$0x3FFB];
	_ =	sdelay $0x3  }
0x92: {  	_ =	strace s17  }
0x93: {  	s2 =	sld [smem:$0x3FFC];
	_ =	sdelay $0x3  }
0x94: {  	_ =	strace s2  }
0x95: {  	s2 =	sld [smem:$0x3FFD];
	_ =	sdelay $0x3  }
0x96: {  	_ =	strace s2  }
0x97: {  	_ =	strace $0x8FFFFFFF  }
0x98: {  	s18 =	sld [smem:$0x3FDB];
	_ =	sdelay $0x1  }
0x99: {  	s19 =	simm.s32 $_scs_section_size  }
0x9a: {  	s4 =	simm.s32 $_size__tile_overlayer_lowered;
	s5 =	simm.s32 $_tile_overlayer_lowered  }
0x9b: {  	s22 =	simm.s32 $0x1BFF;
	s21 =	sshll.u32 s5, $0x1;
	s2 =	sadd.s32 s19, s18  }
0x9c: {  	s6 =	simm.s32 $0x0;
	s20 =	sshll.u32 s4, $0x1;
	s4 =	sadd.s32 s21, s2  }
0x9d: {  	[timem:s6], [sflag:s22] =	dma.local [hbm:s4], s20  }
0x9e: {  	_ =	swait.ge [sflag:s22], s20  }
0x9f: {  	s3 =	ssub.s32 $0x0, s20;
	[sflag:s22] =	ssyncset.done $0x0  }
0xa0: {  	[sflag:s22] =	ssyncadd.s32 s3;
	_ =	sdelay $0x1  }
0xa1: {  	s23 =	simm.s32 $0x1B8B  }
0xa2: {  	_ =	swait.ge [sflag:s23], $0x1  }
0xa3: {  	[sflag:s23] =	ssyncset.done $0x0  }
0xa4: {  	s25 =	simm.s32 $0x1B8E;
	s24 =	sld [smem:$0x3FFE];
	[sflag:s23] =	ssyncadd.s32 $0xFFFFFFFF  }
0xa5: {  	s26 =	simm.s32 $execute0_lowered;
	[smem:$0x3FD2] =	sst s25  }
0xa6: {  	s4 =	sshll.u32 s26, $0x1;
	_ =	strace $0x8000004F;
	[dreg:$0x1] =	wrdreg $0xFFFFFFFF  }
0xa7: {  	s28 =	simm.s32 $_size_execute0_lowered;
	s2 =	sadd.s32 s2, s4;
	[dreg:$0x0] =	wrdreg $0x0  }
0xa8: {  	s4 =	sshll.u32 s28, $0x1;
	[dreg:$0x2] =	wrdreg s2  }
0xa9: {  	[dreg:$0x3] =	wrdreg s4  }
0xaa: {  	[dreg:$0x4] =	wrdreg $0xC0  }
0xab: {  	_ =	task [dreg:s6], $0x5FFFF  }
0xac: {  	[dreg:$0x1] =	wrdreg $0xFFFFFFFF  }
0xad: {  	[dreg:$0x0] =	wrdreg $0x60  }
0xae: {  	[dreg:$0x2] =	wrdreg s24  }
0xaf: {  	[dreg:$0x3] =	wrdreg $0x0  }
0xb0: {  	[dreg:$0x4] =	wrdreg $0x27100  }
0xb1: {  	[dreg:$0x5] =	wrdreg $0x9  }
0xb2: {  	_ =	task.clear_ibuf [dreg:s6], $0x6FFFF;
	_ =	strace $0x9000004F  }
0xb3: {  	s29 =	simm.s32 $0x9;
	_ =	strace $0x80000051  }
0xb4: {  	_ =	swait.ge [sflag:s29], $0x1  }
0xb5: {  	[sflag:s29] =	ssyncadd.s32 $0xFFFFFFFF  }
0xb6: {  	_ =	strace $0x90000051  }
0xb7: {  	_ =	sfence  }
0xb8: {  	s30 =	sld [smem:$0x0];
	_ =	sdelay $0x2  }
0xb9: {  	s31 =	sshll.u32 s1, $0xD;
	s1 =	sshrl.u32 s1, $0x2  }
0xba: {  	s3 =	sand.u32 $0x4000, s31;
	s1 =	sadd.s32 s1, s30  }
0xbb: {  	s0 =	sor.u32 s3, s0;
	s1 =	sshll.u32 s1, $0x11  }
0xbc: {  	s0 =	sor.u32 s1, s0  }
0xbd: {  	s0 =	sadd.s32 $0x8F2B, s0  }
0xbe: {  	[sflag:s0] =	ssyncadd.remote.s32 $0x1  }
0xbf: {  	_ =	sfence.sel $0xFFFF  }
0xc0: {  	[dreg:$0x0] =	wrdreg $0xFFFFFFFF;
	(pc) =	sbr.abs _section_cstart, $3  }
0xc1: {  	[dreg:$0x1] =	wrdreg $0xFFFFFFFF  }
0xc2: {  	_ =	task.clear_ibuf [dreg:s6], $0x2FFFF;
	_ =	strace $0x9FFFFFFF  }
0xc3: {  	(tm) =	ssettm $0x7FFFFFFF  }
tec
execute0_lowered:
.L_overlay_start_1:
0x0: {  	(tag) =	ssettag $0x1  }
0x1: {  	s11 =	stileid.u32;
	s1 =	rddreg [dreg:$0x0]  }
0x2: {  	s0 =	srdreg.scid;
	s2 =	rddreg [dreg:$0x1]  }
0x3: {  	s3 =	rddreg [dreg:$0x2];
	s4 =	simm.s32 $0x0;
	s23 =	simm.s32 $0x4F90  }
0x4: {  	s24 =	simm.s32 $0x5010;
	s26 =	simm.s32 $0x5090;
	s13 =	simm.s32 $0x5990  }
0x5: {  	s15 =	simm.s32 $0x5210;
	s17 =	simm.s32 $0x5A10;
	[smem:$0x7FF] =	sst s4  }
0x6: {  	s18 =	simm.s32 $0x5290;
	_ =	strace $0x80000050;
	[dreg:$0x6] =	wrdreg s23  }
0x7: {  	s20 =	simm.s32 $0x5A90;
	s28 =	simm.s32 $0x3;
	[dreg:$0x7] =	wrdreg s24  }
0x8: {  	s29 =	simm.s32 $0x4;
	s5 =	smul.u32 $0x2710, s11;
	[dreg:$0x8] =	wrdreg s26  }
0x9: {  	s30 =	simm.s32 $0x5;
	s8 =	smul.u32 $0x500, s11;
	[dreg:$0xb] =	wrdreg s13  }
0xa: {  	s31 =	simm.s32 $0x5790;
	s9 =	smul.u32 $0x2800, s11;
	[dreg:$0xc] =	wrdreg s15  }
0xb: {  	s0 =	sand.u32 $0x1, s0;
	s16 =	smul.u32 $0xA000, s11;
	[dreg:$0xd] =	wrdreg s17  }
0xc: {  	s14 =	sshll.u32 s11, $0x6;
	s6 =	smul.u32 $0x5000, s0;
	[dreg:$0xe] =	wrdreg s18  }
0xd: {  	s11 =	simm.s32 $0x5490;
	s7 =	smul.u32 $0x28000, s0;
	[dreg:$0xf] =	wrdreg s20  }
0xe: {  	s0 =	ssub.s32 $0x2, s0;
	s23 =	simm.s32 $0x5390;
	[dreg:$0x16] =	wrdreg s11  }
0xf: {  	s14 =	sor.u32 $0x1C06, s14;
	s24 =	simm.s32 $0x5B90;
	[dreg:$0x12] =	wrdreg s23  }
0x10: {  	s26 =	simm.s32 $0x5410;
	s13 =	simm.s32 $0x5C90;
	[dreg:$0x13] =	wrdreg s24  }
0x11: {  	s17 =	simm.s32 $0x5D10;
	s18 =	simm.s32 $0x5590;
	[dreg:$0x14] =	wrdreg s26  }
0x12: {  	s20 =	simm.s32 $0x5610;
	s11 =	simm.s32 $0x6190;
	[dreg:$0x17] =	wrdreg s13  }
0x13: {  	s10 =	sshrl.u32 s5, $0x3;
	s25 =	sshrl.u32 s0, $0x1;
	[dreg:$0x19] =	wrdreg s17  }
0x14: {  	s5 =	sadd.s32 s5, s2;
	s19 =	sshrl.u32 s16, $0x2;
	[dreg:$0x1a] =	wrdreg s18  }
0x15: {  	s16 =	simm.s32 $0x5510;
	s17 =	simm.s32 $0x4F10;
	[dreg:$0x1c] =	wrdreg s20  }
0x16: {  	s18 =	simm.s32 $0x5910;
	s20 =	simm.s32 $0x6B10;
	[smem:$0x7FD] =	sst s14  }
0x17: {  	s23 =	simm.s32 $0x5E90;
	s24 =	simm.s32 $0x5710;
	[dreg:$0x18] =	wrdreg s16  }
0x18: {  	s13 =	simm.s32 $0x6290;
	s6 =	sadd.s32 s6, s1;
	[dreg:$0x1f] =	wrdreg s23  }
0x19: {  	s21 =	sadd.s32 s10, s1;
	s10 =	simm.s32 $0x5190;
	[smem:$0x7FA] =	sst s24  }
0x1a: {  	s7 =	sadd.s32 s9, s7;
	s15 =	sshrl.u32 s5, $0x3;
	[dreg:$0xa] =	wrdreg s10  }
0x1b: {  	s0 =	ssub.s32 s0, s25;
	s12 =	sadd.s32 $0x3400, s21;
	[smem:$0x7F9] =	sst s15  }
0x1c: {  	s16 =	simm.s32 $0x6310;
	s21 =	simm.s32 $0x5310;
	[smem:$0x7F1] =	sst s12  }
0x1d: {  	s6 =	sadd.s32 s8, s6;
	s0 =	smax.u32 s0, $0x1;
	[dreg:$0x10] =	wrdreg s21  }
0x1e: {  	s23 =	simm.s32 $0x8310;
	s22 =	sadd.s32 $0x2A600, s6;
	[smem:$0x7F3] =	sst s0  }
0x1f: {  	s7 =	sshrl.u32 s7, $0x3;
	s6 =	sadd.s32 $0x34600, s6;
	[dreg:$0x4] =	wrdreg s22  }
0x20: {  	s1 =	sadd.s32 s7, s1;
	s7 =	simm.s32 $0x5110;
	[dreg:$0x5] =	wrdreg s6  }
0x21: {  	s24 =	simm.s32 $0x1;
	s21 =	simm.s32 $0x5E10;
	[dreg:$0x9] =	wrdreg s7  }
0x22: {  	s5 =	simm.s32 $0x6010;
	s1 =	sadd.s32 $0x8400, s1;
	[dreg:$0x1d] =	wrdreg s21  }
0x23: {  	s15 =	simm.s32 $0x6;
	s22 =	simm.s32 $0x5B10;
	[smem:$0x7F2] =	sst s1  }
0x24: {  	s6 =	sadd.s32 s9, s3;
	s9 =	simm.s32 $0x5C10;
	[dreg:$0x11] =	wrdreg s22  }
0x25: {  	s0 =	simm.s32 $0x5810;
	s7 =	sadd.s32 s19, s3;
	[dreg:$0x15] =	wrdreg s9  }
0x26: {  	s19 =	simm.s32 $0x5D90;
	s21 =	simm.s32 $0x7310;
	[smem:$0x7F7] =	sst s7  }
0x27: {  	s25 =	sadd.s32 $0x800, s7;
	s8 =	sadd.s32 $0x1000, s7;
	[dreg:$0x1b] =	wrdreg s19  }
0x28: {  	s10 =	sadd.s32 $0x1800, s7;
	s12 =	sadd.s32 $0x2000, s7;
	[smem:$0x7F4] =	sst s25  }
0x29: {  	s19 =	simm.s32 $0x80;
	s22 =	simm.s32 $0x5690;
	[smem:$0x7F5] =	sst s8  }
0x2a: {  	s26 =	sshrl.u32 s6, $0x3;
	s1 =	simm.s32 $0x5F90;
	[smem:$0x7F6] =	sst s10  }
0x2b: {  	s9 =	simm.s32 $0x6090;
	s7 =	simm.s32 $0x0;
	[smem:$0x7F8] =	sst s12  }
0x2c: {  	[dreg:$0x1e] =	wrdreg s22;
	s22 =	simm.s32 $0x7B10;
	s25 =	simm.s32 $0x5F10  }
0x2d: {  	[smem:$0x7FC] =	sst s26;
	s26 =	simm.s32 $0x2;
	s8 =	simm.s32 $0x5890  }
0x2e: {  	v0 =	vimm.f32 $0.0e+00;
	s10 =	simm.s32 $0x6110;
	s12 =	simm.s32 $0x6210;
	[smem:$0x7FB] =	sst s25  }
.LBB2_1:
0x2f: {  	s6 =	sld [smem:$0x7F1]  }
0x30: {  	s25 =	sld [smem:$0x7F9];
	_ =	sdelay $0x1  }
0x31: {  	[smem:$0x7F0] =	sst s7  }
0x32: {  	[spmem:s25], [sflag:s14] =	dma.local [hbm:s6], $0x4E2  }
0x33: {  	_ =	swait.ge [sflag:s15], $0x4E2  }
0x34: {  	[sflag:s15] =	ssyncset.done $0x0  }
0x35: {  	s7 =	simm.s32 $0x0;
	s6 =	simm.s32 $0x40;
	[sflag:s15] =	ssyncadd.s32 $0xFFFFFB1E  }
.LBB2_2:
0x36: {  	p0 =	sne.s32 s6, $0x1FC0;
	[tilespmem:s7+$0x6310] =	vst v0;
	s7 =	smov.u32 s6;
	s6 =	sadd.s32 $0x40, s6  }
.Ltmp0:
0x37: {  	(pc) =	sbr.rel @p0 .LBB2_2-.Ltmp0, $2  }
0x38: {  	_ =	sdelay $0x2  }
0x39: {  	s7 =	sshra.s32 s7, $0x2  }
0x3a: {  	s6 =	sld [smem:$0x7F7];
	_ =	sdelay $0x1  }
0x3b: {  	[tilespmem:s7+$0x6310] =	vst v0  }
0x3c: {  	[spmem:s6] =	stream.linear.scatter [tilespmem:s16], [sflag:$0x6], $0x800, $0x38;
	[tilespmem:$0x8B10] =	vst v63  }
0x3d: {  	_ =	swait.ge [sflag:s15], $0x800  }
0x3e: {  	s14 =	sld [smem:$0x7F4]  }
0x3f: {  	[sflag:s15] =	ssyncset.done $0x0  }
0x40: {  	[sflag:s15] =	ssyncadd.s32 $0xFFFFF800  }
0x41: {  	[spmem:s14] =	stream.linear.scatter [tilespmem:s16], [sflag:$0x6], $0x800, $0x38;
	[tilespmem:$0x8B10] =	vst v63  }
0x42: {  	_ =	swait.ge [sflag:s15], $0x800  }
0x43: {  	s25 =	sld [smem:$0x7F5]  }
0x44: {  	[sflag:s15] =	ssyncset.done $0x0  }
0x45: {  	[sflag:s15] =	ssyncadd.s32 $0xFFFFF800  }
0x46: {  	[spmem:s25] =	stream.linear.scatter [tilespmem:s16], [sflag:$0x6], $0x800, $0x38;
	[tilespmem:$0x8B10] =	vst v63  }
0x47: {  	_ =	swait.ge [sflag:s15], $0x800  }
0x48: {  	s7 =	sld [smem:$0x7F6]  }
0x49: {  	[sflag:s15] =	ssyncset.done $0x0  }
0x4a: {  	[sflag:s15] =	ssyncadd.s32 $0xFFFFF800  }
0x4b: {  	[spmem:s7] =	stream.linear.scatter [tilespmem:s16], [sflag:$0x6], $0x800, $0x38;
	[tilespmem:$0x8B10] =	vst v63  }
0x4c: {  	_ =	swait.ge [sflag:s15], $0x800  }
0x4d: {  	s14 =	sld [smem:$0x7F8]  }
0x4e: {  	[sflag:s15] =	ssyncset.done $0x0  }
0x4f: {  	[sflag:s15] =	ssyncadd.s32 $0xFFFFF800  }
0x50: {  	[spmem:s14] =	stream.linear.scatter [tilespmem:s16], [sflag:$0x6], $0x800, $0x38;
	[tilespmem:$0x8B10] =	vst v63  }
0x51: {  	_ =	swait.ge [sflag:s15], $0x800  }
0x52: {  	[sflag:s15] =	ssyncset.done $0x0  }
0x53: {  	[sflag:s15] =	ssyncadd.s32 $0xFFFFF800  }
0x54: {  	[bflag:$0x0] =	sbarrier.arrive $0xFFFF  }
0x55: {  	s25 =	rddreg [dreg:$0x5]  }
0x56: {  	s6 =	sadd.s32 $0x0, s25  }
0x57: {  	[tilespmem:s17], [sflag:$0x6] =	stream.linear.gather [hbm4b:s6+s4], $0xA00, $0x38;
	[tilespmem:$0x8B10] =	vst v63  }
0x58: {  	_ =	swait.ge [sflag:s15], $0xA00  }
0x59: {  	s7 =	rddreg [dreg:$0x4];
	[sflag:s15] =	ssyncset.done $0x0  }
0x5a: {  	[sflag:s15] =	ssyncadd.s32 $0xFFFFF600;
	s6 =	sadd.s32 $0x0, s7  }
0x5b: {  	[tilespmem:s18], [sflag:$0x6] =	stream.linear.gather [hbm4b:s6+s4], $0xA00, $0x38;
	[tilespmem:$0x8B10] =	vst v63  }
0x5c: {  	_ =	swait.ge [sflag:s15], $0xA00  }
0x5d: {  	[sflag:s15] =	ssyncset.done $0x0  }
0x5e: {  	[sflag:s15] =	ssyncadd.s32 $0xFFFFF600  }
0x5f: {  	[tilespmem:s16], [sflag:$0x1] =	stream.indirect.gather [spmem:s2], $0x10, s17, s19, $0xb8;
	[tilespmem:$0x8B10] =	vst v63  }
0x60: {  	s14 =	rddreg [dreg:$0x6]  }
0x61: {  	[tilespmem:s20], [sflag:$0x2] =	stream.indirect.gather [spmem:s2], $0x10, s14, s19, $0xb8;
	[tilespmem:$0x8B10] =	vst v63  }
0x62: {  	s25 =	rddreg [dreg:$0x7]  }
0x63: {  	[tilespmem:s21], [sflag:$0x3] =	stream.indirect.gather [spmem:s2], $0x10, s25, s19, $0xb8;
	[tilespmem:$0x8B10] =	vst v63  }
0x64: {  	s14 =	rddreg [dreg:$0x8]  }
0x65: {  	[tilespmem:s22], [sflag:$0x4] =	stream.indirect.gather [spmem:s2], $0x10, s14, s19, $0xb8;
	[tilespmem:$0x8B10] =	vst v63  }
0x66: {  	s25 =	rddreg [dreg:$0x9]  }
0x67: {  	[tilespmem:s23], [sflag:$0x5] =	stream.indirect.gather [spmem:s2], $0x10, s25, s19, $0xb8;
	[tilespmem:$0x8B10] =	vst v63  }
0x68: {  	_ =	swait.ge [sflag:s24], $0x800  }
0x69: {  	[sflag:s24] =	ssyncset.done $0x0  }
0x6a: {  	[sflag:s24] =	ssyncadd.s32 $0xFFFFF800  }
0x6b: {  	[spmem:s3] =	stream.indirect.scatter.add.f32 [tilespmem:s16], [sflag:$0x6], $0x10, s18, s19, $0xb8;
	[tilespmem:$0x8B10] =	vst v63  }
0x6c: {  	_ =	swait.ge [sflag:s15], $0x800  }
0x6d: {  	[sflag:s15] =	ssyncset.done $0x0  }
0x6e: {  	s7 =	rddreg [dreg:$0xa];
	[sflag:s15] =	ssyncadd.s32 $0xFFFFF800  }
0x6f: {  	[tilespmem:s16], [sflag:$0x1] =	stream.indirect.gather [spmem:s2], $0x10, s7, s19, $0xb8;
	[tilespmem:$0x8B10] =	vst v63  }
0x70: {  	_ =	swait.ge [sflag:s26], $0x800  }
0x71: {  	[sflag:s26] =	ssyncset.done $0x0  }
0x72: {  	s14 =	rddreg [dreg:$0xb];
	[sflag:s26] =	ssyncadd.s32 $0xFFFFF800  }
0x73: {  	[spmem:s3] =	stream.indirect.scatter.add.f32 [tilespmem:s20], [sflag:$0x6], $0x10, s14, s19, $0xb8;
	[tilespmem:$0x8B10] =	vst v63  }
0x74: {  	_ =	swait.ge [sflag:s15], $0x800  }
0x75: {  	[sflag:s15] =	ssyncset.done $0x0  }
0x76: {  	s25 =	rddreg [dreg:$0xc];
	[sflag:s15] =	ssyncadd.s32 $0xFFFFF800  }
0x77: {  	[tilespmem:s20], [sflag:$0x2] =	stream.indirect.gather [spmem:s2], $0x10, s25, s19, $0xb8;
	[tilespmem:$0x8B10] =	vst v63  }
0x78: {  	_ =	swait.ge [sflag:s28], $0x800  }
0x79: {  	[sflag:s28] =	ssyncset.done $0x0  }
0x7a: {  	s7 =	rddreg [dreg:$0xd];
	[sflag:s28] =	ssyncadd.s32 $0xFFFFF800  }
0x7b: {  	[spmem:s3] =	stream.indirect.scatter.add.f32 [tilespmem:s21], [sflag:$0x6], $0x10, s7, s19, $0xb8;
	[tilespmem:$0x8B10] =	vst v63  }
0x7c: {  	_ =	swait.ge [sflag:s15], $0x800  }
0x7d: {  	[sflag:s15] =	ssyncset.done $0x0  }
0x7e: {  	s14 =	rddreg [dreg:$0xe];
	[sflag:s15] =	ssyncadd.s32 $0xFFFFF800  }
0x7f: {  	[tilespmem:s21], [sflag:$0x3] =	stream.indirect.gather [spmem:s2], $0x10, s14, s19, $0xb8;
	[tilespmem:$0x8B10] =	vst v63  }
0x80: {  	_ =	swait.ge [sflag:s29], $0x800  }
0x81: {  	[sflag:s29] =	ssyncset.done $0x0  }
0x82: {  	s25 =	rddreg [dreg:$0xf];
	[sflag:s29] =	ssyncadd.s32 $0xFFFFF800  }
0x83: {  	[spmem:s3] =	stream.indirect.scatter.add.f32 [tilespmem:s22], [sflag:$0x6], $0x10, s25, s19, $0xb8;
	[tilespmem:$0x8B10] =	vst v63  }
0x84: {  	_ =	swait.ge [sflag:s15], $0x800  }
0x85: {  	[sflag:s15] =	ssyncset.done $0x0  }
0x86: {  	s7 =	rddreg [dreg:$0x10];
	[sflag:s15] =	ssyncadd.s32 $0xFFFFF800  }
0x87: {  	[tilespmem:s22], [sflag:$0x4] =	stream.indirect.gather [spmem:s2], $0x10, s7, s19, $0xb8;
	[tilespmem:$0x8B10] =	vst v63  }
0x88: {  	_ =	swait.ge [sflag:s30], $0x800  }
0x89: {  	[sflag:s30] =	ssyncset.done $0x0  }
0x8a: {  	s14 =	rddreg [dreg:$0x11];
	[sflag:s30] =	ssyncadd.s32 $0xFFFFF800  }
0x8b: {  	[spmem:s3] =	stream.indirect.scatter.add.f32 [tilespmem:s23], [sflag:$0x6], $0x10, s14, s19, $0xb8;
	[tilespmem:$0x8B10] =	vst v63  }
0x8c: {  	_ =	swait.ge [sflag:s15], $0x800  }
0x8d: {  	[sflag:s15] =	ssyncset.done $0x0  }
0x8e: {  	s25 =	rddreg [dreg:$0x12];
	[sflag:s15] =	ssyncadd.s32 $0xFFFFF800  }
0x8f: {  	[tilespmem:s23], [sflag:$0x5] =	stream.indirect.gather [spmem:s2], $0x10, s25, s19, $0xb8;
	[tilespmem:$0x8B10] =	vst v63  }
0x90: {  	_ =	swait.ge [sflag:s24], $0x800  }
0x91: {  	[sflag:s24] =	ssyncset.done $0x0  }
0x92: {  	s7 =	rddreg [dreg:$0x13];
	[sflag:s24] =	ssyncadd.s32 $0xFFFFF800  }
0x93: {  	[spmem:s3] =	stream.indirect.scatter.add.f32 [tilespmem:s16], [sflag:$0x6], $0x10, s7, s19, $0xb8;
	[tilespmem:$0x8B10] =	vst v63  }
0x94: {  	_ =	swait.ge [sflag:s15], $0x800  }
0x95: {  	[sflag:s15] =	ssyncset.done $0x0  }
0x96: {  	s14 =	rddreg [dreg:$0x14];
	[sflag:s15] =	ssyncadd.s32 $0xFFFFF800  }
0x97: {  	[tilespmem:s16], [sflag:$0x1] =	stream.indirect.gather [spmem:s2], $0x10, s14, s19, $0xb8;
	[tilespmem:$0x8B10] =	vst v63  }
0x98: {  	_ =	swait.ge [sflag:s26], $0x800  }
0x99: {  	[sflag:s26] =	ssyncset.done $0x0  }
0x9a: {  	s25 =	rddreg [dreg:$0x15];
	[sflag:s26] =	ssyncadd.s32 $0xFFFFF800  }
0x9b: {  	[spmem:s3] =	stream.indirect.scatter.add.f32 [tilespmem:s20], [sflag:$0x6], $0x10, s25, s19, $0xb8;
	[tilespmem:$0x8B10] =	vst v63  }
0x9c: {  	_ =	swait.ge [sflag:s15], $0x800  }
0x9d: {  	[sflag:s15] =	ssyncset.done $0x0  }
0x9e: {  	s7 =	rddreg [dreg:$0x16];
	[sflag:s15] =	ssyncadd.s32 $0xFFFFF800  }
0x9f: {  	[tilespmem:s20], [sflag:$0x2] =	stream.indirect.gather [spmem:s2], $0x10, s7, s19, $0xb8;
	[tilespmem:$0x8B10] =	vst v63  }
0xa0: {  	_ =	swait.ge [sflag:s28], $0x800  }
0xa1: {  	[sflag:s28] =	ssyncset.done $0x0  }
0xa2: {  	s14 =	rddreg [dreg:$0x17];
	[sflag:s28] =	ssyncadd.s32 $0xFFFFF800  }
0xa3: {  	[spmem:s3] =	stream.indirect.scatter.add.f32 [tilespmem:s21], [sflag:$0x6], $0x10, s14, s19, $0xb8;
	[tilespmem:$0x8B10] =	vst v63  }
0xa4: {  	_ =	swait.ge [sflag:s15], $0x800  }
0xa5: {  	[sflag:s15] =	ssyncset.done $0x0  }
0xa6: {  	s25 =	rddreg [dreg:$0x18];
	[sflag:s15] =	ssyncadd.s32 $0xFFFFF800  }
0xa7: {  	[tilespmem:s21], [sflag:$0x3] =	stream.indirect.gather [spmem:s2], $0x10, s25, s19, $0xb8;
	[tilespmem:$0x8B10] =	vst v63  }
0xa8: {  	_ =	swait.ge [sflag:s29], $0x800  }
0xa9: {  	[sflag:s29] =	ssyncset.done $0x0  }
0xaa: {  	s7 =	rddreg [dreg:$0x19];
	[sflag:s29] =	ssyncadd.s32 $0xFFFFF800  }
0xab: {  	[spmem:s3] =	stream.indirect.scatter.add.f32 [tilespmem:s22], [sflag:$0x6], $0x10, s7, s19, $0xb8;
	[tilespmem:$0x8B10] =	vst v63  }
0xac: {  	_ =	swait.ge [sflag:s15], $0x800  }
0xad: {  	[sflag:s15] =	ssyncset.done $0x0  }
0xae: {  	s14 =	rddreg [dreg:$0x1a];
	[sflag:s15] =	ssyncadd.s32 $0xFFFFF800  }
0xaf: {  	[tilespmem:s22], [sflag:$0x4] =	stream.indirect.gather [spmem:s2], $0x10, s14, s19, $0xb8;
	[tilespmem:$0x8B10] =	vst v63  }
0xb0: {  	_ =	swait.ge [sflag:s30], $0x800  }
0xb1: {  	[sflag:s30] =	ssyncset.done $0x0  }
0xb2: {  	s25 =	rddreg [dreg:$0x1b];
	[sflag:s30] =	ssyncadd.s32 $0xFFFFF800  }
0xb3: {  	[spmem:s3] =	stream.indirect.scatter.add.f32 [tilespmem:s23], [sflag:$0x6], $0x10, s25, s19, $0xb8;
	[tilespmem:$0x8B10] =	vst v63  }
0xb4: {  	_ =	swait.ge [sflag:s15], $0x800  }
0xb5: {  	[sflag:s15] =	ssyncset.done $0x0  }
0xb6: {  	s7 =	rddreg [dreg:$0x1c];
	[sflag:s15] =	ssyncadd.s32 $0xFFFFF800  }
0xb7: {  	[tilespmem:s23], [sflag:$0x5] =	stream.indirect.gather [spmem:s2], $0x10, s7, s19, $0xb8;
	[tilespmem:$0x8B10] =	vst v63  }
0xb8: {  	_ =	swait.ge [sflag:s24], $0x800  }
0xb9: {  	[sflag:s24] =	ssyncset.done $0x0  }
0xba: {  	s14 =	rddreg [dreg:$0x1d];
	[sflag:s24] =	ssyncadd.s32 $0xFFFFF800  }
0xbb: {  	[spmem:s3] =	stream.indirect.scatter.add.f32 [tilespmem:s16], [sflag:$0x6], $0x10, s14, s19, $0xb8;
	[tilespmem:$0x8B10] =	vst v63  }
0xbc: {  	_ =	swait.ge [sflag:s15], $0x800  }
0xbd: {  	[sflag:s15] =	ssyncset.done $0x0  }
0xbe: {  	s25 =	rddreg [dreg:$0x1e];
	[sflag:s15] =	ssyncadd.s32 $0xFFFFF800  }
0xbf: {  	[tilespmem:s16], [sflag:$0x1] =	stream.indirect.gather [spmem:s2], $0x10, s25, s19, $0xb8;
	[tilespmem:$0x8B10] =	vst v63  }
0xc0: {  	_ =	swait.ge [sflag:s26], $0x800  }
0xc1: {  	[sflag:s26] =	ssyncset.done $0x0  }
0xc2: {  	s7 =	rddreg [dreg:$0x1f];
	[sflag:s26] =	ssyncadd.s32 $0xFFFFF800  }
0xc3: {  	[spmem:s3] =	stream.indirect.scatter.add.f32 [tilespmem:s20], [sflag:$0x6], $0x10, s7, s19, $0xb8;
	[tilespmem:$0x8B10] =	vst v63  }
0xc4: {  	_ =	swait.ge [sflag:s15], $0x800  }
0xc5: {  	s14 =	sld [smem:$0x7FA]  }
0xc6: {  	[sflag:s15] =	ssyncset.done $0x0  }
0xc7: {  	[sflag:s15] =	ssyncadd.s32 $0xFFFFF800  }
0xc8: {  	[tilespmem:s20], [sflag:$0x2] =	stream.indirect.gather [spmem:s2], $0x10, s14, s19, $0xb8;
	[tilespmem:$0x8B10] =	vst v63  }
0xc9: {  	_ =	swait.ge [sflag:s28], $0x800  }
0xca: {  	s25 =	sld [smem:$0x7FB]  }
0xcb: {  	[sflag:s28] =	ssyncset.done $0x0  }
0xcc: {  	[sflag:s28] =	ssyncadd.s32 $0xFFFFF800  }
0xcd: {  	[spmem:s3] =	stream.indirect.scatter.add.f32 [tilespmem:s21], [sflag:$0x6], $0x10, s25, s19, $0xb8;
	[tilespmem:$0x8B10] =	vst v63  }
0xce: {  	_ =	swait.ge [sflag:s15], $0x800  }
0xcf: {  	[sflag:s15] =	ssyncset.done $0x0  }
0xd0: {  	[sflag:s15] =	ssyncadd.s32 $0xFFFFF800  }
0xd1: {  	[tilespmem:s21], [sflag:$0x3] =	stream.indirect.gather [spmem:s2], $0x10, s31, s19, $0xb8;
	[tilespmem:$0x8B10] =	vst v63  }
0xd2: {  	_ =	swait.ge [sflag:s29], $0x800  }
0xd3: {  	[sflag:s29] =	ssyncset.done $0x0  }
0xd4: {  	[sflag:s29] =	ssyncadd.s32 $0xFFFFF800  }
0xd5: {  	[spmem:s3] =	stream.indirect.scatter.add.f32 [tilespmem:s22], [sflag:$0x6], $0x10, s1, s19, $0xb8;
	[tilespmem:$0x8B10] =	vst v63  }
0xd6: {  	_ =	swait.ge [sflag:s15], $0x800  }
0xd7: {  	[sflag:s15] =	ssyncset.done $0x0  }
0xd8: {  	[sflag:s15] =	ssyncadd.s32 $0xFFFFF800  }
0xd9: {  	[tilespmem:s22], [sflag:$0x4] =	stream.indirect.gather [spmem:s2], $0x10, s0, s19, $0xb8;
	[tilespmem:$0x8B10] =	vst v63  }
0xda: {  	_ =	swait.ge [sflag:s30], $0x800  }
0xdb: {  	[sflag:s30] =	ssyncset.done $0x0  }
0xdc: {  	[sflag:s30] =	ssyncadd.s32 $0xFFFFF800  }
0xdd: {  	[spmem:s3] =	stream.indirect.scatter.add.f32 [tilespmem:s23], [sflag:$0x6], $0x10, s5, s19, $0xb8;
	[tilespmem:$0x8B10] =	vst v63  }
0xde: {  	_ =	swait.ge [sflag:s15], $0x800  }
0xdf: {  	[sflag:s15] =	ssyncset.done $0x0  }
0xe0: {  	[sflag:s15] =	ssyncadd.s32 $0xFFFFF800  }
0xe1: {  	[tilespmem:s23], [sflag:$0x5] =	stream.indirect.gather [spmem:s2], $0x10, s8, s19, $0xb8;
	[tilespmem:$0x8B10] =	vst v63  }
0xe2: {  	_ =	swait.ge [sflag:s24], $0x800  }
0xe3: {  	[sflag:s24] =	ssyncset.done $0x0  }
0xe4: {  	[sflag:s24] =	ssyncadd.s32 $0xFFFFF800  }
0xe5: {  	[spmem:s3] =	stream.indirect.scatter.add.f32 [tilespmem:s16], [sflag:$0x6], $0x10, s9, s19, $0xb8;
	[tilespmem:$0x8B10] =	vst v63  }
0xe6: {  	_ =	swait.ge [sflag:s15], $0x800  }
0xe7: {  	[sflag:s15] =	ssyncset.done $0x0  }
0xe8: {  	[sflag:s15] =	ssyncadd.s32 $0xFFFFF800  }
0xe9: {  	_ =	swait.ge [sflag:s26], $0x800  }
0xea: {  	[sflag:s26] =	ssyncset.done $0x0  }
0xeb: {  	[sflag:s26] =	ssyncadd.s32 $0xFFFFF800  }
0xec: {  	[spmem:s3] =	stream.indirect.scatter.add.f32 [tilespmem:s20], [sflag:$0x6], $0x10, s10, s19, $0xb8;
	[tilespmem:$0x8B10] =	vst v63  }
0xed: {  	_ =	swait.ge [sflag:s15], $0x800  }
0xee: {  	[sflag:s15] =	ssyncset.done $0x0  }
0xef: {  	[sflag:s15] =	ssyncadd.s32 $0xFFFFF800  }
0xf0: {  	_ =	swait.ge [sflag:s28], $0x800  }
0xf1: {  	[sflag:s28] =	ssyncset.done $0x0  }
0xf2: {  	[sflag:s28] =	ssyncadd.s32 $0xFFFFF800  }
0xf3: {  	[spmem:s3] =	stream.indirect.scatter.add.f32 [tilespmem:s21], [sflag:$0x6], $0x10, s11, s19, $0xb8;
	[tilespmem:$0x8B10] =	vst v63  }
0xf4: {  	_ =	swait.ge [sflag:s15], $0x800  }
0xf5: {  	[sflag:s15] =	ssyncset.done $0x0  }
0xf6: {  	[sflag:s15] =	ssyncadd.s32 $0xFFFFF800  }
0xf7: {  	_ =	swait.ge [sflag:s29], $0x800  }
0xf8: {  	[sflag:s29] =	ssyncset.done $0x0  }
0xf9: {  	[sflag:s29] =	ssyncadd.s32 $0xFFFFF800  }
0xfa: {  	[spmem:s3] =	stream.indirect.scatter.add.f32 [tilespmem:s22], [sflag:$0x6], $0x10, s12, s19, $0xb8;
	[tilespmem:$0x8B10] =	vst v63  }
0xfb: {  	_ =	swait.ge [sflag:s15], $0x800  }
0xfc: {  	[sflag:s15] =	ssyncset.done $0x0  }
0xfd: {  	[sflag:s15] =	ssyncadd.s32 $0xFFFFF800  }
0xfe: {  	_ =	swait.ge [sflag:s30], $0x800  }
0xff: {  	[sflag:s30] =	ssyncset.done $0x0  }
0x100: {  	[sflag:s30] =	ssyncadd.s32 $0xFFFFF800  }
0x101: {  	[spmem:s3] =	stream.indirect.scatter.add.f32 [tilespmem:s23], [sflag:$0x6], $0x10, s13, s19, $0xb8;
	[tilespmem:$0x8B10] =	vst v63  }
0x102: {  	s7 =	simm.s32 $0x280;
	_ =	swait.ge [sflag:s15], $0x800  }
0x103: {  	s25 =	simm.s32 $0x140;
	s6 =	rddreg [dreg:$0x5];
	[sflag:s15] =	ssyncset.done $0x0  }
.LBB2_4:
0x104: {  	[sflag:s15] =	ssyncadd.s32 $0xFFFFF800;
	s6 =	sadd.s32 s25, s6  }
0x105: {  	[tilespmem:s17], [sflag:$0x6] =	stream.linear.gather [hbm4b:s6+s4], $0xA00, $0x38;
	[tilespmem:$0x8B10] =	vst v63  }
0x106: {  	_ =	swait.ge [sflag:s15], $0xA00  }
0x107: {  	s6 =	rddreg [dreg:$0x4];
	[sflag:s15] =	ssyncset.done $0x0  }
0x108: {  	[sflag:s15] =	ssyncadd.s32 $0xFFFFF600;
	s6 =	sadd.s32 s25, s6  }
0x109: {  	[tilespmem:s18], [sflag:$0x6] =	stream.linear.gather [hbm4b:s6+s4], $0xA00, $0x38;
	[tilespmem:$0x8B10] =	vst v63  }
0x10a: {  	_ =	swait.ge [sflag:s15], $0xA00  }
0x10b: {  	[sflag:s15] =	ssyncset.done $0x0  }
0x10c: {  	[sflag:s15] =	ssyncadd.s32 $0xFFFFF600  }
0x10d: {  	[tilespmem:s16], [sflag:$0x1] =	stream.indirect.gather [spmem:s2], $0x10, s17, s19, $0xb8;
	[tilespmem:$0x8B10] =	vst v63  }
0x10e: {  	s14 =	smov.u32 s7;
	s6 =	rddreg [dreg:$0x6]  }
0x10f: {  	[tilespmem:s20], [sflag:$0x2] =	stream.indirect.gather [spmem:s2], $0x10, s6, s19, $0xb8;
	[tilespmem:$0x8B10] =	vst v63  }
0x110: {  	s25 =	smov.u32 s14;
	s14 =	rddreg [dreg:$0x7]  }
0x111: {  	[tilespmem:s21], [sflag:$0x3] =	stream.indirect.gather [spmem:s2], $0x10, s14, s19, $0xb8;
	[tilespmem:$0x8B10] =	vst v63  }
0x112: {  	s6 =	rddreg [dreg:$0x8]  }
0x113: {  	[tilespmem:s22], [sflag:$0x4] =	stream.indirect.gather [spmem:s2], $0x10, s6, s19, $0xb8;
	[tilespmem:$0x8B10] =	vst v63  }
0x114: {  	s14 =	rddreg [dreg:$0x9]  }
0x115: {  	[tilespmem:s23], [sflag:$0x5] =	stream.indirect.gather [spmem:s2], $0x10, s14, s19, $0xb8;
	[tilespmem:$0x8B10] =	vst v63  }
0x116: {  	_ =	swait.ge [sflag:s24], $0x800  }
0x117: {  	[sflag:s24] =	ssyncset.done $0x0  }
0x118: {  	[sflag:s24] =	ssyncadd.s32 $0xFFFFF800  }
0x119: {  	[spmem:s3] =	stream.indirect.scatter.add.f32 [tilespmem:s16], [sflag:$0x6], $0x10, s18, s19, $0xb8;
	[tilespmem:$0x8B10] =	vst v63  }
0x11a: {  	_ =	swait.ge [sflag:s15], $0x800  }
0x11b: {  	[sflag:s15] =	ssyncset.done $0x0  }
0x11c: {  	s14 =	rddreg [dreg:$0xa];
	[sflag:s15] =	ssyncadd.s32 $0xFFFFF800  }
0x11d: {  	[tilespmem:s16], [sflag:$0x1] =	stream.indirect.gather [spmem:s2], $0x10, s14, s19, $0xb8;
	[tilespmem:$0x8B10] =	vst v63  }
0x11e: {  	_ =	swait.ge [sflag:s26], $0x800  }
0x11f: {  	[sflag:s26] =	ssyncset.done $0x0  }
0x120: {  	s14 =	rddreg [dreg:$0xb];
	[sflag:s26] =	ssyncadd.s32 $0xFFFFF800  }
0x121: {  	[spmem:s3] =	stream.indirect.scatter.add.f32 [tilespmem:s20], [sflag:$0x6], $0x10, s14, s19, $0xb8;
	[tilespmem:$0x8B10] =	vst v63  }
0x122: {  	_ =	swait.ge [sflag:s15], $0x800  }
0x123: {  	[sflag:s15] =	ssyncset.done $0x0  }
0x124: {  	s14 =	rddreg [dreg:$0xc];
	[sflag:s15] =	ssyncadd.s32 $0xFFFFF800  }
0x125: {  	[tilespmem:s20], [sflag:$0x2] =	stream.indirect.gather [spmem:s2], $0x10, s14, s19, $0xb8;
	[tilespmem:$0x8B10] =	vst v63  }
0x126: {  	_ =	swait.ge [sflag:s28], $0x800  }
0x127: {  	[sflag:s28] =	ssyncset.done $0x0  }
0x128: {  	s14 =	rddreg [dreg:$0xd];
	[sflag:s28] =	ssyncadd.s32 $0xFFFFF800  }
0x129: {  	[spmem:s3] =	stream.indirect.scatter.add.f32 [tilespmem:s21], [sflag:$0x6], $0x10, s14, s19, $0xb8;
	[tilespmem:$0x8B10] =	vst v63  }
0x12a: {  	_ =	swait.ge [sflag:s15], $0x800  }
0x12b: {  	[sflag:s15] =	ssyncset.done $0x0  }
0x12c: {  	s14 =	rddreg [dreg:$0xe];
	[sflag:s15] =	ssyncadd.s32 $0xFFFFF800  }
0x12d: {  	[tilespmem:s21], [sflag:$0x3] =	stream.indirect.gather [spmem:s2], $0x10, s14, s19, $0xb8;
	[tilespmem:$0x8B10] =	vst v63  }
0x12e: {  	_ =	swait.ge [sflag:s29], $0x800  }
0x12f: {  	[sflag:s29] =	ssyncset.done $0x0  }
0x130: {  	s14 =	rddreg [dreg:$0xf];
	[sflag:s29] =	ssyncadd.s32 $0xFFFFF800  }
0x131: {  	[spmem:s3] =	stream.indirect.scatter.add.f32 [tilespmem:s22], [sflag:$0x6], $0x10, s14, s19, $0xb8;
	[tilespmem:$0x8B10] =	vst v63  }
0x132: {  	_ =	swait.ge [sflag:s15], $0x800  }
0x133: {  	[sflag:s15] =	ssyncset.done $0x0  }
0x134: {  	s14 =	rddreg [dreg:$0x10];
	[sflag:s15] =	ssyncadd.s32 $0xFFFFF800  }
0x135: {  	[tilespmem:s22], [sflag:$0x4] =	stream.indirect.gather [spmem:s2], $0x10, s14, s19, $0xb8;
	[tilespmem:$0x8B10] =	vst v63  }
0x136: {  	_ =	swait.ge [sflag:s30], $0x800  }
0x137: {  	[sflag:s30] =	ssyncset.done $0x0  }
0x138: {  	s14 =	rddreg [dreg:$0x11];
	[sflag:s30] =	ssyncadd.s32 $0xFFFFF800  }
0x139: {  	[spmem:s3] =	stream.indirect.scatter.add.f32 [tilespmem:s23], [sflag:$0x6], $0x10, s14, s19, $0xb8;
	[tilespmem:$0x8B10] =	vst v63  }
0x13a: {  	_ =	swait.ge [sflag:s15], $0x800  }
0x13b: {  	[sflag:s15] =	ssyncset.done $0x0  }
0x13c: {  	s14 =	rddreg [dreg:$0x12];
	[sflag:s15] =	ssyncadd.s32 $0xFFFFF800  }
0x13d: {  	[tilespmem:s23], [sflag:$0x5] =	stream.indirect.gather [spmem:s2], $0x10, s14, s19, $0xb8;
	[tilespmem:$0x8B10] =	vst v63  }
0x13e: {  	_ =	swait.ge [sflag:s24], $0x800  }
0x13f: {  	[sflag:s24] =	ssyncset.done $0x0  }
0x140: {  	s14 =	rddreg [dreg:$0x13];
	[sflag:s24] =	ssyncadd.s32 $0xFFFFF800  }
0x141: {  	[spmem:s3] =	stream.indirect.scatter.add.f32 [tilespmem:s16], [sflag:$0x6], $0x10, s14, s19, $0xb8;
	[tilespmem:$0x8B10] =	vst v63  }
0x142: {  	_ =	swait.ge [sflag:s15], $0x800  }
0x143: {  	[sflag:s15] =	ssyncset.done $0x0  }
0x144: {  	s14 =	rddreg [dreg:$0x14];
	[sflag:s15] =	ssyncadd.s32 $0xFFFFF800  }
0x145: {  	[tilespmem:s16], [sflag:$0x1] =	stream.indirect.gather [spmem:s2], $0x10, s14, s19, $0xb8;
	[tilespmem:$0x8B10] =	vst v63  }
0x146: {  	_ =	swait.ge [sflag:s26], $0x800  }
0x147: {  	[sflag:s26] =	ssyncset.done $0x0  }
0x148: {  	s14 =	rddreg [dreg:$0x15];
	[sflag:s26] =	ssyncadd.s32 $0xFFFFF800  }
0x149: {  	[spmem:s3] =	stream.indirect.scatter.add.f32 [tilespmem:s20], [sflag:$0x6], $0x10, s14, s19, $0xb8;
	[tilespmem:$0x8B10] =	vst v63  }
0x14a: {  	_ =	swait.ge [sflag:s15], $0x800  }
0x14b: {  	[sflag:s15] =	ssyncset.done $0x0  }
0x14c: {  	s14 =	rddreg [dreg:$0x16];
	[sflag:s15] =	ssyncadd.s32 $0xFFFFF800  }
0x14d: {  	[tilespmem:s20], [sflag:$0x2] =	stream.indirect.gather [spmem:s2], $0x10, s14, s19, $0xb8;
	[tilespmem:$0x8B10] =	vst v63  }
0x14e: {  	_ =	swait.ge [sflag:s28], $0x800  }
0x14f: {  	[sflag:s28] =	ssyncset.done $0x0  }
0x150: {  	s14 =	rddreg [dreg:$0x17];
	[sflag:s28] =	ssyncadd.s32 $0xFFFFF800  }
0x151: {  	[spmem:s3] =	stream.indirect.scatter.add.f32 [tilespmem:s21], [sflag:$0x6], $0x10, s14, s19, $0xb8;
	[tilespmem:$0x8B10] =	vst v63  }
0x152: {  	_ =	swait.ge [sflag:s15], $0x800  }
0x153: {  	[sflag:s15] =	ssyncset.done $0x0  }
0x154: {  	s14 =	rddreg [dreg:$0x18];
	[sflag:s15] =	ssyncadd.s32 $0xFFFFF800  }
0x155: {  	[tilespmem:s21], [sflag:$0x3] =	stream.indirect.gather [spmem:s2], $0x10, s14, s19, $0xb8;
	[tilespmem:$0x8B10] =	vst v63  }
0x156: {  	_ =	swait.ge [sflag:s29], $0x800  }
0x157: {  	[sflag:s29] =	ssyncset.done $0x0  }
0x158: {  	s14 =	rddreg [dreg:$0x19];
	[sflag:s29] =	ssyncadd.s32 $0xFFFFF800  }
0x159: {  	[spmem:s3] =	stream.indirect.scatter.add.f32 [tilespmem:s22], [sflag:$0x6], $0x10, s14, s19, $0xb8;
	[tilespmem:$0x8B10] =	vst v63  }
0x15a: {  	_ =	swait.ge [sflag:s15], $0x800  }
0x15b: {  	[sflag:s15] =	ssyncset.done $0x0  }
0x15c: {  	s14 =	rddreg [dreg:$0x1a];
	[sflag:s15] =	ssyncadd.s32 $0xFFFFF800  }
0x15d: {  	[tilespmem:s22], [sflag:$0x4] =	stream.indirect.gather [spmem:s2], $0x10, s14, s19, $0xb8;
	[tilespmem:$0x8B10] =	vst v63  }
0x15e: {  	_ =	swait.ge [sflag:s30], $0x800  }
0x15f: {  	[sflag:s30] =	ssyncset.done $0x0  }
0x160: {  	s14 =	rddreg [dreg:$0x1b];
	[sflag:s30] =	ssyncadd.s32 $0xFFFFF800  }
0x161: {  	[spmem:s3] =	stream.indirect.scatter.add.f32 [tilespmem:s23], [sflag:$0x6], $0x10, s14, s19, $0xb8;
	[tilespmem:$0x8B10] =	vst v63  }
0x162: {  	_ =	swait.ge [sflag:s15], $0x800  }
0x163: {  	[sflag:s15] =	ssyncset.done $0x0  }
0x164: {  	s14 =	rddreg [dreg:$0x1c];
	[sflag:s15] =	ssyncadd.s32 $0xFFFFF800  }
0x165: {  	[tilespmem:s23], [sflag:$0x5] =	stream.indirect.gather [spmem:s2], $0x10, s14, s19, $0xb8;
	[tilespmem:$0x8B10] =	vst v63  }
0x166: {  	_ =	swait.ge [sflag:s24], $0x800  }
0x167: {  	[sflag:s24] =	ssyncset.done $0x0  }
0x168: {  	s14 =	rddreg [dreg:$0x1d];
	[sflag:s24] =	ssyncadd.s32 $0xFFFFF800  }
0x169: {  	[spmem:s3] =	stream.indirect.scatter.add.f32 [tilespmem:s16], [sflag:$0x6], $0x10, s14, s19, $0xb8;
	[tilespmem:$0x8B10] =	vst v63  }
0x16a: {  	_ =	swait.ge [sflag:s15], $0x800  }
0x16b: {  	[sflag:s15] =	ssyncset.done $0x0  }
0x16c: {  	s14 =	rddreg [dreg:$0x1e];
	[sflag:s15] =	ssyncadd.s32 $0xFFFFF800  }
0x16d: {  	[tilespmem:s16], [sflag:$0x1] =	stream.indirect.gather [spmem:s2], $0x10, s14, s19, $0xb8;
	[tilespmem:$0x8B10] =	vst v63  }
0x16e: {  	_ =	swait.ge [sflag:s26], $0x800  }
0x16f: {  	[sflag:s26] =	ssyncset.done $0x0  }
0x170: {  	s14 =	rddreg [dreg:$0x1f];
	[sflag:s26] =	ssyncadd.s32 $0xFFFFF800  }
0x171: {  	[spmem:s3] =	stream.indirect.scatter.add.f32 [tilespmem:s20], [sflag:$0x6], $0x10, s14, s19, $0xb8;
	[tilespmem:$0x8B10] =	vst v63  }
0x172: {  	_ =	swait.ge [sflag:s15], $0x800  }
0x173: {  	s14 =	sld [smem:$0x7FA]  }
0x174: {  	[sflag:s15] =	ssyncset.done $0x0  }
0x175: {  	[sflag:s15] =	ssyncadd.s32 $0xFFFFF800  }
0x176: {  	[tilespmem:s20], [sflag:$0x2] =	stream.indirect.gather [spmem:s2], $0x10, s14, s19, $0xb8;
	[tilespmem:$0x8B10] =	vst v63  }
0x177: {  	_ =	swait.ge [sflag:s28], $0x800  }
0x178: {  	s14 =	sld [smem:$0x7FB]  }
0x179: {  	[sflag:s28] =	ssyncset.done $0x0  }
0x17a: {  	[sflag:s28] =	ssyncadd.s32 $0xFFFFF800  }
0x17b: {  	[spmem:s3] =	stream.indirect.scatter.add.f32 [tilespmem:s21], [sflag:$0x6], $0x10, s14, s19, $0xb8;
	[tilespmem:$0x8B10] =	vst v63  }
0x17c: {  	_ =	swait.ge [sflag:s15], $0x800  }
0x17d: {  	[sflag:s15] =	ssyncset.done $0x0  }
0x17e: {  	[sflag:s15] =	ssyncadd.s32 $0xFFFFF800  }
0x17f: {  	[tilespmem:s21], [sflag:$0x3] =	stream.indirect.gather [spmem:s2], $0x10, s31, s19, $0xb8;
	[tilespmem:$0x8B10] =	vst v63  }
0x180: {  	_ =	swait.ge [sflag:s29], $0x800  }
0x181: {  	[sflag:s29] =	ssyncset.done $0x0  }
0x182: {  	[sflag:s29] =	ssyncadd.s32 $0xFFFFF800  }
0x183: {  	[spmem:s3] =	stream.indirect.scatter.add.f32 [tilespmem:s22], [sflag:$0x6], $0x10, s1, s19, $0xb8;
	[tilespmem:$0x8B10] =	vst v63  }
0x184: {  	_ =	swait.ge [sflag:s15], $0x800  }
0x185: {  	[sflag:s15] =	ssyncset.done $0x0  }
0x186: {  	[sflag:s15] =	ssyncadd.s32 $0xFFFFF800  }
0x187: {  	[tilespmem:s22], [sflag:$0x4] =	stream.indirect.gather [spmem:s2], $0x10, s0, s19, $0xb8;
	[tilespmem:$0x8B10] =	vst v63  }
0x188: {  	_ =	swait.ge [sflag:s30], $0x800  }
0x189: {  	[sflag:s30] =	ssyncset.done $0x0  }
0x18a: {  	[sflag:s30] =	ssyncadd.s32 $0xFFFFF800  }
0x18b: {  	[spmem:s3] =	stream.indirect.scatter.add.f32 [tilespmem:s23], [sflag:$0x6], $0x10, s5, s19, $0xb8;
	[tilespmem:$0x8B10] =	vst v63  }
0x18c: {  	_ =	swait.ge [sflag:s15], $0x800  }
0x18d: {  	[sflag:s15] =	ssyncset.done $0x0  }
0x18e: {  	[sflag:s15] =	ssyncadd.s32 $0xFFFFF800  }
0x18f: {  	[tilespmem:s23], [sflag:$0x5] =	stream.indirect.gather [spmem:s2], $0x10, s8, s19, $0xb8;
	[tilespmem:$0x8B10] =	vst v63  }
0x190: {  	_ =	swait.ge [sflag:s24], $0x800  }
0x191: {  	[sflag:s24] =	ssyncset.done $0x0  }
0x192: {  	[sflag:s24] =	ssyncadd.s32 $0xFFFFF800  }
0x193: {  	[spmem:s3] =	stream.indirect.scatter.add.f32 [tilespmem:s16], [sflag:$0x6], $0x10, s9, s19, $0xb8;
	[tilespmem:$0x8B10] =	vst v63  }
0x194: {  	_ =	swait.ge [sflag:s15], $0x800  }
0x195: {  	[sflag:s15] =	ssyncset.done $0x0  }
0x196: {  	[sflag:s15] =	ssyncadd.s32 $0xFFFFF800  }
0x197: {  	_ =	swait.ge [sflag:s26], $0x800  }
0x198: {  	[sflag:s26] =	ssyncset.done $0x0  }
0x199: {  	[sflag:s26] =	ssyncadd.s32 $0xFFFFF800  }
0x19a: {  	[spmem:s3] =	stream.indirect.scatter.add.f32 [tilespmem:s20], [sflag:$0x6], $0x10, s10, s19, $0xb8;
	[tilespmem:$0x8B10] =	vst v63  }
0x19b: {  	_ =	swait.ge [sflag:s15], $0x800  }
0x19c: {  	[sflag:s15] =	ssyncset.done $0x0  }
0x19d: {  	[sflag:s15] =	ssyncadd.s32 $0xFFFFF800  }
0x19e: {  	_ =	swait.ge [sflag:s28], $0x800  }
0x19f: {  	[sflag:s28] =	ssyncset.done $0x0  }
0x1a0: {  	[sflag:s28] =	ssyncadd.s32 $0xFFFFF800  }
0x1a1: {  	[spmem:s3] =	stream.indirect.scatter.add.f32 [tilespmem:s21], [sflag:$0x6], $0x10, s11, s19, $0xb8;
	[tilespmem:$0x8B10] =	vst v63  }
0x1a2: {  	_ =	swait.ge [sflag:s15], $0x800  }
0x1a3: {  	[sflag:s15] =	ssyncset.done $0x0  }
0x1a4: {  	[sflag:s15] =	ssyncadd.s32 $0xFFFFF800  }
0x1a5: {  	_ =	swait.ge [sflag:s29], $0x800  }
0x1a6: {  	[sflag:s29] =	ssyncset.done $0x0  }
0x1a7: {  	[sflag:s29] =	ssyncadd.s32 $0xFFFFF800  }
0x1a8: {  	[spmem:s3] =	stream.indirect.scatter.add.f32 [tilespmem:s22], [sflag:$0x6], $0x10, s12, s19, $0xb8;
	[tilespmem:$0x8B10] =	vst v63  }
0x1a9: {  	_ =	swait.ge [sflag:s15], $0x800  }
0x1aa: {  	[sflag:s15] =	ssyncset.done $0x0  }
0x1ab: {  	[sflag:s15] =	ssyncadd.s32 $0xFFFFF800  }
0x1ac: {  	p0 =	sne.s32 s7, $0x3C0;
	_ =	swait.ge [sflag:s30], $0x800  }
.Ltmp1:
0x1ad: {  	[sflag:s30] =	ssyncset.done $0x0;
	(pc) =	sbr.rel @p0 .LBB2_4-.Ltmp1, $4  }
0x1ae: {  	[sflag:s30] =	ssyncadd.s32 $0xFFFFF800  }
0x1af: {  	[spmem:s3] =	stream.indirect.scatter.add.f32 [tilespmem:s23], [sflag:$0x6], $0x10, s13, s19, $0xb8;
	[tilespmem:$0x8B10] =	vst v63  }
0x1b0: {  	_ =	swait.ge [sflag:s15], $0x800  }
0x1b1: {  	s7 =	sadd.s32 $0x140, s7;
	s6 =	rddreg [dreg:$0x5];
	[sflag:s15] =	ssyncset.done $0x0  }
0x1b2: {  	[sflag:s15] =	ssyncadd.s32 $0xFFFFF800;
	s6 =	sadd.s32 s25, s6  }
0x1b3: {  	[tilespmem:s17], [sflag:$0x6] =	stream.linear.gather [hbm4b:s6+s4], $0xA00, $0x38;
	[tilespmem:$0x8B10] =	vst v63  }
0x1b4: {  	_ =	swait.ge [sflag:s15], $0xA00  }
0x1b5: {  	s14 =	rddreg [dreg:$0x4];
	[sflag:s15] =	ssyncset.done $0x0  }
0x1b6: {  	[sflag:s15] =	ssyncadd.s32 $0xFFFFF600;
	s6 =	sadd.s32 s25, s14  }
0x1b7: {  	[tilespmem:s18], [sflag:$0x6] =	stream.linear.gather [hbm4b:s6+s4], $0xA00, $0x38;
	[tilespmem:$0x8B10] =	vst v63  }
0x1b8: {  	_ =	swait.ge [sflag:s15], $0xA00  }
0x1b9: {  	[sflag:s15] =	ssyncset.done $0x0  }
0x1ba: {  	[sflag:s15] =	ssyncadd.s32 $0xFFFFF600  }
0x1bb: {  	[tilespmem:s16], [sflag:$0x1] =	stream.indirect.gather [spmem:s2], $0x10, s17, s19, $0xb8;
	[tilespmem:$0x8B10] =	vst v63  }
0x1bc: {  	s25 =	rddreg [dreg:$0x6]  }
0x1bd: {  	[tilespmem:s20], [sflag:$0x2] =	stream.indirect.gather [spmem:s2], $0x10, s25, s19, $0xb8;
	[tilespmem:$0x8B10] =	vst v63  }
0x1be: {  	s7 =	rddreg [dreg:$0x7]  }
0x1bf: {  	[tilespmem:s21], [sflag:$0x3] =	stream.indirect.gather [spmem:s2], $0x10, s7, s19, $0xb8;
	[tilespmem:$0x8B10] =	vst v63  }
0x1c0: {  	s14 =	rddreg [dreg:$0x8]  }
0x1c1: {  	[tilespmem:s22], [sflag:$0x4] =	stream.indirect.gather [spmem:s2], $0x10, s14, s19, $0xb8;
	[tilespmem:$0x8B10] =	vst v63  }
0x1c2: {  	s25 =	rddreg [dreg:$0x9]  }
0x1c3: {  	[tilespmem:s23], [sflag:$0x5] =	stream.indirect.gather [spmem:s2], $0x10, s25, s19, $0xb8;
	[tilespmem:$0x8B10] =	vst v63  }
0x1c4: {  	_ =	swait.ge [sflag:s24], $0x800  }
0x1c5: {  	[sflag:s24] =	ssyncset.done $0x0  }
0x1c6: {  	[sflag:s24] =	ssyncadd.s32 $0xFFFFF800  }
0x1c7: {  	[spmem:s3] =	stream.indirect.scatter.add.f32 [tilespmem:s16], [sflag:$0x6], $0x10, s18, s19, $0xb8;
	[tilespmem:$0x8B10] =	vst v63  }
0x1c8: {  	_ =	swait.ge [sflag:s15], $0x800  }
0x1c9: {  	[sflag:s15] =	ssyncset.done $0x0  }
0x1ca: {  	s7 =	rddreg [dreg:$0xa];
	[sflag:s15] =	ssyncadd.s32 $0xFFFFF800  }
0x1cb: {  	[tilespmem:s16], [sflag:$0x1] =	stream.indirect.gather [spmem:s2], $0x10, s7, s19, $0xb8;
	[tilespmem:$0x8B10] =	vst v63  }
0x1cc: {  	_ =	swait.ge [sflag:s26], $0x800  }
0x1cd: {  	[sflag:s26] =	ssyncset.done $0x0  }
0x1ce: {  	s14 =	rddreg [dreg:$0xb];
	[sflag:s26] =	ssyncadd.s32 $0xFFFFF800  }
0x1cf: {  	[spmem:s3] =	stream.indirect.scatter.add.f32 [tilespmem:s20], [sflag:$0x6], $0x10, s14, s19, $0xb8;
	[tilespmem:$0x8B10] =	vst v63  }
0x1d0: {  	_ =	swait.ge [sflag:s15], $0x800  }
0x1d1: {  	[sflag:s15] =	ssyncset.done $0x0  }
0x1d2: {  	s25 =	rddreg [dreg:$0xc];
	[sflag:s15] =	ssyncadd.s32 $0xFFFFF800  }
0x1d3: {  	[tilespmem:s20], [sflag:$0x2] =	stream.indirect.gather [spmem:s2], $0x10, s25, s19, $0xb8;
	[tilespmem:$0x8B10] =	vst v63  }
0x1d4: {  	_ =	swait.ge [sflag:s28], $0x800  }
0x1d5: {  	[sflag:s28] =	ssyncset.done $0x0  }
0x1d6: {  	s7 =	rddreg [dreg:$0xd];
	[sflag:s28] =	ssyncadd.s32 $0xFFFFF800  }
0x1d7: {  	[spmem:s3] =	stream.indirect.scatter.add.f32 [tilespmem:s21], [sflag:$0x6], $0x10, s7, s19, $0xb8;
	[tilespmem:$0x8B10] =	vst v63  }
0x1d8: {  	_ =	swait.ge [sflag:s15], $0x800  }
0x1d9: {  	[sflag:s15] =	ssyncset.done $0x0  }
0x1da: {  	s14 =	rddreg [dreg:$0xe];
	[sflag:s15] =	ssyncadd.s32 $0xFFFFF800  }
0x1db: {  	[tilespmem:s21], [sflag:$0x3] =	stream.indirect.gather [spmem:s2], $0x10, s14, s19, $0xb8;
	[tilespmem:$0x8B10] =	vst v63  }
0x1dc: {  	_ =	swait.ge [sflag:s29], $0x800  }
0x1dd: {  	[sflag:s29] =	ssyncset.done $0x0  }
0x1de: {  	s25 =	rddreg [dreg:$0xf];
	[sflag:s29] =	ssyncadd.s32 $0xFFFFF800  }
0x1df: {  	[spmem:s3] =	stream.indirect.scatter.add.f32 [tilespmem:s22], [sflag:$0x6], $0x10, s25, s19, $0xb8;
	[tilespmem:$0x8B10] =	vst v63  }
0x1e0: {  	_ =	swait.ge [sflag:s15], $0x800  }
0x1e1: {  	[sflag:s15] =	ssyncset.done $0x0  }
0x1e2: {  	s7 =	rddreg [dreg:$0x10];
	[sflag:s15] =	ssyncadd.s32 $0xFFFFF800  }
0x1e3: {  	[tilespmem:s22], [sflag:$0x4] =	stream.indirect.gather [spmem:s2], $0x10, s7, s19, $0xb8;
	[tilespmem:$0x8B10] =	vst v63  }
0x1e4: {  	_ =	swait.ge [sflag:s30], $0x800  }
0x1e5: {  	[sflag:s30] =	ssyncset.done $0x0  }
0x1e6: {  	s14 =	rddreg [dreg:$0x11];
	[sflag:s30] =	ssyncadd.s32 $0xFFFFF800  }
0x1e7: {  	[spmem:s3] =	stream.indirect.scatter.add.f32 [tilespmem:s23], [sflag:$0x6], $0x10, s14, s19, $0xb8;
	[tilespmem:$0x8B10] =	vst v63  }
0x1e8: {  	_ =	swait.ge [sflag:s15], $0x800  }
0x1e9: {  	[sflag:s15] =	ssyncset.done $0x0  }
0x1ea: {  	s25 =	rddreg [dreg:$0x12];
	[sflag:s15] =	ssyncadd.s32 $0xFFFFF800  }
0x1eb: {  	[tilespmem:s23], [sflag:$0x5] =	stream.indirect.gather [spmem:s2], $0x10, s25, s19, $0xb8;
	[tilespmem:$0x8B10] =	vst v63  }
0x1ec: {  	_ =	swait.ge [sflag:s24], $0x800  }
0x1ed: {  	[sflag:s24] =	ssyncset.done $0x0  }
0x1ee: {  	s7 =	rddreg [dreg:$0x13];
	[sflag:s24] =	ssyncadd.s32 $0xFFFFF800  }
0x1ef: {  	[spmem:s3] =	stream.indirect.scatter.add.f32 [tilespmem:s16], [sflag:$0x6], $0x10, s7, s19, $0xb8;
	[tilespmem:$0x8B10] =	vst v63  }
0x1f0: {  	_ =	swait.ge [sflag:s15], $0x800  }
0x1f1: {  	[sflag:s15] =	ssyncset.done $0x0  }
0x1f2: {  	s14 =	rddreg [dreg:$0x14];
	[sflag:s15] =	ssyncadd.s32 $0xFFFFF800  }
0x1f3: {  	[tilespmem:s16], [sflag:$0x1] =	stream.indirect.gather [spmem:s2], $0x10, s14, s19, $0xb8;
	[tilespmem:$0x8B10] =	vst v63  }
0x1f4: {  	_ =	swait.ge [sflag:s26], $0x800  }
0x1f5: {  	[sflag:s26] =	ssyncset.done $0x0  }
0x1f6: {  	s25 =	rddreg [dreg:$0x15];
	[sflag:s26] =	ssyncadd.s32 $0xFFFFF800  }
0x1f7: {  	[spmem:s3] =	stream.indirect.scatter.add.f32 [tilespmem:s20], [sflag:$0x6], $0x10, s25, s19, $0xb8;
	[tilespmem:$0x8B10] =	vst v63  }
0x1f8: {  	_ =	swait.ge [sflag:s15], $0x800  }
0x1f9: {  	[sflag:s15] =	ssyncset.done $0x0  }
0x1fa: {  	s7 =	rddreg [dreg:$0x16];
	[sflag:s15] =	ssyncadd.s32 $0xFFFFF800  }
0x1fb: {  	[tilespmem:s20], [sflag:$0x2] =	stream.indirect.gather [spmem:s2], $0x10, s7, s19, $0xb8;
	[tilespmem:$0x8B10] =	vst v63  }
0x1fc: {  	_ =	swait.ge [sflag:s28], $0x800  }
0x1fd: {  	[sflag:s28] =	ssyncset.done $0x0  }
0x1fe: {  	s14 =	rddreg [dreg:$0x17];
	[sflag:s28] =	ssyncadd.s32 $0xFFFFF800  }
0x1ff: {  	[spmem:s3] =	stream.indirect.scatter.add.f32 [tilespmem:s21], [sflag:$0x6], $0x10, s14, s19, $0xb8;
	[tilespmem:$0x8B10] =	vst v63  }
0x200: {  	_ =	swait.ge [sflag:s15], $0x800  }
0x201: {  	[sflag:s15] =	ssyncset.done $0x0  }
0x202: {  	s25 =	rddreg [dreg:$0x18];
	[sflag:s15] =	ssyncadd.s32 $0xFFFFF800  }
0x203: {  	[tilespmem:s21], [sflag:$0x3] =	stream.indirect.gather [spmem:s2], $0x10, s25, s19, $0xb8;
	[tilespmem:$0x8B10] =	vst v63  }
0x204: {  	_ =	swait.ge [sflag:s29], $0x800  }
0x205: {  	[sflag:s29] =	ssyncset.done $0x0  }
0x206: {  	s7 =	rddreg [dreg:$0x19];
	[sflag:s29] =	ssyncadd.s32 $0xFFFFF800  }
0x207: {  	[spmem:s3] =	stream.indirect.scatter.add.f32 [tilespmem:s22], [sflag:$0x6], $0x10, s7, s19, $0xb8;
	[tilespmem:$0x8B10] =	vst v63  }
0x208: {  	_ =	swait.ge [sflag:s15], $0x800  }
0x209: {  	[sflag:s15] =	ssyncset.done $0x0  }
0x20a: {  	s14 =	rddreg [dreg:$0x1a];
	[sflag:s15] =	ssyncadd.s32 $0xFFFFF800  }
0x20b: {  	[tilespmem:s22], [sflag:$0x4] =	stream.indirect.gather [spmem:s2], $0x10, s14, s19, $0xb8;
	[tilespmem:$0x8B10] =	vst v63  }
0x20c: {  	_ =	swait.ge [sflag:s30], $0x800  }
0x20d: {  	[sflag:s30] =	ssyncset.done $0x0  }
0x20e: {  	s25 =	rddreg [dreg:$0x1b];
	[sflag:s30] =	ssyncadd.s32 $0xFFFFF800  }
0x20f: {  	[spmem:s3] =	stream.indirect.scatter.add.f32 [tilespmem:s23], [sflag:$0x6], $0x10, s25, s19, $0xb8;
	[tilespmem:$0x8B10] =	vst v63  }
0x210: {  	_ =	swait.ge [sflag:s15], $0x800  }
0x211: {  	[sflag:s15] =	ssyncset.done $0x0  }
0x212: {  	s7 =	rddreg [dreg:$0x1c];
	[sflag:s15] =	ssyncadd.s32 $0xFFFFF800  }
0x213: {  	[tilespmem:s23], [sflag:$0x5] =	stream.indirect.gather [spmem:s2], $0x10, s7, s19, $0xb8;
	[tilespmem:$0x8B10] =	vst v63  }
0x214: {  	_ =	swait.ge [sflag:s24], $0x800  }
0x215: {  	[sflag:s24] =	ssyncset.done $0x0  }
0x216: {  	s14 =	rddreg [dreg:$0x1d];
	[sflag:s24] =	ssyncadd.s32 $0xFFFFF800  }
0x217: {  	[spmem:s3] =	stream.indirect.scatter.add.f32 [tilespmem:s16], [sflag:$0x6], $0x10, s14, s19, $0xb8;
	[tilespmem:$0x8B10] =	vst v63  }
0x218: {  	_ =	swait.ge [sflag:s15], $0x800  }
0x219: {  	[sflag:s15] =	ssyncset.done $0x0  }
0x21a: {  	s25 =	rddreg [dreg:$0x1e];
	[sflag:s15] =	ssyncadd.s32 $0xFFFFF800  }
0x21b: {  	[tilespmem:s16], [sflag:$0x1] =	stream.indirect.gather [spmem:s2], $0x10, s25, s19, $0xb8;
	[tilespmem:$0x8B10] =	vst v63  }
0x21c: {  	_ =	swait.ge [sflag:s26], $0x800  }
0x21d: {  	[sflag:s26] =	ssyncset.done $0x0  }
0x21e: {  	s7 =	rddreg [dreg:$0x1f];
	[sflag:s26] =	ssyncadd.s32 $0xFFFFF800  }
0x21f: {  	[spmem:s3] =	stream.indirect.scatter.add.f32 [tilespmem:s20], [sflag:$0x6], $0x10, s7, s19, $0xb8;
	[tilespmem:$0x8B10] =	vst v63  }
0x220: {  	_ =	swait.ge [sflag:s15], $0x800  }
0x221: {  	s14 =	sld [smem:$0x7FA]  }
0x222: {  	[sflag:s15] =	ssyncset.done $0x0  }
0x223: {  	[sflag:s15] =	ssyncadd.s32 $0xFFFFF800  }
0x224: {  	[tilespmem:s20], [sflag:$0x2] =	stream.indirect.gather [spmem:s2], $0x10, s14, s19, $0xb8;
	[tilespmem:$0x8B10] =	vst v63  }
0x225: {  	_ =	swait.ge [sflag:s28], $0x800  }
0x226: {  	s25 =	sld [smem:$0x7FB]  }
0x227: {  	[sflag:s28] =	ssyncset.done $0x0  }
0x228: {  	[sflag:s28] =	ssyncadd.s32 $0xFFFFF800  }
0x229: {  	[spmem:s3] =	stream.indirect.scatter.add.f32 [tilespmem:s21], [sflag:$0x6], $0x10, s25, s19, $0xb8;
	[tilespmem:$0x8B10] =	vst v63  }
0x22a: {  	_ =	swait.ge [sflag:s15], $0x800  }
0x22b: {  	[sflag:s15] =	ssyncset.done $0x0  }
0x22c: {  	[sflag:s15] =	ssyncadd.s32 $0xFFFFF800  }
0x22d: {  	[tilespmem:s21], [sflag:$0x3] =	stream.indirect.gather [spmem:s2], $0x10, s31, s19, $0xb8;
	[tilespmem:$0x8B10] =	vst v63  }
0x22e: {  	_ =	swait.ge [sflag:s29], $0x800  }
0x22f: {  	[sflag:s29] =	ssyncset.done $0x0  }
0x230: {  	[sflag:s29] =	ssyncadd.s32 $0xFFFFF800  }
0x231: {  	[spmem:s3] =	stream.indirect.scatter.add.f32 [tilespmem:s22], [sflag:$0x6], $0x10, s1, s19, $0xb8;
	[tilespmem:$0x8B10] =	vst v63  }
0x232: {  	_ =	swait.ge [sflag:s15], $0x800  }
0x233: {  	[sflag:s15] =	ssyncset.done $0x0  }
0x234: {  	[sflag:s15] =	ssyncadd.s32 $0xFFFFF800  }
0x235: {  	[tilespmem:s22], [sflag:$0x4] =	stream.indirect.gather [spmem:s2], $0x10, s0, s19, $0xb8;
	[tilespmem:$0x8B10] =	vst v63  }
0x236: {  	_ =	swait.ge [sflag:s30], $0x800  }
0x237: {  	[sflag:s30] =	ssyncset.done $0x0  }
0x238: {  	[sflag:s30] =	ssyncadd.s32 $0xFFFFF800  }
0x239: {  	[spmem:s3] =	stream.indirect.scatter.add.f32 [tilespmem:s23], [sflag:$0x6], $0x10, s5, s19, $0xb8;
	[tilespmem:$0x8B10] =	vst v63  }
0x23a: {  	_ =	swait.ge [sflag:s15], $0x800  }
0x23b: {  	[sflag:s15] =	ssyncset.done $0x0  }
0x23c: {  	[sflag:s15] =	ssyncadd.s32 $0xFFFFF800  }
0x23d: {  	[tilespmem:s23], [sflag:$0x5] =	stream.indirect.gather [spmem:s2], $0x10, s8, s19, $0xb8;
	[tilespmem:$0x8B10] =	vst v63  }
0x23e: {  	_ =	swait.ge [sflag:s24], $0x800  }
0x23f: {  	[sflag:s24] =	ssyncset.done $0x0  }
0x240: {  	[sflag:s24] =	ssyncadd.s32 $0xFFFFF800  }
0x241: {  	[spmem:s3] =	stream.indirect.scatter.add.f32 [tilespmem:s16], [sflag:$0x6], $0x10, s9, s19, $0xb8;
	[tilespmem:$0x8B10] =	vst v63  }
0x242: {  	_ =	swait.ge [sflag:s15], $0x800  }
0x243: {  	[sflag:s15] =	ssyncset.done $0x0  }
0x244: {  	[sflag:s15] =	ssyncadd.s32 $0xFFFFF800  }
0x245: {  	_ =	swait.ge [sflag:s26], $0x800  }
0x246: {  	[sflag:s26] =	ssyncset.done $0x0  }
0x247: {  	[sflag:s26] =	ssyncadd.s32 $0xFFFFF800  }
0x248: {  	[spmem:s3] =	stream.indirect.scatter.add.f32 [tilespmem:s20], [sflag:$0x6], $0x10, s10, s19, $0xb8;
	[tilespmem:$0x8B10] =	vst v63  }
0x249: {  	_ =	swait.ge [sflag:s15], $0x800  }
0x24a: {  	[sflag:s15] =	ssyncset.done $0x0  }
0x24b: {  	[sflag:s15] =	ssyncadd.s32 $0xFFFFF800  }
0x24c: {  	_ =	swait.ge [sflag:s28], $0x800  }
0x24d: {  	[sflag:s28] =	ssyncset.done $0x0  }
0x24e: {  	[sflag:s28] =	ssyncadd.s32 $0xFFFFF800  }
0x24f: {  	[spmem:s3] =	stream.indirect.scatter.add.f32 [tilespmem:s21], [sflag:$0x6], $0x10, s11, s19, $0xb8;
	[tilespmem:$0x8B10] =	vst v63  }
0x250: {  	_ =	swait.ge [sflag:s15], $0x800  }
0x251: {  	[sflag:s15] =	ssyncset.done $0x0  }
0x252: {  	[sflag:s15] =	ssyncadd.s32 $0xFFFFF800  }
0x253: {  	_ =	swait.ge [sflag:s29], $0x800  }
0x254: {  	[sflag:s29] =	ssyncset.done $0x0  }
0x255: {  	[sflag:s29] =	ssyncadd.s32 $0xFFFFF800  }
0x256: {  	[spmem:s3] =	stream.indirect.scatter.add.f32 [tilespmem:s22], [sflag:$0x6], $0x10, s12, s19, $0xb8;
	[tilespmem:$0x8B10] =	vst v63  }
0x257: {  	_ =	swait.ge [sflag:s15], $0x800  }
0x258: {  	[sflag:s15] =	ssyncset.done $0x0  }
0x259: {  	[sflag:s15] =	ssyncadd.s32 $0xFFFFF800  }
0x25a: {  	_ =	swait.ge [sflag:s30], $0x800  }
0x25b: {  	[sflag:s30] =	ssyncset.done $0x0  }
0x25c: {  	[sflag:s30] =	ssyncadd.s32 $0xFFFFF800  }
0x25d: {  	[spmem:s3] =	stream.indirect.scatter.add.f32 [tilespmem:s23], [sflag:$0x6], $0x10, s13, s19, $0xb8;
	[tilespmem:$0x8B10] =	vst v63  }
0x25e: {  	_ =	swait.ge [sflag:s15], $0x800  }
0x25f: {  	[sflag:s15] =	ssyncset.done $0x0  }
0x260: {  	[sflag:s15] =	ssyncadd.s32 $0xFFFFF800  }
0x261: {  	[bflag:$0x0] =	sbarrier.arrive $0xFFFF  }
0x262: {  	s14 =	sld [smem:$0x7FD]  }
0x263: {  	s7 =	sld [smem:$0x7F2]  }
0x264: {  	s25 =	sld [smem:$0x7FC];
	_ =	sdelay $0x2  }
0x265: {  	[hbm:s7], [sflag:s14] =	dma.local [spmem:s25], $0x500  }
0x266: {  	_ =	swait.ge [sflag:s15], $0x500  }
0x267: {  	s6 =	sld [smem:$0x7F0]  }
0x268: {  	s25 =	sld [smem:$0x7F3];
	_ =	sdelay $0x1  }
0x269: {  	s7 =	sadd.s32 $0x1, s6  }
0x26a: {  	p0 =	sne.s32 s7, s25  }
.Ltmp2:
0x26b: {  	_ = 	snop;
	(pc) =	sbr.rel @p0 .LBB2_1-.Ltmp2, $3  }
0x26c: {  	_ =	sdelay $0x1  }
0x26d: {  	[sflag:s15] =	ssyncset.done $0x0  }
0x26e: {  	[sflag:s15] =	ssyncadd.s32 $0xFFFFFB00  }
0x26f: {  	_ =	sfence.sel $0x180000  }
0x270: {  	[bflag:$0x0] =	sbarrier.arrive $0xFFFF  }
0x271: {  	_ =	strace $0x90000050  }
0x272: {  	s0 =	stileid.u32;
	[bflag:$0x2] =	sbarrier.arrive $0xFFFF  }
0x273: {  	p0 =	sne.s32 s0, $0x0;
	s0 =	rddreg [dreg:$0x3]  }
0x274: {  	s0 =	sadd.s32 @!p0 $0x100000, s0  }
0x275: {  	[sflag:s0] =	ssyncadd.tile.s32 @!p0 $0x1;
	_ =	shalt  }
.Lfunc_end2:
_tile_overlayer_lowered:
.L_overlay_start_2:
0x276: {  	(tag) =	ssettag $0x2  }
0x277: {  	s0 =	rddreg [dreg:$0x0];
	s2 =	stileid.u32  }
0x278: {  	s1 =	rddreg [dreg:$0x1];
	p0 =	sne.s32 s2, $0x0  }
0x279: {  	s3 =	rddreg [dreg:$0x2];
	[bflag:$0x3] =	sbarrier.arrive $0xFFFF;
	s2 =	simm.s32 @!p0 $0x1C06  }
0x27a: {  	[timem:s3], [sflag:s2] =	dma.local @!p0 [hbm:s0], s1  }
0x27b: {  	s0 =	simm.s32 @!p0 $0x6  }
0x27c: {  	_ =	swait.ge @!p0 [sflag:s0], s1  }
0x27d: {  	s1 =	ssub.s32 @!p0 $0x0, s1;
	[sflag:s0] =	ssyncset.done @!p0 $0x0  }
0x27e: {  	[sflag:s0] =	ssyncadd.s32 @!p0 s1  }
0x27f: {  	[bflag:$0x3] =	sbarrier.arrive $0xFFFF  }
0x280: {  	_ =	shalt  }

</sc_bundles>
